<compile_context>
chip_gen: v7x
topology: tpu7x:2x2x1
jax: 0.10.2.dev20260603
libtpu: 0.0.44.dev20260713+nightly
codegen_flags: <defaults>
</compile_context>

<pallas_src>
import functools

import jax
import jax.numpy as jnp
from jax import lax
from jax.experimental import pallas as pl
from jax.experimental.pallas import tpu as pltpu
from jax.experimental.pallas import tpu_sc as plsc

N = 10000
E = 160000
IN_DIM = 128
H1 = 32
H2 = 16

NC, NS = 2, 16
NW = NC * NS
NP = 10240
RPT = NP // NS
EPW = E // NW
CHUNK = 128
NFULL = EPW // CHUNK
TAIL = EPW - NFULL * CHUNK
DEGW = 8

_sc_mesh = functools.partial(
    plsc.VectorSubcoreMesh, core_axis_name="c", subcore_axis_name="s")


NBUF = 4


@functools.partial(
    pl.kernel,
    out_type=[jax.ShapeDtypeStruct((NC, NP, DEGW), jnp.float32),
              jax.ShapeDtypeStruct((NC, NP, DEGW), jnp.float32)],
    mesh=_sc_mesh(),
    compiler_params=pltpu.CompilerParams(use_tc_tiling_on_sc=False),
    scratch_types=[
        [pltpu.VMEM((CHUNK,), jnp.int32)] * NBUF,
        [pltpu.VMEM((CHUNK,), jnp.int32)] * NBUF,
        [pltpu.SemaphoreType.DMA] * NBUF,
        [pltpu.SemaphoreType.DMA] * NBUF,
        pltpu.VMEM((TAIL,), jnp.int32),
        pltpu.VMEM((TAIL,), jnp.int32),
        pltpu.VMEM((CHUNK, DEGW), jnp.float32),
        pltpu.VMEM((RPT, DEGW), jnp.float32),
        pltpu.VMEM_SHARED((NP, DEGW), jnp.float32),
        pltpu.VMEM_SHARED((NP, DEGW), jnp.float32),
    ],
)
def _sc_degrees(src_hbm, dst_hbm, ones_hbm, zeros_hbm, dego_hbm, degi_hbm,
                sidx, didx, semi, sems, sidx_t, didx_t, ones_v, stage,
                acc_o, acc_i):
    cid = lax.axis_index("c")
    sid = lax.axis_index("s")
    base = (cid * NS + sid) * EPW

    pltpu.sync_copy(zeros_hbm, stage)
    pltpu.sync_copy(stage, acc_o.at[pl.ds(sid * RPT, RPT)])
    pltpu.sync_copy(stage, acc_i.at[pl.ds(sid * RPT, RPT)])
    pltpu.sync_copy(ones_hbm, ones_v)
    plsc.subcore_barrier()

    def off(c):
        return jnp.minimum(base + c * CHUNK, E - CHUNK)

    def issue_idx(b, c):
        pltpu.async_copy(src_hbm.at[pl.ds(off(c), CHUNK)], sidx[b], semi[b])
        pltpu.async_copy(dst_hbm.at[pl.ds(off(c), CHUNK)], didx[b], semi[b])

    def wait_idx(b):
        pltpu.make_async_copy(src_hbm.at[pl.ds(0, CHUNK)], sidx[b],
                              semi[b]).wait()
        pltpu.make_async_copy(dst_hbm.at[pl.ds(0, CHUNK)], didx[b],
                              semi[b]).wait()

    def issue_scatters(b):
        pltpu.async_copy(ones_v, acc_o.at[sidx[b]], sems[b], add=True)
        pltpu.async_copy(ones_v, acc_i.at[didx[b]], sems[b], add=True)

    def wait_scatters(b):
        pltpu.make_async_copy(ones_v, acc_o.at[sidx[b]], sems[b]).wait()
        pltpu.make_async_copy(ones_v, acc_i.at[didx[b]], sems[b]).wait()

    def step(c, x, wait_sc):
        y = (x + 1) % NBUF
        z = (x + 2) % NBUF
        wait_idx(y)
        if wait_sc:
            wait_scatters(z)
        issue_idx(z, c + 2)
        issue_scatters(x)

    issue_idx(0, 0)
    issue_idx(1, 1)
    wait_idx(0)
    step(0, 0, False)
    step(1, 1, False)

    def body(k, carry):
        c0 = 2 + k * NBUF
        for i in range(NBUF):
            step(c0 + i, (2 + i) % NBUF, True)
        return carry

    lax.fori_loop(0, (NFULL - 3) // NBUF, body, 0)
    step(NFULL - 1, (NFULL - 1) % NBUF, True)

    wait_idx((NFULL + 1) % NBUF)
    wait_scatters((NFULL - 2) % NBUF)
    wait_scatters((NFULL - 1) % NBUF)

    offt = base + NFULL * CHUNK
    pltpu.sync_copy(src_hbm.at[pl.ds(offt, TAIL)], sidx_t)
    pltpu.sync_copy(dst_hbm.at[pl.ds(offt, TAIL)], didx_t)
    pltpu.sync_copy(ones_v.at[pl.ds(0, TAIL)], acc_o.at[sidx_t], add=True)
    pltpu.sync_copy(ones_v.at[pl.ds(0, TAIL)], acc_i.at[didx_t], add=True)
    plsc.subcore_barrier()

    sl = pl.ds(sid * RPT, RPT)
    pltpu.sync_copy(acc_o.at[sl], stage)
    pltpu.sync_copy(stage, dego_hbm.at[cid, sl])
    pltpu.sync_copy(acc_i.at[sl], stage)
    pltpu.sync_copy(stage, degi_hbm.at[cid, sl])


NBUF = 4


@functools.partial(
    pl.kernel,
    out_type=jax.ShapeDtypeStruct((NC, NP, H1), jnp.float32),
    mesh=_sc_mesh(),
    compiler_params=pltpu.CompilerParams(use_tc_tiling_on_sc=False),
    scratch_types=[
        [pltpu.VMEM((CHUNK,), jnp.int32)] * NBUF,
        [pltpu.VMEM((CHUNK,), jnp.int32)] * NBUF,
        [pltpu.VMEM((CHUNK, H1), jnp.float32)] * NBUF,
        [pltpu.SemaphoreType.DMA] * NBUF,
        [pltpu.SemaphoreType.DMA] * NBUF,
        [pltpu.SemaphoreType.DMA] * NBUF,
        pltpu.VMEM((TAIL,), jnp.int32),
        pltpu.VMEM((TAIL,), jnp.int32),
        pltpu.VMEM((TAIL, H1), jnp.float32),
        pltpu.VMEM((RPT, H1), jnp.float32),
        pltpu.VMEM_SHARED((NP, H1), jnp.float32),
        pltpu.SemaphoreType.DMA,
    ],
)
def _sc_segsum(src_hbm, dst_hbm, ys_hbm, zeros_hbm, out_hbm,
               sidx, didx, rows, semi, semg, sems,
               sidx_t, didx_t, rows_t, stage, acc, sem):
    cid = lax.axis_index("c")
    sid = lax.axis_index("s")
    base = (cid * NS + sid) * EPW

    pltpu.sync_copy(zeros_hbm, stage)
    pltpu.sync_copy(stage, acc.at[pl.ds(sid * RPT, RPT)])
    plsc.subcore_barrier()

    def off(c):
        return jnp.minimum(base + c * CHUNK, E - CHUNK)

    def issue_idx(b, c):
        pltpu.async_copy(src_hbm.at[pl.ds(off(c), CHUNK)], sidx[b], semi[b])
        pltpu.async_copy(dst_hbm.at[pl.ds(off(c), CHUNK)], didx[b], semi[b])

    def wait_idx(b):
        pltpu.make_async_copy(src_hbm.at[pl.ds(0, CHUNK)], sidx[b],
                              semi[b]).wait()
        pltpu.make_async_copy(dst_hbm.at[pl.ds(0, CHUNK)], didx[b],
                              semi[b]).wait()

    def issue_gather(b):
        pltpu.async_copy(ys_hbm.at[sidx[b]], rows[b], semg[b])

    def wait_gather(b):
        pltpu.make_async_copy(ys_hbm.at[sidx[b]], rows[b], semg[b]).wait()

    def issue_scatter(b):
        pltpu.async_copy(rows[b], acc.at[didx[b]], sems[b], add=True)

    def wait_scatter(b):
        pltpu.make_async_copy(rows[b], acc.at[didx[b]], sems[b]).wait()

    def step(c, x, wait_sc):
        y = (x + 1) % NBUF
        z = (x + 2) % NBUF
        wait_idx(y)
        issue_gather(y)
        if wait_sc:
            wait_scatter(z)
        issue_idx(z, c + 2)
        wait_gather(x)
        issue_scatter(x)

    issue_idx(0, 0)
    wait_idx(0)
    issue_gather(0)
    issue_idx(1, 1)
    step(0, 0, False)
    step(1, 1, False)

    def body(k, carry):
        c0 = 2 + k * NBUF
        for i in range(NBUF):
            step(c0 + i, (2 + i) % NBUF, True)
        return carry

    lax.fori_loop(0, (NFULL - 3) // NBUF, body, 0)
    step(NFULL - 1, (NFULL - 1) % NBUF, True)

    wait_idx((NFULL + 1) % NBUF)
    wait_gather(NFULL % NBUF)
    wait_scatter((NFULL - 2) % NBUF)
    wait_scatter((NFULL - 1) % NBUF)

    offt = base + NFULL * CHUNK
    pltpu.sync_copy(src_hbm.at[pl.ds(offt, TAIL)], sidx_t)
    pltpu.sync_copy(dst_hbm.at[pl.ds(offt, TAIL)], didx_t)
    pltpu.async_copy(ys_hbm.at[sidx_t], rows_t, sem).wait()
    pltpu.sync_copy(rows_t, acc.at[didx_t], add=True)
    plsc.subcore_barrier()

    sl = pl.ds(sid * RPT, RPT)
    pltpu.sync_copy(acc.at[sl], stage)
    pltpu.sync_copy(stage, out_hbm.at[cid, sl])


def _scale_from_partials(p, n):
    deg = p[0] + p[1]
    s = lax.rsqrt(jnp.maximum(deg, 1.0))
    return s[:n, 0:1]


def _tc1_body(x_ref, w0_ref, dego_ref, y_ref):
    outs = _scale_from_partials(dego_ref[...], N)
    y = jnp.dot(x_ref[...], w0_ref[...], preferred_element_type=jnp.float32)
    y_ref[...] = y * outs


def _tc2_body(s0_ref, degi_ref, dego_ref, b0_ref, hs_ref):
    agg = s0_ref[0, :N, :] + s0_ref[1, :N, :]
    ins = _scale_from_partials(degi_ref[...], N)
    outs = _scale_from_partials(dego_ref[...], N)
    h = jnp.maximum(agg * ins + b0_ref[...], 0.0)
    hs_ref[...] = h * outs


def _tc3_body(s1_ref, degi_ref, w1_ref, b1_ref, w2_ref, b2_ref, noise_ref,
              z_ref):
    agg = (s1_ref[0, :N, :] + s1_ref[1, :N, :]) * _scale_from_partials(
        degi_ref[...], N)
    mean = jnp.dot(agg, w1_ref[...],
                   preferred_element_type=jnp.float32) + b1_ref[...]
    log_std = jnp.dot(agg, w2_ref[...],
                      preferred_element_type=jnp.float32) + b2_ref[...]
    z_ref[...] = mean + noise_ref[...] * jnp.exp(log_std)


BM = 400


def _dec_body(zi_ref, zj_ref, o_ref):
    logits = jnp.dot(zi_ref[...], zj_ref[...],
                     preferred_element_type=jnp.float32)
    o_ref[...] = 1.0 / (1.0 + jnp.exp(-logits))


def kernel(features, edge_index, W0, b0, W1, b1, W2, b2):
    src = edge_index[0]
    dst = edge_index[1]
    zeros_deg = jnp.zeros((RPT, DEGW), jnp.float32)
    ones_deg = jnp.ones((CHUNK, DEGW), jnp.float32)
    zeros_h1 = jnp.zeros((RPT, H1), jnp.float32)

    dego, degi = _sc_degrees(src, dst, ones_deg, zeros_deg)

    y0s = pl.pallas_call(
        _tc1_body,
        out_shape=jax.ShapeDtypeStruct((N, H1), jnp.float32),
    )(features, W0, dego)

    s0 = _sc_segsum(src, dst, y0s, zeros_h1)

    hs = pl.pallas_call(
        _tc2_body,
        out_shape=jax.ShapeDtypeStruct((N, H1), jnp.float32),
    )(s0, degi, dego, b0.reshape(1, H1))

    s1 = _sc_segsum(src, dst, hs, zeros_h1)

    noise = jax.random.normal(jax.random.key(42), (N, H2), dtype=jnp.float32)
    z = pl.pallas_call(
        _tc3_body,
        out_shape=jax.ShapeDtypeStruct((N, H2), jnp.float32),
    )(s1, degi, W1, b1.reshape(1, H2), W2, b2.reshape(1, H2), noise)

    zt = z.T

    adj = pl.pallas_call(
        _dec_body,
        grid=(N // BM,),
        in_specs=[
            pl.BlockSpec((BM, H2), lambda i: (i, 0)),
            pl.BlockSpec((H2, N), lambda i: (0, 0)),
        ],
        out_specs=pl.BlockSpec((BM, N), lambda i: (i, 0)),
        out_shape=jax.ShapeDtypeStruct((N, N), jnp.float32),
    )(z, zt)
    return adj

# --- scband reference (transcript-rebuilt; emitter-appended) ---
"""Pipeline reference for scband-vgaemodel-59631325938137 (READ-ONLY COPY).

The authoritative reference and input builder live on the scoring server;
editing this copy changes nothing except your own understanding.
"""

import jax, jax.numpy as jnp
import numpy as np

N = 10000
E = 160000
IN_DIM = 128
H1 = 32
H2 = 16


def setup_inputs(seed: int = 0) -> dict:
    key = jax.random.key(seed)
    ks = jax.random.split(key, 9)
    features = jax.random.normal(ks[0], (N, IN_DIM), dtype=jnp.float32)
    edge_index = jax.random.randint(ks[1], (2, E), 0, N, dtype=jnp.int32)
    W0 = jax.random.normal(ks[2], (IN_DIM, H1), dtype=jnp.float32) * (1.0 / np.sqrt(IN_DIM))
    b0 = jnp.zeros((H1,), dtype=jnp.float32)
    W1 = jax.random.normal(ks[3], (H1, H2), dtype=jnp.float32) * (1.0 / np.sqrt(H1))
    b1 = jnp.zeros((H2,), dtype=jnp.float32)
    W2 = jax.random.normal(ks[4], (H1, H2), dtype=jnp.float32) * (1.0 / np.sqrt(H1))
    b2 = jnp.zeros((H2,), dtype=jnp.float32)
    return {"features": features, "edge_index": edge_index,
            "W0": W0, "b0": b0, "W1": W1, "b1": b1, "W2": W2, "b2": b2}


def _graph_conv(x, src, dst, W, b):
    # DGL GraphConv with norm='both', allow_zero_in_degree=True:
    #   out = D_in^{-1/2} A D_out^{-1/2} X W + b   (degrees clamped to min 1)
    n = x.shape[0]
    ones = jnp.ones((src.shape[0],), dtype=x.dtype)
    out_deg = jnp.clip(jax.ops.segment_sum(ones, src, num_segments=n), 1.0)
    in_deg = jnp.clip(jax.ops.segment_sum(ones, dst, num_segments=n), 1.0)
    h = x * (out_deg ** -0.5)[:, None]
    msg = jnp.take(h, src, axis=0)
    agg = jax.ops.segment_sum(msg, dst, num_segments=n)
    agg = agg * (in_deg ** -0.5)[:, None]
    return agg @ W + b


def reference(features, edge_index, W0, b0, W1, b1, W2, b2):
    src = edge_index[0]
    dst = edge_index[1]
    h = jax.nn.relu(_graph_conv(features, src, dst, W0, b0))
    mean = _graph_conv(h, src, dst, W1, b1)
    log_std = _graph_conv(h, src, dst, W2, b2)
    noise = jax.random.normal(jax.random.key(42), (features.shape[0], H2), dtype=jnp.float32)
    z = mean + noise * jnp.exp(log_std)
    adj_rec = jax.nn.sigmoid(z @ z.T)
    return adj_rec

if __name__ == "__main__":
    import jax
    _d = setup_inputs()
    print(jax.jit(kernel)(*tuple(_d.values())))

</pallas_src>

<mosaic_0001>
#map = affine_map<(d0, d1) -> (0)>
#map1 = affine_map<(d0, d1) -> (0, 0)>
#map2 = affine_map<(d0, d1) -> (0, 0, 0)>
module attributes {stable_mosaic.version = 14 : i64} {
  func.func @_sc_segsum(%arg0: i32, %arg1: i32, %arg2: memref<160000xi32, #tpu.memory_space<hbm>>, %arg3: memref<160000xi32, #tpu.memory_space<hbm>>, %arg4: memref<10000x32xf32, #tpu.memory_space<hbm>>, %arg5: memref<640x32xf32, #tpu.memory_space<hbm>>, %arg6: memref<2x10240x32xf32, #tpu.memory_space<hbm>>, %arg7: memref<128xi32, #tpu.memory_space<vmem>>, %arg8: memref<128xi32, #tpu.memory_space<vmem>>, %arg9: memref<128xi32, #tpu.memory_space<vmem>>, %arg10: memref<128xi32, #tpu.memory_space<vmem>>, %arg11: memref<128xi32, #tpu.memory_space<vmem>>, %arg12: memref<128xi32, #tpu.memory_space<vmem>>, %arg13: memref<128xi32, #tpu.memory_space<vmem>>, %arg14: memref<128xi32, #tpu.memory_space<vmem>>, %arg15: memref<128x32xf32, #tpu.memory_space<vmem>>, %arg16: memref<128x32xf32, #tpu.memory_space<vmem>>, %arg17: memref<128x32xf32, #tpu.memory_space<vmem>>, %arg18: memref<128x32xf32, #tpu.memory_space<vmem>>, %arg19: memref<!tpu.dma_semaphore, #tpu.memory_space<semaphore_mem>>, %arg20: memref<!tpu.dma_semaphore, #tpu.memory_space<semaphore_mem>>, %arg21: memref<!tpu.dma_semaphore, #tpu.memory_space<semaphore_mem>>, %arg22: memref<!tpu.dma_semaphore, #tpu.memory_space<semaphore_mem>>, %arg23: memref<!tpu.dma_semaphore, #tpu.memory_space<semaphore_mem>>, %arg24: memref<!tpu.dma_semaphore, #tpu.memory_space<semaphore_mem>>, %arg25: memref<!tpu.dma_semaphore, #tpu.memory_space<semaphore_mem>>, %arg26: memref<!tpu.dma_semaphore, #tpu.memory_space<semaphore_mem>>, %arg27: memref<!tpu.dma_semaphore, #tpu.memory_space<semaphore_mem>>, %arg28: memref<!tpu.dma_semaphore, #tpu.memory_space<semaphore_mem>>, %arg29: memref<!tpu.dma_semaphore, #tpu.memory_space<semaphore_mem>>, %arg30: memref<!tpu.dma_semaphore, #tpu.memory_space<semaphore_mem>>, %arg31: memref<8xi32, #tpu.memory_space<vmem>>, %arg32: memref<8xi32, #tpu.memory_space<vmem>>, %arg33: memref<8x32xf32, #tpu.memory_space<vmem>>, %arg34: memref<640x32xf32, #tpu.memory_space<vmem>>, %arg35: memref<10240x32xf32, #tpu.memory_space<vmem_shared>>, %arg36: memref<!tpu.dma_semaphore, #tpu.memory_space<semaphore_mem>>) attributes {dimension_semantics = [#tpu.dimension_semantics<core_parallel>, #tpu.dimension_semantics<subcore_parallel>], iteration_bounds = array<i64: 2, 16>, scalar_prefetch = 0 : i64, scratch_operands = 30 : i64, tpu.core_type = #tpu.core_type<sc_vector_subcore>, window_params = [{transform_indices = #map}, {transform_indices = #map}, {transform_indices = #map1}, {transform_indices = #map1}, {transform_indices = #map2}]} {
    %mul3A = arith.constant 16 : i32
    %mul3A_0 = arith.muli %arg0, %mul3A : i32
    %add3A = arith.addi %mul3A_0, %arg1 : i32
    %mul3A_1 = arith.constant 5000 : i32
    %mul3A_2 = arith.muli %add3A, %mul3A_1 : i32
    "tpu.region"() ({
      %run_scoped3A = tpu.sem_alloc : memref<!tpu.dma_semaphore, #tpu.memory_space<semaphore_mem>>
      tpu.enqueue_dma source(%arg5 : memref<640x32xf32, #tpu.memory_space<hbm>>) target(%arg34 : memref<640x32xf32, #tpu.memory_space<vmem>>) target_semaphore(%run_scoped3A : memref<!tpu.dma_semaphore, #tpu.memory_space<semaphore_mem>>)
      tpu.wait_dma2 semaphore(%run_scoped3A : memref<!tpu.dma_semaphore, #tpu.memory_space<semaphore_mem>>) src(%arg5 : memref<640x32xf32, #tpu.memory_space<hbm>>) dst(%arg34 : memref<640x32xf32, #tpu.memory_space<vmem>>)
      tpu.yield
    }) : () -> ()
    %mul3A_3 = arith.constant 640 : i32
    %mul3A_4 = arith.muli %arg1, %mul3A_3 : i32
    "tpu.region"() ({
      %run_scoped3A = tpu.sem_alloc : memref<!tpu.dma_semaphore, #tpu.memory_space<semaphore_mem>>
      %dma_start3A_160 = arith.constant 0 : i32
      %dma_start3A_161 = tpu.memref_slice %arg35[%mul3A_4, %dma_start3A_160] : memref<10240x32xf32, #tpu.memory_space<vmem_shared>> -> memref<640x32xf32, #tpu.memory_space<vmem_shared>>
      %dma_start3A_162 = arith.constant 0 : i32
      %dma_start3A_163 = tpu.memref_slice %arg35[%mul3A_4, %dma_start3A_162] : memref<10240x32xf32, #tpu.memory_space<vmem_shared>> -> memref<640x32xf32, #tpu.memory_space<vmem_shared>>
      tpu.enqueue_dma source(%arg34 : memref<640x32xf32, #tpu.memory_space<vmem>>) target(%dma_start3A_163 : memref<640x32xf32, #tpu.memory_space<vmem_shared>>) target_semaphore(%run_scoped3A : memref<!tpu.dma_semaphore, #tpu.memory_space<semaphore_mem>>)
      %dma_wait3A_164 = arith.constant 0 : i32
      %dma_wait3A_165 = tpu.memref_slice %arg35[%mul3A_4, %dma_wait3A_164] : memref<10240x32xf32, #tpu.memory_space<vmem_shared>> -> memref<640x32xf32, #tpu.memory_space<vmem_shared>>
      %dma_wait3A_166 = arith.constant 0 : i32
      %dma_wait3A_167 = tpu.memref_slice %arg35[%mul3A_4, %dma_wait3A_166] : memref<10240x32xf32, #tpu.memory_space<vmem_shared>> -> memref<640x32xf32, #tpu.memory_space<vmem_shared>>
      tpu.wait_dma2 semaphore(%run_scoped3A : memref<!tpu.dma_semaphore, #tpu.memory_space<semaphore_mem>>) src(%arg34 : memref<640x32xf32, #tpu.memory_space<vmem>>) dst(%dma_wait3A_167 : memref<640x32xf32, #tpu.memory_space<vmem_shared>>)
      tpu.yield
    }) : () -> ()
    %barrier3A = arith.constant 0 : index
    tpu.barrier barrier_id(%barrier3A)
    %add3A_5 = arith.constant 0 : i32
    %add3A_6 = arith.addi %mul3A_2, %add3A_5 : i32
    %min3A = arith.constant 159872 : i32
    %min3A_7 = arith.minsi %add3A_6, %min3A : i32
    %dma_start3A = tpu.memref_slice %arg2[%min3A_7] : memref<160000xi32, #tpu.memory_space<hbm>> -> memref<128xi32, #tpu.memory_space<hbm>>
    %dma_start3A_8 = tpu.memref_slice %arg2[%min3A_7] : memref<160000xi32, #tpu.memory_space<hbm>> -> memref<128xi32, #tpu.memory_space<hbm>>
    tpu.enqueue_dma source(%dma_start3A_8 : memref<128xi32, #tpu.memory_space<hbm>>) target(%arg7 : memref<128xi32, #tpu.memory_space<vmem>>) target_semaphore(%arg19 : memref<!tpu.dma_semaphore, #tpu.memory_space<semaphore_mem>>)
    %add3A_9 = arith.constant 0 : i32
    %add3A_10 = arith.addi %mul3A_2, %add3A_9 : i32
    %min3A_11 = arith.constant 159872 : i32
    %min3A_12 = arith.minsi %add3A_10, %min3A_11 : i32
    %dma_start3A_13 = tpu.memref_slice %arg3[%min3A_12] : memref<160000xi32, #tpu.memory_space<hbm>> -> memref<128xi32, #tpu.memory_space<hbm>>
    %dma_start3A_14 = tpu.memref_slice %arg3[%min3A_12] : memref<160000xi32, #tpu.memory_space<hbm>> -> memref<128xi32, #tpu.memory_space<hbm>>
    tpu.enqueue_dma source(%dma_start3A_14 : memref<128xi32, #tpu.memory_space<hbm>>) target(%arg11 : memref<128xi32, #tpu.memory_space<vmem>>) target_semaphore(%arg19 : memref<!tpu.dma_semaphore, #tpu.memory_space<semaphore_mem>>)
    %dma_wait3A = arith.constant 0 : i32
    %dma_wait3A_15 = tpu.memref_slice %arg2[%dma_wait3A] : memref<160000xi32, #tpu.memory_space<hbm>> -> memref<128xi32, #tpu.memory_space<hbm>>
    %dma_wait3A_16 = arith.constant 0 : i32
    %dma_wait3A_17 = tpu.memref_slice %arg2[%dma_wait3A_16] : memref<160000xi32, #tpu.memory_space<hbm>> -> memref<128xi32, #tpu.memory_space<hbm>>
    tpu.wait_dma2 semaphore(%arg19 : memref<!tpu.dma_semaphore, #tpu.memory_space<semaphore_mem>>) src(%dma_wait3A_17 : memref<128xi32, #tpu.memory_space<hbm>>) dst(%arg7 : memref<128xi32, #tpu.memory_space<vmem>>)
    %dma_wait3A_18 = arith.constant 0 : i32
    %dma_wait3A_19 = tpu.memref_slice %arg3[%dma_wait3A_18] : memref<160000xi32, #tpu.memory_space<hbm>> -> memref<128xi32, #tpu.memory_space<hbm>>
    %dma_wait3A_20 = arith.constant 0 : i32
    %dma_wait3A_21 = tpu.memref_slice %arg3[%dma_wait3A_20] : memref<160000xi32, #tpu.memory_space<hbm>> -> memref<128xi32, #tpu.memory_space<hbm>>
    tpu.wait_dma2 semaphore(%arg19 : memref<!tpu.dma_semaphore, #tpu.memory_space<semaphore_mem>>) src(%dma_wait3A_21 : memref<128xi32, #tpu.memory_space<hbm>>) dst(%arg11 : memref<128xi32, #tpu.memory_space<vmem>>)
    %dma_start3A_22 = arith.constant 0 : i32
    %dma_start3A_23 = arith.constant 0 : i32
    %dma_start3A_24 = tpu.memref_slice %arg4[%dma_start3A_22, %dma_start3A_23] : memref<10000x32xf32, #tpu.memory_space<hbm>> -> memref<10000x32xf32, #tpu.memory_space<hbm>>
    tpu.enqueue_indirect_dma source(%dma_start3A_24 : memref<10000x32xf32, #tpu.memory_space<hbm>>) target(%arg15 : memref<128x32xf32, #tpu.memory_space<vmem>>) offsets(%arg7 : memref<128xi32, #tpu.memory_space<vmem>>) semaphore(%arg23 : memref<!tpu.dma_semaphore, #tpu.memory_space<semaphore_mem>>)
    %add3A_25 = arith.constant 128 : i32
    %add3A_26 = arith.addi %mul3A_2, %add3A_25 : i32
    %min3A_27 = arith.constant 159872 : i32
    %min3A_28 = arith.minsi %add3A_26, %min3A_27 : i32
    %dma_start3A_29 = tpu.memref_slice %arg2[%min3A_28] : memref<160000xi32, #tpu.memory_space<hbm>> -> memref<128xi32, #tpu.memory_space<hbm>>
    %dma_start3A_30 = tpu.memref_slice %arg2[%min3A_28] : memref<160000xi32, #tpu.memory_space<hbm>> -> memref<128xi32, #tpu.memory_space<hbm>>
    tpu.enqueue_dma source(%dma_start3A_30 : memref<128xi32, #tpu.memory_space<hbm>>) target(%arg8 : memref<128xi32, #tpu.memory_space<vmem>>) target_semaphore(%arg20 : memref<!tpu.dma_semaphore, #tpu.memory_space<semaphore_mem>>)
    %add3A_31 = arith.constant 128 : i32
    %add3A_32 = arith.addi %mul3A_2, %add3A_31 : i32
    %min3A_33 = arith.constant 159872 : i32
    %min3A_34 = arith.minsi %add3A_32, %min3A_33 : i32
    %dma_start3A_35 = tpu.memref_slice %arg3[%min3A_34] : memref<160000xi32, #tpu.memory_space<hbm>> -> memref<128xi32, #tpu.memory_space<hbm>>
    %dma_start3A_36 = tpu.memref_slice %arg3[%min3A_34] : memref<160000xi32, #tpu.memory_space<hbm>> -> memref<128xi32, #tpu.memory_space<hbm>>
    tpu.enqueue_dma source(%dma_start3A_36 : memref<128xi32, #tpu.memory_space<hbm>>) target(%arg12 : memref<128xi32, #tpu.memory_space<vmem>>) target_semaphore(%arg20 : memref<!tpu.dma_semaphore, #tpu.memory_space<semaphore_mem>>)
    %dma_wait3A_37 = arith.constant 0 : i32
    %dma_wait3A_38 = tpu.memref_slice %arg2[%dma_wait3A_37] : memref<160000xi32, #tpu.memory_space<hbm>> -> memref<128xi32, #tpu.memory_space<hbm>>
    %dma_wait3A_39 = arith.constant 0 : i32
    %dma_wait3A_40 = tpu.memref_slice %arg2[%dma_wait3A_39] : memref<160000xi32, #tpu.memory_space<hbm>> -> memref<128xi32, #tpu.memory_space<hbm>>
    tpu.wait_dma2 semaphore(%arg20 : memref<!tpu.dma_semaphore, #tpu.memory_space<semaphore_mem>>) src(%dma_wait3A_40 : memref<128xi32, #tpu.memory_space<hbm>>) dst(%arg8 : memref<128xi32, #tpu.memory_space<vmem>>)
    %dma_wait3A_41 = arith.constant 0 : i32
    %dma_wait3A_42 = tpu.memref_slice %arg3[%dma_wait3A_41] : memref<160000xi32, #tpu.memory_space<hbm>> -> memref<128xi32, #tpu.memory_space<hbm>>
    %dma_wait3A_43 = arith.constant 0 : i32
    %dma_wait3A_44 = tpu.memref_slice %arg3[%dma_wait3A_43] : memref<160000xi32, #tpu.memory_space<hbm>> -> memref<128xi32, #tpu.memory_space<hbm>>
    tpu.wait_dma2 semaphore(%arg20 : memref<!tpu.dma_semaphore, #tpu.memory_space<semaphore_mem>>) src(%dma_wait3A_44 : memref<128xi32, #tpu.memory_space<hbm>>) dst(%arg12 : memref<128xi32, #tpu.memory_space<vmem>>)
    %dma_start3A_45 = arith.constant 0 : i32
    %dma_start3A_46 = arith.constant 0 : i32
    %dma_start3A_47 = tpu.memref_slice %arg4[%dma_start3A_45, %dma_start3A_46] : memref<10000x32xf32, #tpu.memory_space<hbm>> -> memref<10000x32xf32, #tpu.memory_space<hbm>>
    tpu.enqueue_indirect_dma source(%dma_start3A_47 : memref<10000x32xf32, #tpu.memory_space<hbm>>) target(%arg16 : memref<128x32xf32, #tpu.memory_space<vmem>>) offsets(%arg8 : memref<128xi32, #tpu.memory_space<vmem>>) semaphore(%arg24 : memref<!tpu.dma_semaphore, #tpu.memory_space<semaphore_mem>>)
    %add3A_48 = arith.constant 256 : i32
    %add3A_49 = arith.addi %mul3A_2, %add3A_48 : i32
    %min3A_50 = arith.constant 159872 : i32
    %min3A_51 = arith.minsi %add3A_49, %min3A_50 : i32
    %dma_start3A_52 = tpu.memref_slice %arg2[%min3A_51] : memref<160000xi32, #tpu.memory_space<hbm>> -> memref<128xi32, #tpu.memory_space<hbm>>
    %dma_start3A_53 = tpu.memref_slice %arg2[%min3A_51] : memref<160000xi32, #tpu.memory_space<hbm>> -> memref<128xi32, #tpu.memory_space<hbm>>
    tpu.enqueue_dma source(%dma_start3A_53 : memref<128xi32, #tpu.memory_space<hbm>>) target(%arg9 : memref<128xi32, #tpu.memory_space<vmem>>) target_semaphore(%arg21 : memref<!tpu.dma_semaphore, #tpu.memory_space<semaphore_mem>>)
    %add3A_54 = arith.constant 256 : i32
    %add3A_55 = arith.addi %mul3A_2, %add3A_54 : i32
    %min3A_56 = arith.constant 159872 : i32
    %min3A_57 = arith.minsi %add3A_55, %min3A_56 : i32
    %dma_start3A_58 = tpu.memref_slice %arg3[%min3A_57] : memref<160000xi32, #tpu.memory_space<hbm>> -> memref<128xi32, #tpu.memory_space<hbm>>
    %dma_start3A_59 = tpu.memref_slice %arg3[%min3A_57] : memref<160000xi32, #tpu.memory_space<hbm>> -> memref<128xi32, #tpu.memory_space<hbm>>
    tpu.enqueue_dma source(%dma_start3A_59 : memref<128xi32, #tpu.memory_space<hbm>>) target(%arg13 : memref<128xi32, #tpu.memory_space<vmem>>) target_semaphore(%arg21 : memref<!tpu.dma_semaphore, #tpu.memory_space<semaphore_mem>>)
    %dma_wait3A_60 = arith.constant 0 : i32
    %dma_wait3A_61 = arith.constant 0 : i32
    %dma_wait3A_62 = tpu.memref_slice %arg4[%dma_wait3A_60, %dma_wait3A_61] : memref<10000x32xf32, #tpu.memory_space<hbm>> -> memref<10000x32xf32, #tpu.memory_space<hbm>>
    tpu.wait_indirect_dma semaphore(%arg23 : memref<!tpu.dma_semaphore, #tpu.memory_space<semaphore_mem>>) src(%dma_wait3A_62 : memref<10000x32xf32, #tpu.memory_space<hbm>>) dst(%arg15 : memref<128x32xf32, #tpu.memory_space<vmem>>)
    %dma_start3A_63 = arith.constant 0 : i32
    %dma_start3A_64 = arith.constant 0 : i32
    %dma_start3A_65 = tpu.memref_slice %arg35[%dma_start3A_63, %dma_start3A_64] : memref<10240x32xf32, #tpu.memory_space<vmem_shared>> -> memref<10240x32xf32, #tpu.memory_space<vmem_shared>>
    tpu.enqueue_indirect_dma source(%arg15 : memref<128x32xf32, #tpu.memory_space<vmem>>) target(%dma_start3A_65 : memref<10240x32xf32, #tpu.memory_space<vmem_shared>>) offsets(%arg11 : memref<128xi32, #tpu.memory_space<vmem>>) semaphore(%arg27 : memref<!tpu.dma_semaphore, #tpu.memory_space<semaphore_mem>>) {add = true}
    %dma_wait3A_66 = arith.constant 0 : i32
    %dma_wait3A_67 = tpu.memref_slice %arg2[%dma_wait3A_66] : memref<160000xi32, #tpu.memory_space<hbm>> -> memref<128xi32, #tpu.memory_space<hbm>>
    %dma_wait3A_68 = arith.constant 0 : i32
    %dma_wait3A_69 = tpu.memref_slice %arg2[%dma_wait3A_68] : memref<160000xi32, #tpu.memory_space<hbm>> -> memref<128xi32, #tpu.memory_space<hbm>>
    tpu.wait_dma2 semaphore(%arg21 : memref<!tpu.dma_semaphore, #tpu.memory_space<semaphore_mem>>) src(%dma_wait3A_69 : memref<128xi32, #tpu.memory_space<hbm>>) dst(%arg9 : memref<128xi32, #tpu.memory_space<vmem>>)
    %dma_wait3A_70 = arith.constant 0 : i32
    %dma_wait3A_71 = tpu.memref_slice %arg3[%dma_wait3A_70] : memref<160000xi32, #tpu.memory_space<hbm>> -> memref<128xi32, #tpu.memory_space<hbm>>
    %dma_wait3A_72 = arith.constant 0 : i32
    %dma_wait3A_73 = tpu.memref_slice %arg3[%dma_wait3A_72] : memref<160000xi32, #tpu.memory_space<hbm>> -> memref<128xi32, #tpu.memory_space<hbm>>
    tpu.wait_dma2 semaphore(%arg21 : memref<!tpu.dma_semaphore, #tpu.memory_space<semaphore_mem>>) src(%dma_wait3A_73 : memref<128xi32, #tpu.memory_space<hbm>>) dst(%arg13 : memref<128xi32, #tpu.memory_space<vmem>>)
    %dma_start3A_74 = arith.constant 0 : i32
    %dma_start3A_75 = arith.constant 0 : i32
    %dma_start3A_76 = tpu.memref_slice %arg4[%dma_start3A_74, %dma_start3A_75] : memref<10000x32xf32, #tpu.memory_space<hbm>> -> memref<10000x32xf32, #tpu.memory_space<hbm>>
    tpu.enqueue_indirect_dma source(%dma_start3A_76 : memref<10000x32xf32, #tpu.memory_space<hbm>>) target(%arg17 : memref<128x32xf32, #tpu.memory_space<vmem>>) offsets(%arg9 : memref<128xi32, #tpu.memory_space<vmem>>) semaphore(%arg25 : memref<!tpu.dma_semaphore, #tpu.memory_space<semaphore_mem>>)
    %add3A_77 = arith.constant 384 : i32
    %add3A_78 = arith.addi %mul3A_2, %add3A_77 : i32
    %min3A_79 = arith.constant 159872 : i32
    %min3A_80 = arith.minsi %add3A_78, %min3A_79 : i32
    %dma_start3A_81 = tpu.memref_slice %arg2[%min3A_80] : memref<160000xi32, #tpu.memory_space<hbm>> -> memref<128xi32, #tpu.memory_space<hbm>>
    %dma_start3A_82 = tpu.memref_slice %arg2[%min3A_80] : memref<160000xi32, #tpu.memory_space<hbm>> -> memref<128xi32, #tpu.memory_space<hbm>>
    tpu.enqueue_dma source(%dma_start3A_82 : memref<128xi32, #tpu.memory_space<hbm>>) target(%arg10 : memref<128xi32, #tpu.memory_space<vmem>>) target_semaphore(%arg22 : memref<!tpu.dma_semaphore, #tpu.memory_space<semaphore_mem>>)
    %add3A_83 = arith.constant 384 : i32
    %add3A_84 = arith.addi %mul3A_2, %add3A_83 : i32
    %min3A_85 = arith.constant 159872 : i32
    %min3A_86 = arith.minsi %add3A_84, %min3A_85 : i32
    %dma_start3A_87 = tpu.memref_slice %arg3[%min3A_86] : memref<160000xi32, #tpu.memory_space<hbm>> -> memref<128xi32, #tpu.memory_space<hbm>>
    %dma_start3A_88 = tpu.memref_slice %arg3[%min3A_86] : memref<160000xi32, #tpu.memory_space<hbm>> -> memref<128xi32, #tpu.memory_space<hbm>>
    tpu.enqueue_dma source(%dma_start3A_88 : memref<128xi32, #tpu.memory_space<hbm>>) target(%arg14 : memref<128xi32, #tpu.memory_space<vmem>>) target_semaphore(%arg22 : memref<!tpu.dma_semaphore, #tpu.memory_space<semaphore_mem>>)
    %dma_wait3A_89 = arith.constant 0 : i32
    %dma_wait3A_90 = arith.constant 0 : i32
    %dma_wait3A_91 = tpu.memref_slice %arg4[%dma_wait3A_89, %dma_wait3A_90] : memref<10000x32xf32, #tpu.memory_space<hbm>> -> memref<10000x32xf32, #tpu.memory_space<hbm>>
    tpu.wait_indirect_dma semaphore(%arg24 : memref<!tpu.dma_semaphore, #tpu.memory_space<semaphore_mem>>) src(%dma_wait3A_91 : memref<10000x32xf32, #tpu.memory_space<hbm>>) dst(%arg16 : memref<128x32xf32, #tpu.memory_space<vmem>>)
    %dma_start3A_92 = arith.constant 0 : i32
    %dma_start3A_93 = arith.constant 0 : i32
    %dma_start3A_94 = tpu.memref_slice %arg35[%dma_start3A_92, %dma_start3A_93] : memref<10240x32xf32, #tpu.memory_space<vmem_shared>> -> memref<10240x32xf32, #tpu.memory_space<vmem_shared>>
    tpu.enqueue_indirect_dma source(%arg16 : memref<128x32xf32, #tpu.memory_space<vmem>>) target(%dma_start3A_94 : memref<10240x32xf32, #tpu.memory_space<vmem_shared>>) offsets(%arg12 : memref<128xi32, #tpu.memory_space<vmem>>) semaphore(%arg28 : memref<!tpu.dma_semaphore, #tpu.memory_space<semaphore_mem>>) {add = true}
    %scan3A = arith.constant 0 : i32
    %scan3A_95 = arith.constant 0 : i32
    %scan3A_96 = arith.constant 9 : i32
    %scan3A_97 = arith.addi %scan3A_95, %scan3A_96 : i32
    %scan3A_98 = arith.constant 1 : i32
    scf.for %scan3A_160 = %scan3A_95 to %scan3A_97 step %scan3A_98  : i32 {
      %mul3A_161 = arith.constant 4 : i32
      %mul3A_162 = arith.muli %scan3A_160, %mul3A_161 : i32
      %add3A_163 = arith.constant 2 : i32
      %add3A_164 = arith.addi %add3A_163, %mul3A_162 : i32
      %add3A_165 = arith.constant 0 : i32
      %add3A_166 = arith.addi %add3A_164, %add3A_165 : i32
      %dma_wait3A_167 = arith.constant 0 : i32
      %dma_wait3A_168 = tpu.memref_slice %arg2[%dma_wait3A_167] : memref<160000xi32, #tpu.memory_space<hbm>> -> memref<128xi32, #tpu.memory_space<hbm>>
      %dma_wait3A_169 = arith.constant 0 : i32
      %dma_wait3A_170 = tpu.memref_slice %arg2[%dma_wait3A_169] : memref<160000xi32, #tpu.memory_space<hbm>> -> memref<128xi32, #tpu.memory_space<hbm>>
      tpu.wait_dma2 semaphore(%arg22 : memref<!tpu.dma_semaphore, #tpu.memory_space<semaphore_mem>>) src(%dma_wait3A_170 : memref<128xi32, #tpu.memory_space<hbm>>) dst(%arg10 : memref<128xi32, #tpu.memory_space<vmem>>)
      %dma_wait3A_171 = arith.constant 0 : i32
      %dma_wait3A_172 = tpu.memref_slice %arg3[%dma_wait3A_171] : memref<160000xi32, #tpu.memory_space<hbm>> -> memref<128xi32, #tpu.memory_space<hbm>>
      %dma_wait3A_173 = arith.constant 0 : i32
      %dma_wait3A_174 = tpu.memref_slice %arg3[%dma_wait3A_173] : memref<160000xi32, #tpu.memory_space<hbm>> -> memref<128xi32, #tpu.memory_space<hbm>>
      tpu.wait_dma2 semaphore(%arg22 : memref<!tpu.dma_semaphore, #tpu.memory_space<semaphore_mem>>) src(%dma_wait3A_174 : memref<128xi32, #tpu.memory_space<hbm>>) dst(%arg14 : memref<128xi32, #tpu.memory_space<vmem>>)
      %dma_start3A_175 = arith.constant 0 : i32
      %dma_start3A_176 = arith.constant 0 : i32
      %dma_start3A_177 = tpu.memref_slice %arg4[%dma_start3A_175, %dma_start3A_176] : memref<10000x32xf32, #tpu.memory_space<hbm>> -> memref<10000x32xf32, #tpu.memory_space<hbm>>
      tpu.enqueue_indirect_dma source(%dma_start3A_177 : memref<10000x32xf32, #tpu.memory_space<hbm>>) target(%arg18 : memref<128x32xf32, #tpu.memory_space<vmem>>) offsets(%arg10 : memref<128xi32, #tpu.memory_space<vmem>>) semaphore(%arg26 : memref<!tpu.dma_semaphore, #tpu.memory_space<semaphore_mem>>)
      %dma_wait3A_178 = arith.constant 0 : i32
      %dma_wait3A_179 = arith.constant 0 : i32
      %dma_wait3A_180 = tpu.memref_slice %arg35[%dma_wait3A_178, %dma_wait3A_179] : memref<10240x32xf32, #tpu.memory_space<vmem_shared>> -> memref<10240x32xf32, #tpu.memory_space<vmem_shared>>
      tpu.wait_indirect_dma semaphore(%arg27 : memref<!tpu.dma_semaphore, #tpu.memory_space<semaphore_mem>>) src(%arg15 : memref<128x32xf32, #tpu.memory_space<vmem>>) dst(%dma_wait3A_180 : memref<10240x32xf32, #tpu.memory_space<vmem_shared>>)
      %add3A_181 = arith.constant 2 : i32
      %add3A_182 = arith.addi %add3A_166, %add3A_181 : i32
      %mul3A_183 = arith.constant 128 : i32
      %mul3A_184 = arith.muli %add3A_182, %mul3A_183 : i32
      %add3A_185 = arith.addi %mul3A_2, %mul3A_184 : i32
      %min3A_186 = arith.constant 159872 : i32
      %min3A_187 = arith.minsi %add3A_185, %min3A_186 : i32
      %dma_start3A_188 = tpu.memref_slice %arg2[%min3A_187] : memref<160000xi32, #tpu.memory_space<hbm>> -> memref<128xi32, #tpu.memory_space<hbm>>
      %dma_start3A_189 = tpu.memref_slice %arg2[%min3A_187] : memref<160000xi32, #tpu.memory_space<hbm>> -> memref<128xi32, #tpu.memory_space<hbm>>
      tpu.enqueue_dma source(%dma_start3A_189 : memref<128xi32, #tpu.memory_space<hbm>>) target(%arg7 : memref<128xi32, #tpu.memory_space<vmem>>) target_semaphore(%arg19 : memref<!tpu.dma_semaphore, #tpu.memory_space<semaphore_mem>>)
      %mul3A_190 = arith.constant 128 : i32
      %mul3A_191 = arith.muli %add3A_182, %mul3A_190 : i32
      %add3A_192 = arith.addi %mul3A_2, %mul3A_191 : i32
      %min3A_193 = arith.constant 159872 : i32
      %min3A_194 = arith.minsi %add3A_192, %min3A_193 : i32
      %dma_start3A_195 = tpu.memref_slice %arg3[%min3A_194] : memref<160000xi32, #tpu.memory_space<hbm>> -> memref<128xi32, #tpu.memory_space<hbm>>
      %dma_start3A_196 = tpu.memref_slice %arg3[%min3A_194] : memref<160000xi32, #tpu.memory_space<hbm>> -> memref<128xi32, #tpu.memory_space<hbm>>
      tpu.enqueue_dma source(%dma_start3A_196 : memref<128xi32, #tpu.memory_space<hbm>>) target(%arg11 : memref<128xi32, #tpu.memory_space<vmem>>) target_semaphore(%arg19 : memref<!tpu.dma_semaphore, #tpu.memory_space<semaphore_mem>>)
      %dma_wait3A_197 = arith.constant 0 : i32
      %dma_wait3A_198 = arith.constant 0 : i32
      %dma_wait3A_199 = tpu.memref_slice %arg4[%dma_wait3A_197, %dma_wait3A_198] : memref<10000x32xf32, #tpu.memory_space<hbm>> -> memref<10000x32xf32, #tpu.memory_space<hbm>>
      tpu.wait_indirect_dma semaphore(%arg25 : memref<!tpu.dma_semaphore, #tpu.memory_space<semaphore_mem>>) src(%dma_wait3A_199 : memref<10000x32xf32, #tpu.memory_space<hbm>>) dst(%arg17 : memref<128x32xf32, #tpu.memory_space<vmem>>)
      %dma_start3A_200 = arith.constant 0 : i32
      %dma_start3A_201 = arith.constant 0 : i32
      %dma_start3A_202 = tpu.memref_slice %arg35[%dma_start3A_200, %dma_start3A_201] : memref<10240x32xf32, #tpu.memory_space<vmem_shared>> -> memref<10240x32xf32, #tpu.memory_space<vmem_shared>>
      tpu.enqueue_indirect_dma source(%arg17 : memref<128x32xf32, #tpu.memory_space<vmem>>) target(%dma_start3A_202 : memref<10240x32xf32, #tpu.memory_space<vmem_shared>>) offsets(%arg13 : memref<128xi32, #tpu.memory_space<vmem>>) semaphore(%arg29 : memref<!tpu.dma_semaphore, #tpu.memory_space<semaphore_mem>>) {add = true}
      %add3A_203 = arith.constant 1 : i32
      %add3A_204 = arith.addi %add3A_164, %add3A_203 : i32
      %dma_wait3A_205 = arith.constant 0 : i32
      %dma_wait3A_206 = tpu.memref_slice %arg2[%dma_wait3A_205] : memref<160000xi32, #tpu.memory_space<hbm>> -> memref<128xi32, #tpu.memory_space<hbm>>
      %dma_wait3A_207 = arith.constant 0 : i32
      %dma_wait3A_208 = tpu.memref_slice %arg2[%dma_wait3A_207] : memref<160000xi32, #tpu.memory_space<hbm>> -> memref<128xi32, #tpu.memory_space<hbm>>
      tpu.wait_dma2 semaphore(%arg19 : memref<!tpu.dma_semaphore, #tpu.memory_space<semaphore_mem>>) src(%dma_wait3A_208 : memref<128xi32, #tpu.memory_space<hbm>>) dst(%arg7 : memref<128xi32, #tpu.memory_space<vmem>>)
      %dma_wait3A_209 = arith.constant 0 : i32
      %dma_wait3A_210 = tpu.memref_slice %arg3[%dma_wait3A_209] : memref<160000xi32, #tpu.memory_space<hbm>> -> memref<128xi32, #tpu.memory_space<hbm>>
      %dma_wait3A_211 = arith.constant 0 : i32
      %dma_wait3A_212 = tpu.memref_slice %arg3[%dma_wait3A_211] : memref<160000xi32, #tpu.memory_space<hbm>> -> memref<128xi32, #tpu.memory_space<hbm>>
      tpu.wait_dma2 semaphore(%arg19 : memref<!tpu.dma_semaphore, #tpu.memory_space<semaphore_mem>>) src(%dma_wait3A_212 : memref<128xi32, #tpu.memory_space<hbm>>) dst(%arg11 : memref<128xi32, #tpu.memory_space<vmem>>)
      %dma_start3A_213 = arith.constant 0 : i32
      %dma_start3A_214 = arith.constant 0 : i32
      %dma_start3A_215 = tpu.memref_slice %arg4[%dma_start3A_213, %dma_start3A_214] : memref<10000x32xf32, #tpu.memory_space<hbm>> -> memref<10000x32xf32, #tpu.memory_space<hbm>>
      tpu.enqueue_indirect_dma source(%dma_start3A_215 : memref<10000x32xf32, #tpu.memory_space<hbm>>) target(%arg15 : memref<128x32xf32, #tpu.memory_space<vmem>>) offsets(%arg7 : memref<128xi32, #tpu.memory_space<vmem>>) semaphore(%arg23 : memref<!tpu.dma_semaphore, #tpu.memory_space<semaphore_mem>>)
      %dma_wait3A_216 = arith.constant 0 : i32
      %dma_wait3A_217 = arith.constant 0 : i32
      %dma_wait3A_218 = tpu.memref_slice %arg35[%dma_wait3A_216, %dma_wait3A_217] : memref<10240x32xf32, #tpu.memory_space<vmem_shared>> -> memref<10240x32xf32, #tpu.memory_space<vmem_shared>>
      tpu.wait_indirect_dma semaphore(%arg28 : memref<!tpu.dma_semaphore, #tpu.memory_space<semaphore_mem>>) src(%arg16 : memref<128x32xf32, #tpu.memory_space<vmem>>) dst(%dma_wait3A_218 : memref<10240x32xf32, #tpu.memory_space<vmem_shared>>)
      %add3A_219 = arith.constant 2 : i32
      %add3A_220 = arith.addi %add3A_204, %add3A_219 : i32
      %mul3A_221 = arith.constant 128 : i32
      %mul3A_222 = arith.muli %add3A_220, %mul3A_221 : i32
      %add3A_223 = arith.addi %mul3A_2, %mul3A_222 : i32
      %min3A_224 = arith.constant 159872 : i32
      %min3A_225 = arith.minsi %add3A_223, %min3A_224 : i32
      %dma_start3A_226 = tpu.memref_slice %arg2[%min3A_225] : memref<160000xi32, #tpu.memory_space<hbm>> -> memref<128xi32, #tpu.memory_space<hbm>>
      %dma_start3A_227 = tpu.memref_slice %arg2[%min3A_225] : memref<160000xi32, #tpu.memory_space<hbm>> -> memref<128xi32, #tpu.memory_space<hbm>>
      tpu.enqueue_dma source(%dma_start3A_227 : memref<128xi32, #tpu.memory_space<hbm>>) target(%arg8 : memref<128xi32, #tpu.memory_space<vmem>>) target_semaphore(%arg20 : memref<!tpu.dma_semaphore, #tpu.memory_space<semaphore_mem>>)
      %mul3A_228 = arith.constant 128 : i32
      %mul3A_229 = arith.muli %add3A_220, %mul3A_228 : i32
      %add3A_230 = arith.addi %mul3A_2, %mul3A_229 : i32
      %min3A_231 = arith.constant 159872 : i32
      %min3A_232 = arith.minsi %add3A_230, %min3A_231 : i32
      %dma_start3A_233 = tpu.memref_slice %arg3[%min3A_232] : memref<160000xi32, #tpu.memory_space<hbm>> -> memref<128xi32, #tpu.memory_space<hbm>>
      %dma_start3A_234 = tpu.memref_slice %arg3[%min3A_232] : memref<160000xi32, #tpu.memory_space<hbm>> -> memref<128xi32, #tpu.memory_space<hbm>>
      tpu.enqueue_dma source(%dma_start3A_234 : memref<128xi32, #tpu.memory_space<hbm>>) target(%arg12 : memref<128xi32, #tpu.memory_space<vmem>>) target_semaphore(%arg20 : memref<!tpu.dma_semaphore, #tpu.memory_space<semaphore_mem>>)
      %dma_wait3A_235 = arith.constant 0 : i32
      %dma_wait3A_236 = arith.constant 0 : i32
      %dma_wait3A_237 = tpu.memref_slice %arg4[%dma_wait3A_235, %dma_wait3A_236] : memref<10000x32xf32, #tpu.memory_space<hbm>> -> memref<10000x32xf32, #tpu.memory_space<hbm>>
      tpu.wait_indirect_dma semaphore(%arg26 : memref<!tpu.dma_semaphore, #tpu.memory_space<semaphore_mem>>) src(%dma_wait3A_237 : memref<10000x32xf32, #tpu.memory_space<hbm>>) dst(%arg18 : memref<128x32xf32, #tpu.memory_space<vmem>>)
      %dma_start3A_238 = arith.constant 0 : i32
      %dma_start3A_239 = arith.constant 0 : i32
      %dma_start3A_240 = tpu.memref_slice %arg35[%dma_start3A_238, %dma_start3A_239] : memref<10240x32xf32, #tpu.memory_space<vmem_shared>> -> memref<10240x32xf32, #tpu.memory_space<vmem_shared>>
      tpu.enqueue_indirect_dma source(%arg18 : memref<128x32xf32, #tpu.memory_space<vmem>>) target(%dma_start3A_240 : memref<10240x32xf32, #tpu.memory_space<vmem_shared>>) offsets(%arg14 : memref<128xi32, #tpu.memory_space<vmem>>) semaphore(%arg30 : memref<!tpu.dma_semaphore, #tpu.memory_space<semaphore_mem>>) {add = true}
      %add3A_241 = arith.constant 2 : i32
      %add3A_242 = arith.addi %add3A_164, %add3A_241 : i32
      %dma_wait3A_243 = arith.constant 0 : i32
      %dma_wait3A_244 = tpu.memref_slice %arg2[%dma_wait3A_243] : memref<160000xi32, #tpu.memory_space<hbm>> -> memref<128xi32, #tpu.memory_space<hbm>>
      %dma_wait3A_245 = arith.constant 0 : i32
      %dma_wait3A_246 = tpu.memref_slice %arg2[%dma_wait3A_245] : memref<160000xi32, #tpu.memory_space<hbm>> -> memref<128xi32, #tpu.memory_space<hbm>>
      tpu.wait_dma2 semaphore(%arg20 : memref<!tpu.dma_semaphore, #tpu.memory_space<semaphore_mem>>) src(%dma_wait3A_246 : memref<128xi32, #tpu.memory_space<hbm>>) dst(%arg8 : memref<128xi32, #tpu.memory_space<vmem>>)
      %dma_wait3A_247 = arith.constant 0 : i32
      %dma_wait3A_248 = tpu.memref_slice %arg3[%dma_wait3A_247] : memref<160000xi32, #tpu.memory_space<hbm>> -> memref<128xi32, #tpu.memory_space<hbm>>
      %dma_wait3A_249 = arith.constant 0 : i32
      %dma_wait3A_250 = tpu.memref_slice %arg3[%dma_wait3A_249] : memref<160000xi32, #tpu.memory_space<hbm>> -> memref<128xi32, #tpu.memory_space<hbm>>
      tpu.wait_dma2 semaphore(%arg20 : memref<!tpu.dma_semaphore, #tpu.memory_space<semaphore_mem>>) src(%dma_wait3A_250 : memref<128xi32, #tpu.memory_space<hbm>>) dst(%arg12 : memref<128xi32, #tpu.memory_space<vmem>>)
      %dma_start3A_251 = arith.constant 0 : i32
      %dma_start3A_252 = arith.constant 0 : i32
      %dma_start3A_253 = tpu.memref_slice %arg4[%dma_start3A_251, %dma_start3A_252] : memref<10000x32xf32, #tpu.memory_space<hbm>> -> memref<10000x32xf32, #tpu.memory_space<hbm>>
      tpu.enqueue_indirect_dma source(%dma_start3A_253 : memref<10000x32xf32, #tpu.memory_space<hbm>>) target(%arg16 : memref<128x32xf32, #tpu.memory_space<vmem>>) offsets(%arg8 : memref<128xi32, #tpu.memory_space<vmem>>) semaphore(%arg24 : memref<!tpu.dma_semaphore, #tpu.memory_space<semaphore_mem>>)
      %dma_wait3A_254 = arith.constant 0 : i32
      %dma_wait3A_255 = arith.constant 0 : i32
      %dma_wait3A_256 = tpu.memref_slice %arg35[%dma_wait3A_254, %dma_wait3A_255] : memref<10240x32xf32, #tpu.memory_space<vmem_shared>> -> memref<10240x32xf32, #tpu.memory_space<vmem_shared>>
      tpu.wait_indirect_dma semaphore(%arg29 : memref<!tpu.dma_semaphore, #tpu.memory_space<semaphore_mem>>) src(%arg17 : memref<128x32xf32, #tpu.memory_space<vmem>>) dst(%dma_wait3A_256 : memref<10240x32xf32, #tpu.memory_space<vmem_shared>>)
      %add3A_257 = arith.constant 2 : i32
      %add3A_258 = arith.addi %add3A_242, %add3A_257 : i32
      %mul3A_259 = arith.constant 128 : i32
      %mul3A_260 = arith.muli %add3A_258, %mul3A_259 : i32
      %add3A_261 = arith.addi %mul3A_2, %mul3A_260 : i32
      %min3A_262 = arith.constant 159872 : i32
      %min3A_263 = arith.minsi %add3A_261, %min3A_262 : i32
      %dma_start3A_264 = tpu.memref_slice %arg2[%min3A_263] : memref<160000xi32, #tpu.memory_space<hbm>> -> memref<128xi32, #tpu.memory_space<hbm>>
      %dma_start3A_265 = tpu.memref_slice %arg2[%min3A_263] : memref<160000xi32, #tpu.memory_space<hbm>> -> memref<128xi32, #tpu.memory_space<hbm>>
      tpu.enqueue_dma source(%dma_start3A_265 : memref<128xi32, #tpu.memory_space<hbm>>) target(%arg9 : memref<128xi32, #tpu.memory_space<vmem>>) target_semaphore(%arg21 : memref<!tpu.dma_semaphore, #tpu.memory_space<semaphore_mem>>)
      %mul3A_266 = arith.constant 128 : i32
      %mul3A_267 = arith.muli %add3A_258, %mul3A_266 : i32
      %add3A_268 = arith.addi %mul3A_2, %mul3A_267 : i32
      %min3A_269 = arith.constant 159872 : i32
      %min3A_270 = arith.minsi %add3A_268, %min3A_269 : i32
      %dma_start3A_271 = tpu.memref_slice %arg3[%min3A_270] : memref<160000xi32, #tpu.memory_space<hbm>> -> memref<128xi32, #tpu.memory_space<hbm>>
      %dma_start3A_272 = tpu.memref_slice %arg3[%min3A_270] : memref<160000xi32, #tpu.memory_space<hbm>> -> memref<128xi32, #tpu.memory_space<hbm>>
      tpu.enqueue_dma source(%dma_start3A_272 : memref<128xi32, #tpu.memory_space<hbm>>) target(%arg13 : memref<128xi32, #tpu.memory_space<vmem>>) target_semaphore(%arg21 : memref<!tpu.dma_semaphore, #tpu.memory_space<semaphore_mem>>)
      %dma_wait3A_273 = arith.constant 0 : i32
      %dma_wait3A_274 = arith.constant 0 : i32
      %dma_wait3A_275 = tpu.memref_slice %arg4[%dma_wait3A_273, %dma_wait3A_274] : memref<10000x32xf32, #tpu.memory_space<hbm>> -> memref<10000x32xf32, #tpu.memory_space<hbm>>
      tpu.wait_indirect_dma semaphore(%arg23 : memref<!tpu.dma_semaphore, #tpu.memory_space<semaphore_mem>>) src(%dma_wait3A_275 : memref<10000x32xf32, #tpu.memory_space<hbm>>) dst(%arg15 : memref<128x32xf32, #tpu.memory_space<vmem>>)
      %dma_start3A_276 = arith.constant 0 : i32
      %dma_start3A_277 = arith.constant 0 : i32
      %dma_start3A_278 = tpu.memref_slice %arg35[%dma_start3A_276, %dma_start3A_277] : memref<10240x32xf32, #tpu.memory_space<vmem_shared>> -> memref<10240x32xf32, #tpu.memory_space<vmem_shared>>
      tpu.enqueue_indirect_dma source(%arg15 : memref<128x32xf32, #tpu.memory_space<vmem>>) target(%dma_start3A_278 : memref<10240x32xf32, #tpu.memory_space<vmem_shared>>) offsets(%arg11 : memref<128xi32, #tpu.memory_space<vmem>>) semaphore(%arg27 : memref<!tpu.dma_semaphore, #tpu.memory_space<semaphore_mem>>) {add = true}
      %add3A_279 = arith.constant 3 : i32
      %add3A_280 = arith.addi %add3A_164, %add3A_279 : i32
      %dma_wait3A_281 = arith.constant 0 : i32
      %dma_wait3A_282 = tpu.memref_slice %arg2[%dma_wait3A_281] : memref<160000xi32, #tpu.memory_space<hbm>> -> memref<128xi32, #tpu.memory_space<hbm>>
      %dma_wait3A_283 = arith.constant 0 : i32
      %dma_wait3A_284 = tpu.memref_slice %arg2[%dma_wait3A_283] : memref<160000xi32, #tpu.memory_space<hbm>> -> memref<128xi32, #tpu.memory_space<hbm>>
      tpu.wait_dma2 semaphore(%arg21 : memref<!tpu.dma_semaphore, #tpu.memory_space<semaphore_mem>>) src(%dma_wait3A_284 : memref<128xi32, #tpu.memory_space<hbm>>) dst(%arg9 : memref<128xi32, #tpu.memory_space<vmem>>)
      %dma_wait3A_285 = arith.constant 0 : i32
      %dma_wait3A_286 = tpu.memref_slice %arg3[%dma_wait3A_285] : memref<160000xi32, #tpu.memory_space<hbm>> -> memref<128xi32, #tpu.memory_space<hbm>>
      %dma_wait3A_287 = arith.constant 0 : i32
      %dma_wait3A_288 = tpu.memref_slice %arg3[%dma_wait3A_287] : memref<160000xi32, #tpu.memory_space<hbm>> -> memref<128xi32, #tpu.memory_space<hbm>>
      tpu.wait_dma2 semaphore(%arg21 : memref<!tpu.dma_semaphore, #tpu.memory_space<semaphore_mem>>) src(%dma_wait3A_288 : memref<128xi32, #tpu.memory_space<hbm>>) dst(%arg13 : memref<128xi32, #tpu.memory_space<vmem>>)
      %dma_start3A_289 = arith.constant 0 : i32
      %dma_start3A_290 = arith.constant 0 : i32
      %dma_start3A_291 = tpu.memref_slice %arg4[%dma_start3A_289, %dma_start3A_290] : memref<10000x32xf32, #tpu.memory_space<hbm>> -> memref<10000x32xf32, #tpu.memory_space<hbm>>
      tpu.enqueue_indirect_dma source(%dma_start3A_291 : memref<10000x32xf32, #tpu.memory_space<hbm>>) target(%arg17 : memref<128x32xf32, #tpu.memory_space<vmem>>) offsets(%arg9 : memref<128xi32, #tpu.memory_space<vmem>>) semaphore(%arg25 : memref<!tpu.dma_semaphore, #tpu.memory_space<semaphore_mem>>)
      %dma_wait3A_292 = arith.constant 0 : i32
      %dma_wait3A_293 = arith.constant 0 : i32
      %dma_wait3A_294 = tpu.memref_slice %arg35[%dma_wait3A_292, %dma_wait3A_293] : memref<10240x32xf32, #tpu.memory_space<vmem_shared>> -> memref<10240x32xf32, #tpu.memory_space<vmem_shared>>
      tpu.wait_indirect_dma semaphore(%arg30 : memref<!tpu.dma_semaphore, #tpu.memory_space<semaphore_mem>>) src(%arg18 : memref<128x32xf32, #tpu.memory_space<vmem>>) dst(%dma_wait3A_294 : memref<10240x32xf32, #tpu.memory_space<vmem_shared>>)
      %add3A_295 = arith.constant 2 : i32
      %add3A_296 = arith.addi %add3A_280, %add3A_295 : i32
      %mul3A_297 = arith.constant 128 : i32
      %mul3A_298 = arith.muli %add3A_296, %mul3A_297 : i32
      %add3A_299 = arith.addi %mul3A_2, %mul3A_298 : i32
      %min3A_300 = arith.constant 159872 : i32
      %min3A_301 = arith.minsi %add3A_299, %min3A_300 : i32
      %dma_start3A_302 = tpu.memref_slice %arg2[%min3A_301] : memref<160000xi32, #tpu.memory_space<hbm>> -> memref<128xi32, #tpu.memory_space<hbm>>
      %dma_start3A_303 = tpu.memref_slice %arg2[%min3A_301] : memref<160000xi32, #tpu.memory_space<hbm>> -> memref<128xi32, #tpu.memory_space<hbm>>
      tpu.enqueue_dma source(%dma_start3A_303 : memref<128xi32, #tpu.memory_space<hbm>>) target(%arg10 : memref<128xi32, #tpu.memory_space<vmem>>) target_semaphore(%arg22 : memref<!tpu.dma_semaphore, #tpu.memory_space<semaphore_mem>>)
      %mul3A_304 = arith.constant 128 : i32
      %mul3A_305 = arith.muli %add3A_296, %mul3A_304 : i32
      %add3A_306 = arith.addi %mul3A_2, %mul3A_305 : i32
      %min3A_307 = arith.constant 159872 : i32
      %min3A_308 = arith.minsi %add3A_306, %min3A_307 : i32
      %dma_start3A_309 = tpu.memref_slice %arg3[%min3A_308] : memref<160000xi32, #tpu.memory_space<hbm>> -> memref<128xi32, #tpu.memory_space<hbm>>
      %dma_start3A_310 = tpu.memref_slice %arg3[%min3A_308] : memref<160000xi32, #tpu.memory_space<hbm>> -> memref<128xi32, #tpu.memory_space<hbm>>
      tpu.enqueue_dma source(%dma_start3A_310 : memref<128xi32, #tpu.memory_space<hbm>>) target(%arg14 : memref<128xi32, #tpu.memory_space<vmem>>) target_semaphore(%arg22 : memref<!tpu.dma_semaphore, #tpu.memory_space<semaphore_mem>>)
      %dma_wait3A_311 = arith.constant 0 : i32
      %dma_wait3A_312 = arith.constant 0 : i32
      %dma_wait3A_313 = tpu.memref_slice %arg4[%dma_wait3A_311, %dma_wait3A_312] : memref<10000x32xf32, #tpu.memory_space<hbm>> -> memref<10000x32xf32, #tpu.memory_space<hbm>>
      tpu.wait_indirect_dma semaphore(%arg24 : memref<!tpu.dma_semaphore, #tpu.memory_space<semaphore_mem>>) src(%dma_wait3A_313 : memref<10000x32xf32, #tpu.memory_space<hbm>>) dst(%arg16 : memref<128x32xf32, #tpu.memory_space<vmem>>)
      %dma_start3A_314 = arith.constant 0 : i32
      %dma_start3A_315 = arith.constant 0 : i32
      %dma_start3A_316 = tpu.memref_slice %arg35[%dma_start3A_314, %dma_start3A_315] : memref<10240x32xf32, #tpu.memory_space<vmem_shared>> -> memref<10240x32xf32, #tpu.memory_space<vmem_shared>>
      tpu.enqueue_indirect_dma source(%arg16 : memref<128x32xf32, #tpu.memory_space<vmem>>) target(%dma_start3A_316 : memref<10240x32xf32, #tpu.memory_space<vmem_shared>>) offsets(%arg12 : memref<128xi32, #tpu.memory_space<vmem>>) semaphore(%arg28 : memref<!tpu.dma_semaphore, #tpu.memory_space<semaphore_mem>>) {add = true}
    }
    %scan3A_99 = arith.constant 9 : i32
    %dma_wait3A_100 = arith.constant 0 : i32
    %dma_wait3A_101 = tpu.memref_slice %arg2[%dma_wait3A_100] : memref<160000xi32, #tpu.memory_space<hbm>> -> memref<128xi32, #tpu.memory_space<hbm>>
    %dma_wait3A_102 = arith.constant 0 : i32
    %dma_wait3A_103 = tpu.memref_slice %arg2[%dma_wait3A_102] : memref<160000xi32, #tpu.memory_space<hbm>> -> memref<128xi32, #tpu.memory_space<hbm>>
    tpu.wait_dma2 semaphore(%arg22 : memref<!tpu.dma_semaphore, #tpu.memory_space<semaphore_mem>>) src(%dma_wait3A_103 : memref<128xi32, #tpu.memory_space<hbm>>) dst(%arg10 : memref<128xi32, #tpu.memory_space<vmem>>)
    %dma_wait3A_104 = arith.constant 0 : i32
    %dma_wait3A_105 = tpu.memref_slice %arg3[%dma_wait3A_104] : memref<160000xi32, #tpu.memory_space<hbm>> -> memref<128xi32, #tpu.memory_space<hbm>>
    %dma_wait3A_106 = arith.constant 0 : i32
    %dma_wait3A_107 = tpu.memref_slice %arg3[%dma_wait3A_106] : memref<160000xi32, #tpu.memory_space<hbm>> -> memref<128xi32, #tpu.memory_space<hbm>>
    tpu.wait_dma2 semaphore(%arg22 : memref<!tpu.dma_semaphore, #tpu.memory_space<semaphore_mem>>) src(%dma_wait3A_107 : memref<128xi32, #tpu.memory_space<hbm>>) dst(%arg14 : memref<128xi32, #tpu.memory_space<vmem>>)
    %dma_start3A_108 = arith.constant 0 : i32
    %dma_start3A_109 = arith.constant 0 : i32
    %dma_start3A_110 = tpu.memref_slice %arg4[%dma_start3A_108, %dma_start3A_109] : memref<10000x32xf32, #tpu.memory_space<hbm>> -> memref<10000x32xf32, #tpu.memory_space<hbm>>
    tpu.enqueue_indirect_dma source(%dma_start3A_110 : memref<10000x32xf32, #tpu.memory_space<hbm>>) target(%arg18 : memref<128x32xf32, #tpu.memory_space<vmem>>) offsets(%arg10 : memref<128xi32, #tpu.memory_space<vmem>>) semaphore(%arg26 : memref<!tpu.dma_semaphore, #tpu.memory_space<semaphore_mem>>)
    %dma_wait3A_111 = arith.constant 0 : i32
    %dma_wait3A_112 = arith.constant 0 : i32
    %dma_wait3A_113 = tpu.memref_slice %arg35[%dma_wait3A_111, %dma_wait3A_112] : memref<10240x32xf32, #tpu.memory_space<vmem_shared>> -> memref<10240x32xf32, #tpu.memory_space<vmem_shared>>
    tpu.wait_indirect_dma semaphore(%arg27 : memref<!tpu.dma_semaphore, #tpu.memory_space<semaphore_mem>>) src(%arg15 : memref<128x32xf32, #tpu.memory_space<vmem>>) dst(%dma_wait3A_113 : memref<10240x32xf32, #tpu.memory_space<vmem_shared>>)
    %add3A_114 = arith.constant 5120 : i32
    %add3A_115 = arith.addi %mul3A_2, %add3A_114 : i32
    %min3A_116 = arith.constant 159872 : i32
    %min3A_117 = arith.minsi %add3A_115, %min3A_116 : i32
    %dma_start3A_118 = tpu.memref_slice %arg2[%min3A_117] : memref<160000xi32, #tpu.memory_space<hbm>> -> memref<128xi32, #tpu.memory_space<hbm>>
    %dma_start3A_119 = tpu.memref_slice %arg2[%min3A_117] : memref<160000xi32, #tpu.memory_space<hbm>> -> memref<128xi32, #tpu.memory_space<hbm>>
    tpu.enqueue_dma source(%dma_start3A_119 : memref<128xi32, #tpu.memory_space<hbm>>) target(%arg7 : memref<128xi32, #tpu.memory_space<vmem>>) target_semaphore(%arg19 : memref<!tpu.dma_semaphore, #tpu.memory_space<semaphore_mem>>)
    %add3A_120 = arith.constant 5120 : i32
    %add3A_121 = arith.addi %mul3A_2, %add3A_120 : i32
    %min3A_122 = arith.constant 159872 : i32
    %min3A_123 = arith.minsi %add3A_121, %min3A_122 : i32
    %dma_start3A_124 = tpu.memref_slice %arg3[%min3A_123] : memref<160000xi32, #tpu.memory_space<hbm>> -> memref<128xi32, #tpu.memory_space<hbm>>
    %dma_start3A_125 = tpu.memref_slice %arg3[%min3A_123] : memref<160000xi32, #tpu.memory_space<hbm>> -> memref<128xi32, #tpu.memory_space<hbm>>
    tpu.enqueue_dma source(%dma_start3A_125 : memref<128xi32, #tpu.memory_space<hbm>>) target(%arg11 : memref<128xi32, #tpu.memory_space<vmem>>) target_semaphore(%arg19 : memref<!tpu.dma_semaphore, #tpu.memory_space<semaphore_mem>>)
    %dma_wait3A_126 = arith.constant 0 : i32
    %dma_wait3A_127 = arith.constant 0 : i32
    %dma_wait3A_128 = tpu.memref_slice %arg4[%dma_wait3A_126, %dma_wait3A_127] : memref<10000x32xf32, #tpu.memory_space<hbm>> -> memref<10000x32xf32, #tpu.memory_space<hbm>>
    tpu.wait_indirect_dma semaphore(%arg25 : memref<!tpu.dma_semaphore, #tpu.memory_space<semaphore_mem>>) src(%dma_wait3A_128 : memref<10000x32xf32, #tpu.memory_space<hbm>>) dst(%arg17 : memref<128x32xf32, #tpu.memory_space<vmem>>)
    %dma_start3A_129 = arith.constant 0 : i32
    %dma_start3A_130 = arith.constant 0 : i32
    %dma_start3A_131 = tpu.memref_slice %arg35[%dma_start3A_129, %dma_start3A_130] : memref<10240x32xf32, #tpu.memory_space<vmem_shared>> -> memref<10240x32xf32, #tpu.memory_space<vmem_shared>>
    tpu.enqueue_indirect_dma source(%arg17 : memref<128x32xf32, #tpu.memory_space<vmem>>) target(%dma_start3A_131 : memref<10240x32xf32, #tpu.memory_space<vmem_shared>>) offsets(%arg13 : memref<128xi32, #tpu.memory_space<vmem>>) semaphore(%arg29 : memref<!tpu.dma_semaphore, #tpu.memory_space<semaphore_mem>>) {add = true}
    %dma_wait3A_132 = arith.constant 0 : i32
    %dma_wait3A_133 = tpu.memref_slice %arg2[%dma_wait3A_132] : memref<160000xi32, #tpu.memory_space<hbm>> -> memref<128xi32, #tpu.memory_space<hbm>>
    %dma_wait3A_134 = arith.constant 0 : i32
    %dma_wait3A_135 = tpu.memref_slice %arg2[%dma_wait3A_134] : memref<160000xi32, #tpu.memory_space<hbm>> -> memref<128xi32, #tpu.memory_space<hbm>>
    tpu.wait_dma2 semaphore(%arg19 : memref<!tpu.dma_semaphore, #tpu.memory_space<semaphore_mem>>) src(%dma_wait3A_135 : memref<128xi32, #tpu.memory_space<hbm>>) dst(%arg7 : memref<128xi32, #tpu.memory_space<vmem>>)
    %dma_wait3A_136 = arith.constant 0 : i32
    %dma_wait3A_137 = tpu.memref_slice %arg3[%dma_wait3A_136] : memref<160000xi32, #tpu.memory_space<hbm>> -> memref<128xi32, #tpu.memory_space<hbm>>
    %dma_wait3A_138 = arith.constant 0 : i32
    %dma_wait3A_139 = tpu.memref_slice %arg3[%dma_wait3A_138] : memref<160000xi32, #tpu.memory_space<hbm>> -> memref<128xi32, #tpu.memory_space<hbm>>
    tpu.wait_dma2 semaphore(%arg19 : memref<!tpu.dma_semaphore, #tpu.memory_space<semaphore_mem>>) src(%dma_wait3A_139 : memref<128xi32, #tpu.memory_space<hbm>>) dst(%arg11 : memref<128xi32, #tpu.memory_space<vmem>>)
    %dma_wait3A_140 = arith.constant 0 : i32
    %dma_wait3A_141 = arith.constant 0 : i32
    %dma_wait3A_142 = tpu.memref_slice %arg4[%dma_wait3A_140, %dma_wait3A_141] : memref<10000x32xf32, #tpu.memory_space<hbm>> -> memref<10000x32xf32, #tpu.memory_space<hbm>>
    tpu.wait_indirect_dma semaphore(%arg26 : memref<!tpu.dma_semaphore, #tpu.memory_space<semaphore_mem>>) src(%dma_wait3A_142 : memref<10000x32xf32, #tpu.memory_space<hbm>>) dst(%arg18 : memref<128x32xf32, #tpu.memory_space<vmem>>)
    %dma_wait3A_143 = arith.constant 0 : i32
    %dma_wait3A_144 = arith.constant 0 : i32
    %dma_wait3A_145 = tpu.memref_slice %arg35[%dma_wait3A_143, %dma_wait3A_144] : memref<10240x32xf32, #tpu.memory_space<vmem_shared>> -> memref<10240x32xf32, #tpu.memory_space<vmem_shared>>
    tpu.wait_indirect_dma semaphore(%arg28 : memref<!tpu.dma_semaphore, #tpu.memory_space<semaphore_mem>>) src(%arg16 : memref<128x32xf32, #tpu.memory_space<vmem>>) dst(%dma_wait3A_145 : memref<10240x32xf32, #tpu.memory_space<vmem_shared>>)
    %dma_wait3A_146 = arith.constant 0 : i32
    %dma_wait3A_147 = arith.constant 0 : i32
    %dma_wait3A_148 = tpu.memref_slice %arg35[%dma_wait3A_146, %dma_wait3A_147] : memref<10240x32xf32, #tpu.memory_space<vmem_shared>> -> memref<10240x32xf32, #tpu.memory_space<vmem_shared>>
    tpu.wait_indirect_dma semaphore(%arg29 : memref<!tpu.dma_semaphore, #tpu.memory_space<semaphore_mem>>) src(%arg17 : memref<128x32xf32, #tpu.memory_space<vmem>>) dst(%dma_wait3A_148 : memref<10240x32xf32, #tpu.memory_space<vmem_shared>>)
    %add3A_149 = arith.constant 4992 : i32
    %add3A_150 = arith.addi %mul3A_2, %add3A_149 : i32
    "tpu.region"() ({
      %run_scoped3A = tpu.sem_alloc : memref<!tpu.dma_semaphore, #tpu.memory_space<semaphore_mem>>
      %dma_start3A_160 = tpu.memref_slice %arg2[%add3A_150] : memref<160000xi32, #tpu.memory_space<hbm>> -> memref<8xi32, #tpu.memory_space<hbm>>
      %dma_start3A_161 = tpu.memref_slice %arg2[%add3A_150] : memref<160000xi32, #tpu.memory_space<hbm>> -> memref<8xi32, #tpu.memory_space<hbm>>
      tpu.enqueue_dma source(%dma_start3A_161 : memref<8xi32, #tpu.memory_space<hbm>>) target(%arg31 : memref<8xi32, #tpu.memory_space<vmem>>) target_semaphore(%run_scoped3A : memref<!tpu.dma_semaphore, #tpu.memory_space<semaphore_mem>>)
      %dma_wait3A_162 = tpu.memref_slice %arg2[%add3A_150] : memref<160000xi32, #tpu.memory_space<hbm>> -> memref<8xi32, #tpu.memory_space<hbm>>
      %dma_wait3A_163 = tpu.memref_slice %arg2[%add3A_150] : memref<160000xi32, #tpu.memory_space<hbm>> -> memref<8xi32, #tpu.memory_space<hbm>>
      tpu.wait_dma2 semaphore(%run_scoped3A : memref<!tpu.dma_semaphore, #tpu.memory_space<semaphore_mem>>) src(%dma_wait3A_163 : memref<8xi32, #tpu.memory_space<hbm>>) dst(%arg31 : memref<8xi32, #tpu.memory_space<vmem>>)
      tpu.yield
    }) : () -> ()
    "tpu.region"() ({
      %run_scoped3A = tpu.sem_alloc : memref<!tpu.dma_semaphore, #tpu.memory_space<semaphore_mem>>
      %dma_start3A_160 = tpu.memref_slice %arg3[%add3A_150] : memref<160000xi32, #tpu.memory_space<hbm>> -> memref<8xi32, #tpu.memory_space<hbm>>
      %dma_start3A_161 = tpu.memref_slice %arg3[%add3A_150] : memref<160000xi32, #tpu.memory_space<hbm>> -> memref<8xi32, #tpu.memory_space<hbm>>
      tpu.enqueue_dma source(%dma_start3A_161 : memref<8xi32, #tpu.memory_space<hbm>>) target(%arg32 : memref<8xi32, #tpu.memory_space<vmem>>) target_semaphore(%run_scoped3A : memref<!tpu.dma_semaphore, #tpu.memory_space<semaphore_mem>>)
      %dma_wait3A_162 = tpu.memref_slice %arg3[%add3A_150] : memref<160000xi32, #tpu.memory_space<hbm>> -> memref<8xi32, #tpu.memory_space<hbm>>
      %dma_wait3A_163 = tpu.memref_slice %arg3[%add3A_150] : memref<160000xi32, #tpu.memory_space<hbm>> -> memref<8xi32, #tpu.memory_space<hbm>>
      tpu.wait_dma2 semaphore(%run_scoped3A : memref<!tpu.dma_semaphore, #tpu.memory_space<semaphore_mem>>) src(%dma_wait3A_163 : memref<8xi32, #tpu.memory_space<hbm>>) dst(%arg32 : memref<8xi32, #tpu.memory_space<vmem>>)
      tpu.yield
    }) : () -> ()
    %dma_start3A_151 = arith.constant 0 : i32
    %dma_start3A_152 = arith.constant 0 : i32
    %dma_start3A_153 = tpu.memref_slice %arg4[%dma_start3A_151, %dma_start3A_152] : memref<10000x32xf32, #tpu.memory_space<hbm>> -> memref<10000x32xf32, #tpu.memory_space<hbm>>
    tpu.enqueue_indirect_dma source(%dma_start3A_153 : memref<10000x32xf32, #tpu.memory_space<hbm>>) target(%arg33 : memref<8x32xf32, #tpu.memory_space<vmem>>) offsets(%arg31 : memref<8xi32, #tpu.memory_space<vmem>>) semaphore(%arg36 : memref<!tpu.dma_semaphore, #tpu.memory_space<semaphore_mem>>)
    %dma_wait3A_154 = arith.constant 0 : i32
    %dma_wait3A_155 = arith.constant 0 : i32
    %dma_wait3A_156 = tpu.memref_slice %arg4[%dma_wait3A_154, %dma_wait3A_155] : memref<10000x32xf32, #tpu.memory_space<hbm>> -> memref<10000x32xf32, #tpu.memory_space<hbm>>
    tpu.wait_indirect_dma semaphore(%arg36 : memref<!tpu.dma_semaphore, #tpu.memory_space<semaphore_mem>>) src(%dma_wait3A_156 : memref<10000x32xf32, #tpu.memory_space<hbm>>) dst(%arg33 : memref<8x32xf32, #tpu.memory_space<vmem>>)
    "tpu.region"() ({
      %run_scoped3A = tpu.sem_alloc : memref<!tpu.dma_semaphore, #tpu.memory_space<semaphore_mem>>
      %dma_start3A_160 = arith.constant 0 : i32
      %dma_start3A_161 = arith.constant 0 : i32
      %dma_start3A_162 = tpu.memref_slice %arg35[%dma_start3A_160, %dma_start3A_161] : memref<10240x32xf32, #tpu.memory_space<vmem_shared>> -> memref<10240x32xf32, #tpu.memory_space<vmem_shared>>
      tpu.enqueue_indirect_dma source(%arg33 : memref<8x32xf32, #tpu.memory_space<vmem>>) target(%dma_start3A_162 : memref<10240x32xf32, #tpu.memory_space<vmem_shared>>) offsets(%arg32 : memref<8xi32, #tpu.memory_space<vmem>>) semaphore(%run_scoped3A : memref<!tpu.dma_semaphore, #tpu.memory_space<semaphore_mem>>) {add = true}
      %dma_wait3A_163 = arith.constant 0 : i32
      %dma_wait3A_164 = arith.constant 0 : i32
      %dma_wait3A_165 = tpu.memref_slice %arg35[%dma_wait3A_163, %dma_wait3A_164] : memref<10240x32xf32, #tpu.memory_space<vmem_shared>> -> memref<10240x32xf32, #tpu.memory_space<vmem_shared>>
      tpu.wait_indirect_dma semaphore(%run_scoped3A : memref<!tpu.dma_semaphore, #tpu.memory_space<semaphore_mem>>) src(%arg33 : memref<8x32xf32, #tpu.memory_space<vmem>>) dst(%dma_wait3A_165 : memref<10240x32xf32, #tpu.memory_space<vmem_shared>>)
      tpu.yield
    }) : () -> ()
    %barrier3A_157 = arith.constant 0 : index
    tpu.barrier barrier_id(%barrier3A_157)
    %mul3A_158 = arith.constant 640 : i32
    %mul3A_159 = arith.muli %arg1, %mul3A_158 : i32
    "tpu.region"() ({
      %run_scoped3A = tpu.sem_alloc : memref<!tpu.dma_semaphore, #tpu.memory_space<semaphore_mem>>
      %dma_start3A_160 = arith.constant 0 : i32
      %dma_start3A_161 = tpu.memref_slice %arg35[%mul3A_159, %dma_start3A_160] : memref<10240x32xf32, #tpu.memory_space<vmem_shared>> -> memref<640x32xf32, #tpu.memory_space<vmem_shared>>
      %dma_start3A_162 = arith.constant 0 : i32
      %dma_start3A_163 = tpu.memref_slice %arg35[%mul3A_159, %dma_start3A_162] : memref<10240x32xf32, #tpu.memory_space<vmem_shared>> -> memref<640x32xf32, #tpu.memory_space<vmem_shared>>
      tpu.enqueue_dma source(%dma_start3A_163 : memref<640x32xf32, #tpu.memory_space<vmem_shared>>) target(%arg34 : memref<640x32xf32, #tpu.memory_space<vmem>>) target_semaphore(%run_scoped3A : memref<!tpu.dma_semaphore, #tpu.memory_space<semaphore_mem>>)
      %dma_wait3A_164 = arith.constant 0 : i32
      %dma_wait3A_165 = tpu.memref_slice %arg35[%mul3A_159, %dma_wait3A_164] : memref<10240x32xf32, #tpu.memory_space<vmem_shared>> -> memref<640x32xf32, #tpu.memory_space<vmem_shared>>
      %dma_wait3A_166 = arith.constant 0 : i32
      %dma_wait3A_167 = tpu.memref_slice %arg35[%mul3A_159, %dma_wait3A_166] : memref<10240x32xf32, #tpu.memory_space<vmem_shared>> -> memref<640x32xf32, #tpu.memory_space<vmem_shared>>
      tpu.wait_dma2 semaphore(%run_scoped3A : memref<!tpu.dma_semaphore, #tpu.memory_space<semaphore_mem>>) src(%dma_wait3A_167 : memref<640x32xf32, #tpu.memory_space<vmem_shared>>) dst(%arg34 : memref<640x32xf32, #tpu.memory_space<vmem>>)
      tpu.yield
    }) : () -> ()
    "tpu.region"() ({
      %run_scoped3A = tpu.sem_alloc : memref<!tpu.dma_semaphore, #tpu.memory_space<semaphore_mem>>
      %dma_start3A_160 = arith.constant 0 : i32
      %dma_start3A_161 = tpu.memref_slice %arg6[%arg0, %mul3A_159, %dma_start3A_160] : memref<2x10240x32xf32, #tpu.memory_space<hbm>> -> memref<1x640x32xf32, #tpu.memory_space<hbm>>
      %dma_start3A_162 = tpu.memref_squeeze %dma_start3A_161 : memref<1x640x32xf32, #tpu.memory_space<hbm>> -> memref<640x32xf32, #tpu.memory_space<hbm>>
      %dma_start3A_163 = arith.constant 0 : i32
      %dma_start3A_164 = tpu.memref_slice %arg6[%arg0, %mul3A_159, %dma_start3A_163] : memref<2x10240x32xf32, #tpu.memory_space<hbm>> -> memref<1x640x32xf32, #tpu.memory_space<hbm>>
      %dma_start3A_165 = tpu.memref_squeeze %dma_start3A_164 : memref<1x640x32xf32, #tpu.memory_space<hbm>> -> memref<640x32xf32, #tpu.memory_space<hbm>>
      tpu.enqueue_dma source(%arg34 : memref<640x32xf32, #tpu.memory_space<vmem>>) target(%dma_start3A_165 : memref<640x32xf32, #tpu.memory_space<hbm>>) target_semaphore(%run_scoped3A : memref<!tpu.dma_semaphore, #tpu.memory_space<semaphore_mem>>)
      %dma_wait3A_166 = arith.constant 0 : i32
      %dma_wait3A_167 = tpu.memref_slice %arg6[%arg0, %mul3A_159, %dma_wait3A_166] : memref<2x10240x32xf32, #tpu.memory_space<hbm>> -> memref<1x640x32xf32, #tpu.memory_space<hbm>>
      %dma_wait3A_168 = tpu.memref_squeeze %dma_wait3A_167 : memref<1x640x32xf32, #tpu.memory_space<hbm>> -> memref<640x32xf32, #tpu.memory_space<hbm>>
      %dma_wait3A_169 = arith.constant 0 : i32
      %dma_wait3A_170 = tpu.memref_slice %arg6[%arg0, %mul3A_159, %dma_wait3A_169] : memref<2x10240x32xf32, #tpu.memory_space<hbm>> -> memref<1x640x32xf32, #tpu.memory_space<hbm>>
      %dma_wait3A_171 = tpu.memref_squeeze %dma_wait3A_170 : memref<1x640x32xf32, #tpu.memory_space<hbm>> -> memref<640x32xf32, #tpu.memory_space<hbm>>
      tpu.wait_dma2 semaphore(%run_scoped3A : memref<!tpu.dma_semaphore, #tpu.memory_space<semaphore_mem>>) src(%arg34 : memref<640x32xf32, #tpu.memory_space<vmem>>) dst(%dma_wait3A_171 : memref<640x32xf32, #tpu.memory_space<hbm>>)
      tpu.yield
    }) : () -> ()
    return
  }
}

#map = affine_map<(d0, d1) -> (0)>
#map1 = affine_map<(d0, d1) -> (0, 0)>
#map2 = affine_map<(d0, d1) -> (0, 0, 0)>
module attributes {stable_mosaic.version = 14 : i64} {
  func.func @_sc_degrees(%arg0: i32, %arg1: i32, %arg2: memref<160000xi32, #tpu.memory_space<hbm>>, %arg3: memref<160000xi32, #tpu.memory_space<hbm>>, %arg4: memref<128x8xf32, #tpu.memory_space<hbm>>, %arg5: memref<640x8xf32, #tpu.memory_space<hbm>>, %arg6: memref<2x10240x8xf32, #tpu.memory_space<hbm>>, %arg7: memref<2x10240x8xf32, #tpu.memory_space<hbm>>, %arg8: memref<128xi32, #tpu.memory_space<vmem>>, %arg9: memref<128xi32, #tpu.memory_space<vmem>>, %arg10: memref<128xi32, #tpu.memory_space<vmem>>, %arg11: memref<128xi32, #tpu.memory_space<vmem>>, %arg12: memref<128xi32, #tpu.memory_space<vmem>>, %arg13: memref<128xi32, #tpu.memory_space<vmem>>, %arg14: memref<128xi32, #tpu.memory_space<vmem>>, %arg15: memref<128xi32, #tpu.memory_space<vmem>>, %arg16: memref<!tpu.dma_semaphore, #tpu.memory_space<semaphore_mem>>, %arg17: memref<!tpu.dma_semaphore, #tpu.memory_space<semaphore_mem>>, %arg18: memref<!tpu.dma_semaphore, #tpu.memory_space<semaphore_mem>>, %arg19: memref<!tpu.dma_semaphore, #tpu.memory_space<semaphore_mem>>, %arg20: memref<!tpu.dma_semaphore, #tpu.memory_space<semaphore_mem>>, %arg21: memref<!tpu.dma_semaphore, #tpu.memory_space<semaphore_mem>>, %arg22: memref<!tpu.dma_semaphore, #tpu.memory_space<semaphore_mem>>, %arg23: memref<!tpu.dma_semaphore, #tpu.memory_space<semaphore_mem>>, %arg24: memref<8xi32, #tpu.memory_space<vmem>>, %arg25: memref<8xi32, #tpu.memory_space<vmem>>, %arg26: memref<128x8xf32, #tpu.memory_space<vmem>>, %arg27: memref<640x8xf32, #tpu.memory_space<vmem>>, %arg28: memref<10240x8xf32, #tpu.memory_space<vmem_shared>>, %arg29: memref<10240x8xf32, #tpu.memory_space<vmem_shared>>) attributes {dimension_semantics = [#tpu.dimension_semantics<core_parallel>, #tpu.dimension_semantics<subcore_parallel>], iteration_bounds = array<i64: 2, 16>, scalar_prefetch = 0 : i64, scratch_operands = 22 : i64, tpu.core_type = #tpu.core_type<sc_vector_subcore>, window_params = [{transform_indices = #map}, {transform_indices = #map}, {transform_indices = #map1}, {transform_indices = #map1}, {transform_indices = #map2}, {transform_indices = #map2}]} {
    %mul3A = arith.constant 16 : i32
    %mul3A_0 = arith.muli %arg0, %mul3A : i32
    %add3A = arith.addi %mul3A_0, %arg1 : i32
    %mul3A_1 = arith.constant 5000 : i32
    %mul3A_2 = arith.muli %add3A, %mul3A_1 : i32
    "tpu.region"() ({
      %run_scoped3A = tpu.sem_alloc : memref<!tpu.dma_semaphore, #tpu.memory_space<semaphore_mem>>
      tpu.enqueue_dma source(%arg5 : memref<640x8xf32, #tpu.memory_space<hbm>>) target(%arg27 : memref<640x8xf32, #tpu.memory_space<vmem>>) target_semaphore(%run_scoped3A : memref<!tpu.dma_semaphore, #tpu.memory_space<semaphore_mem>>)
      tpu.wait_dma2 semaphore(%run_scoped3A : memref<!tpu.dma_semaphore, #tpu.memory_space<semaphore_mem>>) src(%arg5 : memref<640x8xf32, #tpu.memory_space<hbm>>) dst(%arg27 : memref<640x8xf32, #tpu.memory_space<vmem>>)
      tpu.yield
    }) : () -> ()
    %mul3A_3 = arith.constant 640 : i32
    %mul3A_4 = arith.muli %arg1, %mul3A_3 : i32
    "tpu.region"() ({
      %run_scoped3A = tpu.sem_alloc : memref<!tpu.dma_semaphore, #tpu.memory_space<semaphore_mem>>
      %dma_start3A_150 = arith.constant 0 : i32
      %dma_start3A_151 = tpu.memref_slice %arg28[%mul3A_4, %dma_start3A_150] : memref<10240x8xf32, #tpu.memory_space<vmem_shared>> -> memref<640x8xf32, #tpu.memory_space<vmem_shared>>
      %dma_start3A_152 = arith.constant 0 : i32
      %dma_start3A_153 = tpu.memref_slice %arg28[%mul3A_4, %dma_start3A_152] : memref<10240x8xf32, #tpu.memory_space<vmem_shared>> -> memref<640x8xf32, #tpu.memory_space<vmem_shared>>
      tpu.enqueue_dma source(%arg27 : memref<640x8xf32, #tpu.memory_space<vmem>>) target(%dma_start3A_153 : memref<640x8xf32, #tpu.memory_space<vmem_shared>>) target_semaphore(%run_scoped3A : memref<!tpu.dma_semaphore, #tpu.memory_space<semaphore_mem>>)
      %dma_wait3A_154 = arith.constant 0 : i32
      %dma_wait3A_155 = tpu.memref_slice %arg28[%mul3A_4, %dma_wait3A_154] : memref<10240x8xf32, #tpu.memory_space<vmem_shared>> -> memref<640x8xf32, #tpu.memory_space<vmem_shared>>
      %dma_wait3A_156 = arith.constant 0 : i32
      %dma_wait3A_157 = tpu.memref_slice %arg28[%mul3A_4, %dma_wait3A_156] : memref<10240x8xf32, #tpu.memory_space<vmem_shared>> -> memref<640x8xf32, #tpu.memory_space<vmem_shared>>
      tpu.wait_dma2 semaphore(%run_scoped3A : memref<!tpu.dma_semaphore, #tpu.memory_space<semaphore_mem>>) src(%arg27 : memref<640x8xf32, #tpu.memory_space<vmem>>) dst(%dma_wait3A_157 : memref<640x8xf32, #tpu.memory_space<vmem_shared>>)
      tpu.yield
    }) : () -> ()
    %mul3A_5 = arith.constant 640 : i32
    %mul3A_6 = arith.muli %arg1, %mul3A_5 : i32
    "tpu.region"() ({
      %run_scoped3A = tpu.sem_alloc : memref<!tpu.dma_semaphore, #tpu.memory_space<semaphore_mem>>
      %dma_start3A_150 = arith.constant 0 : i32
      %dma_start3A_151 = tpu.memref_slice %arg29[%mul3A_6, %dma_start3A_150] : memref<10240x8xf32, #tpu.memory_space<vmem_shared>> -> memref<640x8xf32, #tpu.memory_space<vmem_shared>>
      %dma_start3A_152 = arith.constant 0 : i32
      %dma_start3A_153 = tpu.memref_slice %arg29[%mul3A_6, %dma_start3A_152] : memref<10240x8xf32, #tpu.memory_space<vmem_shared>> -> memref<640x8xf32, #tpu.memory_space<vmem_shared>>
      tpu.enqueue_dma source(%arg27 : memref<640x8xf32, #tpu.memory_space<vmem>>) target(%dma_start3A_153 : memref<640x8xf32, #tpu.memory_space<vmem_shared>>) target_semaphore(%run_scoped3A : memref<!tpu.dma_semaphore, #tpu.memory_space<semaphore_mem>>)
      %dma_wait3A_154 = arith.constant 0 : i32
      %dma_wait3A_155 = tpu.memref_slice %arg29[%mul3A_6, %dma_wait3A_154] : memref<10240x8xf32, #tpu.memory_space<vmem_shared>> -> memref<640x8xf32, #tpu.memory_space<vmem_shared>>
      %dma_wait3A_156 = arith.constant 0 : i32
      %dma_wait3A_157 = tpu.memref_slice %arg29[%mul3A_6, %dma_wait3A_156] : memref<10240x8xf32, #tpu.memory_space<vmem_shared>> -> memref<640x8xf32, #tpu.memory_space<vmem_shared>>
      tpu.wait_dma2 semaphore(%run_scoped3A : memref<!tpu.dma_semaphore, #tpu.memory_space<semaphore_mem>>) src(%arg27 : memref<640x8xf32, #tpu.memory_space<vmem>>) dst(%dma_wait3A_157 : memref<640x8xf32, #tpu.memory_space<vmem_shared>>)
      tpu.yield
    }) : () -> ()
    "tpu.region"() ({
      %run_scoped3A = tpu.sem_alloc : memref<!tpu.dma_semaphore, #tpu.memory_space<semaphore_mem>>
      tpu.enqueue_dma source(%arg4 : memref<128x8xf32, #tpu.memory_space<hbm>>) target(%arg26 : memref<128x8xf32, #tpu.memory_space<vmem>>) target_semaphore(%run_scoped3A : memref<!tpu.dma_semaphore, #tpu.memory_space<semaphore_mem>>)
      tpu.wait_dma2 semaphore(%run_scoped3A : memref<!tpu.dma_semaphore, #tpu.memory_space<semaphore_mem>>) src(%arg4 : memref<128x8xf32, #tpu.memory_space<hbm>>) dst(%arg26 : memref<128x8xf32, #tpu.memory_space<vmem>>)
      tpu.yield
    }) : () -> ()
    %barrier3A = arith.constant 0 : index
    tpu.barrier barrier_id(%barrier3A)
    %add3A_7 = arith.constant 0 : i32
    %add3A_8 = arith.addi %mul3A_2, %add3A_7 : i32
    %min3A = arith.constant 159872 : i32
    %min3A_9 = arith.minsi %add3A_8, %min3A : i32
    %dma_start3A = tpu.memref_slice %arg2[%min3A_9] : memref<160000xi32, #tpu.memory_space<hbm>> -> memref<128xi32, #tpu.memory_space<hbm>>
    %dma_start3A_10 = tpu.memref_slice %arg2[%min3A_9] : memref<160000xi32, #tpu.memory_space<hbm>> -> memref<128xi32, #tpu.memory_space<hbm>>
    tpu.enqueue_dma source(%dma_start3A_10 : memref<128xi32, #tpu.memory_space<hbm>>) target(%arg8 : memref<128xi32, #tpu.memory_space<vmem>>) target_semaphore(%arg16 : memref<!tpu.dma_semaphore, #tpu.memory_space<semaphore_mem>>)
    %add3A_11 = arith.constant 0 : i32
    %add3A_12 = arith.addi %mul3A_2, %add3A_11 : i32
    %min3A_13 = arith.constant 159872 : i32
    %min3A_14 = arith.minsi %add3A_12, %min3A_13 : i32
    %dma_start3A_15 = tpu.memref_slice %arg3[%min3A_14] : memref<160000xi32, #tpu.memory_space<hbm>> -> memref<128xi32, #tpu.memory_space<hbm>>
    %dma_start3A_16 = tpu.memref_slice %arg3[%min3A_14] : memref<160000xi32, #tpu.memory_space<hbm>> -> memref<128xi32, #tpu.memory_space<hbm>>
    tpu.enqueue_dma source(%dma_start3A_16 : memref<128xi32, #tpu.memory_space<hbm>>) target(%arg12 : memref<128xi32, #tpu.memory_space<vmem>>) target_semaphore(%arg16 : memref<!tpu.dma_semaphore, #tpu.memory_space<semaphore_mem>>)
    %add3A_17 = arith.constant 128 : i32
    %add3A_18 = arith.addi %mul3A_2, %add3A_17 : i32
    %min3A_19 = arith.constant 159872 : i32
    %min3A_20 = arith.minsi %add3A_18, %min3A_19 : i32
    %dma_start3A_21 = tpu.memref_slice %arg2[%min3A_20] : memref<160000xi32, #tpu.memory_space<hbm>> -> memref<128xi32, #tpu.memory_space<hbm>>
    %dma_start3A_22 = tpu.memref_slice %arg2[%min3A_20] : memref<160000xi32, #tpu.memory_space<hbm>> -> memref<128xi32, #tpu.memory_space<hbm>>
    tpu.enqueue_dma source(%dma_start3A_22 : memref<128xi32, #tpu.memory_space<hbm>>) target(%arg9 : memref<128xi32, #tpu.memory_space<vmem>>) target_semaphore(%arg17 : memref<!tpu.dma_semaphore, #tpu.memory_space<semaphore_mem>>)
    %add3A_23 = arith.constant 128 : i32
    %add3A_24 = arith.addi %mul3A_2, %add3A_23 : i32
    %min3A_25 = arith.constant 159872 : i32
    %min3A_26 = arith.minsi %add3A_24, %min3A_25 : i32
    %dma_start3A_27 = tpu.memref_slice %arg3[%min3A_26] : memref<160000xi32, #tpu.memory_space<hbm>> -> memref<128xi32, #tpu.memory_space<hbm>>
    %dma_start3A_28 = tpu.memref_slice %arg3[%min3A_26] : memref<160000xi32, #tpu.memory_space<hbm>> -> memref<128xi32, #tpu.memory_space<hbm>>
    tpu.enqueue_dma source(%dma_start3A_28 : memref<128xi32, #tpu.memory_space<hbm>>) target(%arg13 : memref<128xi32, #tpu.memory_space<vmem>>) target_semaphore(%arg17 : memref<!tpu.dma_semaphore, #tpu.memory_space<semaphore_mem>>)
    %dma_wait3A = arith.constant 0 : i32
    %dma_wait3A_29 = tpu.memref_slice %arg2[%dma_wait3A] : memref<160000xi32, #tpu.memory_space<hbm>> -> memref<128xi32, #tpu.memory_space<hbm>>
    %dma_wait3A_30 = arith.constant 0 : i32
    %dma_wait3A_31 = tpu.memref_slice %arg2[%dma_wait3A_30] : memref<160000xi32, #tpu.memory_space<hbm>> -> memref<128xi32, #tpu.memory_space<hbm>>
    tpu.wait_dma2 semaphore(%arg16 : memref<!tpu.dma_semaphore, #tpu.memory_space<semaphore_mem>>) src(%dma_wait3A_31 : memref<128xi32, #tpu.memory_space<hbm>>) dst(%arg8 : memref<128xi32, #tpu.memory_space<vmem>>)
    %dma_wait3A_32 = arith.constant 0 : i32
    %dma_wait3A_33 = tpu.memref_slice %arg3[%dma_wait3A_32] : memref<160000xi32, #tpu.memory_space<hbm>> -> memref<128xi32, #tpu.memory_space<hbm>>
    %dma_wait3A_34 = arith.constant 0 : i32
    %dma_wait3A_35 = tpu.memref_slice %arg3[%dma_wait3A_34] : memref<160000xi32, #tpu.memory_space<hbm>> -> memref<128xi32, #tpu.memory_space<hbm>>
    tpu.wait_dma2 semaphore(%arg16 : memref<!tpu.dma_semaphore, #tpu.memory_space<semaphore_mem>>) src(%dma_wait3A_35 : memref<128xi32, #tpu.memory_space<hbm>>) dst(%arg12 : memref<128xi32, #tpu.memory_space<vmem>>)
    %dma_wait3A_36 = arith.constant 0 : i32
    %dma_wait3A_37 = tpu.memref_slice %arg2[%dma_wait3A_36] : memref<160000xi32, #tpu.memory_space<hbm>> -> memref<128xi32, #tpu.memory_space<hbm>>
    %dma_wait3A_38 = arith.constant 0 : i32
    %dma_wait3A_39 = tpu.memref_slice %arg2[%dma_wait3A_38] : memref<160000xi32, #tpu.memory_space<hbm>> -> memref<128xi32, #tpu.memory_space<hbm>>
    tpu.wait_dma2 semaphore(%arg17 : memref<!tpu.dma_semaphore, #tpu.memory_space<semaphore_mem>>) src(%dma_wait3A_39 : memref<128xi32, #tpu.memory_space<hbm>>) dst(%arg9 : memref<128xi32, #tpu.memory_space<vmem>>)
    %dma_wait3A_40 = arith.constant 0 : i32
    %dma_wait3A_41 = tpu.memref_slice %arg3[%dma_wait3A_40] : memref<160000xi32, #tpu.memory_space<hbm>> -> memref<128xi32, #tpu.memory_space<hbm>>
    %dma_wait3A_42 = arith.constant 0 : i32
    %dma_wait3A_43 = tpu.memref_slice %arg3[%dma_wait3A_42] : memref<160000xi32, #tpu.memory_space<hbm>> -> memref<128xi32, #tpu.memory_space<hbm>>
    tpu.wait_dma2 semaphore(%arg17 : memref<!tpu.dma_semaphore, #tpu.memory_space<semaphore_mem>>) src(%dma_wait3A_43 : memref<128xi32, #tpu.memory_space<hbm>>) dst(%arg13 : memref<128xi32, #tpu.memory_space<vmem>>)
    %add3A_44 = arith.constant 256 : i32
    %add3A_45 = arith.addi %mul3A_2, %add3A_44 : i32
    %min3A_46 = arith.constant 159872 : i32
    %min3A_47 = arith.minsi %add3A_45, %min3A_46 : i32
    %dma_start3A_48 = tpu.memref_slice %arg2[%min3A_47] : memref<160000xi32, #tpu.memory_space<hbm>> -> memref<128xi32, #tpu.memory_space<hbm>>
    %dma_start3A_49 = tpu.memref_slice %arg2[%min3A_47] : memref<160000xi32, #tpu.memory_space<hbm>> -> memref<128xi32, #tpu.memory_space<hbm>>
    tpu.enqueue_dma source(%dma_start3A_49 : memref<128xi32, #tpu.memory_space<hbm>>) target(%arg10 : memref<128xi32, #tpu.memory_space<vmem>>) target_semaphore(%arg18 : memref<!tpu.dma_semaphore, #tpu.memory_space<semaphore_mem>>)
    %add3A_50 = arith.constant 256 : i32
    %add3A_51 = arith.addi %mul3A_2, %add3A_50 : i32
    %min3A_52 = arith.constant 159872 : i32
    %min3A_53 = arith.minsi %add3A_51, %min3A_52 : i32
    %dma_start3A_54 = tpu.memref_slice %arg3[%min3A_53] : memref<160000xi32, #tpu.memory_space<hbm>> -> memref<128xi32, #tpu.memory_space<hbm>>
    %dma_start3A_55 = tpu.memref_slice %arg3[%min3A_53] : memref<160000xi32, #tpu.memory_space<hbm>> -> memref<128xi32, #tpu.memory_space<hbm>>
    tpu.enqueue_dma source(%dma_start3A_55 : memref<128xi32, #tpu.memory_space<hbm>>) target(%arg14 : memref<128xi32, #tpu.memory_space<vmem>>) target_semaphore(%arg18 : memref<!tpu.dma_semaphore, #tpu.memory_space<semaphore_mem>>)
    %dma_start3A_56 = arith.constant 0 : i32
    %dma_start3A_57 = arith.constant 0 : i32
    %dma_start3A_58 = tpu.memref_slice %arg28[%dma_start3A_56, %dma_start3A_57] : memref<10240x8xf32, #tpu.memory_space<vmem_shared>> -> memref<10240x8xf32, #tpu.memory_space<vmem_shared>>
    tpu.enqueue_indirect_dma source(%arg26 : memref<128x8xf32, #tpu.memory_space<vmem>>) target(%dma_start3A_58 : memref<10240x8xf32, #tpu.memory_space<vmem_shared>>) offsets(%arg8 : memref<128xi32, #tpu.memory_space<vmem>>) semaphore(%arg20 : memref<!tpu.dma_semaphore, #tpu.memory_space<semaphore_mem>>) {add = true}
    %dma_start3A_59 = arith.constant 0 : i32
    %dma_start3A_60 = arith.constant 0 : i32
    %dma_start3A_61 = tpu.memref_slice %arg29[%dma_start3A_59, %dma_start3A_60] : memref<10240x8xf32, #tpu.memory_space<vmem_shared>> -> memref<10240x8xf32, #tpu.memory_space<vmem_shared>>
    tpu.enqueue_indirect_dma source(%arg26 : memref<128x8xf32, #tpu.memory_space<vmem>>) target(%dma_start3A_61 : memref<10240x8xf32, #tpu.memory_space<vmem_shared>>) offsets(%arg12 : memref<128xi32, #tpu.memory_space<vmem>>) semaphore(%arg20 : memref<!tpu.dma_semaphore, #tpu.memory_space<semaphore_mem>>) {add = true}
    %dma_wait3A_62 = arith.constant 0 : i32
    %dma_wait3A_63 = tpu.memref_slice %arg2[%dma_wait3A_62] : memref<160000xi32, #tpu.memory_space<hbm>> -> memref<128xi32, #tpu.memory_space<hbm>>
    %dma_wait3A_64 = arith.constant 0 : i32
    %dma_wait3A_65 = tpu.memref_slice %arg2[%dma_wait3A_64] : memref<160000xi32, #tpu.memory_space<hbm>> -> memref<128xi32, #tpu.memory_space<hbm>>
    tpu.wait_dma2 semaphore(%arg18 : memref<!tpu.dma_semaphore, #tpu.memory_space<semaphore_mem>>) src(%dma_wait3A_65 : memref<128xi32, #tpu.memory_space<hbm>>) dst(%arg10 : memref<128xi32, #tpu.memory_space<vmem>>)
    %dma_wait3A_66 = arith.constant 0 : i32
    %dma_wait3A_67 = tpu.memref_slice %arg3[%dma_wait3A_66] : memref<160000xi32, #tpu.memory_space<hbm>> -> memref<128xi32, #tpu.memory_space<hbm>>
    %dma_wait3A_68 = arith.constant 0 : i32
    %dma_wait3A_69 = tpu.memref_slice %arg3[%dma_wait3A_68] : memref<160000xi32, #tpu.memory_space<hbm>> -> memref<128xi32, #tpu.memory_space<hbm>>
    tpu.wait_dma2 semaphore(%arg18 : memref<!tpu.dma_semaphore, #tpu.memory_space<semaphore_mem>>) src(%dma_wait3A_69 : memref<128xi32, #tpu.memory_space<hbm>>) dst(%arg14 : memref<128xi32, #tpu.memory_space<vmem>>)
    %add3A_70 = arith.constant 384 : i32
    %add3A_71 = arith.addi %mul3A_2, %add3A_70 : i32
    %min3A_72 = arith.constant 159872 : i32
    %min3A_73 = arith.minsi %add3A_71, %min3A_72 : i32
    %dma_start3A_74 = tpu.memref_slice %arg2[%min3A_73] : memref<160000xi32, #tpu.memory_space<hbm>> -> memref<128xi32, #tpu.memory_space<hbm>>
    %dma_start3A_75 = tpu.memref_slice %arg2[%min3A_73] : memref<160000xi32, #tpu.memory_space<hbm>> -> memref<128xi32, #tpu.memory_space<hbm>>
    tpu.enqueue_dma source(%dma_start3A_75 : memref<128xi32, #tpu.memory_space<hbm>>) target(%arg11 : memref<128xi32, #tpu.memory_space<vmem>>) target_semaphore(%arg19 : memref<!tpu.dma_semaphore, #tpu.memory_space<semaphore_mem>>)
    %add3A_76 = arith.constant 384 : i32
    %add3A_77 = arith.addi %mul3A_2, %add3A_76 : i32
    %min3A_78 = arith.constant 159872 : i32
    %min3A_79 = arith.minsi %add3A_77, %min3A_78 : i32
    %dma_start3A_80 = tpu.memref_slice %arg3[%min3A_79] : memref<160000xi32, #tpu.memory_space<hbm>> -> memref<128xi32, #tpu.memory_space<hbm>>
    %dma_start3A_81 = tpu.memref_slice %arg3[%min3A_79] : memref<160000xi32, #tpu.memory_space<hbm>> -> memref<128xi32, #tpu.memory_space<hbm>>
    tpu.enqueue_dma source(%dma_start3A_81 : memref<128xi32, #tpu.memory_space<hbm>>) target(%arg15 : memref<128xi32, #tpu.memory_space<vmem>>) target_semaphore(%arg19 : memref<!tpu.dma_semaphore, #tpu.memory_space<semaphore_mem>>)
    %dma_start3A_82 = arith.constant 0 : i32
    %dma_start3A_83 = arith.constant 0 : i32
    %dma_start3A_84 = tpu.memref_slice %arg28[%dma_start3A_82, %dma_start3A_83] : memref<10240x8xf32, #tpu.memory_space<vmem_shared>> -> memref<10240x8xf32, #tpu.memory_space<vmem_shared>>
    tpu.enqueue_indirect_dma source(%arg26 : memref<128x8xf32, #tpu.memory_space<vmem>>) target(%dma_start3A_84 : memref<10240x8xf32, #tpu.memory_space<vmem_shared>>) offsets(%arg9 : memref<128xi32, #tpu.memory_space<vmem>>) semaphore(%arg21 : memref<!tpu.dma_semaphore, #tpu.memory_space<semaphore_mem>>) {add = true}
    %dma_start3A_85 = arith.constant 0 : i32
    %dma_start3A_86 = arith.constant 0 : i32
    %dma_start3A_87 = tpu.memref_slice %arg29[%dma_start3A_85, %dma_start3A_86] : memref<10240x8xf32, #tpu.memory_space<vmem_shared>> -> memref<10240x8xf32, #tpu.memory_space<vmem_shared>>
    tpu.enqueue_indirect_dma source(%arg26 : memref<128x8xf32, #tpu.memory_space<vmem>>) target(%dma_start3A_87 : memref<10240x8xf32, #tpu.memory_space<vmem_shared>>) offsets(%arg13 : memref<128xi32, #tpu.memory_space<vmem>>) semaphore(%arg21 : memref<!tpu.dma_semaphore, #tpu.memory_space<semaphore_mem>>) {add = true}
    %scan3A = arith.constant 0 : i32
    %scan3A_88 = arith.constant 0 : i32
    %scan3A_89 = arith.constant 9 : i32
    %scan3A_90 = arith.addi %scan3A_88, %scan3A_89 : i32
    %scan3A_91 = arith.constant 1 : i32
    scf.for %scan3A_150 = %scan3A_88 to %scan3A_90 step %scan3A_91  : i32 {
      %mul3A_151 = arith.constant 4 : i32
      %mul3A_152 = arith.muli %scan3A_150, %mul3A_151 : i32
      %add3A_153 = arith.constant 2 : i32
      %add3A_154 = arith.addi %add3A_153, %mul3A_152 : i32
      %add3A_155 = arith.constant 0 : i32
      %add3A_156 = arith.addi %add3A_154, %add3A_155 : i32
      %dma_wait3A_157 = arith.constant 0 : i32
      %dma_wait3A_158 = tpu.memref_slice %arg2[%dma_wait3A_157] : memref<160000xi32, #tpu.memory_space<hbm>> -> memref<128xi32, #tpu.memory_space<hbm>>
      %dma_wait3A_159 = arith.constant 0 : i32
      %dma_wait3A_160 = tpu.memref_slice %arg2[%dma_wait3A_159] : memref<160000xi32, #tpu.memory_space<hbm>> -> memref<128xi32, #tpu.memory_space<hbm>>
      tpu.wait_dma2 semaphore(%arg19 : memref<!tpu.dma_semaphore, #tpu.memory_space<semaphore_mem>>) src(%dma_wait3A_160 : memref<128xi32, #tpu.memory_space<hbm>>) dst(%arg11 : memref<128xi32, #tpu.memory_space<vmem>>)
      %dma_wait3A_161 = arith.constant 0 : i32
      %dma_wait3A_162 = tpu.memref_slice %arg3[%dma_wait3A_161] : memref<160000xi32, #tpu.memory_space<hbm>> -> memref<128xi32, #tpu.memory_space<hbm>>
      %dma_wait3A_163 = arith.constant 0 : i32
      %dma_wait3A_164 = tpu.memref_slice %arg3[%dma_wait3A_163] : memref<160000xi32, #tpu.memory_space<hbm>> -> memref<128xi32, #tpu.memory_space<hbm>>
      tpu.wait_dma2 semaphore(%arg19 : memref<!tpu.dma_semaphore, #tpu.memory_space<semaphore_mem>>) src(%dma_wait3A_164 : memref<128xi32, #tpu.memory_space<hbm>>) dst(%arg15 : memref<128xi32, #tpu.memory_space<vmem>>)
      %dma_wait3A_165 = arith.constant 0 : i32
      %dma_wait3A_166 = arith.constant 0 : i32
      %dma_wait3A_167 = tpu.memref_slice %arg28[%dma_wait3A_165, %dma_wait3A_166] : memref<10240x8xf32, #tpu.memory_space<vmem_shared>> -> memref<10240x8xf32, #tpu.memory_space<vmem_shared>>
      tpu.wait_indirect_dma semaphore(%arg20 : memref<!tpu.dma_semaphore, #tpu.memory_space<semaphore_mem>>) src(%arg26 : memref<128x8xf32, #tpu.memory_space<vmem>>) dst(%dma_wait3A_167 : memref<10240x8xf32, #tpu.memory_space<vmem_shared>>)
      %dma_wait3A_168 = arith.constant 0 : i32
      %dma_wait3A_169 = arith.constant 0 : i32
      %dma_wait3A_170 = tpu.memref_slice %arg29[%dma_wait3A_168, %dma_wait3A_169] : memref<10240x8xf32, #tpu.memory_space<vmem_shared>> -> memref<10240x8xf32, #tpu.memory_space<vmem_shared>>
      tpu.wait_indirect_dma semaphore(%arg20 : memref<!tpu.dma_semaphore, #tpu.memory_space<semaphore_mem>>) src(%arg26 : memref<128x8xf32, #tpu.memory_space<vmem>>) dst(%dma_wait3A_170 : memref<10240x8xf32, #tpu.memory_space<vmem_shared>>)
      %add3A_171 = arith.constant 2 : i32
      %add3A_172 = arith.addi %add3A_156, %add3A_171 : i32
      %mul3A_173 = arith.constant 128 : i32
      %mul3A_174 = arith.muli %add3A_172, %mul3A_173 : i32
      %add3A_175 = arith.addi %mul3A_2, %mul3A_174 : i32
      %min3A_176 = arith.constant 159872 : i32
      %min3A_177 = arith.minsi %add3A_175, %min3A_176 : i32
      %dma_start3A_178 = tpu.memref_slice %arg2[%min3A_177] : memref<160000xi32, #tpu.memory_space<hbm>> -> memref<128xi32, #tpu.memory_space<hbm>>
      %dma_start3A_179 = tpu.memref_slice %arg2[%min3A_177] : memref<160000xi32, #tpu.memory_space<hbm>> -> memref<128xi32, #tpu.memory_space<hbm>>
      tpu.enqueue_dma source(%dma_start3A_179 : memref<128xi32, #tpu.memory_space<hbm>>) target(%arg8 : memref<128xi32, #tpu.memory_space<vmem>>) target_semaphore(%arg16 : memref<!tpu.dma_semaphore, #tpu.memory_space<semaphore_mem>>)
      %mul3A_180 = arith.constant 128 : i32
      %mul3A_181 = arith.muli %add3A_172, %mul3A_180 : i32
      %add3A_182 = arith.addi %mul3A_2, %mul3A_181 : i32
      %min3A_183 = arith.constant 159872 : i32
      %min3A_184 = arith.minsi %add3A_182, %min3A_183 : i32
      %dma_start3A_185 = tpu.memref_slice %arg3[%min3A_184] : memref<160000xi32, #tpu.memory_space<hbm>> -> memref<128xi32, #tpu.memory_space<hbm>>
      %dma_start3A_186 = tpu.memref_slice %arg3[%min3A_184] : memref<160000xi32, #tpu.memory_space<hbm>> -> memref<128xi32, #tpu.memory_space<hbm>>
      tpu.enqueue_dma source(%dma_start3A_186 : memref<128xi32, #tpu.memory_space<hbm>>) target(%arg12 : memref<128xi32, #tpu.memory_space<vmem>>) target_semaphore(%arg16 : memref<!tpu.dma_semaphore, #tpu.memory_space<semaphore_mem>>)
      %dma_start3A_187 = arith.constant 0 : i32
      %dma_start3A_188 = arith.constant 0 : i32
      %dma_start3A_189 = tpu.memref_slice %arg28[%dma_start3A_187, %dma_start3A_188] : memref<10240x8xf32, #tpu.memory_space<vmem_shared>> -> memref<10240x8xf32, #tpu.memory_space<vmem_shared>>
      tpu.enqueue_indirect_dma source(%arg26 : memref<128x8xf32, #tpu.memory_space<vmem>>) target(%dma_start3A_189 : memref<10240x8xf32, #tpu.memory_space<vmem_shared>>) offsets(%arg10 : memref<128xi32, #tpu.memory_space<vmem>>) semaphore(%arg22 : memref<!tpu.dma_semaphore, #tpu.memory_space<semaphore_mem>>) {add = true}
      %dma_start3A_190 = arith.constant 0 : i32
      %dma_start3A_191 = arith.constant 0 : i32
      %dma_start3A_192 = tpu.memref_slice %arg29[%dma_start3A_190, %dma_start3A_191] : memref<10240x8xf32, #tpu.memory_space<vmem_shared>> -> memref<10240x8xf32, #tpu.memory_space<vmem_shared>>
      tpu.enqueue_indirect_dma source(%arg26 : memref<128x8xf32, #tpu.memory_space<vmem>>) target(%dma_start3A_192 : memref<10240x8xf32, #tpu.memory_space<vmem_shared>>) offsets(%arg14 : memref<128xi32, #tpu.memory_space<vmem>>) semaphore(%arg22 : memref<!tpu.dma_semaphore, #tpu.memory_space<semaphore_mem>>) {add = true}
      %add3A_193 = arith.constant 1 : i32
      %add3A_194 = arith.addi %add3A_154, %add3A_193 : i32
      %dma_wait3A_195 = arith.constant 0 : i32
      %dma_wait3A_196 = tpu.memref_slice %arg2[%dma_wait3A_195] : memref<160000xi32, #tpu.memory_space<hbm>> -> memref<128xi32, #tpu.memory_space<hbm>>
      %dma_wait3A_197 = arith.constant 0 : i32
      %dma_wait3A_198 = tpu.memref_slice %arg2[%dma_wait3A_197] : memref<160000xi32, #tpu.memory_space<hbm>> -> memref<128xi32, #tpu.memory_space<hbm>>
      tpu.wait_dma2 semaphore(%arg16 : memref<!tpu.dma_semaphore, #tpu.memory_space<semaphore_mem>>) src(%dma_wait3A_198 : memref<128xi32, #tpu.memory_space<hbm>>) dst(%arg8 : memref<128xi32, #tpu.memory_space<vmem>>)
      %dma_wait3A_199 = arith.constant 0 : i32
      %dma_wait3A_200 = tpu.memref_slice %arg3[%dma_wait3A_199] : memref<160000xi32, #tpu.memory_space<hbm>> -> memref<128xi32, #tpu.memory_space<hbm>>
      %dma_wait3A_201 = arith.constant 0 : i32
      %dma_wait3A_202 = tpu.memref_slice %arg3[%dma_wait3A_201] : memref<160000xi32, #tpu.memory_space<hbm>> -> memref<128xi32, #tpu.memory_space<hbm>>
      tpu.wait_dma2 semaphore(%arg16 : memref<!tpu.dma_semaphore, #tpu.memory_space<semaphore_mem>>) src(%dma_wait3A_202 : memref<128xi32, #tpu.memory_space<hbm>>) dst(%arg12 : memref<128xi32, #tpu.memory_space<vmem>>)
      %dma_wait3A_203 = arith.constant 0 : i32
      %dma_wait3A_204 = arith.constant 0 : i32
      %dma_wait3A_205 = tpu.memref_slice %arg28[%dma_wait3A_203, %dma_wait3A_204] : memref<10240x8xf32, #tpu.memory_space<vmem_shared>> -> memref<10240x8xf32, #tpu.memory_space<vmem_shared>>
      tpu.wait_indirect_dma semaphore(%arg21 : memref<!tpu.dma_semaphore, #tpu.memory_space<semaphore_mem>>) src(%arg26 : memref<128x8xf32, #tpu.memory_space<vmem>>) dst(%dma_wait3A_205 : memref<10240x8xf32, #tpu.memory_space<vmem_shared>>)
      %dma_wait3A_206 = arith.constant 0 : i32
      %dma_wait3A_207 = arith.constant 0 : i32
      %dma_wait3A_208 = tpu.memref_slice %arg29[%dma_wait3A_206, %dma_wait3A_207] : memref<10240x8xf32, #tpu.memory_space<vmem_shared>> -> memref<10240x8xf32, #tpu.memory_space<vmem_shared>>
      tpu.wait_indirect_dma semaphore(%arg21 : memref<!tpu.dma_semaphore, #tpu.memory_space<semaphore_mem>>) src(%arg26 : memref<128x8xf32, #tpu.memory_space<vmem>>) dst(%dma_wait3A_208 : memref<10240x8xf32, #tpu.memory_space<vmem_shared>>)
      %add3A_209 = arith.constant 2 : i32
      %add3A_210 = arith.addi %add3A_194, %add3A_209 : i32
      %mul3A_211 = arith.constant 128 : i32
      %mul3A_212 = arith.muli %add3A_210, %mul3A_211 : i32
      %add3A_213 = arith.addi %mul3A_2, %mul3A_212 : i32
      %min3A_214 = arith.constant 159872 : i32
      %min3A_215 = arith.minsi %add3A_213, %min3A_214 : i32
      %dma_start3A_216 = tpu.memref_slice %arg2[%min3A_215] : memref<160000xi32, #tpu.memory_space<hbm>> -> memref<128xi32, #tpu.memory_space<hbm>>
      %dma_start3A_217 = tpu.memref_slice %arg2[%min3A_215] : memref<160000xi32, #tpu.memory_space<hbm>> -> memref<128xi32, #tpu.memory_space<hbm>>
      tpu.enqueue_dma source(%dma_start3A_217 : memref<128xi32, #tpu.memory_space<hbm>>) target(%arg9 : memref<128xi32, #tpu.memory_space<vmem>>) target_semaphore(%arg17 : memref<!tpu.dma_semaphore, #tpu.memory_space<semaphore_mem>>)
      %mul3A_218 = arith.constant 128 : i32
      %mul3A_219 = arith.muli %add3A_210, %mul3A_218 : i32
      %add3A_220 = arith.addi %mul3A_2, %mul3A_219 : i32
      %min3A_221 = arith.constant 159872 : i32
      %min3A_222 = arith.minsi %add3A_220, %min3A_221 : i32
      %dma_start3A_223 = tpu.memref_slice %arg3[%min3A_222] : memref<160000xi32, #tpu.memory_space<hbm>> -> memref<128xi32, #tpu.memory_space<hbm>>
      %dma_start3A_224 = tpu.memref_slice %arg3[%min3A_222] : memref<160000xi32, #tpu.memory_space<hbm>> -> memref<128xi32, #tpu.memory_space<hbm>>
      tpu.enqueue_dma source(%dma_start3A_224 : memref<128xi32, #tpu.memory_space<hbm>>) target(%arg13 : memref<128xi32, #tpu.memory_space<vmem>>) target_semaphore(%arg17 : memref<!tpu.dma_semaphore, #tpu.memory_space<semaphore_mem>>)
      %dma_start3A_225 = arith.constant 0 : i32
      %dma_start3A_226 = arith.constant 0 : i32
      %dma_start3A_227 = tpu.memref_slice %arg28[%dma_start3A_225, %dma_start3A_226] : memref<10240x8xf32, #tpu.memory_space<vmem_shared>> -> memref<10240x8xf32, #tpu.memory_space<vmem_shared>>
      tpu.enqueue_indirect_dma source(%arg26 : memref<128x8xf32, #tpu.memory_space<vmem>>) target(%dma_start3A_227 : memref<10240x8xf32, #tpu.memory_space<vmem_shared>>) offsets(%arg11 : memref<128xi32, #tpu.memory_space<vmem>>) semaphore(%arg23 : memref<!tpu.dma_semaphore, #tpu.memory_space<semaphore_mem>>) {add = true}
      %dma_start3A_228 = arith.constant 0 : i32
      %dma_start3A_229 = arith.constant 0 : i32
      %dma_start3A_230 = tpu.memref_slice %arg29[%dma_start3A_228, %dma_start3A_229] : memref<10240x8xf32, #tpu.memory_space<vmem_shared>> -> memref<10240x8xf32, #tpu.memory_space<vmem_shared>>
      tpu.enqueue_indirect_dma source(%arg26 : memref<128x8xf32, #tpu.memory_space<vmem>>) target(%dma_start3A_230 : memref<10240x8xf32, #tpu.memory_space<vmem_shared>>) offsets(%arg15 : memref<128xi32, #tpu.memory_space<vmem>>) semaphore(%arg23 : memref<!tpu.dma_semaphore, #tpu.memory_space<semaphore_mem>>) {add = true}
      %add3A_231 = arith.constant 2 : i32
      %add3A_232 = arith.addi %add3A_154, %add3A_231 : i32
      %dma_wait3A_233 = arith.constant 0 : i32
      %dma_wait3A_234 = tpu.memref_slice %arg2[%dma_wait3A_233] : memref<160000xi32, #tpu.memory_space<hbm>> -> memref<128xi32, #tpu.memory_space<hbm>>
      %dma_wait3A_235 = arith.constant 0 : i32
      %dma_wait3A_236 = tpu.memref_slice %arg2[%dma_wait3A_235] : memref<160000xi32, #tpu.memory_space<hbm>> -> memref<128xi32, #tpu.memory_space<hbm>>
      tpu.wait_dma2 semaphore(%arg17 : memref<!tpu.dma_semaphore, #tpu.memory_space<semaphore_mem>>) src(%dma_wait3A_236 : memref<128xi32, #tpu.memory_space<hbm>>) dst(%arg9 : memref<128xi32, #tpu.memory_space<vmem>>)
      %dma_wait3A_237 = arith.constant 0 : i32
      %dma_wait3A_238 = tpu.memref_slice %arg3[%dma_wait3A_237] : memref<160000xi32, #tpu.memory_space<hbm>> -> memref<128xi32, #tpu.memory_space<hbm>>
      %dma_wait3A_239 = arith.constant 0 : i32
      %dma_wait3A_240 = tpu.memref_slice %arg3[%dma_wait3A_239] : memref<160000xi32, #tpu.memory_space<hbm>> -> memref<128xi32, #tpu.memory_space<hbm>>
      tpu.wait_dma2 semaphore(%arg17 : memref<!tpu.dma_semaphore, #tpu.memory_space<semaphore_mem>>) src(%dma_wait3A_240 : memref<128xi32, #tpu.memory_space<hbm>>) dst(%arg13 : memref<128xi32, #tpu.memory_space<vmem>>)
      %dma_wait3A_241 = arith.constant 0 : i32
      %dma_wait3A_242 = arith.constant 0 : i32
      %dma_wait3A_243 = tpu.memref_slice %arg28[%dma_wait3A_241, %dma_wait3A_242] : memref<10240x8xf32, #tpu.memory_space<vmem_shared>> -> memref<10240x8xf32, #tpu.memory_space<vmem_shared>>
      tpu.wait_indirect_dma semaphore(%arg22 : memref<!tpu.dma_semaphore, #tpu.memory_space<semaphore_mem>>) src(%arg26 : memref<128x8xf32, #tpu.memory_space<vmem>>) dst(%dma_wait3A_243 : memref<10240x8xf32, #tpu.memory_space<vmem_shared>>)
      %dma_wait3A_244 = arith.constant 0 : i32
      %dma_wait3A_245 = arith.constant 0 : i32
      %dma_wait3A_246 = tpu.memref_slice %arg29[%dma_wait3A_244, %dma_wait3A_245] : memref<10240x8xf32, #tpu.memory_space<vmem_shared>> -> memref<10240x8xf32, #tpu.memory_space<vmem_shared>>
      tpu.wait_indirect_dma semaphore(%arg22 : memref<!tpu.dma_semaphore, #tpu.memory_space<semaphore_mem>>) src(%arg26 : memref<128x8xf32, #tpu.memory_space<vmem>>) dst(%dma_wait3A_246 : memref<10240x8xf32, #tpu.memory_space<vmem_shared>>)
      %add3A_247 = arith.constant 2 : i32
      %add3A_248 = arith.addi %add3A_232, %add3A_247 : i32
      %mul3A_249 = arith.constant 128 : i32
      %mul3A_250 = arith.muli %add3A_248, %mul3A_249 : i32
      %add3A_251 = arith.addi %mul3A_2, %mul3A_250 : i32
      %min3A_252 = arith.constant 159872 : i32
      %min3A_253 = arith.minsi %add3A_251, %min3A_252 : i32
      %dma_start3A_254 = tpu.memref_slice %arg2[%min3A_253] : memref<160000xi32, #tpu.memory_space<hbm>> -> memref<128xi32, #tpu.memory_space<hbm>>
      %dma_start3A_255 = tpu.memref_slice %arg2[%min3A_253] : memref<160000xi32, #tpu.memory_space<hbm>> -> memref<128xi32, #tpu.memory_space<hbm>>
      tpu.enqueue_dma source(%dma_start3A_255 : memref<128xi32, #tpu.memory_space<hbm>>) target(%arg10 : memref<128xi32, #tpu.memory_space<vmem>>) target_semaphore(%arg18 : memref<!tpu.dma_semaphore, #tpu.memory_space<semaphore_mem>>)
      %mul3A_256 = arith.constant 128 : i32
      %mul3A_257 = arith.muli %add3A_248, %mul3A_256 : i32
      %add3A_258 = arith.addi %mul3A_2, %mul3A_257 : i32
      %min3A_259 = arith.constant 159872 : i32
      %min3A_260 = arith.minsi %add3A_258, %min3A_259 : i32
      %dma_start3A_261 = tpu.memref_slice %arg3[%min3A_260] : memref<160000xi32, #tpu.memory_space<hbm>> -> memref<128xi32, #tpu.memory_space<hbm>>
      %dma_start3A_262 = tpu.memref_slice %arg3[%min3A_260] : memref<160000xi32, #tpu.memory_space<hbm>> -> memref<128xi32, #tpu.memory_space<hbm>>
      tpu.enqueue_dma source(%dma_start3A_262 : memref<128xi32, #tpu.memory_space<hbm>>) target(%arg14 : memref<128xi32, #tpu.memory_space<vmem>>) target_semaphore(%arg18 : memref<!tpu.dma_semaphore, #tpu.memory_space<semaphore_mem>>)
      %dma_start3A_263 = arith.constant 0 : i32
      %dma_start3A_264 = arith.constant 0 : i32
      %dma_start3A_265 = tpu.memref_slice %arg28[%dma_start3A_263, %dma_start3A_264] : memref<10240x8xf32, #tpu.memory_space<vmem_shared>> -> memref<10240x8xf32, #tpu.memory_space<vmem_shared>>
      tpu.enqueue_indirect_dma source(%arg26 : memref<128x8xf32, #tpu.memory_space<vmem>>) target(%dma_start3A_265 : memref<10240x8xf32, #tpu.memory_space<vmem_shared>>) offsets(%arg8 : memref<128xi32, #tpu.memory_space<vmem>>) semaphore(%arg20 : memref<!tpu.dma_semaphore, #tpu.memory_space<semaphore_mem>>) {add = true}
      %dma_start3A_266 = arith.constant 0 : i32
      %dma_start3A_267 = arith.constant 0 : i32
      %dma_start3A_268 = tpu.memref_slice %arg29[%dma_start3A_266, %dma_start3A_267] : memref<10240x8xf32, #tpu.memory_space<vmem_shared>> -> memref<10240x8xf32, #tpu.memory_space<vmem_shared>>
      tpu.enqueue_indirect_dma source(%arg26 : memref<128x8xf32, #tpu.memory_space<vmem>>) target(%dma_start3A_268 : memref<10240x8xf32, #tpu.memory_space<vmem_shared>>) offsets(%arg12 : memref<128xi32, #tpu.memory_space<vmem>>) semaphore(%arg20 : memref<!tpu.dma_semaphore, #tpu.memory_space<semaphore_mem>>) {add = true}
      %add3A_269 = arith.constant 3 : i32
      %add3A_270 = arith.addi %add3A_154, %add3A_269 : i32
      %dma_wait3A_271 = arith.constant 0 : i32
      %dma_wait3A_272 = tpu.memref_slice %arg2[%dma_wait3A_271] : memref<160000xi32, #tpu.memory_space<hbm>> -> memref<128xi32, #tpu.memory_space<hbm>>
      %dma_wait3A_273 = arith.constant 0 : i32
      %dma_wait3A_274 = tpu.memref_slice %arg2[%dma_wait3A_273] : memref<160000xi32, #tpu.memory_space<hbm>> -> memref<128xi32, #tpu.memory_space<hbm>>
      tpu.wait_dma2 semaphore(%arg18 : memref<!tpu.dma_semaphore, #tpu.memory_space<semaphore_mem>>) src(%dma_wait3A_274 : memref<128xi32, #tpu.memory_space<hbm>>) dst(%arg10 : memref<128xi32, #tpu.memory_space<vmem>>)
      %dma_wait3A_275 = arith.constant 0 : i32
      %dma_wait3A_276 = tpu.memref_slice %arg3[%dma_wait3A_275] : memref<160000xi32, #tpu.memory_space<hbm>> -> memref<128xi32, #tpu.memory_space<hbm>>
      %dma_wait3A_277 = arith.constant 0 : i32
      %dma_wait3A_278 = tpu.memref_slice %arg3[%dma_wait3A_277] : memref<160000xi32, #tpu.memory_space<hbm>> -> memref<128xi32, #tpu.memory_space<hbm>>
      tpu.wait_dma2 semaphore(%arg18 : memref<!tpu.dma_semaphore, #tpu.memory_space<semaphore_mem>>) src(%dma_wait3A_278 : memref<128xi32, #tpu.memory_space<hbm>>) dst(%arg14 : memref<128xi32, #tpu.memory_space<vmem>>)
      %dma_wait3A_279 = arith.constant 0 : i32
      %dma_wait3A_280 = arith.constant 0 : i32
      %dma_wait3A_281 = tpu.memref_slice %arg28[%dma_wait3A_279, %dma_wait3A_280] : memref<10240x8xf32, #tpu.memory_space<vmem_shared>> -> memref<10240x8xf32, #tpu.memory_space<vmem_shared>>
      tpu.wait_indirect_dma semaphore(%arg23 : memref<!tpu.dma_semaphore, #tpu.memory_space<semaphore_mem>>) src(%arg26 : memref<128x8xf32, #tpu.memory_space<vmem>>) dst(%dma_wait3A_281 : memref<10240x8xf32, #tpu.memory_space<vmem_shared>>)
      %dma_wait3A_282 = arith.constant 0 : i32
      %dma_wait3A_283 = arith.constant 0 : i32
      %dma_wait3A_284 = tpu.memref_slice %arg29[%dma_wait3A_282, %dma_wait3A_283] : memref<10240x8xf32, #tpu.memory_space<vmem_shared>> -> memref<10240x8xf32, #tpu.memory_space<vmem_shared>>
      tpu.wait_indirect_dma semaphore(%arg23 : memref<!tpu.dma_semaphore, #tpu.memory_space<semaphore_mem>>) src(%arg26 : memref<128x8xf32, #tpu.memory_space<vmem>>) dst(%dma_wait3A_284 : memref<10240x8xf32, #tpu.memory_space<vmem_shared>>)
      %add3A_285 = arith.constant 2 : i32
      %add3A_286 = arith.addi %add3A_270, %add3A_285 : i32
      %mul3A_287 = arith.constant 128 : i32
      %mul3A_288 = arith.muli %add3A_286, %mul3A_287 : i32
      %add3A_289 = arith.addi %mul3A_2, %mul3A_288 : i32
      %min3A_290 = arith.constant 159872 : i32
      %min3A_291 = arith.minsi %add3A_289, %min3A_290 : i32
      %dma_start3A_292 = tpu.memref_slice %arg2[%min3A_291] : memref<160000xi32, #tpu.memory_space<hbm>> -> memref<128xi32, #tpu.memory_space<hbm>>
      %dma_start3A_293 = tpu.memref_slice %arg2[%min3A_291] : memref<160000xi32, #tpu.memory_space<hbm>> -> memref<128xi32, #tpu.memory_space<hbm>>
      tpu.enqueue_dma source(%dma_start3A_293 : memref<128xi32, #tpu.memory_space<hbm>>) target(%arg11 : memref<128xi32, #tpu.memory_space<vmem>>) target_semaphore(%arg19 : memref<!tpu.dma_semaphore, #tpu.memory_space<semaphore_mem>>)
      %mul3A_294 = arith.constant 128 : i32
      %mul3A_295 = arith.muli %add3A_286, %mul3A_294 : i32
      %add3A_296 = arith.addi %mul3A_2, %mul3A_295 : i32
      %min3A_297 = arith.constant 159872 : i32
      %min3A_298 = arith.minsi %add3A_296, %min3A_297 : i32
      %dma_start3A_299 = tpu.memref_slice %arg3[%min3A_298] : memref<160000xi32, #tpu.memory_space<hbm>> -> memref<128xi32, #tpu.memory_space<hbm>>
      %dma_start3A_300 = tpu.memref_slice %arg3[%min3A_298] : memref<160000xi32, #tpu.memory_space<hbm>> -> memref<128xi32, #tpu.memory_space<hbm>>
      tpu.enqueue_dma source(%dma_start3A_300 : memref<128xi32, #tpu.memory_space<hbm>>) target(%arg15 : memref<128xi32, #tpu.memory_space<vmem>>) target_semaphore(%arg19 : memref<!tpu.dma_semaphore, #tpu.memory_space<semaphore_mem>>)
      %dma_start3A_301 = arith.constant 0 : i32
      %dma_start3A_302 = arith.constant 0 : i32
      %dma_start3A_303 = tpu.memref_slice %arg28[%dma_start3A_301, %dma_start3A_302] : memref<10240x8xf32, #tpu.memory_space<vmem_shared>> -> memref<10240x8xf32, #tpu.memory_space<vmem_shared>>
      tpu.enqueue_indirect_dma source(%arg26 : memref<128x8xf32, #tpu.memory_space<vmem>>) target(%dma_start3A_303 : memref<10240x8xf32, #tpu.memory_space<vmem_shared>>) offsets(%arg9 : memref<128xi32, #tpu.memory_space<vmem>>) semaphore(%arg21 : memref<!tpu.dma_semaphore, #tpu.memory_space<semaphore_mem>>) {add = true}
      %dma_start3A_304 = arith.constant 0 : i32
      %dma_start3A_305 = arith.constant 0 : i32
      %dma_start3A_306 = tpu.memref_slice %arg29[%dma_start3A_304, %dma_start3A_305] : memref<10240x8xf32, #tpu.memory_space<vmem_shared>> -> memref<10240x8xf32, #tpu.memory_space<vmem_shared>>
      tpu.enqueue_indirect_dma source(%arg26 : memref<128x8xf32, #tpu.memory_space<vmem>>) target(%dma_start3A_306 : memref<10240x8xf32, #tpu.memory_space<vmem_shared>>) offsets(%arg13 : memref<128xi32, #tpu.memory_space<vmem>>) semaphore(%arg21 : memref<!tpu.dma_semaphore, #tpu.memory_space<semaphore_mem>>) {add = true}
    }
    %scan3A_92 = arith.constant 9 : i32
    %dma_wait3A_93 = arith.constant 0 : i32
    %dma_wait3A_94 = tpu.memref_slice %arg2[%dma_wait3A_93] : memref<160000xi32, #tpu.memory_space<hbm>> -> memref<128xi32, #tpu.memory_space<hbm>>
    %dma_wait3A_95 = arith.constant 0 : i32
    %dma_wait3A_96 = tpu.memref_slice %arg2[%dma_wait3A_95] : memref<160000xi32, #tpu.memory_space<hbm>> -> memref<128xi32, #tpu.memory_space<hbm>>
    tpu.wait_dma2 semaphore(%arg19 : memref<!tpu.dma_semaphore, #tpu.memory_space<semaphore_mem>>) src(%dma_wait3A_96 : memref<128xi32, #tpu.memory_space<hbm>>) dst(%arg11 : memref<128xi32, #tpu.memory_space<vmem>>)
    %dma_wait3A_97 = arith.constant 0 : i32
    %dma_wait3A_98 = tpu.memref_slice %arg3[%dma_wait3A_97] : memref<160000xi32, #tpu.memory_space<hbm>> -> memref<128xi32, #tpu.memory_space<hbm>>
    %dma_wait3A_99 = arith.constant 0 : i32
    %dma_wait3A_100 = tpu.memref_slice %arg3[%dma_wait3A_99] : memref<160000xi32, #tpu.memory_space<hbm>> -> memref<128xi32, #tpu.memory_space<hbm>>
    tpu.wait_dma2 semaphore(%arg19 : memref<!tpu.dma_semaphore, #tpu.memory_space<semaphore_mem>>) src(%dma_wait3A_100 : memref<128xi32, #tpu.memory_space<hbm>>) dst(%arg15 : memref<128xi32, #tpu.memory_space<vmem>>)
    %dma_wait3A_101 = arith.constant 0 : i32
    %dma_wait3A_102 = arith.constant 0 : i32
    %dma_wait3A_103 = tpu.memref_slice %arg28[%dma_wait3A_101, %dma_wait3A_102] : memref<10240x8xf32, #tpu.memory_space<vmem_shared>> -> memref<10240x8xf32, #tpu.memory_space<vmem_shared>>
    tpu.wait_indirect_dma semaphore(%arg20 : memref<!tpu.dma_semaphore, #tpu.memory_space<semaphore_mem>>) src(%arg26 : memref<128x8xf32, #tpu.memory_space<vmem>>) dst(%dma_wait3A_103 : memref<10240x8xf32, #tpu.memory_space<vmem_shared>>)
    %dma_wait3A_104 = arith.constant 0 : i32
    %dma_wait3A_105 = arith.constant 0 : i32
    %dma_wait3A_106 = tpu.memref_slice %arg29[%dma_wait3A_104, %dma_wait3A_105] : memref<10240x8xf32, #tpu.memory_space<vmem_shared>> -> memref<10240x8xf32, #tpu.memory_space<vmem_shared>>
    tpu.wait_indirect_dma semaphore(%arg20 : memref<!tpu.dma_semaphore, #tpu.memory_space<semaphore_mem>>) src(%arg26 : memref<128x8xf32, #tpu.memory_space<vmem>>) dst(%dma_wait3A_106 : memref<10240x8xf32, #tpu.memory_space<vmem_shared>>)
    %add3A_107 = arith.constant 5120 : i32
    %add3A_108 = arith.addi %mul3A_2, %add3A_107 : i32
    %min3A_109 = arith.constant 159872 : i32
    %min3A_110 = arith.minsi %add3A_108, %min3A_109 : i32
    %dma_start3A_111 = tpu.memref_slice %arg2[%min3A_110] : memref<160000xi32, #tpu.memory_space<hbm>> -> memref<128xi32, #tpu.memory_space<hbm>>
    %dma_start3A_112 = tpu.memref_slice %arg2[%min3A_110] : memref<160000xi32, #tpu.memory_space<hbm>> -> memref<128xi32, #tpu.memory_space<hbm>>
    tpu.enqueue_dma source(%dma_start3A_112 : memref<128xi32, #tpu.memory_space<hbm>>) target(%arg8 : memref<128xi32, #tpu.memory_space<vmem>>) target_semaphore(%arg16 : memref<!tpu.dma_semaphore, #tpu.memory_space<semaphore_mem>>)
    %add3A_113 = arith.constant 5120 : i32
    %add3A_114 = arith.addi %mul3A_2, %add3A_113 : i32
    %min3A_115 = arith.constant 159872 : i32
    %min3A_116 = arith.minsi %add3A_114, %min3A_115 : i32
    %dma_start3A_117 = tpu.memref_slice %arg3[%min3A_116] : memref<160000xi32, #tpu.memory_space<hbm>> -> memref<128xi32, #tpu.memory_space<hbm>>
    %dma_start3A_118 = tpu.memref_slice %arg3[%min3A_116] : memref<160000xi32, #tpu.memory_space<hbm>> -> memref<128xi32, #tpu.memory_space<hbm>>
    tpu.enqueue_dma source(%dma_start3A_118 : memref<128xi32, #tpu.memory_space<hbm>>) target(%arg12 : memref<128xi32, #tpu.memory_space<vmem>>) target_semaphore(%arg16 : memref<!tpu.dma_semaphore, #tpu.memory_space<semaphore_mem>>)
    %dma_start3A_119 = arith.constant 0 : i32
    %dma_start3A_120 = arith.constant 0 : i32
    %dma_start3A_121 = tpu.memref_slice %arg28[%dma_start3A_119, %dma_start3A_120] : memref<10240x8xf32, #tpu.memory_space<vmem_shared>> -> memref<10240x8xf32, #tpu.memory_space<vmem_shared>>
    tpu.enqueue_indirect_dma source(%arg26 : memref<128x8xf32, #tpu.memory_space<vmem>>) target(%dma_start3A_121 : memref<10240x8xf32, #tpu.memory_space<vmem_shared>>) offsets(%arg10 : memref<128xi32, #tpu.memory_space<vmem>>) semaphore(%arg22 : memref<!tpu.dma_semaphore, #tpu.memory_space<semaphore_mem>>) {add = true}
    %dma_start3A_122 = arith.constant 0 : i32
    %dma_start3A_123 = arith.constant 0 : i32
    %dma_start3A_124 = tpu.memref_slice %arg29[%dma_start3A_122, %dma_start3A_123] : memref<10240x8xf32, #tpu.memory_space<vmem_shared>> -> memref<10240x8xf32, #tpu.memory_space<vmem_shared>>
    tpu.enqueue_indirect_dma source(%arg26 : memref<128x8xf32, #tpu.memory_space<vmem>>) target(%dma_start3A_124 : memref<10240x8xf32, #tpu.memory_space<vmem_shared>>) offsets(%arg14 : memref<128xi32, #tpu.memory_space<vmem>>) semaphore(%arg22 : memref<!tpu.dma_semaphore, #tpu.memory_space<semaphore_mem>>) {add = true}
    %dma_wait3A_125 = arith.constant 0 : i32
    %dma_wait3A_126 = tpu.memref_slice %arg2[%dma_wait3A_125] : memref<160000xi32, #tpu.memory_space<hbm>> -> memref<128xi32, #tpu.memory_space<hbm>>
    %dma_wait3A_127 = arith.constant 0 : i32
    %dma_wait3A_128 = tpu.memref_slice %arg2[%dma_wait3A_127] : memref<160000xi32, #tpu.memory_space<hbm>> -> memref<128xi32, #tpu.memory_space<hbm>>
    tpu.wait_dma2 semaphore(%arg16 : memref<!tpu.dma_semaphore, #tpu.memory_space<semaphore_mem>>) src(%dma_wait3A_128 : memref<128xi32, #tpu.memory_space<hbm>>) dst(%arg8 : memref<128xi32, #tpu.memory_space<vmem>>)
    %dma_wait3A_129 = arith.constant 0 : i32
    %dma_wait3A_130 = tpu.memref_slice %arg3[%dma_wait3A_129] : memref<160000xi32, #tpu.memory_space<hbm>> -> memref<128xi32, #tpu.memory_space<hbm>>
    %dma_wait3A_131 = arith.constant 0 : i32
    %dma_wait3A_132 = tpu.memref_slice %arg3[%dma_wait3A_131] : memref<160000xi32, #tpu.memory_space<hbm>> -> memref<128xi32, #tpu.memory_space<hbm>>
    tpu.wait_dma2 semaphore(%arg16 : memref<!tpu.dma_semaphore, #tpu.memory_space<semaphore_mem>>) src(%dma_wait3A_132 : memref<128xi32, #tpu.memory_space<hbm>>) dst(%arg12 : memref<128xi32, #tpu.memory_space<vmem>>)
    %dma_wait3A_133 = arith.constant 0 : i32
    %dma_wait3A_134 = arith.constant 0 : i32
    %dma_wait3A_135 = tpu.memref_slice %arg28[%dma_wait3A_133, %dma_wait3A_134] : memref<10240x8xf32, #tpu.memory_space<vmem_shared>> -> memref<10240x8xf32, #tpu.memory_space<vmem_shared>>
    tpu.wait_indirect_dma semaphore(%arg21 : memref<!tpu.dma_semaphore, #tpu.memory_space<semaphore_mem>>) src(%arg26 : memref<128x8xf32, #tpu.memory_space<vmem>>) dst(%dma_wait3A_135 : memref<10240x8xf32, #tpu.memory_space<vmem_shared>>)
    %dma_wait3A_136 = arith.constant 0 : i32
    %dma_wait3A_137 = arith.constant 0 : i32
    %dma_wait3A_138 = tpu.memref_slice %arg29[%dma_wait3A_136, %dma_wait3A_137] : memref<10240x8xf32, #tpu.memory_space<vmem_shared>> -> memref<10240x8xf32, #tpu.memory_space<vmem_shared>>
    tpu.wait_indirect_dma semaphore(%arg21 : memref<!tpu.dma_semaphore, #tpu.memory_space<semaphore_mem>>) src(%arg26 : memref<128x8xf32, #tpu.memory_space<vmem>>) dst(%dma_wait3A_138 : memref<10240x8xf32, #tpu.memory_space<vmem_shared>>)
    %dma_wait3A_139 = arith.constant 0 : i32
    %dma_wait3A_140 = arith.constant 0 : i32
    %dma_wait3A_141 = tpu.memref_slice %arg28[%dma_wait3A_139, %dma_wait3A_140] : memref<10240x8xf32, #tpu.memory_space<vmem_shared>> -> memref<10240x8xf32, #tpu.memory_space<vmem_shared>>
    tpu.wait_indirect_dma semaphore(%arg22 : memref<!tpu.dma_semaphore, #tpu.memory_space<semaphore_mem>>) src(%arg26 : memref<128x8xf32, #tpu.memory_space<vmem>>) dst(%dma_wait3A_141 : memref<10240x8xf32, #tpu.memory_space<vmem_shared>>)
    %dma_wait3A_142 = arith.constant 0 : i32
    %dma_wait3A_143 = arith.constant 0 : i32
    %dma_wait3A_144 = tpu.memref_slice %arg29[%dma_wait3A_142, %dma_wait3A_143] : memref<10240x8xf32, #tpu.memory_space<vmem_shared>> -> memref<10240x8xf32, #tpu.memory_space<vmem_shared>>
    tpu.wait_indirect_dma semaphore(%arg22 : memref<!tpu.dma_semaphore, #tpu.memory_space<semaphore_mem>>) src(%arg26 : memref<128x8xf32, #tpu.memory_space<vmem>>) dst(%dma_wait3A_144 : memref<10240x8xf32, #tpu.memory_space<vmem_shared>>)
    %add3A_145 = arith.constant 4992 : i32
    %add3A_146 = arith.addi %mul3A_2, %add3A_145 : i32
    "tpu.region"() ({
      %run_scoped3A = tpu.sem_alloc : memref<!tpu.dma_semaphore, #tpu.memory_space<semaphore_mem>>
      %dma_start3A_150 = tpu.memref_slice %arg2[%add3A_146] : memref<160000xi32, #tpu.memory_space<hbm>> -> memref<8xi32, #tpu.memory_space<hbm>>
      %dma_start3A_151 = tpu.memref_slice %arg2[%add3A_146] : memref<160000xi32, #tpu.memory_space<hbm>> -> memref<8xi32, #tpu.memory_space<hbm>>
      tpu.enqueue_dma source(%dma_start3A_151 : memref<8xi32, #tpu.memory_space<hbm>>) target(%arg24 : memref<8xi32, #tpu.memory_space<vmem>>) target_semaphore(%run_scoped3A : memref<!tpu.dma_semaphore, #tpu.memory_space<semaphore_mem>>)
      %dma_wait3A_152 = tpu.memref_slice %arg2[%add3A_146] : memref<160000xi32, #tpu.memory_space<hbm>> -> memref<8xi32, #tpu.memory_space<hbm>>
      %dma_wait3A_153 = tpu.memref_slice %arg2[%add3A_146] : memref<160000xi32, #tpu.memory_space<hbm>> -> memref<8xi32, #tpu.memory_space<hbm>>
      tpu.wait_dma2 semaphore(%run_scoped3A : memref<!tpu.dma_semaphore, #tpu.memory_space<semaphore_mem>>) src(%dma_wait3A_153 : memref<8xi32, #tpu.memory_space<hbm>>) dst(%arg24 : memref<8xi32, #tpu.memory_space<vmem>>)
      tpu.yield
    }) : () -> ()
    "tpu.region"() ({
      %run_scoped3A = tpu.sem_alloc : memref<!tpu.dma_semaphore, #tpu.memory_space<semaphore_mem>>
      %dma_start3A_150 = tpu.memref_slice %arg3[%add3A_146] : memref<160000xi32, #tpu.memory_space<hbm>> -> memref<8xi32, #tpu.memory_space<hbm>>
      %dma_start3A_151 = tpu.memref_slice %arg3[%add3A_146] : memref<160000xi32, #tpu.memory_space<hbm>> -> memref<8xi32, #tpu.memory_space<hbm>>
      tpu.enqueue_dma source(%dma_start3A_151 : memref<8xi32, #tpu.memory_space<hbm>>) target(%arg25 : memref<8xi32, #tpu.memory_space<vmem>>) target_semaphore(%run_scoped3A : memref<!tpu.dma_semaphore, #tpu.memory_space<semaphore_mem>>)
      %dma_wait3A_152 = tpu.memref_slice %arg3[%add3A_146] : memref<160000xi32, #tpu.memory_space<hbm>> -> memref<8xi32, #tpu.memory_space<hbm>>
      %dma_wait3A_153 = tpu.memref_slice %arg3[%add3A_146] : memref<160000xi32, #tpu.memory_space<hbm>> -> memref<8xi32, #tpu.memory_space<hbm>>
      tpu.wait_dma2 semaphore(%run_scoped3A : memref<!tpu.dma_semaphore, #tpu.memory_space<semaphore_mem>>) src(%dma_wait3A_153 : memref<8xi32, #tpu.memory_space<hbm>>) dst(%arg25 : memref<8xi32, #tpu.memory_space<vmem>>)
      tpu.yield
    }) : () -> ()
    "tpu.region"() ({
      %run_scoped3A = tpu.sem_alloc : memref<!tpu.dma_semaphore, #tpu.memory_space<semaphore_mem>>
      %dma_start3A_150 = arith.constant 0 : i32
      %dma_start3A_151 = arith.constant 0 : i32
      %dma_start3A_152 = tpu.memref_slice %arg26[%dma_start3A_150, %dma_start3A_151] : memref<128x8xf32, #tpu.memory_space<vmem>> -> memref<8x8xf32, #tpu.memory_space<vmem>>
      %dma_start3A_153 = arith.constant 0 : i32
      %dma_start3A_154 = arith.constant 0 : i32
      %dma_start3A_155 = tpu.memref_slice %arg28[%dma_start3A_153, %dma_start3A_154] : memref<10240x8xf32, #tpu.memory_space<vmem_shared>> -> memref<10240x8xf32, #tpu.memory_space<vmem_shared>>
      tpu.enqueue_indirect_dma source(%dma_start3A_152 : memref<8x8xf32, #tpu.memory_space<vmem>>) target(%dma_start3A_155 : memref<10240x8xf32, #tpu.memory_space<vmem_shared>>) offsets(%arg24 : memref<8xi32, #tpu.memory_space<vmem>>) semaphore(%run_scoped3A : memref<!tpu.dma_semaphore, #tpu.memory_space<semaphore_mem>>) {add = true}
      %dma_wait3A_156 = arith.constant 0 : i32
      %dma_wait3A_157 = arith.constant 0 : i32
      %dma_wait3A_158 = tpu.memref_slice %arg26[%dma_wait3A_156, %dma_wait3A_157] : memref<128x8xf32, #tpu.memory_space<vmem>> -> memref<8x8xf32, #tpu.memory_space<vmem>>
      %dma_wait3A_159 = arith.constant 0 : i32
      %dma_wait3A_160 = arith.constant 0 : i32
      %dma_wait3A_161 = tpu.memref_slice %arg28[%dma_wait3A_159, %dma_wait3A_160] : memref<10240x8xf32, #tpu.memory_space<vmem_shared>> -> memref<10240x8xf32, #tpu.memory_space<vmem_shared>>
      tpu.wait_indirect_dma semaphore(%run_scoped3A : memref<!tpu.dma_semaphore, #tpu.memory_space<semaphore_mem>>) src(%dma_wait3A_158 : memref<8x8xf32, #tpu.memory_space<vmem>>) dst(%dma_wait3A_161 : memref<10240x8xf32, #tpu.memory_space<vmem_shared>>)
      tpu.yield
    }) : () -> ()
    "tpu.region"() ({
      %run_scoped3A = tpu.sem_alloc : memref<!tpu.dma_semaphore, #tpu.memory_space<semaphore_mem>>
      %dma_start3A_150 = arith.constant 0 : i32
      %dma_start3A_151 = arith.constant 0 : i32
      %dma_start3A_152 = tpu.memref_slice %arg26[%dma_start3A_150, %dma_start3A_151] : memref<128x8xf32, #tpu.memory_space<vmem>> -> memref<8x8xf32, #tpu.memory_space<vmem>>
      %dma_start3A_153 = arith.constant 0 : i32
      %dma_start3A_154 = arith.constant 0 : i32
      %dma_start3A_155 = tpu.memref_slice %arg29[%dma_start3A_153, %dma_start3A_154] : memref<10240x8xf32, #tpu.memory_space<vmem_shared>> -> memref<10240x8xf32, #tpu.memory_space<vmem_shared>>
      tpu.enqueue_indirect_dma source(%dma_start3A_152 : memref<8x8xf32, #tpu.memory_space<vmem>>) target(%dma_start3A_155 : memref<10240x8xf32, #tpu.memory_space<vmem_shared>>) offsets(%arg25 : memref<8xi32, #tpu.memory_space<vmem>>) semaphore(%run_scoped3A : memref<!tpu.dma_semaphore, #tpu.memory_space<semaphore_mem>>) {add = true}
      %dma_wait3A_156 = arith.constant 0 : i32
      %dma_wait3A_157 = arith.constant 0 : i32
      %dma_wait3A_158 = tpu.memref_slice %arg26[%dma_wait3A_156, %dma_wait3A_157] : memref<128x8xf32, #tpu.memory_space<vmem>> -> memref<8x8xf32, #tpu.memory_space<vmem>>
      %dma_wait3A_159 = arith.constant 0 : i32
      %dma_wait3A_160 = arith.constant 0 : i32
      %dma_wait3A_161 = tpu.memref_slice %arg29[%dma_wait3A_159, %dma_wait3A_160] : memref<10240x8xf32, #tpu.memory_space<vmem_shared>> -> memref<10240x8xf32, #tpu.memory_space<vmem_shared>>
      tpu.wait_indirect_dma semaphore(%run_scoped3A : memref<!tpu.dma_semaphore, #tpu.memory_space<semaphore_mem>>) src(%dma_wait3A_158 : memref<8x8xf32, #tpu.memory_space<vmem>>) dst(%dma_wait3A_161 : memref<10240x8xf32, #tpu.memory_space<vmem_shared>>)
      tpu.yield
    }) : () -> ()
    %barrier3A_147 = arith.constant 0 : index
    tpu.barrier barrier_id(%barrier3A_147)
    %mul3A_148 = arith.constant 640 : i32
    %mul3A_149 = arith.muli %arg1, %mul3A_148 : i32
    "tpu.region"() ({
      %run_scoped3A = tpu.sem_alloc : memref<!tpu.dma_semaphore, #tpu.memory_space<semaphore_mem>>
      %dma_start3A_150 = arith.constant 0 : i32
      %dma_start3A_151 = tpu.memref_slice %arg28[%mul3A_149, %dma_start3A_150] : memref<10240x8xf32, #tpu.memory_space<vmem_shared>> -> memref<640x8xf32, #tpu.memory_space<vmem_shared>>
      %dma_start3A_152 = arith.constant 0 : i32
      %dma_start3A_153 = tpu.memref_slice %arg28[%mul3A_149, %dma_start3A_152] : memref<10240x8xf32, #tpu.memory_space<vmem_shared>> -> memref<640x8xf32, #tpu.memory_space<vmem_shared>>
      tpu.enqueue_dma source(%dma_start3A_153 : memref<640x8xf32, #tpu.memory_space<vmem_shared>>) target(%arg27 : memref<640x8xf32, #tpu.memory_space<vmem>>) target_semaphore(%run_scoped3A : memref<!tpu.dma_semaphore, #tpu.memory_space<semaphore_mem>>)
      %dma_wait3A_154 = arith.constant 0 : i32
      %dma_wait3A_155 = tpu.memref_slice %arg28[%mul3A_149, %dma_wait3A_154] : memref<10240x8xf32, #tpu.memory_space<vmem_shared>> -> memref<640x8xf32, #tpu.memory_space<vmem_shared>>
      %dma_wait3A_156 = arith.constant 0 : i32
      %dma_wait3A_157 = tpu.memref_slice %arg28[%mul3A_149, %dma_wait3A_156] : memref<10240x8xf32, #tpu.memory_space<vmem_shared>> -> memref<640x8xf32, #tpu.memory_space<vmem_shared>>
      tpu.wait_dma2 semaphore(%run_scoped3A : memref<!tpu.dma_semaphore, #tpu.memory_space<semaphore_mem>>) src(%dma_wait3A_157 : memref<640x8xf32, #tpu.memory_space<vmem_shared>>) dst(%arg27 : memref<640x8xf32, #tpu.memory_space<vmem>>)
      tpu.yield
    }) : () -> ()
    "tpu.region"() ({
      %run_scoped3A = tpu.sem_alloc : memref<!tpu.dma_semaphore, #tpu.memory_space<semaphore_mem>>
      %dma_start3A_150 = arith.constant 0 : i32
      %dma_start3A_151 = tpu.memref_slice %arg6[%arg0, %mul3A_149, %dma_start3A_150] : memref<2x10240x8xf32, #tpu.memory_space<hbm>> -> memref<1x640x8xf32, #tpu.memory_space<hbm>>
      %dma_start3A_152 = tpu.memref_squeeze %dma_start3A_151 : memref<1x640x8xf32, #tpu.memory_space<hbm>> -> memref<640x8xf32, #tpu.memory_space<hbm>>
      %dma_start3A_153 = arith.constant 0 : i32
      %dma_start3A_154 = tpu.memref_slice %arg6[%arg0, %mul3A_149, %dma_start3A_153] : memref<2x10240x8xf32, #tpu.memory_space<hbm>> -> memref<1x640x8xf32, #tpu.memory_space<hbm>>
      %dma_start3A_155 = tpu.memref_squeeze %dma_start3A_154 : memref<1x640x8xf32, #tpu.memory_space<hbm>> -> memref<640x8xf32, #tpu.memory_space<hbm>>
      tpu.enqueue_dma source(%arg27 : memref<640x8xf32, #tpu.memory_space<vmem>>) target(%dma_start3A_155 : memref<640x8xf32, #tpu.memory_space<hbm>>) target_semaphore(%run_scoped3A : memref<!tpu.dma_semaphore, #tpu.memory_space<semaphore_mem>>)
      %dma_wait3A_156 = arith.constant 0 : i32
      %dma_wait3A_157 = tpu.memref_slice %arg6[%arg0, %mul3A_149, %dma_wait3A_156] : memref<2x10240x8xf32, #tpu.memory_space<hbm>> -> memref<1x640x8xf32, #tpu.memory_space<hbm>>
      %dma_wait3A_158 = tpu.memref_squeeze %dma_wait3A_157 : memref<1x640x8xf32, #tpu.memory_space<hbm>> -> memref<640x8xf32, #tpu.memory_space<hbm>>
      %dma_wait3A_159 = arith.constant 0 : i32
      %dma_wait3A_160 = tpu.memref_slice %arg6[%arg0, %mul3A_149, %dma_wait3A_159] : memref<2x10240x8xf32, #tpu.memory_space<hbm>> -> memref<1x640x8xf32, #tpu.memory_space<hbm>>
      %dma_wait3A_161 = tpu.memref_squeeze %dma_wait3A_160 : memref<1x640x8xf32, #tpu.memory_space<hbm>> -> memref<640x8xf32, #tpu.memory_space<hbm>>
      tpu.wait_dma2 semaphore(%run_scoped3A : memref<!tpu.dma_semaphore, #tpu.memory_space<semaphore_mem>>) src(%arg27 : memref<640x8xf32, #tpu.memory_space<vmem>>) dst(%dma_wait3A_161 : memref<640x8xf32, #tpu.memory_space<hbm>>)
      tpu.yield
    }) : () -> ()
    "tpu.region"() ({
      %run_scoped3A = tpu.sem_alloc : memref<!tpu.dma_semaphore, #tpu.memory_space<semaphore_mem>>
      %dma_start3A_150 = arith.constant 0 : i32
      %dma_start3A_151 = tpu.memref_slice %arg29[%mul3A_149, %dma_start3A_150] : memref<10240x8xf32, #tpu.memory_space<vmem_shared>> -> memref<640x8xf32, #tpu.memory_space<vmem_shared>>
      %dma_start3A_152 = arith.constant 0 : i32
      %dma_start3A_153 = tpu.memref_slice %arg29[%mul3A_149, %dma_start3A_152] : memref<10240x8xf32, #tpu.memory_space<vmem_shared>> -> memref<640x8xf32, #tpu.memory_space<vmem_shared>>
      tpu.enqueue_dma source(%dma_start3A_153 : memref<640x8xf32, #tpu.memory_space<vmem_shared>>) target(%arg27 : memref<640x8xf32, #tpu.memory_space<vmem>>) target_semaphore(%run_scoped3A : memref<!tpu.dma_semaphore, #tpu.memory_space<semaphore_mem>>)
      %dma_wait3A_154 = arith.constant 0 : i32
      %dma_wait3A_155 = tpu.memref_slice %arg29[%mul3A_149, %dma_wait3A_154] : memref<10240x8xf32, #tpu.memory_space<vmem_shared>> -> memref<640x8xf32, #tpu.memory_space<vmem_shared>>
      %dma_wait3A_156 = arith.constant 0 : i32
      %dma_wait3A_157 = tpu.memref_slice %arg29[%mul3A_149, %dma_wait3A_156] : memref<10240x8xf32, #tpu.memory_space<vmem_shared>> -> memref<640x8xf32, #tpu.memory_space<vmem_shared>>
      tpu.wait_dma2 semaphore(%run_scoped3A : memref<!tpu.dma_semaphore, #tpu.memory_space<semaphore_mem>>) src(%dma_wait3A_157 : memref<640x8xf32, #tpu.memory_space<vmem_shared>>) dst(%arg27 : memref<640x8xf32, #tpu.memory_space<vmem>>)
      tpu.yield
    }) : () -> ()
    "tpu.region"() ({
      %run_scoped3A = tpu.sem_alloc : memref<!tpu.dma_semaphore, #tpu.memory_space<semaphore_mem>>
      %dma_start3A_150 = arith.constant 0 : i32
      %dma_start3A_151 = tpu.memref_slice %arg7[%arg0, %mul3A_149, %dma_start3A_150] : memref<2x10240x8xf32, #tpu.memory_space<hbm>> -> memref<1x640x8xf32, #tpu.memory_space<hbm>>
      %dma_start3A_152 = tpu.memref_squeeze %dma_start3A_151 : memref<1x640x8xf32, #tpu.memory_space<hbm>> -> memref<640x8xf32, #tpu.memory_space<hbm>>
      %dma_start3A_153 = arith.constant 0 : i32
      %dma_start3A_154 = tpu.memref_slice %arg7[%arg0, %mul3A_149, %dma_start3A_153] : memref<2x10240x8xf32, #tpu.memory_space<hbm>> -> memref<1x640x8xf32, #tpu.memory_space<hbm>>
      %dma_start3A_155 = tpu.memref_squeeze %dma_start3A_154 : memref<1x640x8xf32, #tpu.memory_space<hbm>> -> memref<640x8xf32, #tpu.memory_space<hbm>>
      tpu.enqueue_dma source(%arg27 : memref<640x8xf32, #tpu.memory_space<vmem>>) target(%dma_start3A_155 : memref<640x8xf32, #tpu.memory_space<hbm>>) target_semaphore(%run_scoped3A : memref<!tpu.dma_semaphore, #tpu.memory_space<semaphore_mem>>)
      %dma_wait3A_156 = arith.constant 0 : i32
      %dma_wait3A_157 = tpu.memref_slice %arg7[%arg0, %mul3A_149, %dma_wait3A_156] : memref<2x10240x8xf32, #tpu.memory_space<hbm>> -> memref<1x640x8xf32, #tpu.memory_space<hbm>>
      %dma_wait3A_158 = tpu.memref_squeeze %dma_wait3A_157 : memref<1x640x8xf32, #tpu.memory_space<hbm>> -> memref<640x8xf32, #tpu.memory_space<hbm>>
      %dma_wait3A_159 = arith.constant 0 : i32
      %dma_wait3A_160 = tpu.memref_slice %arg7[%arg0, %mul3A_149, %dma_wait3A_159] : memref<2x10240x8xf32, #tpu.memory_space<hbm>> -> memref<1x640x8xf32, #tpu.memory_space<hbm>>
      %dma_wait3A_161 = tpu.memref_squeeze %dma_wait3A_160 : memref<1x640x8xf32, #tpu.memory_space<hbm>> -> memref<640x8xf32, #tpu.memory_space<hbm>>
      tpu.wait_dma2 semaphore(%run_scoped3A : memref<!tpu.dma_semaphore, #tpu.memory_space<semaphore_mem>>) src(%arg27 : memref<640x8xf32, #tpu.memory_space<vmem>>) dst(%dma_wait3A_161 : memref<640x8xf32, #tpu.memory_space<hbm>>)
      tpu.yield
    }) : () -> ()
    return
  }
}

#map = affine_map<(d0, d1) -> (0)>
#map1 = affine_map<(d0, d1) -> (0, 0)>
#map2 = affine_map<(d0, d1) -> (0, 0, 0)>
module attributes {stable_mosaic.version = 14 : i64} {
  func.func @_sc_segsum(%arg0: i32, %arg1: i32, %arg2: memref<160000xi32, #tpu.memory_space<hbm>>, %arg3: memref<160000xi32, #tpu.memory_space<hbm>>, %arg4: memref<10000x32xf32, #tpu.memory_space<hbm>>, %arg5: memref<640x32xf32, #tpu.memory_space<hbm>>, %arg6: memref<2x10240x32xf32, #tpu.memory_space<hbm>>, %arg7: memref<128xi32, #tpu.memory_space<vmem>>, %arg8: memref<128xi32, #tpu.memory_space<vmem>>, %arg9: memref<128xi32, #tpu.memory_space<vmem>>, %arg10: memref<128xi32, #tpu.memory_space<vmem>>, %arg11: memref<128xi32, #tpu.memory_space<vmem>>, %arg12: memref<128xi32, #tpu.memory_space<vmem>>, %arg13: memref<128xi32, #tpu.memory_space<vmem>>, %arg14: memref<128xi32, #tpu.memory_space<vmem>>, %arg15: memref<128x32xf32, #tpu.memory_space<vmem>>, %arg16: memref<128x32xf32, #tpu.memory_space<vmem>>, %arg17: memref<128x32xf32, #tpu.memory_space<vmem>>, %arg18: memref<128x32xf32, #tpu.memory_space<vmem>>, %arg19: memref<!tpu.dma_semaphore, #tpu.memory_space<semaphore_mem>>, %arg20: memref<!tpu.dma_semaphore, #tpu.memory_space<semaphore_mem>>, %arg21: memref<!tpu.dma_semaphore, #tpu.memory_space<semaphore_mem>>, %arg22: memref<!tpu.dma_semaphore, #tpu.memory_space<semaphore_mem>>, %arg23: memref<!tpu.dma_semaphore, #tpu.memory_space<semaphore_mem>>, %arg24: memref<!tpu.dma_semaphore, #tpu.memory_space<semaphore_mem>>, %arg25: memref<!tpu.dma_semaphore, #tpu.memory_space<semaphore_mem>>, %arg26: memref<!tpu.dma_semaphore, #tpu.memory_space<semaphore_mem>>, %arg27: memref<!tpu.dma_semaphore, #tpu.memory_space<semaphore_mem>>, %arg28: memref<!tpu.dma_semaphore, #tpu.memory_space<semaphore_mem>>, %arg29: memref<!tpu.dma_semaphore, #tpu.memory_space<semaphore_mem>>, %arg30: memref<!tpu.dma_semaphore, #tpu.memory_space<semaphore_mem>>, %arg31: memref<8xi32, #tpu.memory_space<vmem>>, %arg32: memref<8xi32, #tpu.memory_space<vmem>>, %arg33: memref<8x32xf32, #tpu.memory_space<vmem>>, %arg34: memref<640x32xf32, #tpu.memory_space<vmem>>, %arg35: memref<10240x32xf32, #tpu.memory_space<vmem_shared>>, %arg36: memref<!tpu.dma_semaphore, #tpu.memory_space<semaphore_mem>>) attributes {dimension_semantics = [#tpu.dimension_semantics<core_parallel>, #tpu.dimension_semantics<subcore_parallel>], iteration_bounds = array<i64: 2, 16>, scalar_prefetch = 0 : i64, scratch_operands = 30 : i64, tpu.core_type = #tpu.core_type<sc_vector_subcore>, window_params = [{transform_indices = #map}, {transform_indices = #map}, {transform_indices = #map1}, {transform_indices = #map1}, {transform_indices = #map2}]} {
    %mul3A = arith.constant 16 : i32
    %mul3A_0 = arith.muli %arg0, %mul3A : i32
    %add3A = arith.addi %mul3A_0, %arg1 : i32
    %mul3A_1 = arith.constant 5000 : i32
    %mul3A_2 = arith.muli %add3A, %mul3A_1 : i32
    "tpu.region"() ({
      %run_scoped3A = tpu.sem_alloc : memref<!tpu.dma_semaphore, #tpu.memory_space<semaphore_mem>>
      tpu.enqueue_dma source(%arg5 : memref<640x32xf32, #tpu.memory_space<hbm>>) target(%arg34 : memref<640x32xf32, #tpu.memory_space<vmem>>) target_semaphore(%run_scoped3A : memref<!tpu.dma_semaphore, #tpu.memory_space<semaphore_mem>>)
      tpu.wait_dma2 semaphore(%run_scoped3A : memref<!tpu.dma_semaphore, #tpu.memory_space<semaphore_mem>>) src(%arg5 : memref<640x32xf32, #tpu.memory_space<hbm>>) dst(%arg34 : memref<640x32xf32, #tpu.memory_space<vmem>>)
      tpu.yield
    }) : () -> ()
    %mul3A_3 = arith.constant 640 : i32
    %mul3A_4 = arith.muli %arg1, %mul3A_3 : i32
    "tpu.region"() ({
      %run_scoped3A = tpu.sem_alloc : memref<!tpu.dma_semaphore, #tpu.memory_space<semaphore_mem>>
      %dma_start3A_160 = arith.constant 0 : i32
      %dma_start3A_161 = tpu.memref_slice %arg35[%mul3A_4, %dma_start3A_160] : memref<10240x32xf32, #tpu.memory_space<vmem_shared>> -> memref<640x32xf32, #tpu.memory_space<vmem_shared>>
      %dma_start3A_162 = arith.constant 0 : i32
      %dma_start3A_163 = tpu.memref_slice %arg35[%mul3A_4, %dma_start3A_162] : memref<10240x32xf32, #tpu.memory_space<vmem_shared>> -> memref<640x32xf32, #tpu.memory_space<vmem_shared>>
      tpu.enqueue_dma source(%arg34 : memref<640x32xf32, #tpu.memory_space<vmem>>) target(%dma_start3A_163 : memref<640x32xf32, #tpu.memory_space<vmem_shared>>) target_semaphore(%run_scoped3A : memref<!tpu.dma_semaphore, #tpu.memory_space<semaphore_mem>>)
      %dma_wait3A_164 = arith.constant 0 : i32
      %dma_wait3A_165 = tpu.memref_slice %arg35[%mul3A_4, %dma_wait3A_164] : memref<10240x32xf32, #tpu.memory_space<vmem_shared>> -> memref<640x32xf32, #tpu.memory_space<vmem_shared>>
      %dma_wait3A_166 = arith.constant 0 : i32
      %dma_wait3A_167 = tpu.memref_slice %arg35[%mul3A_4, %dma_wait3A_166] : memref<10240x32xf32, #tpu.memory_space<vmem_shared>> -> memref<640x32xf32, #tpu.memory_space<vmem_shared>>
      tpu.wait_dma2 semaphore(%run_scoped3A : memref<!tpu.dma_semaphore, #tpu.memory_space<semaphore_mem>>) src(%arg34 : memref<640x32xf32, #tpu.memory_space<vmem>>) dst(%dma_wait3A_167 : memref<640x32xf32, #tpu.memory_space<vmem_shared>>)
      tpu.yield
    }) : () -> ()
    %barrier3A = arith.constant 0 : index
    tpu.barrier barrier_id(%barrier3A)
    %add3A_5 = arith.constant 0 : i32
    %add3A_6 = arith.addi %mul3A_2, %add3A_5 : i32
    %min3A = arith.constant 159872 : i32
    %min3A_7 = arith.minsi %add3A_6, %min3A : i32
    %dma_start3A = tpu.memref_slice %arg2[%min3A_7] : memref<160000xi32, #tpu.memory_space<hbm>> -> memref<128xi32, #tpu.memory_space<hbm>>
    %dma_start3A_8 = tpu.memref_slice %arg2[%min3A_7] : memref<160000xi32, #tpu.memory_space<hbm>> -> memref<128xi32, #tpu.memory_space<hbm>>
    tpu.enqueue_dma source(%dma_start3A_8 : memref<128xi32, #tpu.memory_space<hbm>>) target(%arg7 : memref<128xi32, #tpu.memory_space<vmem>>) target_semaphore(%arg19 : memref<!tpu.dma_semaphore, #tpu.memory_space<semaphore_mem>>)
    %add3A_9 = arith.constant 0 : i32
    %add3A_10 = arith.addi %mul3A_2, %add3A_9 : i32
    %min3A_11 = arith.constant 159872 : i32
    %min3A_12 = arith.minsi %add3A_10, %min3A_11 : i32
    %dma_start3A_13 = tpu.memref_slice %arg3[%min3A_12] : memref<160000xi32, #tpu.memory_space<hbm>> -> memref<128xi32, #tpu.memory_space<hbm>>
    %dma_start3A_14 = tpu.memref_slice %arg3[%min3A_12] : memref<160000xi32, #tpu.memory_space<hbm>> -> memref<128xi32, #tpu.memory_space<hbm>>
    tpu.enqueue_dma source(%dma_start3A_14 : memref<128xi32, #tpu.memory_space<hbm>>) target(%arg11 : memref<128xi32, #tpu.memory_space<vmem>>) target_semaphore(%arg19 : memref<!tpu.dma_semaphore, #tpu.memory_space<semaphore_mem>>)
    %dma_wait3A = arith.constant 0 : i32
    %dma_wait3A_15 = tpu.memref_slice %arg2[%dma_wait3A] : memref<160000xi32, #tpu.memory_space<hbm>> -> memref<128xi32, #tpu.memory_space<hbm>>
    %dma_wait3A_16 = arith.constant 0 : i32
    %dma_wait3A_17 = tpu.memref_slice %arg2[%dma_wait3A_16] : memref<160000xi32, #tpu.memory_space<hbm>> -> memref<128xi32, #tpu.memory_space<hbm>>
    tpu.wait_dma2 semaphore(%arg19 : memref<!tpu.dma_semaphore, #tpu.memory_space<semaphore_mem>>) src(%dma_wait3A_17 : memref<128xi32, #tpu.memory_space<hbm>>) dst(%arg7 : memref<128xi32, #tpu.memory_space<vmem>>)
    %dma_wait3A_18 = arith.constant 0 : i32
    %dma_wait3A_19 = tpu.memref_slice %arg3[%dma_wait3A_18] : memref<160000xi32, #tpu.memory_space<hbm>> -> memref<128xi32, #tpu.memory_space<hbm>>
    %dma_wait3A_20 = arith.constant 0 : i32
    %dma_wait3A_21 = tpu.memref_slice %arg3[%dma_wait3A_20] : memref<160000xi32, #tpu.memory_space<hbm>> -> memref<128xi32, #tpu.memory_space<hbm>>
    tpu.wait_dma2 semaphore(%arg19 : memref<!tpu.dma_semaphore, #tpu.memory_space<semaphore_mem>>) src(%dma_wait3A_21 : memref<128xi32, #tpu.memory_space<hbm>>) dst(%arg11 : memref<128xi32, #tpu.memory_space<vmem>>)
    %dma_start3A_22 = arith.constant 0 : i32
    %dma_start3A_23 = arith.constant 0 : i32
    %dma_start3A_24 = tpu.memref_slice %arg4[%dma_start3A_22, %dma_start3A_23] : memref<10000x32xf32, #tpu.memory_space<hbm>> -> memref<10000x32xf32, #tpu.memory_space<hbm>>
    tpu.enqueue_indirect_dma source(%dma_start3A_24 : memref<10000x32xf32, #tpu.memory_space<hbm>>) target(%arg15 : memref<128x32xf32, #tpu.memory_space<vmem>>) offsets(%arg7 : memref<128xi32, #tpu.memory_space<vmem>>) semaphore(%arg23 : memref<!tpu.dma_semaphore, #tpu.memory_space<semaphore_mem>>)
    %add3A_25 = arith.constant 128 : i32
    %add3A_26 = arith.addi %mul3A_2, %add3A_25 : i32
    %min3A_27 = arith.constant 159872 : i32
    %min3A_28 = arith.minsi %add3A_26, %min3A_27 : i32
    %dma_start3A_29 = tpu.memref_slice %arg2[%min3A_28] : memref<160000xi32, #tpu.memory_space<hbm>> -> memref<128xi32, #tpu.memory_space<hbm>>
    %dma_start3A_30 = tpu.memref_slice %arg2[%min3A_28] : memref<160000xi32, #tpu.memory_space<hbm>> -> memref<128xi32, #tpu.memory_space<hbm>>
    tpu.enqueue_dma source(%dma_start3A_30 : memref<128xi32, #tpu.memory_space<hbm>>) target(%arg8 : memref<128xi32, #tpu.memory_space<vmem>>) target_semaphore(%arg20 : memref<!tpu.dma_semaphore, #tpu.memory_space<semaphore_mem>>)
    %add3A_31 = arith.constant 128 : i32
    %add3A_32 = arith.addi %mul3A_2, %add3A_31 : i32
    %min3A_33 = arith.constant 159872 : i32
    %min3A_34 = arith.minsi %add3A_32, %min3A_33 : i32
    %dma_start3A_35 = tpu.memref_slice %arg3[%min3A_34] : memref<160000xi32, #tpu.memory_space<hbm>> -> memref<128xi32, #tpu.memory_space<hbm>>
    %dma_start3A_36 = tpu.memref_slice %arg3[%min3A_34] : memref<160000xi32, #tpu.memory_space<hbm>> -> memref<128xi32, #tpu.memory_space<hbm>>
    tpu.enqueue_dma source(%dma_start3A_36 : memref<128xi32, #tpu.memory_space<hbm>>) target(%arg12 : memref<128xi32, #tpu.memory_space<vmem>>) target_semaphore(%arg20 : memref<!tpu.dma_semaphore, #tpu.memory_space<semaphore_mem>>)
    %dma_wait3A_37 = arith.constant 0 : i32
    %dma_wait3A_38 = tpu.memref_slice %arg2[%dma_wait3A_37] : memref<160000xi32, #tpu.memory_space<hbm>> -> memref<128xi32, #tpu.memory_space<hbm>>
    %dma_wait3A_39 = arith.constant 0 : i32
    %dma_wait3A_40 = tpu.memref_slice %arg2[%dma_wait3A_39] : memref<160000xi32, #tpu.memory_space<hbm>> -> memref<128xi32, #tpu.memory_space<hbm>>
    tpu.wait_dma2 semaphore(%arg20 : memref<!tpu.dma_semaphore, #tpu.memory_space<semaphore_mem>>) src(%dma_wait3A_40 : memref<128xi32, #tpu.memory_space<hbm>>) dst(%arg8 : memref<128xi32, #tpu.memory_space<vmem>>)
    %dma_wait3A_41 = arith.constant 0 : i32
    %dma_wait3A_42 = tpu.memref_slice %arg3[%dma_wait3A_41] : memref<160000xi32, #tpu.memory_space<hbm>> -> memref<128xi32, #tpu.memory_space<hbm>>
    %dma_wait3A_43 = arith.constant 0 : i32
    %dma_wait3A_44 = tpu.memref_slice %arg3[%dma_wait3A_43] : memref<160000xi32, #tpu.memory_space<hbm>> -> memref<128xi32, #tpu.memory_space<hbm>>
    tpu.wait_dma2 semaphore(%arg20 : memref<!tpu.dma_semaphore, #tpu.memory_space<semaphore_mem>>) src(%dma_wait3A_44 : memref<128xi32, #tpu.memory_space<hbm>>) dst(%arg12 : memref<128xi32, #tpu.memory_space<vmem>>)
    %dma_start3A_45 = arith.constant 0 : i32
    %dma_start3A_46 = arith.constant 0 : i32
    %dma_start3A_47 = tpu.memref_slice %arg4[%dma_start3A_45, %dma_start3A_46] : memref<10000x32xf32, #tpu.memory_space<hbm>> -> memref<10000x32xf32, #tpu.memory_space<hbm>>
    tpu.enqueue_indirect_dma source(%dma_start3A_47 : memref<10000x32xf32, #tpu.memory_space<hbm>>) target(%arg16 : memref<128x32xf32, #tpu.memory_space<vmem>>) offsets(%arg8 : memref<128xi32, #tpu.memory_space<vmem>>) semaphore(%arg24 : memref<!tpu.dma_semaphore, #tpu.memory_space<semaphore_mem>>)
    %add3A_48 = arith.constant 256 : i32
    %add3A_49 = arith.addi %mul3A_2, %add3A_48 : i32
    %min3A_50 = arith.constant 159872 : i32
    %min3A_51 = arith.minsi %add3A_49, %min3A_50 : i32
    %dma_start3A_52 = tpu.memref_slice %arg2[%min3A_51] : memref<160000xi32, #tpu.memory_space<hbm>> -> memref<128xi32, #tpu.memory_space<hbm>>
    %dma_start3A_53 = tpu.memref_slice %arg2[%min3A_51] : memref<160000xi32, #tpu.memory_space<hbm>> -> memref<128xi32, #tpu.memory_space<hbm>>
    tpu.enqueue_dma source(%dma_start3A_53 : memref<128xi32, #tpu.memory_space<hbm>>) target(%arg9 : memref<128xi32, #tpu.memory_space<vmem>>) target_semaphore(%arg21 : memref<!tpu.dma_semaphore, #tpu.memory_space<semaphore_mem>>)
    %add3A_54 = arith.constant 256 : i32
    %add3A_55 = arith.addi %mul3A_2, %add3A_54 : i32
    %min3A_56 = arith.constant 159872 : i32
    %min3A_57 = arith.minsi %add3A_55, %min3A_56 : i32
    %dma_start3A_58 = tpu.memref_slice %arg3[%min3A_57] : memref<160000xi32, #tpu.memory_space<hbm>> -> memref<128xi32, #tpu.memory_space<hbm>>
    %dma_start3A_59 = tpu.memref_slice %arg3[%min3A_57] : memref<160000xi32, #tpu.memory_space<hbm>> -> memref<128xi32, #tpu.memory_space<hbm>>
    tpu.enqueue_dma source(%dma_start3A_59 : memref<128xi32, #tpu.memory_space<hbm>>) target(%arg13 : memref<128xi32, #tpu.memory_space<vmem>>) target_semaphore(%arg21 : memref<!tpu.dma_semaphore, #tpu.memory_space<semaphore_mem>>)
    %dma_wait3A_60 = arith.constant 0 : i32
    %dma_wait3A_61 = arith.constant 0 : i32
    %dma_wait3A_62 = tpu.memref_slice %arg4[%dma_wait3A_60, %dma_wait3A_61] : memref<10000x32xf32, #tpu.memory_space<hbm>> -> memref<10000x32xf32, #tpu.memory_space<hbm>>
    tpu.wait_indirect_dma semaphore(%arg23 : memref<!tpu.dma_semaphore, #tpu.memory_space<semaphore_mem>>) src(%dma_wait3A_62 : memref<10000x32xf32, #tpu.memory_space<hbm>>) dst(%arg15 : memref<128x32xf32, #tpu.memory_space<vmem>>)
    %dma_start3A_63 = arith.constant 0 : i32
    %dma_start3A_64 = arith.constant 0 : i32
    %dma_start3A_65 = tpu.memref_slice %arg35[%dma_start3A_63, %dma_start3A_64] : memref<10240x32xf32, #tpu.memory_space<vmem_shared>> -> memref<10240x32xf32, #tpu.memory_space<vmem_shared>>
    tpu.enqueue_indirect_dma source(%arg15 : memref<128x32xf32, #tpu.memory_space<vmem>>) target(%dma_start3A_65 : memref<10240x32xf32, #tpu.memory_space<vmem_shared>>) offsets(%arg11 : memref<128xi32, #tpu.memory_space<vmem>>) semaphore(%arg27 : memref<!tpu.dma_semaphore, #tpu.memory_space<semaphore_mem>>) {add = true}
    %dma_wait3A_66 = arith.constant 0 : i32
    %dma_wait3A_67 = tpu.memref_slice %arg2[%dma_wait3A_66] : memref<160000xi32, #tpu.memory_space<hbm>> -> memref<128xi32, #tpu.memory_space<hbm>>
    %dma_wait3A_68 = arith.constant 0 : i32
    %dma_wait3A_69 = tpu.memref_slice %arg2[%dma_wait3A_68] : memref<160000xi32, #tpu.memory_space<hbm>> -> memref<128xi32, #tpu.memory_space<hbm>>
    tpu.wait_dma2 semaphore(%arg21 : memref<!tpu.dma_semaphore, #tpu.memory_space<semaphore_mem>>) src(%dma_wait3A_69 : memref<128xi32, #tpu.memory_space<hbm>>) dst(%arg9 : memref<128xi32, #tpu.memory_space<vmem>>)
    %dma_wait3A_70 = arith.constant 0 : i32
    %dma_wait3A_71 = tpu.memref_slice %arg3[%dma_wait3A_70] : memref<160000xi32, #tpu.memory_space<hbm>> -> memref<128xi32, #tpu.memory_space<hbm>>
    %dma_wait3A_72 = arith.constant 0 : i32
    %dma_wait3A_73 = tpu.memref_slice %arg3[%dma_wait3A_72] : memref<160000xi32, #tpu.memory_space<hbm>> -> memref<128xi32, #tpu.memory_space<hbm>>
    tpu.wait_dma2 semaphore(%arg21 : memref<!tpu.dma_semaphore, #tpu.memory_space<semaphore_mem>>) src(%dma_wait3A_73 : memref<128xi32, #tpu.memory_space<hbm>>) dst(%arg13 : memref<128xi32, #tpu.memory_space<vmem>>)
    %dma_start3A_74 = arith.constant 0 : i32
    %dma_start3A_75 = arith.constant 0 : i32
    %dma_start3A_76 = tpu.memref_slice %arg4[%dma_start3A_74, %dma_start3A_75] : memref<10000x32xf32, #tpu.memory_space<hbm>> -> memref<10000x32xf32, #tpu.memory_space<hbm>>
    tpu.enqueue_indirect_dma source(%dma_start3A_76 : memref<10000x32xf32, #tpu.memory_space<hbm>>) target(%arg17 : memref<128x32xf32, #tpu.memory_space<vmem>>) offsets(%arg9 : memref<128xi32, #tpu.memory_space<vmem>>) semaphore(%arg25 : memref<!tpu.dma_semaphore, #tpu.memory_space<semaphore_mem>>)
    %add3A_77 = arith.constant 384 : i32
    %add3A_78 = arith.addi %mul3A_2, %add3A_77 : i32
    %min3A_79 = arith.constant 159872 : i32
    %min3A_80 = arith.minsi %add3A_78, %min3A_79 : i32
    %dma_start3A_81 = tpu.memref_slice %arg2[%min3A_80] : memref<160000xi32, #tpu.memory_space<hbm>> -> memref<128xi32, #tpu.memory_space<hbm>>
    %dma_start3A_82 = tpu.memref_slice %arg2[%min3A_80] : memref<160000xi32, #tpu.memory_space<hbm>> -> memref<128xi32, #tpu.memory_space<hbm>>
    tpu.enqueue_dma source(%dma_start3A_82 : memref<128xi32, #tpu.memory_space<hbm>>) target(%arg10 : memref<128xi32, #tpu.memory_space<vmem>>) target_semaphore(%arg22 : memref<!tpu.dma_semaphore, #tpu.memory_space<semaphore_mem>>)
    %add3A_83 = arith.constant 384 : i32
    %add3A_84 = arith.addi %mul3A_2, %add3A_83 : i32
    %min3A_85 = arith.constant 159872 : i32
    %min3A_86 = arith.minsi %add3A_84, %min3A_85 : i32
    %dma_start3A_87 = tpu.memref_slice %arg3[%min3A_86] : memref<160000xi32, #tpu.memory_space<hbm>> -> memref<128xi32, #tpu.memory_space<hbm>>
    %dma_start3A_88 = tpu.memref_slice %arg3[%min3A_86] : memref<160000xi32, #tpu.memory_space<hbm>> -> memref<128xi32, #tpu.memory_space<hbm>>
    tpu.enqueue_dma source(%dma_start3A_88 : memref<128xi32, #tpu.memory_space<hbm>>) target(%arg14 : memref<128xi32, #tpu.memory_space<vmem>>) target_semaphore(%arg22 : memref<!tpu.dma_semaphore, #tpu.memory_space<semaphore_mem>>)
    %dma_wait3A_89 = arith.constant 0 : i32
    %dma_wait3A_90 = arith.constant 0 : i32
    %dma_wait3A_91 = tpu.memref_slice %arg4[%dma_wait3A_89, %dma_wait3A_90] : memref<10000x32xf32, #tpu.memory_space<hbm>> -> memref<10000x32xf32, #tpu.memory_space<hbm>>
    tpu.wait_indirect_dma semaphore(%arg24 : memref<!tpu.dma_semaphore, #tpu.memory_space<semaphore_mem>>) src(%dma_wait3A_91 : memref<10000x32xf32, #tpu.memory_space<hbm>>) dst(%arg16 : memref<128x32xf32, #tpu.memory_space<vmem>>)
    %dma_start3A_92 = arith.constant 0 : i32
    %dma_start3A_93 = arith.constant 0 : i32
    %dma_start3A_94 = tpu.memref_slice %arg35[%dma_start3A_92, %dma_start3A_93] : memref<10240x32xf32, #tpu.memory_space<vmem_shared>> -> memref<10240x32xf32, #tpu.memory_space<vmem_shared>>
    tpu.enqueue_indirect_dma source(%arg16 : memref<128x32xf32, #tpu.memory_space<vmem>>) target(%dma_start3A_94 : memref<10240x32xf32, #tpu.memory_space<vmem_shared>>) offsets(%arg12 : memref<128xi32, #tpu.memory_space<vmem>>) semaphore(%arg28 : memref<!tpu.dma_semaphore, #tpu.memory_space<semaphore_mem>>) {add = true}
    %scan3A = arith.constant 0 : i32
    %scan3A_95 = arith.constant 0 : i32
    %scan3A_96 = arith.constant 9 : i32
    %scan3A_97 = arith.addi %scan3A_95, %scan3A_96 : i32
    %scan3A_98 = arith.constant 1 : i32
    scf.for %scan3A_160 = %scan3A_95 to %scan3A_97 step %scan3A_98  : i32 {
      %mul3A_161 = arith.constant 4 : i32
      %mul3A_162 = arith.muli %scan3A_160, %mul3A_161 : i32
      %add3A_163 = arith.constant 2 : i32
      %add3A_164 = arith.addi %add3A_163, %mul3A_162 : i32
      %add3A_165 = arith.constant 0 : i32
      %add3A_166 = arith.addi %add3A_164, %add3A_165 : i32
      %dma_wait3A_167 = arith.constant 0 : i32
      %dma_wait3A_168 = tpu.memref_slice %arg2[%dma_wait3A_167] : memref<160000xi32, #tpu.memory_space<hbm>> -> memref<128xi32, #tpu.memory_space<hbm>>
      %dma_wait3A_169 = arith.constant 0 : i32
      %dma_wait3A_170 = tpu.memref_slice %arg2[%dma_wait3A_169] : memref<160000xi32, #tpu.memory_space<hbm>> -> memref<128xi32, #tpu.memory_space<hbm>>
      tpu.wait_dma2 semaphore(%arg22 : memref<!tpu.dma_semaphore, #tpu.memory_space<semaphore_mem>>) src(%dma_wait3A_170 : memref<128xi32, #tpu.memory_space<hbm>>) dst(%arg10 : memref<128xi32, #tpu.memory_space<vmem>>)
      %dma_wait3A_171 = arith.constant 0 : i32
      %dma_wait3A_172 = tpu.memref_slice %arg3[%dma_wait3A_171] : memref<160000xi32, #tpu.memory_space<hbm>> -> memref<128xi32, #tpu.memory_space<hbm>>
      %dma_wait3A_173 = arith.constant 0 : i32
      %dma_wait3A_174 = tpu.memref_slice %arg3[%dma_wait3A_173] : memref<160000xi32, #tpu.memory_space<hbm>> -> memref<128xi32, #tpu.memory_space<hbm>>
      tpu.wait_dma2 semaphore(%arg22 : memref<!tpu.dma_semaphore, #tpu.memory_space<semaphore_mem>>) src(%dma_wait3A_174 : memref<128xi32, #tpu.memory_space<hbm>>) dst(%arg14 : memref<128xi32, #tpu.memory_space<vmem>>)
      %dma_start3A_175 = arith.constant 0 : i32
      %dma_start3A_176 = arith.constant 0 : i32
      %dma_start3A_177 = tpu.memref_slice %arg4[%dma_start3A_175, %dma_start3A_176] : memref<10000x32xf32, #tpu.memory_space<hbm>> -> memref<10000x32xf32, #tpu.memory_space<hbm>>
      tpu.enqueue_indirect_dma source(%dma_start3A_177 : memref<10000x32xf32, #tpu.memory_space<hbm>>) target(%arg18 : memref<128x32xf32, #tpu.memory_space<vmem>>) offsets(%arg10 : memref<128xi32, #tpu.memory_space<vmem>>) semaphore(%arg26 : memref<!tpu.dma_semaphore, #tpu.memory_space<semaphore_mem>>)
      %dma_wait3A_178 = arith.constant 0 : i32
      %dma_wait3A_179 = arith.constant 0 : i32
      %dma_wait3A_180 = tpu.memref_slice %arg35[%dma_wait3A_178, %dma_wait3A_179] : memref<10240x32xf32, #tpu.memory_space<vmem_shared>> -> memref<10240x32xf32, #tpu.memory_space<vmem_shared>>
      tpu.wait_indirect_dma semaphore(%arg27 : memref<!tpu.dma_semaphore, #tpu.memory_space<semaphore_mem>>) src(%arg15 : memref<128x32xf32, #tpu.memory_space<vmem>>) dst(%dma_wait3A_180 : memref<10240x32xf32, #tpu.memory_space<vmem_shared>>)
      %add3A_181 = arith.constant 2 : i32
      %add3A_182 = arith.addi %add3A_166, %add3A_181 : i32
      %mul3A_183 = arith.constant 128 : i32
      %mul3A_184 = arith.muli %add3A_182, %mul3A_183 : i32
      %add3A_185 = arith.addi %mul3A_2, %mul3A_184 : i32
      %min3A_186 = arith.constant 159872 : i32
      %min3A_187 = arith.minsi %add3A_185, %min3A_186 : i32
      %dma_start3A_188 = tpu.memref_slice %arg2[%min3A_187] : memref<160000xi32, #tpu.memory_space<hbm>> -> memref<128xi32, #tpu.memory_space<hbm>>
      %dma_start3A_189 = tpu.memref_slice %arg2[%min3A_187] : memref<160000xi32, #tpu.memory_space<hbm>> -> memref<128xi32, #tpu.memory_space<hbm>>
      tpu.enqueue_dma source(%dma_start3A_189 : memref<128xi32, #tpu.memory_space<hbm>>) target(%arg7 : memref<128xi32, #tpu.memory_space<vmem>>) target_semaphore(%arg19 : memref<!tpu.dma_semaphore, #tpu.memory_space<semaphore_mem>>)
      %mul3A_190 = arith.constant 128 : i32
      %mul3A_191 = arith.muli %add3A_182, %mul3A_190 : i32
      %add3A_192 = arith.addi %mul3A_2, %mul3A_191 : i32
      %min3A_193 = arith.constant 159872 : i32
      %min3A_194 = arith.minsi %add3A_192, %min3A_193 : i32
      %dma_start3A_195 = tpu.memref_slice %arg3[%min3A_194] : memref<160000xi32, #tpu.memory_space<hbm>> -> memref<128xi32, #tpu.memory_space<hbm>>
      %dma_start3A_196 = tpu.memref_slice %arg3[%min3A_194] : memref<160000xi32, #tpu.memory_space<hbm>> -> memref<128xi32, #tpu.memory_space<hbm>>
      tpu.enqueue_dma source(%dma_start3A_196 : memref<128xi32, #tpu.memory_space<hbm>>) target(%arg11 : memref<128xi32, #tpu.memory_space<vmem>>) target_semaphore(%arg19 : memref<!tpu.dma_semaphore, #tpu.memory_space<semaphore_mem>>)
      %dma_wait3A_197 = arith.constant 0 : i32
      %dma_wait3A_198 = arith.constant 0 : i32
      %dma_wait3A_199 = tpu.memref_slice %arg4[%dma_wait3A_197, %dma_wait3A_198] : memref<10000x32xf32, #tpu.memory_space<hbm>> -> memref<10000x32xf32, #tpu.memory_space<hbm>>
      tpu.wait_indirect_dma semaphore(%arg25 : memref<!tpu.dma_semaphore, #tpu.memory_space<semaphore_mem>>) src(%dma_wait3A_199 : memref<10000x32xf32, #tpu.memory_space<hbm>>) dst(%arg17 : memref<128x32xf32, #tpu.memory_space<vmem>>)
      %dma_start3A_200 = arith.constant 0 : i32
      %dma_start3A_201 = arith.constant 0 : i32
      %dma_start3A_202 = tpu.memref_slice %arg35[%dma_start3A_200, %dma_start3A_201] : memref<10240x32xf32, #tpu.memory_space<vmem_shared>> -> memref<10240x32xf32, #tpu.memory_space<vmem_shared>>
      tpu.enqueue_indirect_dma source(%arg17 : memref<128x32xf32, #tpu.memory_space<vmem>>) target(%dma_start3A_202 : memref<10240x32xf32, #tpu.memory_space<vmem_shared>>) offsets(%arg13 : memref<128xi32, #tpu.memory_space<vmem>>) semaphore(%arg29 : memref<!tpu.dma_semaphore, #tpu.memory_space<semaphore_mem>>) {add = true}
      %add3A_203 = arith.constant 1 : i32
      %add3A_204 = arith.addi %add3A_164, %add3A_203 : i32
      %dma_wait3A_205 = arith.constant 0 : i32
      %dma_wait3A_206 = tpu.memref_slice %arg2[%dma_wait3A_205] : memref<160000xi32, #tpu.memory_space<hbm>> -> memref<128xi32, #tpu.memory_space<hbm>>
      %dma_wait3A_207 = arith.constant 0 : i32
      %dma_wait3A_208 = tpu.memref_slice %arg2[%dma_wait3A_207] : memref<160000xi32, #tpu.memory_space<hbm>> -> memref<128xi32, #tpu.memory_space<hbm>>
      tpu.wait_dma2 semaphore(%arg19 : memref<!tpu.dma_semaphore, #tpu.memory_space<semaphore_mem>>) src(%dma_wait3A_208 : memref<128xi32, #tpu.memory_space<hbm>>) dst(%arg7 : memref<128xi32, #tpu.memory_space<vmem>>)
      %dma_wait3A_209 = arith.constant 0 : i32
      %dma_wait3A_210 = tpu.memref_slice %arg3[%dma_wait3A_209] : memref<160000xi32, #tpu.memory_space<hbm>> -> memref<128xi32, #tpu.memory_space<hbm>>
      %dma_wait3A_211 = arith.constant 0 : i32
      %dma_wait3A_212 = tpu.memref_slice %arg3[%dma_wait3A_211] : memref<160000xi32, #tpu.memory_space<hbm>> -> memref<128xi32, #tpu.memory_space<hbm>>
      tpu.wait_dma2 semaphore(%arg19 : memref<!tpu.dma_semaphore, #tpu.memory_space<semaphore_mem>>) src(%dma_wait3A_212 : memref<128xi32, #tpu.memory_space<hbm>>) dst(%arg11 : memref<128xi32, #tpu.memory_space<vmem>>)
      %dma_start3A_213 = arith.constant 0 : i32
      %dma_start3A_214 = arith.constant 0 : i32
      %dma_start3A_215 = tpu.memref_slice %arg4[%dma_start3A_213, %dma_start3A_214] : memref<10000x32xf32, #tpu.memory_space<hbm>> -> memref<10000x32xf32, #tpu.memory_space<hbm>>
      tpu.enqueue_indirect_dma source(%dma_start3A_215 : memref<10000x32xf32, #tpu.memory_space<hbm>>) target(%arg15 : memref<128x32xf32, #tpu.memory_space<vmem>>) offsets(%arg7 : memref<128xi32, #tpu.memory_space<vmem>>) semaphore(%arg23 : memref<!tpu.dma_semaphore, #tpu.memory_space<semaphore_mem>>)
      %dma_wait3A_216 = arith.constant 0 : i32
      %dma_wait3A_217 = arith.constant 0 : i32
      %dma_wait3A_218 = tpu.memref_slice %arg35[%dma_wait3A_216, %dma_wait3A_217] : memref<10240x32xf32, #tpu.memory_space<vmem_shared>> -> memref<10240x32xf32, #tpu.memory_space<vmem_shared>>
      tpu.wait_indirect_dma semaphore(%arg28 : memref<!tpu.dma_semaphore, #tpu.memory_space<semaphore_mem>>) src(%arg16 : memref<128x32xf32, #tpu.memory_space<vmem>>) dst(%dma_wait3A_218 : memref<10240x32xf32, #tpu.memory_space<vmem_shared>>)
      %add3A_219 = arith.constant 2 : i32
      %add3A_220 = arith.addi %add3A_204, %add3A_219 : i32
      %mul3A_221 = arith.constant 128 : i32
      %mul3A_222 = arith.muli %add3A_220, %mul3A_221 : i32
      %add3A_223 = arith.addi %mul3A_2, %mul3A_222 : i32
      %min3A_224 = arith.constant 159872 : i32
      %min3A_225 = arith.minsi %add3A_223, %min3A_224 : i32
      %dma_start3A_226 = tpu.memref_slice %arg2[%min3A_225] : memref<160000xi32, #tpu.memory_space<hbm>> -> memref<128xi32, #tpu.memory_space<hbm>>
      %dma_start3A_227 = tpu.memref_slice %arg2[%min3A_225] : memref<160000xi32, #tpu.memory_space<hbm>> -> memref<128xi32, #tpu.memory_space<hbm>>
      tpu.enqueue_dma source(%dma_start3A_227 : memref<128xi32, #tpu.memory_space<hbm>>) target(%arg8 : memref<128xi32, #tpu.memory_space<vmem>>) target_semaphore(%arg20 : memref<!tpu.dma_semaphore, #tpu.memory_space<semaphore_mem>>)
      %mul3A_228 = arith.constant 128 : i32
      %mul3A_229 = arith.muli %add3A_220, %mul3A_228 : i32
      %add3A_230 = arith.addi %mul3A_2, %mul3A_229 : i32
      %min3A_231 = arith.constant 159872 : i32
      %min3A_232 = arith.minsi %add3A_230, %min3A_231 : i32
      %dma_start3A_233 = tpu.memref_slice %arg3[%min3A_232] : memref<160000xi32, #tpu.memory_space<hbm>> -> memref<128xi32, #tpu.memory_space<hbm>>
      %dma_start3A_234 = tpu.memref_slice %arg3[%min3A_232] : memref<160000xi32, #tpu.memory_space<hbm>> -> memref<128xi32, #tpu.memory_space<hbm>>
      tpu.enqueue_dma source(%dma_start3A_234 : memref<128xi32, #tpu.memory_space<hbm>>) target(%arg12 : memref<128xi32, #tpu.memory_space<vmem>>) target_semaphore(%arg20 : memref<!tpu.dma_semaphore, #tpu.memory_space<semaphore_mem>>)
      %dma_wait3A_235 = arith.constant 0 : i32
      %dma_wait3A_236 = arith.constant 0 : i32
      %dma_wait3A_237 = tpu.memref_slice %arg4[%dma_wait3A_235, %dma_wait3A_236] : memref<10000x32xf32, #tpu.memory_space<hbm>> -> memref<10000x32xf32, #tpu.memory_space<hbm>>
      tpu.wait_indirect_dma semaphore(%arg26 : memref<!tpu.dma_semaphore, #tpu.memory_space<semaphore_mem>>) src(%dma_wait3A_237 : memref<10000x32xf32, #tpu.memory_space<hbm>>) dst(%arg18 : memref<128x32xf32, #tpu.memory_space<vmem>>)
      %dma_start3A_238 = arith.constant 0 : i32
      %dma_start3A_239 = arith.constant 0 : i32
      %dma_start3A_240 = tpu.memref_slice %arg35[%dma_start3A_238, %dma_start3A_239] : memref<10240x32xf32, #tpu.memory_space<vmem_shared>> -> memref<10240x32xf32, #tpu.memory_space<vmem_shared>>
      tpu.enqueue_indirect_dma source(%arg18 : memref<128x32xf32, #tpu.memory_space<vmem>>) target(%dma_start3A_240 : memref<10240x32xf32, #tpu.memory_space<vmem_shared>>) offsets(%arg14 : memref<128xi32, #tpu.memory_space<vmem>>) semaphore(%arg30 : memref<!tpu.dma_semaphore, #tpu.memory_space<semaphore_mem>>) {add = true}
      %add3A_241 = arith.constant 2 : i32
      %add3A_242 = arith.addi %add3A_164, %add3A_241 : i32
      %dma_wait3A_243 = arith.constant 0 : i32
      %dma_wait3A_244 = tpu.memref_slice %arg2[%dma_wait3A_243] : memref<160000xi32, #tpu.memory_space<hbm>> -> memref<128xi32, #tpu.memory_space<hbm>>
      %dma_wait3A_245 = arith.constant 0 : i32
      %dma_wait3A_246 = tpu.memref_slice %arg2[%dma_wait3A_245] : memref<160000xi32, #tpu.memory_space<hbm>> -> memref<128xi32, #tpu.memory_space<hbm>>
      tpu.wait_dma2 semaphore(%arg20 : memref<!tpu.dma_semaphore, #tpu.memory_space<semaphore_mem>>) src(%dma_wait3A_246 : memref<128xi32, #tpu.memory_space<hbm>>) dst(%arg8 : memref<128xi32, #tpu.memory_space<vmem>>)
      %dma_wait3A_247 = arith.constant 0 : i32
      %dma_wait3A_248 = tpu.memref_slice %arg3[%dma_wait3A_247] : memref<160000xi32, #tpu.memory_space<hbm>> -> memref<128xi32, #tpu.memory_space<hbm>>
      %dma_wait3A_249 = arith.constant 0 : i32
      %dma_wait3A_250 = tpu.memref_slice %arg3[%dma_wait3A_249] : memref<160000xi32, #tpu.memory_space<hbm>> -> memref<128xi32, #tpu.memory_space<hbm>>
      tpu.wait_dma2 semaphore(%arg20 : memref<!tpu.dma_semaphore, #tpu.memory_space<semaphore_mem>>) src(%dma_wait3A_250 : memref<128xi32, #tpu.memory_space<hbm>>) dst(%arg12 : memref<128xi32, #tpu.memory_space<vmem>>)
      %dma_start3A_251 = arith.constant 0 : i32
      %dma_start3A_252 = arith.constant 0 : i32
      %dma_start3A_253 = tpu.memref_slice %arg4[%dma_start3A_251, %dma_start3A_252] : memref<10000x32xf32, #tpu.memory_space<hbm>> -> memref<10000x32xf32, #tpu.memory_space<hbm>>
      tpu.enqueue_indirect_dma source(%dma_start3A_253 : memref<10000x32xf32, #tpu.memory_space<hbm>>) target(%arg16 : memref<128x32xf32, #tpu.memory_space<vmem>>) offsets(%arg8 : memref<128xi32, #tpu.memory_space<vmem>>) semaphore(%arg24 : memref<!tpu.dma_semaphore, #tpu.memory_space<semaphore_mem>>)
      %dma_wait3A_254 = arith.constant 0 : i32
      %dma_wait3A_255 = arith.constant 0 : i32
      %dma_wait3A_256 = tpu.memref_slice %arg35[%dma_wait3A_254, %dma_wait3A_255] : memref<10240x32xf32, #tpu.memory_space<vmem_shared>> -> memref<10240x32xf32, #tpu.memory_space<vmem_shared>>
      tpu.wait_indirect_dma semaphore(%arg29 : memref<!tpu.dma_semaphore, #tpu.memory_space<semaphore_mem>>) src(%arg17 : memref<128x32xf32, #tpu.memory_space<vmem>>) dst(%dma_wait3A_256 : memref<10240x32xf32, #tpu.memory_space<vmem_shared>>)
      %add3A_257 = arith.constant 2 : i32
      %add3A_258 = arith.addi %add3A_242, %add3A_257 : i32
      %mul3A_259 = arith.constant 128 : i32
      %mul3A_260 = arith.muli %add3A_258, %mul3A_259 : i32
      %add3A_261 = arith.addi %mul3A_2, %mul3A_260 : i32
      %min3A_262 = arith.constant 159872 : i32
      %min3A_263 = arith.minsi %add3A_261, %min3A_262 : i32
      %dma_start3A_264 = tpu.memref_slice %arg2[%min3A_263] : memref<160000xi32, #tpu.memory_space<hbm>> -> memref<128xi32, #tpu.memory_space<hbm>>
      %dma_start3A_265 = tpu.memref_slice %arg2[%min3A_263] : memref<160000xi32, #tpu.memory_space<hbm>> -> memref<128xi32, #tpu.memory_space<hbm>>
      tpu.enqueue_dma source(%dma_start3A_265 : memref<128xi32, #tpu.memory_space<hbm>>) target(%arg9 : memref<128xi32, #tpu.memory_space<vmem>>) target_semaphore(%arg21 : memref<!tpu.dma_semaphore, #tpu.memory_space<semaphore_mem>>)
      %mul3A_266 = arith.constant 128 : i32
      %mul3A_267 = arith.muli %add3A_258, %mul3A_266 : i32
      %add3A_268 = arith.addi %mul3A_2, %mul3A_267 : i32
      %min3A_269 = arith.constant 159872 : i32
      %min3A_270 = arith.minsi %add3A_268, %min3A_269 : i32
      %dma_start3A_271 = tpu.memref_slice %arg3[%min3A_270] : memref<160000xi32, #tpu.memory_space<hbm>> -> memref<128xi32, #tpu.memory_space<hbm>>
      %dma_start3A_272 = tpu.memref_slice %arg3[%min3A_270] : memref<160000xi32, #tpu.memory_space<hbm>> -> memref<128xi32, #tpu.memory_space<hbm>>
      tpu.enqueue_dma source(%dma_start3A_272 : memref<128xi32, #tpu.memory_space<hbm>>) target(%arg13 : memref<128xi32, #tpu.memory_space<vmem>>) target_semaphore(%arg21 : memref<!tpu.dma_semaphore, #tpu.memory_space<semaphore_mem>>)
      %dma_wait3A_273 = arith.constant 0 : i32
      %dma_wait3A_274 = arith.constant 0 : i32
      %dma_wait3A_275 = tpu.memref_slice %arg4[%dma_wait3A_273, %dma_wait3A_274] : memref<10000x32xf32, #tpu.memory_space<hbm>> -> memref<10000x32xf32, #tpu.memory_space<hbm>>
      tpu.wait_indirect_dma semaphore(%arg23 : memref<!tpu.dma_semaphore, #tpu.memory_space<semaphore_mem>>) src(%dma_wait3A_275 : memref<10000x32xf32, #tpu.memory_space<hbm>>) dst(%arg15 : memref<128x32xf32, #tpu.memory_space<vmem>>)
      %dma_start3A_276 = arith.constant 0 : i32
      %dma_start3A_277 = arith.constant 0 : i32
      %dma_start3A_278 = tpu.memref_slice %arg35[%dma_start3A_276, %dma_start3A_277] : memref<10240x32xf32, #tpu.memory_space<vmem_shared>> -> memref<10240x32xf32, #tpu.memory_space<vmem_shared>>
      tpu.enqueue_indirect_dma source(%arg15 : memref<128x32xf32, #tpu.memory_space<vmem>>) target(%dma_start3A_278 : memref<10240x32xf32, #tpu.memory_space<vmem_shared>>) offsets(%arg11 : memref<128xi32, #tpu.memory_space<vmem>>) semaphore(%arg27 : memref<!tpu.dma_semaphore, #tpu.memory_space<semaphore_mem>>) {add = true}
      %add3A_279 = arith.constant 3 : i32
      %add3A_280 = arith.addi %add3A_164, %add3A_279 : i32
      %dma_wait3A_281 = arith.constant 0 : i32
      %dma_wait3A_282 = tpu.memref_slice %arg2[%dma_wait3A_281] : memref<160000xi32, #tpu.memory_space<hbm>> -> memref<128xi32, #tpu.memory_space<hbm>>
      %dma_wait3A_283 = arith.constant 0 : i32
      %dma_wait3A_284 = tpu.memref_slice %arg2[%dma_wait3A_283] : memref<160000xi32, #tpu.memory_space<hbm>> -> memref<128xi32, #tpu.memory_space<hbm>>
      tpu.wait_dma2 semaphore(%arg21 : memref<!tpu.dma_semaphore, #tpu.memory_space<semaphore_mem>>) src(%dma_wait3A_284 : memref<128xi32, #tpu.memory_space<hbm>>) dst(%arg9 : memref<128xi32, #tpu.memory_space<vmem>>)
      %dma_wait3A_285 = arith.constant 0 : i32
      %dma_wait3A_286 = tpu.memref_slice %arg3[%dma_wait3A_285] : memref<160000xi32, #tpu.memory_space<hbm>> -> memref<128xi32, #tpu.memory_space<hbm>>
      %dma_wait3A_287 = arith.constant 0 : i32
      %dma_wait3A_288 = tpu.memref_slice %arg3[%dma_wait3A_287] : memref<160000xi32, #tpu.memory_space<hbm>> -> memref<128xi32, #tpu.memory_space<hbm>>
      tpu.wait_dma2 semaphore(%arg21 : memref<!tpu.dma_semaphore, #tpu.memory_space<semaphore_mem>>) src(%dma_wait3A_288 : memref<128xi32, #tpu.memory_space<hbm>>) dst(%arg13 : memref<128xi32, #tpu.memory_space<vmem>>)
      %dma_start3A_289 = arith.constant 0 : i32
      %dma_start3A_290 = arith.constant 0 : i32
      %dma_start3A_291 = tpu.memref_slice %arg4[%dma_start3A_289, %dma_start3A_290] : memref<10000x32xf32, #tpu.memory_space<hbm>> -> memref<10000x32xf32, #tpu.memory_space<hbm>>
      tpu.enqueue_indirect_dma source(%dma_start3A_291 : memref<10000x32xf32, #tpu.memory_space<hbm>>) target(%arg17 : memref<128x32xf32, #tpu.memory_space<vmem>>) offsets(%arg9 : memref<128xi32, #tpu.memory_space<vmem>>) semaphore(%arg25 : memref<!tpu.dma_semaphore, #tpu.memory_space<semaphore_mem>>)
      %dma_wait3A_292 = arith.constant 0 : i32
      %dma_wait3A_293 = arith.constant 0 : i32
      %dma_wait3A_294 = tpu.memref_slice %arg35[%dma_wait3A_292, %dma_wait3A_293] : memref<10240x32xf32, #tpu.memory_space<vmem_shared>> -> memref<10240x32xf32, #tpu.memory_space<vmem_shared>>
      tpu.wait_indirect_dma semaphore(%arg30 : memref<!tpu.dma_semaphore, #tpu.memory_space<semaphore_mem>>) src(%arg18 : memref<128x32xf32, #tpu.memory_space<vmem>>) dst(%dma_wait3A_294 : memref<10240x32xf32, #tpu.memory_space<vmem_shared>>)
      %add3A_295 = arith.constant 2 : i32
      %add3A_296 = arith.addi %add3A_280, %add3A_295 : i32
      %mul3A_297 = arith.constant 128 : i32
      %mul3A_298 = arith.muli %add3A_296, %mul3A_297 : i32
      %add3A_299 = arith.addi %mul3A_2, %mul3A_298 : i32
      %min3A_300 = arith.constant 159872 : i32
      %min3A_301 = arith.minsi %add3A_299, %min3A_300 : i32
      %dma_start3A_302 = tpu.memref_slice %arg2[%min3A_301] : memref<160000xi32, #tpu.memory_space<hbm>> -> memref<128xi32, #tpu.memory_space<hbm>>
      %dma_start3A_303 = tpu.memref_slice %arg2[%min3A_301] : memref<160000xi32, #tpu.memory_space<hbm>> -> memref<128xi32, #tpu.memory_space<hbm>>
      tpu.enqueue_dma source(%dma_start3A_303 : memref<128xi32, #tpu.memory_space<hbm>>) target(%arg10 : memref<128xi32, #tpu.memory_space<vmem>>) target_semaphore(%arg22 : memref<!tpu.dma_semaphore, #tpu.memory_space<semaphore_mem>>)
      %mul3A_304 = arith.constant 128 : i32
      %mul3A_305 = arith.muli %add3A_296, %mul3A_304 : i32
      %add3A_306 = arith.addi %mul3A_2, %mul3A_305 : i32
      %min3A_307 = arith.constant 159872 : i32
      %min3A_308 = arith.minsi %add3A_306, %min3A_307 : i32
      %dma_start3A_309 = tpu.memref_slice %arg3[%min3A_308] : memref<160000xi32, #tpu.memory_space<hbm>> -> memref<128xi32, #tpu.memory_space<hbm>>
      %dma_start3A_310 = tpu.memref_slice %arg3[%min3A_308] : memref<160000xi32, #tpu.memory_space<hbm>> -> memref<128xi32, #tpu.memory_space<hbm>>
      tpu.enqueue_dma source(%dma_start3A_310 : memref<128xi32, #tpu.memory_space<hbm>>) target(%arg14 : memref<128xi32, #tpu.memory_space<vmem>>) target_semaphore(%arg22 : memref<!tpu.dma_semaphore, #tpu.memory_space<semaphore_mem>>)
      %dma_wait3A_311 = arith.constant 0 : i32
      %dma_wait3A_312 = arith.constant 0 : i32
      %dma_wait3A_313 = tpu.memref_slice %arg4[%dma_wait3A_311, %dma_wait3A_312] : memref<10000x32xf32, #tpu.memory_space<hbm>> -> memref<10000x32xf32, #tpu.memory_space<hbm>>
      tpu.wait_indirect_dma semaphore(%arg24 : memref<!tpu.dma_semaphore, #tpu.memory_space<semaphore_mem>>) src(%dma_wait3A_313 : memref<10000x32xf32, #tpu.memory_space<hbm>>) dst(%arg16 : memref<128x32xf32, #tpu.memory_space<vmem>>)
      %dma_start3A_314 = arith.constant 0 : i32
      %dma_start3A_315 = arith.constant 0 : i32
      %dma_start3A_316 = tpu.memref_slice %arg35[%dma_start3A_314, %dma_start3A_315] : memref<10240x32xf32, #tpu.memory_space<vmem_shared>> -> memref<10240x32xf32, #tpu.memory_space<vmem_shared>>
      tpu.enqueue_indirect_dma source(%arg16 : memref<128x32xf32, #tpu.memory_space<vmem>>) target(%dma_start3A_316 : memref<10240x32xf32, #tpu.memory_space<vmem_shared>>) offsets(%arg12 : memref<128xi32, #tpu.memory_space<vmem>>) semaphore(%arg28 : memref<!tpu.dma_semaphore, #tpu.memory_space<semaphore_mem>>) {add = true}
    }
    %scan3A_99 = arith.constant 9 : i32
    %dma_wait3A_100 = arith.constant 0 : i32
    %dma_wait3A_101 = tpu.memref_slice %arg2[%dma_wait3A_100] : memref<160000xi32, #tpu.memory_space<hbm>> -> memref<128xi32, #tpu.memory_space<hbm>>
    %dma_wait3A_102 = arith.constant 0 : i32
    %dma_wait3A_103 = tpu.memref_slice %arg2[%dma_wait3A_102] : memref<160000xi32, #tpu.memory_space<hbm>> -> memref<128xi32, #tpu.memory_space<hbm>>
    tpu.wait_dma2 semaphore(%arg22 : memref<!tpu.dma_semaphore, #tpu.memory_space<semaphore_mem>>) src(%dma_wait3A_103 : memref<128xi32, #tpu.memory_space<hbm>>) dst(%arg10 : memref<128xi32, #tpu.memory_space<vmem>>)
    %dma_wait3A_104 = arith.constant 0 : i32
    %dma_wait3A_105 = tpu.memref_slice %arg3[%dma_wait3A_104] : memref<160000xi32, #tpu.memory_space<hbm>> -> memref<128xi32, #tpu.memory_space<hbm>>
    %dma_wait3A_106 = arith.constant 0 : i32
    %dma_wait3A_107 = tpu.memref_slice %arg3[%dma_wait3A_106] : memref<160000xi32, #tpu.memory_space<hbm>> -> memref<128xi32, #tpu.memory_space<hbm>>
    tpu.wait_dma2 semaphore(%arg22 : memref<!tpu.dma_semaphore, #tpu.memory_space<semaphore_mem>>) src(%dma_wait3A_107 : memref<128xi32, #tpu.memory_space<hbm>>) dst(%arg14 : memref<128xi32, #tpu.memory_space<vmem>>)
    %dma_start3A_108 = arith.constant 0 : i32
    %dma_start3A_109 = arith.constant 0 : i32
    %dma_start3A_110 = tpu.memref_slice %arg4[%dma_start3A_108, %dma_start3A_109] : memref<10000x32xf32, #tpu.memory_space<hbm>> -> memref<10000x32xf32, #tpu.memory_space<hbm>>
    tpu.enqueue_indirect_dma source(%dma_start3A_110 : memref<10000x32xf32, #tpu.memory_space<hbm>>) target(%arg18 : memref<128x32xf32, #tpu.memory_space<vmem>>) offsets(%arg10 : memref<128xi32, #tpu.memory_space<vmem>>) semaphore(%arg26 : memref<!tpu.dma_semaphore, #tpu.memory_space<semaphore_mem>>)
    %dma_wait3A_111 = arith.constant 0 : i32
    %dma_wait3A_112 = arith.constant 0 : i32
    %dma_wait3A_113 = tpu.memref_slice %arg35[%dma_wait3A_111, %dma_wait3A_112] : memref<10240x32xf32, #tpu.memory_space<vmem_shared>> -> memref<10240x32xf32, #tpu.memory_space<vmem_shared>>
    tpu.wait_indirect_dma semaphore(%arg27 : memref<!tpu.dma_semaphore, #tpu.memory_space<semaphore_mem>>) src(%arg15 : memref<128x32xf32, #tpu.memory_space<vmem>>) dst(%dma_wait3A_113 : memref<10240x32xf32, #tpu.memory_space<vmem_shared>>)
    %add3A_114 = arith.constant 5120 : i32
    %add3A_115 = arith.addi %mul3A_2, %add3A_114 : i32
    %min3A_116 = arith.constant 159872 : i32
    %min3A_117 = arith.minsi %add3A_115, %min3A_116 : i32
    %dma_start3A_118 = tpu.memref_slice %arg2[%min3A_117] : memref<160000xi32, #tpu.memory_space<hbm>> -> memref<128xi32, #tpu.memory_space<hbm>>
    %dma_start3A_119 = tpu.memref_slice %arg2[%min3A_117] : memref<160000xi32, #tpu.memory_space<hbm>> -> memref<128xi32, #tpu.memory_space<hbm>>
    tpu.enqueue_dma source(%dma_start3A_119 : memref<128xi32, #tpu.memory_space<hbm>>) target(%arg7 : memref<128xi32, #tpu.memory_space<vmem>>) target_semaphore(%arg19 : memref<!tpu.dma_semaphore, #tpu.memory_space<semaphore_mem>>)
    %add3A_120 = arith.constant 5120 : i32
    %add3A_121 = arith.addi %mul3A_2, %add3A_120 : i32
    %min3A_122 = arith.constant 159872 : i32
    %min3A_123 = arith.minsi %add3A_121, %min3A_122 : i32
    %dma_start3A_124 = tpu.memref_slice %arg3[%min3A_123] : memref<160000xi32, #tpu.memory_space<hbm>> -> memref<128xi32, #tpu.memory_space<hbm>>
    %dma_start3A_125 = tpu.memref_slice %arg3[%min3A_123] : memref<160000xi32, #tpu.memory_space<hbm>> -> memref<128xi32, #tpu.memory_space<hbm>>
    tpu.enqueue_dma source(%dma_start3A_125 : memref<128xi32, #tpu.memory_space<hbm>>) target(%arg11 : memref<128xi32, #tpu.memory_space<vmem>>) target_semaphore(%arg19 : memref<!tpu.dma_semaphore, #tpu.memory_space<semaphore_mem>>)
    %dma_wait3A_126 = arith.constant 0 : i32
    %dma_wait3A_127 = arith.constant 0 : i32
    %dma_wait3A_128 = tpu.memref_slice %arg4[%dma_wait3A_126, %dma_wait3A_127] : memref<10000x32xf32, #tpu.memory_space<hbm>> -> memref<10000x32xf32, #tpu.memory_space<hbm>>
    tpu.wait_indirect_dma semaphore(%arg25 : memref<!tpu.dma_semaphore, #tpu.memory_space<semaphore_mem>>) src(%dma_wait3A_128 : memref<10000x32xf32, #tpu.memory_space<hbm>>) dst(%arg17 : memref<128x32xf32, #tpu.memory_space<vmem>>)
    %dma_start3A_129 = arith.constant 0 : i32
    %dma_start3A_130 = arith.constant 0 : i32
    %dma_start3A_131 = tpu.memref_slice %arg35[%dma_start3A_129, %dma_start3A_130] : memref<10240x32xf32, #tpu.memory_space<vmem_shared>> -> memref<10240x32xf32, #tpu.memory_space<vmem_shared>>
    tpu.enqueue_indirect_dma source(%arg17 : memref<128x32xf32, #tpu.memory_space<vmem>>) target(%dma_start3A_131 : memref<10240x32xf32, #tpu.memory_space<vmem_shared>>) offsets(%arg13 : memref<128xi32, #tpu.memory_space<vmem>>) semaphore(%arg29 : memref<!tpu.dma_semaphore, #tpu.memory_space<semaphore_mem>>) {add = true}
    %dma_wait3A_132 = arith.constant 0 : i32
    %dma_wait3A_133 = tpu.memref_slice %arg2[%dma_wait3A_132] : memref<160000xi32, #tpu.memory_space<hbm>> -> memref<128xi32, #tpu.memory_space<hbm>>
    %dma_wait3A_134 = arith.constant 0 : i32
    %dma_wait3A_135 = tpu.memref_slice %arg2[%dma_wait3A_134] : memref<160000xi32, #tpu.memory_space<hbm>> -> memref<128xi32, #tpu.memory_space<hbm>>
    tpu.wait_dma2 semaphore(%arg19 : memref<!tpu.dma_semaphore, #tpu.memory_space<semaphore_mem>>) src(%dma_wait3A_135 : memref<128xi32, #tpu.memory_space<hbm>>) dst(%arg7 : memref<128xi32, #tpu.memory_space<vmem>>)
    %dma_wait3A_136 = arith.constant 0 : i32
    %dma_wait3A_137 = tpu.memref_slice %arg3[%dma_wait3A_136] : memref<160000xi32, #tpu.memory_space<hbm>> -> memref<128xi32, #tpu.memory_space<hbm>>
    %dma_wait3A_138 = arith.constant 0 : i32
    %dma_wait3A_139 = tpu.memref_slice %arg3[%dma_wait3A_138] : memref<160000xi32, #tpu.memory_space<hbm>> -> memref<128xi32, #tpu.memory_space<hbm>>
    tpu.wait_dma2 semaphore(%arg19 : memref<!tpu.dma_semaphore, #tpu.memory_space<semaphore_mem>>) src(%dma_wait3A_139 : memref<128xi32, #tpu.memory_space<hbm>>) dst(%arg11 : memref<128xi32, #tpu.memory_space<vmem>>)
    %dma_wait3A_140 = arith.constant 0 : i32
    %dma_wait3A_141 = arith.constant 0 : i32
    %dma_wait3A_142 = tpu.memref_slice %arg4[%dma_wait3A_140, %dma_wait3A_141] : memref<10000x32xf32, #tpu.memory_space<hbm>> -> memref<10000x32xf32, #tpu.memory_space<hbm>>
    tpu.wait_indirect_dma semaphore(%arg26 : memref<!tpu.dma_semaphore, #tpu.memory_space<semaphore_mem>>) src(%dma_wait3A_142 : memref<10000x32xf32, #tpu.memory_space<hbm>>) dst(%arg18 : memref<128x32xf32, #tpu.memory_space<vmem>>)
    %dma_wait3A_143 = arith.constant 0 : i32
    %dma_wait3A_144 = arith.constant 0 : i32
    %dma_wait3A_145 = tpu.memref_slice %arg35[%dma_wait3A_143, %dma_wait3A_144] : memref<10240x32xf32, #tpu.memory_space<vmem_shared>> -> memref<10240x32xf32, #tpu.memory_space<vmem_shared>>
    tpu.wait_indirect_dma semaphore(%arg28 : memref<!tpu.dma_semaphore, #tpu.memory_space<semaphore_mem>>) src(%arg16 : memref<128x32xf32, #tpu.memory_space<vmem>>) dst(%dma_wait3A_145 : memref<10240x32xf32, #tpu.memory_space<vmem_shared>>)
    %dma_wait3A_146 = arith.constant 0 : i32
    %dma_wait3A_147 = arith.constant 0 : i32
    %dma_wait3A_148 = tpu.memref_slice %arg35[%dma_wait3A_146, %dma_wait3A_147] : memref<10240x32xf32, #tpu.memory_space<vmem_shared>> -> memref<10240x32xf32, #tpu.memory_space<vmem_shared>>
    tpu.wait_indirect_dma semaphore(%arg29 : memref<!tpu.dma_semaphore, #tpu.memory_space<semaphore_mem>>) src(%arg17 : memref<128x32xf32, #tpu.memory_space<vmem>>) dst(%dma_wait3A_148 : memref<10240x32xf32, #tpu.memory_space<vmem_shared>>)
    %add3A_149 = arith.constant 4992 : i32
    %add3A_150 = arith.addi %mul3A_2, %add3A_149 : i32
    "tpu.region"() ({
      %run_scoped3A = tpu.sem_alloc : memref<!tpu.dma_semaphore, #tpu.memory_space<semaphore_mem>>
      %dma_start3A_160 = tpu.memref_slice %arg2[%add3A_150] : memref<160000xi32, #tpu.memory_space<hbm>> -> memref<8xi32, #tpu.memory_space<hbm>>
      %dma_start3A_161 = tpu.memref_slice %arg2[%add3A_150] : memref<160000xi32, #tpu.memory_space<hbm>> -> memref<8xi32, #tpu.memory_space<hbm>>
      tpu.enqueue_dma source(%dma_start3A_161 : memref<8xi32, #tpu.memory_space<hbm>>) target(%arg31 : memref<8xi32, #tpu.memory_space<vmem>>) target_semaphore(%run_scoped3A : memref<!tpu.dma_semaphore, #tpu.memory_space<semaphore_mem>>)
      %dma_wait3A_162 = tpu.memref_slice %arg2[%add3A_150] : memref<160000xi32, #tpu.memory_space<hbm>> -> memref<8xi32, #tpu.memory_space<hbm>>
      %dma_wait3A_163 = tpu.memref_slice %arg2[%add3A_150] : memref<160000xi32, #tpu.memory_space<hbm>> -> memref<8xi32, #tpu.memory_space<hbm>>
      tpu.wait_dma2 semaphore(%run_scoped3A : memref<!tpu.dma_semaphore, #tpu.memory_space<semaphore_mem>>) src(%dma_wait3A_163 : memref<8xi32, #tpu.memory_space<hbm>>) dst(%arg31 : memref<8xi32, #tpu.memory_space<vmem>>)
      tpu.yield
    }) : () -> ()
    "tpu.region"() ({
      %run_scoped3A = tpu.sem_alloc : memref<!tpu.dma_semaphore, #tpu.memory_space<semaphore_mem>>
      %dma_start3A_160 = tpu.memref_slice %arg3[%add3A_150] : memref<160000xi32, #tpu.memory_space<hbm>> -> memref<8xi32, #tpu.memory_space<hbm>>
      %dma_start3A_161 = tpu.memref_slice %arg3[%add3A_150] : memref<160000xi32, #tpu.memory_space<hbm>> -> memref<8xi32, #tpu.memory_space<hbm>>
      tpu.enqueue_dma source(%dma_start3A_161 : memref<8xi32, #tpu.memory_space<hbm>>) target(%arg32 : memref<8xi32, #tpu.memory_space<vmem>>) target_semaphore(%run_scoped3A : memref<!tpu.dma_semaphore, #tpu.memory_space<semaphore_mem>>)
      %dma_wait3A_162 = tpu.memref_slice %arg3[%add3A_150] : memref<160000xi32, #tpu.memory_space<hbm>> -> memref<8xi32, #tpu.memory_space<hbm>>
      %dma_wait3A_163 = tpu.memref_slice %arg3[%add3A_150] : memref<160000xi32, #tpu.memory_space<hbm>> -> memref<8xi32, #tpu.memory_space<hbm>>
      tpu.wait_dma2 semaphore(%run_scoped3A : memref<!tpu.dma_semaphore, #tpu.memory_space<semaphore_mem>>) src(%dma_wait3A_163 : memref<8xi32, #tpu.memory_space<hbm>>) dst(%arg32 : memref<8xi32, #tpu.memory_space<vmem>>)
      tpu.yield
    }) : () -> ()
    %dma_start3A_151 = arith.constant 0 : i32
    %dma_start3A_152 = arith.constant 0 : i32
    %dma_start3A_153 = tpu.memref_slice %arg4[%dma_start3A_151, %dma_start3A_152] : memref<10000x32xf32, #tpu.memory_space<hbm>> -> memref<10000x32xf32, #tpu.memory_space<hbm>>
    tpu.enqueue_indirect_dma source(%dma_start3A_153 : memref<10000x32xf32, #tpu.memory_space<hbm>>) target(%arg33 : memref<8x32xf32, #tpu.memory_space<vmem>>) offsets(%arg31 : memref<8xi32, #tpu.memory_space<vmem>>) semaphore(%arg36 : memref<!tpu.dma_semaphore, #tpu.memory_space<semaphore_mem>>)
    %dma_wait3A_154 = arith.constant 0 : i32
    %dma_wait3A_155 = arith.constant 0 : i32
    %dma_wait3A_156 = tpu.memref_slice %arg4[%dma_wait3A_154, %dma_wait3A_155] : memref<10000x32xf32, #tpu.memory_space<hbm>> -> memref<10000x32xf32, #tpu.memory_space<hbm>>
    tpu.wait_indirect_dma semaphore(%arg36 : memref<!tpu.dma_semaphore, #tpu.memory_space<semaphore_mem>>) src(%dma_wait3A_156 : memref<10000x32xf32, #tpu.memory_space<hbm>>) dst(%arg33 : memref<8x32xf32, #tpu.memory_space<vmem>>)
    "tpu.region"() ({
      %run_scoped3A = tpu.sem_alloc : memref<!tpu.dma_semaphore, #tpu.memory_space<semaphore_mem>>
      %dma_start3A_160 = arith.constant 0 : i32
      %dma_start3A_161 = arith.constant 0 : i32
      %dma_start3A_162 = tpu.memref_slice %arg35[%dma_start3A_160, %dma_start3A_161] : memref<10240x32xf32, #tpu.memory_space<vmem_shared>> -> memref<10240x32xf32, #tpu.memory_space<vmem_shared>>
      tpu.enqueue_indirect_dma source(%arg33 : memref<8x32xf32, #tpu.memory_space<vmem>>) target(%dma_start3A_162 : memref<10240x32xf32, #tpu.memory_space<vmem_shared>>) offsets(%arg32 : memref<8xi32, #tpu.memory_space<vmem>>) semaphore(%run_scoped3A : memref<!tpu.dma_semaphore, #tpu.memory_space<semaphore_mem>>) {add = true}
      %dma_wait3A_163 = arith.constant 0 : i32
      %dma_wait3A_164 = arith.constant 0 : i32
      %dma_wait3A_165 = tpu.memref_slice %arg35[%dma_wait3A_163, %dma_wait3A_164] : memref<10240x32xf32, #tpu.memory_space<vmem_shared>> -> memref<10240x32xf32, #tpu.memory_space<vmem_shared>>
      tpu.wait_indirect_dma semaphore(%run_scoped3A : memref<!tpu.dma_semaphore, #tpu.memory_space<semaphore_mem>>) src(%arg33 : memref<8x32xf32, #tpu.memory_space<vmem>>) dst(%dma_wait3A_165 : memref<10240x32xf32, #tpu.memory_space<vmem_shared>>)
      tpu.yield
    }) : () -> ()
    %barrier3A_157 = arith.constant 0 : index
    tpu.barrier barrier_id(%barrier3A_157)
    %mul3A_158 = arith.constant 640 : i32
    %mul3A_159 = arith.muli %arg1, %mul3A_158 : i32
    "tpu.region"() ({
      %run_scoped3A = tpu.sem_alloc : memref<!tpu.dma_semaphore, #tpu.memory_space<semaphore_mem>>
      %dma_start3A_160 = arith.constant 0 : i32
      %dma_start3A_161 = tpu.memref_slice %arg35[%mul3A_159, %dma_start3A_160] : memref<10240x32xf32, #tpu.memory_space<vmem_shared>> -> memref<640x32xf32, #tpu.memory_space<vmem_shared>>
      %dma_start3A_162 = arith.constant 0 : i32
      %dma_start3A_163 = tpu.memref_slice %arg35[%mul3A_159, %dma_start3A_162] : memref<10240x32xf32, #tpu.memory_space<vmem_shared>> -> memref<640x32xf32, #tpu.memory_space<vmem_shared>>
      tpu.enqueue_dma source(%dma_start3A_163 : memref<640x32xf32, #tpu.memory_space<vmem_shared>>) target(%arg34 : memref<640x32xf32, #tpu.memory_space<vmem>>) target_semaphore(%run_scoped3A : memref<!tpu.dma_semaphore, #tpu.memory_space<semaphore_mem>>)
      %dma_wait3A_164 = arith.constant 0 : i32
      %dma_wait3A_165 = tpu.memref_slice %arg35[%mul3A_159, %dma_wait3A_164] : memref<10240x32xf32, #tpu.memory_space<vmem_shared>> -> memref<640x32xf32, #tpu.memory_space<vmem_shared>>
      %dma_wait3A_166 = arith.constant 0 : i32
      %dma_wait3A_167 = tpu.memref_slice %arg35[%mul3A_159, %dma_wait3A_166] : memref<10240x32xf32, #tpu.memory_space<vmem_shared>> -> memref<640x32xf32, #tpu.memory_space<vmem_shared>>
      tpu.wait_dma2 semaphore(%run_scoped3A : memref<!tpu.dma_semaphore, #tpu.memory_space<semaphore_mem>>) src(%dma_wait3A_167 : memref<640x32xf32, #tpu.memory_space<vmem_shared>>) dst(%arg34 : memref<640x32xf32, #tpu.memory_space<vmem>>)
      tpu.yield
    }) : () -> ()
    "tpu.region"() ({
      %run_scoped3A = tpu.sem_alloc : memref<!tpu.dma_semaphore, #tpu.memory_space<semaphore_mem>>
      %dma_start3A_160 = arith.constant 0 : i32
      %dma_start3A_161 = tpu.memref_slice %arg6[%arg0, %mul3A_159, %dma_start3A_160] : memref<2x10240x32xf32, #tpu.memory_space<hbm>> -> memref<1x640x32xf32, #tpu.memory_space<hbm>>
      %dma_start3A_162 = tpu.memref_squeeze %dma_start3A_161 : memref<1x640x32xf32, #tpu.memory_space<hbm>> -> memref<640x32xf32, #tpu.memory_space<hbm>>
      %dma_start3A_163 = arith.constant 0 : i32
      %dma_start3A_164 = tpu.memref_slice %arg6[%arg0, %mul3A_159, %dma_start3A_163] : memref<2x10240x32xf32, #tpu.memory_space<hbm>> -> memref<1x640x32xf32, #tpu.memory_space<hbm>>
      %dma_start3A_165 = tpu.memref_squeeze %dma_start3A_164 : memref<1x640x32xf32, #tpu.memory_space<hbm>> -> memref<640x32xf32, #tpu.memory_space<hbm>>
      tpu.enqueue_dma source(%arg34 : memref<640x32xf32, #tpu.memory_space<vmem>>) target(%dma_start3A_165 : memref<640x32xf32, #tpu.memory_space<hbm>>) target_semaphore(%run_scoped3A : memref<!tpu.dma_semaphore, #tpu.memory_space<semaphore_mem>>)
      %dma_wait3A_166 = arith.constant 0 : i32
      %dma_wait3A_167 = tpu.memref_slice %arg6[%arg0, %mul3A_159, %dma_wait3A_166] : memref<2x10240x32xf32, #tpu.memory_space<hbm>> -> memref<1x640x32xf32, #tpu.memory_space<hbm>>
      %dma_wait3A_168 = tpu.memref_squeeze %dma_wait3A_167 : memref<1x640x32xf32, #tpu.memory_space<hbm>> -> memref<640x32xf32, #tpu.memory_space<hbm>>
      %dma_wait3A_169 = arith.constant 0 : i32
      %dma_wait3A_170 = tpu.memref_slice %arg6[%arg0, %mul3A_159, %dma_wait3A_169] : memref<2x10240x32xf32, #tpu.memory_space<hbm>> -> memref<1x640x32xf32, #tpu.memory_space<hbm>>
      %dma_wait3A_171 = tpu.memref_squeeze %dma_wait3A_170 : memref<1x640x32xf32, #tpu.memory_space<hbm>> -> memref<640x32xf32, #tpu.memory_space<hbm>>
      tpu.wait_dma2 semaphore(%run_scoped3A : memref<!tpu.dma_semaphore, #tpu.memory_space<semaphore_mem>>) src(%arg34 : memref<640x32xf32, #tpu.memory_space<vmem>>) dst(%dma_wait3A_171 : memref<640x32xf32, #tpu.memory_space<hbm>>)
      tpu.yield
    }) : () -> ()
    return
  }
}

module attributes {stable_mosaic.version = 14 : i64} {
  func.func @_tc1_body(%arg0: memref<10000x128xf32, #tpu.memory_space<vmem>>, %arg1: memref<128x32xf32, #tpu.memory_space<vmem>>, %arg2: memref<2x10240x8xf32, #tpu.memory_space<vmem>>, %arg3: memref<10000x32xf32, #tpu.memory_space<vmem>>) attributes {dimension_semantics = [], scalar_prefetch = 0 : i64, scratch_operands = 0 : i64, tpu.core_type = #tpu.core_type<tc>} {
    %get3A = arith.constant 0 : index
    %get3A_0 = arith.constant 0 : index
    %get3A_1 = arith.constant 0 : index
    %get3A_2 = vector.load %arg2[%get3A, %get3A_0, %get3A_1] : memref<2x10240x8xf32, #tpu.memory_space<vmem>>, vector<2x10240x8xf32>
    %slice3A = vector.extract_strided_slice %get3A_2 {offsets = [0, 0, 0], sizes = [1, 10240, 8], strides = [1, 1, 1]} : vector<2x10240x8xf32> to vector<1x10240x8xf32>
    %squeeze3A = vector.shape_cast %slice3A : vector<1x10240x8xf32> to vector<10240x8xf32>
    %slice3A_3 = vector.extract_strided_slice %get3A_2 {offsets = [1, 0, 0], sizes = [1, 10240, 8], strides = [1, 1, 1]} : vector<2x10240x8xf32> to vector<1x10240x8xf32>
    %squeeze3A_4 = vector.shape_cast %slice3A_3 : vector<1x10240x8xf32> to vector<10240x8xf32>
    %add3A = arith.addf %squeeze3A, %squeeze3A_4 : vector<10240x8xf32>
    %max3A = arith.constant 1.000000e+00 : f32
    %max3A_5 = vector.broadcast %max3A : f32 to vector<10240x8xf32>
    %max3A_6 = arith.maximumf %add3A, %max3A_5 : vector<10240x8xf32>
    %rsqrt3A = math.rsqrt %max3A_6 : vector<10240x8xf32>
    %slice3A_7 = vector.extract_strided_slice %rsqrt3A {offsets = [0, 0], sizes = [10000, 1], strides = [1, 1]} : vector<10240x8xf32> to vector<10000x1xf32>
    %get3A_8 = arith.constant 0 : index
    %get3A_9 = arith.constant 0 : index
    %get3A_10 = vector.load %arg0[%get3A_8, %get3A_9] : memref<10000x128xf32, #tpu.memory_space<vmem>>, vector<10000x128xf32>
    %get3A_11 = arith.constant 0 : index
    %get3A_12 = arith.constant 0 : index
    %get3A_13 = vector.load %arg1[%get3A_11, %get3A_12] : memref<128x32xf32, #tpu.memory_space<vmem>>, vector<128x32xf32>
    %dot_general3A = arith.constant dense<0.000000e+00> : vector<10000x32xf32>
    %dot_general3A_14 = tpu.matmul %get3A_10, %get3A_13, %dot_general3A {dimension_numbers = #tpu.dot_dimension_numbers<[1], [0], [0], [1], [0, 0, 1, 1], [], []>, transpose_lhs_hint = false} : vector<10000x128xf32>, vector<128x32xf32>, vector<10000x32xf32> -> vector<10000x32xf32>
    %mul3A = vector.broadcast %slice3A_7 : vector<10000x1xf32> to vector<10000x32xf32>
    %mul3A_15 = arith.mulf %dot_general3A_14, %mul3A : vector<10000x32xf32>
    %swap3A = arith.constant 0 : index
    %swap3A_16 = arith.constant 0 : index
    %swap3A_17 = vector.load %arg3[%swap3A, %swap3A_16] : memref<10000x32xf32, #tpu.memory_space<vmem>>, vector<10000x32xf32>
    tpu.vector_store %arg3[%swap3A, %swap3A_16], %mul3A_15 {strides = array<i32>} : memref<10000x32xf32, #tpu.memory_space<vmem>>, vector<10000x32xf32>,
    return
  }
}

module attributes {stable_mosaic.version = 14 : i64} {
  func.func @_tc2_body(%arg0: memref<2x10240x32xf32, #tpu.memory_space<vmem>>, %arg1: memref<2x10240x8xf32, #tpu.memory_space<vmem>>, %arg2: memref<2x10240x8xf32, #tpu.memory_space<vmem>>, %arg3: memref<1x32xf32, #tpu.memory_space<vmem>>, %arg4: memref<10000x32xf32, #tpu.memory_space<vmem>>) attributes {dimension_semantics = [], scalar_prefetch = 0 : i64, scratch_operands = 0 : i64, tpu.core_type = #tpu.core_type<tc>} {
    %get3A = arith.constant 0 : index
    %get3A_0 = arith.constant 0 : index
    %get3A_1 = arith.constant 0 : index
    %get3A_2 = vector.load %arg0[%get3A, %get3A_0, %get3A_1] : memref<2x10240x32xf32, #tpu.memory_space<vmem>>, vector<1x10000x32xf32>
    %get3A_3 = vector.shape_cast %get3A_2 : vector<1x10000x32xf32> to vector<10000x32xf32>
    %get3A_4 = arith.constant 1 : index
    %get3A_5 = arith.constant 0 : index
    %get3A_6 = arith.constant 0 : index
    %get3A_7 = vector.load %arg0[%get3A_4, %get3A_5, %get3A_6] : memref<2x10240x32xf32, #tpu.memory_space<vmem>>, vector<1x10000x32xf32>
    %get3A_8 = vector.shape_cast %get3A_7 : vector<1x10000x32xf32> to vector<10000x32xf32>
    %add3A = arith.addf %get3A_3, %get3A_8 : vector<10000x32xf32>
    %get3A_9 = arith.constant 0 : index
    %get3A_10 = arith.constant 0 : index
    %get3A_11 = arith.constant 0 : index
    %get3A_12 = vector.load %arg1[%get3A_9, %get3A_10, %get3A_11] : memref<2x10240x8xf32, #tpu.memory_space<vmem>>, vector<2x10240x8xf32>
    %slice3A = vector.extract_strided_slice %get3A_12 {offsets = [0, 0, 0], sizes = [1, 10240, 8], strides = [1, 1, 1]} : vector<2x10240x8xf32> to vector<1x10240x8xf32>
    %squeeze3A = vector.shape_cast %slice3A : vector<1x10240x8xf32> to vector<10240x8xf32>
    %slice3A_13 = vector.extract_strided_slice %get3A_12 {offsets = [1, 0, 0], sizes = [1, 10240, 8], strides = [1, 1, 1]} : vector<2x10240x8xf32> to vector<1x10240x8xf32>
    %squeeze3A_14 = vector.shape_cast %slice3A_13 : vector<1x10240x8xf32> to vector<10240x8xf32>
    %add3A_15 = arith.addf %squeeze3A, %squeeze3A_14 : vector<10240x8xf32>
    %max3A = arith.constant 1.000000e+00 : f32
    %max3A_16 = vector.broadcast %max3A : f32 to vector<10240x8xf32>
    %max3A_17 = arith.maximumf %add3A_15, %max3A_16 : vector<10240x8xf32>
    %rsqrt3A = math.rsqrt %max3A_17 : vector<10240x8xf32>
    %slice3A_18 = vector.extract_strided_slice %rsqrt3A {offsets = [0, 0], sizes = [10000, 1], strides = [1, 1]} : vector<10240x8xf32> to vector<10000x1xf32>
    %get3A_19 = arith.constant 0 : index
    %get3A_20 = arith.constant 0 : index
    %get3A_21 = arith.constant 0 : index
    %get3A_22 = vector.load %arg2[%get3A_19, %get3A_20, %get3A_21] : memref<2x10240x8xf32, #tpu.memory_space<vmem>>, vector<2x10240x8xf32>
    %slice3A_23 = vector.extract_strided_slice %get3A_22 {offsets = [0, 0, 0], sizes = [1, 10240, 8], strides = [1, 1, 1]} : vector<2x10240x8xf32> to vector<1x10240x8xf32>
    %squeeze3A_24 = vector.shape_cast %slice3A_23 : vector<1x10240x8xf32> to vector<10240x8xf32>
    %slice3A_25 = vector.extract_strided_slice %get3A_22 {offsets = [1, 0, 0], sizes = [1, 10240, 8], strides = [1, 1, 1]} : vector<2x10240x8xf32> to vector<1x10240x8xf32>
    %squeeze3A_26 = vector.shape_cast %slice3A_25 : vector<1x10240x8xf32> to vector<10240x8xf32>
    %add3A_27 = arith.addf %squeeze3A_24, %squeeze3A_26 : vector<10240x8xf32>
    %max3A_28 = arith.constant 1.000000e+00 : f32
    %max3A_29 = vector.broadcast %max3A_28 : f32 to vector<10240x8xf32>
    %max3A_30 = arith.maximumf %add3A_27, %max3A_29 : vector<10240x8xf32>
    %rsqrt3A_31 = math.rsqrt %max3A_30 : vector<10240x8xf32>
    %slice3A_32 = vector.extract_strided_slice %rsqrt3A_31 {offsets = [0, 0], sizes = [10000, 1], strides = [1, 1]} : vector<10240x8xf32> to vector<10000x1xf32>
    %mul3A = vector.broadcast %slice3A_18 : vector<10000x1xf32> to vector<10000x32xf32>
    %mul3A_33 = arith.mulf %add3A, %mul3A : vector<10000x32xf32>
    %get3A_34 = arith.constant 0 : index
    %get3A_35 = arith.constant 0 : index
    %get3A_36 = vector.load %arg3[%get3A_34, %get3A_35] : memref<1x32xf32, #tpu.memory_space<vmem>>, vector<1x32xf32>
    %add3A_37 = vector.broadcast %get3A_36 : vector<1x32xf32> to vector<10000x32xf32>
    %add3A_38 = arith.addf %mul3A_33, %add3A_37 : vector<10000x32xf32>
    %max3A_39 = arith.constant 0.000000e+00 : f32
    %max3A_40 = vector.broadcast %max3A_39 : f32 to vector<10000x32xf32>
    %max3A_41 = arith.maximumf %add3A_38, %max3A_40 : vector<10000x32xf32>
    %mul3A_42 = vector.broadcast %slice3A_32 : vector<10000x1xf32> to vector<10000x32xf32>
    %mul3A_43 = arith.mulf %max3A_41, %mul3A_42 : vector<10000x32xf32>
    %swap3A = arith.constant 0 : index
    %swap3A_44 = arith.constant 0 : index
    %swap3A_45 = vector.load %arg4[%swap3A, %swap3A_44] : memref<10000x32xf32, #tpu.memory_space<vmem>>, vector<10000x32xf32>
    tpu.vector_store %arg4[%swap3A, %swap3A_44], %mul3A_43 {strides = array<i32>} : memref<10000x32xf32, #tpu.memory_space<vmem>>, vector<10000x32xf32>,
    return
  }
}

module attributes {stable_mosaic.version = 14 : i64} {
  func.func @_tc3_body(%arg0: memref<2x10240x32xf32, #tpu.memory_space<vmem>>, %arg1: memref<2x10240x8xf32, #tpu.memory_space<vmem>>, %arg2: memref<32x16xf32, #tpu.memory_space<vmem>>, %arg3: memref<1x16xf32, #tpu.memory_space<vmem>>, %arg4: memref<32x16xf32, #tpu.memory_space<vmem>>, %arg5: memref<1x16xf32, #tpu.memory_space<vmem>>, %arg6: memref<10000x16xf32, #tpu.memory_space<vmem>>, %arg7: memref<10000x16xf32, #tpu.memory_space<vmem>>) attributes {dimension_semantics = [], scalar_prefetch = 0 : i64, scratch_operands = 0 : i64, tpu.core_type = #tpu.core_type<tc>} {
    %get3A = arith.constant 0 : index
    %get3A_0 = arith.constant 0 : index
    %get3A_1 = arith.constant 0 : index
    %get3A_2 = vector.load %arg0[%get3A, %get3A_0, %get3A_1] : memref<2x10240x32xf32, #tpu.memory_space<vmem>>, vector<1x10000x32xf32>
    %get3A_3 = vector.shape_cast %get3A_2 : vector<1x10000x32xf32> to vector<10000x32xf32>
    %get3A_4 = arith.constant 1 : index
    %get3A_5 = arith.constant 0 : index
    %get3A_6 = arith.constant 0 : index
    %get3A_7 = vector.load %arg0[%get3A_4, %get3A_5, %get3A_6] : memref<2x10240x32xf32, #tpu.memory_space<vmem>>, vector<1x10000x32xf32>
    %get3A_8 = vector.shape_cast %get3A_7 : vector<1x10000x32xf32> to vector<10000x32xf32>
    %add3A = arith.addf %get3A_3, %get3A_8 : vector<10000x32xf32>
    %get3A_9 = arith.constant 0 : index
    %get3A_10 = arith.constant 0 : index
    %get3A_11 = arith.constant 0 : index
    %get3A_12 = vector.load %arg1[%get3A_9, %get3A_10, %get3A_11] : memref<2x10240x8xf32, #tpu.memory_space<vmem>>, vector<2x10240x8xf32>
    %slice3A = vector.extract_strided_slice %get3A_12 {offsets = [0, 0, 0], sizes = [1, 10240, 8], strides = [1, 1, 1]} : vector<2x10240x8xf32> to vector<1x10240x8xf32>
    %squeeze3A = vector.shape_cast %slice3A : vector<1x10240x8xf32> to vector<10240x8xf32>
    %slice3A_13 = vector.extract_strided_slice %get3A_12 {offsets = [1, 0, 0], sizes = [1, 10240, 8], strides = [1, 1, 1]} : vector<2x10240x8xf32> to vector<1x10240x8xf32>
    %squeeze3A_14 = vector.shape_cast %slice3A_13 : vector<1x10240x8xf32> to vector<10240x8xf32>
    %add3A_15 = arith.addf %squeeze3A, %squeeze3A_14 : vector<10240x8xf32>
    %max3A = arith.constant 1.000000e+00 : f32
    %max3A_16 = vector.broadcast %max3A : f32 to vector<10240x8xf32>
    %max3A_17 = arith.maximumf %add3A_15, %max3A_16 : vector<10240x8xf32>
    %rsqrt3A = math.rsqrt %max3A_17 : vector<10240x8xf32>
    %slice3A_18 = vector.extract_strided_slice %rsqrt3A {offsets = [0, 0], sizes = [10000, 1], strides = [1, 1]} : vector<10240x8xf32> to vector<10000x1xf32>
    %mul3A = vector.broadcast %slice3A_18 : vector<10000x1xf32> to vector<10000x32xf32>
    %mul3A_19 = arith.mulf %add3A, %mul3A : vector<10000x32xf32>
    %get3A_20 = arith.constant 0 : index
    %get3A_21 = arith.constant 0 : index
    %get3A_22 = vector.load %arg2[%get3A_20, %get3A_21] : memref<32x16xf32, #tpu.memory_space<vmem>>, vector<32x16xf32>
    %dot_general3A = arith.constant dense<0.000000e+00> : vector<10000x16xf32>
    %dot_general3A_23 = tpu.matmul %mul3A_19, %get3A_22, %dot_general3A {dimension_numbers = #tpu.dot_dimension_numbers<[1], [0], [0], [1], [0, 0, 1, 1], [], []>, transpose_lhs_hint = false} : vector<10000x32xf32>, vector<32x16xf32>, vector<10000x16xf32> -> vector<10000x16xf32>
    %get3A_24 = arith.constant 0 : index
    %get3A_25 = arith.constant 0 : index
    %get3A_26 = vector.load %arg3[%get3A_24, %get3A_25] : memref<1x16xf32, #tpu.memory_space<vmem>>, vector<1x16xf32>
    %add3A_27 = vector.broadcast %get3A_26 : vector<1x16xf32> to vector<10000x16xf32>
    %add3A_28 = arith.addf %dot_general3A_23, %add3A_27 : vector<10000x16xf32>
    %get3A_29 = arith.constant 0 : index
    %get3A_30 = arith.constant 0 : index
    %get3A_31 = vector.load %arg4[%get3A_29, %get3A_30] : memref<32x16xf32, #tpu.memory_space<vmem>>, vector<32x16xf32>
    %dot_general3A_32 = arith.constant dense<0.000000e+00> : vector<10000x16xf32>
    %dot_general3A_33 = tpu.matmul %mul3A_19, %get3A_31, %dot_general3A_32 {dimension_numbers = #tpu.dot_dimension_numbers<[1], [0], [0], [1], [0, 0, 1, 1], [], []>, transpose_lhs_hint = false} : vector<10000x32xf32>, vector<32x16xf32>, vector<10000x16xf32> -> vector<10000x16xf32>
    %get3A_34 = arith.constant 0 : index
    %get3A_35 = arith.constant 0 : index
    %get3A_36 = vector.load %arg5[%get3A_34, %get3A_35] : memref<1x16xf32, #tpu.memory_space<vmem>>, vector<1x16xf32>
    %add3A_37 = vector.broadcast %get3A_36 : vector<1x16xf32> to vector<10000x16xf32>
    %add3A_38 = arith.addf %dot_general3A_33, %add3A_37 : vector<10000x16xf32>
    %get3A_39 = arith.constant 0 : index
    %get3A_40 = arith.constant 0 : index
    %get3A_41 = vector.load %arg6[%get3A_39, %get3A_40] : memref<10000x16xf32, #tpu.memory_space<vmem>>, vector<10000x16xf32>
    %exp3A = math.exp %add3A_38 : vector<10000x16xf32>
    %mul3A_42 = arith.mulf %get3A_41, %exp3A : vector<10000x16xf32>
    %add3A_43 = arith.addf %add3A_28, %mul3A_42 : vector<10000x16xf32>
    %swap3A = arith.constant 0 : index
    %swap3A_44 = arith.constant 0 : index
    %swap3A_45 = vector.load %arg7[%swap3A, %swap3A_44] : memref<10000x16xf32, #tpu.memory_space<vmem>>, vector<10000x16xf32>
    tpu.vector_store %arg7[%swap3A, %swap3A_44], %add3A_43 {strides = array<i32>} : memref<10000x16xf32, #tpu.memory_space<vmem>>, vector<10000x16xf32>,
    return
  }
}

module attributes {stable_mosaic.version = 14 : i64} {
  func.func @_dec_body(%arg0: i32, %arg1: memref<400x16xf32, #tpu.memory_space<vmem>>, %arg2: memref<16x10000xf32, #tpu.memory_space<vmem>>, %arg3: memref<400x10000xf32, #tpu.memory_space<vmem>>) attributes {dimension_semantics = [#tpu.dimension_semantics<arbitrary>], iteration_bounds = array<i64: 25>, scalar_prefetch = 0 : i64, scratch_operands = 0 : i64, tpu.core_type = #tpu.core_type<tc>, window_params = [{transform_indices = @transform_0, window_bounds = array<i64: 400, 16>}, {pipeline_mode = #tpu.pipeline_mode<synchronous>, transform_indices = @transform_1, window_bounds = array<i64: 16, 10000>}, {transform_indices = @transform_2, window_bounds = array<i64: 400, 10000>}]} {
    %get3A = arith.constant 0 : index
    %get3A_0 = arith.constant 0 : index
    %get3A_1 = vector.load %arg1[%get3A, %get3A_0] : memref<400x16xf32, #tpu.memory_space<vmem>>, vector<400x16xf32>
    %get3A_2 = arith.constant 0 : index
    %get3A_3 = arith.constant 0 : index
    %get3A_4 = vector.load %arg2[%get3A_2, %get3A_3] : memref<16x10000xf32, #tpu.memory_space<vmem>>, vector<16x10000xf32>
    %dot_general3A = arith.constant dense<0.000000e+00> : vector<400x10000xf32>
    %dot_general3A_5 = tpu.matmul %get3A_1, %get3A_4, %dot_general3A {dimension_numbers = #tpu.dot_dimension_numbers<[1], [0], [0], [1], [0, 0, 1, 1], [], []>, transpose_lhs_hint = false} : vector<400x16xf32>, vector<16x10000xf32>, vector<400x10000xf32> -> vector<400x10000xf32>
    %neg3A = arith.constant 0.000000e+00 : f32
    %neg3A_6 = vector.broadcast %neg3A : f32 to vector<400x10000xf32>
    %neg3A_7 = arith.subf %neg3A_6, %dot_general3A_5 : vector<400x10000xf32>
    %exp3A = math.exp %neg3A_7 : vector<400x10000xf32>
    %add3A = arith.constant 1.000000e+00 : f32
    %add3A_8 = vector.broadcast %add3A : f32 to vector<400x10000xf32>
    %add3A_9 = arith.addf %add3A_8, %exp3A : vector<400x10000xf32>
    %div3A = arith.constant 1.000000e+00 : f32
    %div3A_10 = vector.broadcast %div3A : f32 to vector<400x10000xf32>
    %div3A_11 = arith.divf %div3A_10, %add3A_9 : vector<400x10000xf32>
    %swap3A = arith.constant 0 : index
    %swap3A_12 = arith.constant 0 : index
    %swap3A_13 = vector.load %arg3[%swap3A, %swap3A_12] : memref<400x10000xf32, #tpu.memory_space<vmem>>, vector<400x10000xf32>
    tpu.vector_store %arg3[%swap3A, %swap3A_12], %div3A_11 {strides = array<i32>} : memref<400x10000xf32, #tpu.memory_space<vmem>>, vector<400x10000xf32>,
    return
  }
  func.func @transform_0(%arg0: i32) -> (i32, i32) {
    %c0_i32 = arith.constant 0 : i32
    %c0_i32_0 = arith.constant 0 : i32
    return %arg0, %c0_i32 : i32, i32
  }
  func.func @transform_1(%arg0: i32) -> (i32, i32) {
    %c0_i32 = arith.constant 0 : i32
    %c0_i32_0 = arith.constant 0 : i32
    %c0_i32_1 = arith.constant 0 : i32
    return %c0_i32, %c0_i32_0 : i32, i32
  }
  func.func @transform_2(%arg0: i32) -> (i32, i32) {
    %c0_i32 = arith.constant 0 : i32
    %c0_i32_0 = arith.constant 0 : i32
    return %arg0, %c0_i32 : i32, i32
  }
}

</mosaic_0001>

<sc_bundles>
// kernel: kernel.12.cloned.1.call-start
scs
__scs_entry_jumppad:
0x0: {  	(pc) =	sbr.rel $0x88, $3  }
0x1: {  	(tag) =	ssettag $0x0;
	lr =	simm.s32 $0x1  }
0x2: {  	[smem:$0x3F99] =	sst lr;
	_ =	strace $0xD0000000  }
0x3: {  	_ = 	snop  }
0x4: {  	_ = 	snop  }
0x5: {  	_ = 	snop  }
0x6: {  	_ = 	snop  }
0x7: {  	_ = 	snop  }
__scs_overlays_trampoline_lowered:
0x8: {  	[smem:$0x3FA8] =	sst s0  }
0x9: {  	[smem:$0x3FA9] =	sst s1  }
0xa: {  	[smem:$0x3FAA] =	sst s2  }
0xb: {  	[smem:$0x3FAB] =	sst s3  }
0xc: {  	[smem:$0x3FAC] =	sst s4  }
0xd: {  	[smem:$0x3FAD] =	sst s5  }
0xe: {  	[smem:$0x3FAE] =	sst s6  }
0xf: {  	[smem:$0x3FAF] =	sst s7  }
0x10: {  	[smem:$0x3FB0] =	sst s8  }
0x11: {  	[smem:$0x3FB1] =	sst s9;
	s0 =	simm.s32 @!p0 $0x0  }
0x12: {  	s1 =	sld [smem:$0x3F97];
	s0 =	simm.s32 @p0 $0x1  }
0x13: {  	[smem:$0x3FB2] =	sst s0;
	s0 =	simm.s32 @!p1 $0x0  }
0x14: {  	s2 =	sld [smem:$0x3F96];
	s0 =	simm.s32 @p1 $0x1  }
0x15: {  	[smem:$0x3FB3] =	sst s0;
	s0 =	simm.s32 @!p2 $0x0  }
0x16: {  	s3 =	sld [smem:$0x3FDB];
	s0 =	simm.s32 @p2 $0x1  }
0x17: {  	s4 =	simm.s32 $0x1BF5;
	[smem:$0x3FB5] =	sst s0  }
0x18: {  	s0 =	sld [smem:$0x3F98];
	_ =	swait.ge [sflag:s4], $0x0  }
0x19: {  	s7 =	sld [smem:$0x3F99]  }
0x1a: {  	s8 =	sadd.s32 $0xFFFFE003, lr  }
0x1b: {  	s9 =	sadd.s32 $0xFFFFFEF7, lr;
	s5 =	simm.s32 $0xFFFFFFFF;
	p2 =	slt.u32 s8, $0xFFFFF086  }
0x1c: {  	p1 =	slt.u32 s9, $0xF7A;
	s5 =	simm.s32 @!p2 $0x0  }
0x1d: {  	s5 =	simm.s32 @p1 $0x1;
	p0 =	seq.s32 s7, s2  }
0x1e: {  	s7 =	smul.u32 @!p0 $0xF7A, s2;
	p2 =	seq.s32 @!p0 s5, $0x0  }
0x1f: {  	s9 =	smul.u32 $0xF7A, s1;
	s8 =	simm.s32 @!p0 $0x1BF5;
	p2 =	por !p2, p0  }
0x20: {  	[sflag:s8] =	ssyncset.s32 @!p0 $0xFFFFF086;
	s6 =	sadd.s32 @!p0 s3, s7;
	s7 =	simm.s32 @!p0 $0x108  }
0x21: {  	s3 =	sadd.s32 s3, s9;
	s6 =	sadd.s32 @!p0 $0x88, s6;
	s7 =	simm.s32 @p2 $0x1082  }
0x22: {  	[simem:s7], [sflag:s8] =	dma.local @!p0 [hbm:s6], $0xF7A  }
0x23: {  	s9 =	sor.u32 $0xD0000000, s2;
	s6 =	simm.s32 $0x108;
	_ =	swait.ge @!p0 [sflag:s8], $0x0  }
0x24: {  	s3 =	sadd.s32 $0x88, s3;
	s6 =	simm.s32 @!p1 $0x1082;
	[sflag:s4] =	ssyncset.s32 $0xFFFFF086  }
0x25: {  	[simem:s6], [sflag:s4] =	dma.local [hbm:s3], $0xF7A  }
0x26: {  	[smem:$0x3F99] =	sst s1;
	(tag) =	ssettag s2;
	_ =	strace s9  }
0x27: {  	s1 =	sld [smem:$0x3FA9]  }
0x28: {  	s2 =	sld [smem:$0x3FAA]  }
0x29: {  	s4 =	sld [smem:$0x3FAC]  }
0x2a: {  	p0 =	seq.s32 s5, $0x0;
	s5 =	sld [smem:$0x3FAD]  }
0x2b: {  	s6 =	sld [smem:$0x3FAE]  }
0x2c: {  	s7 =	sld [smem:$0x3FAF]  }
0x2d: {  	s3 =	simm.s32 $0x108;
	s8 =	sld [smem:$0x3FB0]  }
0x2e: {  	s3 =	simm.s32 @!p0 $0x1082;
	s9 =	sld [smem:$0x3FB1]  }
0x2f: {  	lr =	sadd.s32 s0, s3;
	s0 =	sld [smem:$0x3FA8]  }
0x30: {  	s3 =	sld [smem:$0x3FAB]  }
0x31: {  	[smem:$0x3FB4] =	sst s10  }
0x32: {  	s10 =	sld [smem:$0x3FB2];
	_ =	sdelay $0x3  }
0x33: {  	p0 =	seq.s32 s10, $0x1;
	s10 =	sld [smem:$0x3FB4];
	_ =	sdelay $0x3  }
0x34: {  	[smem:$0x3FB4] =	sst s10  }
0x35: {  	s10 =	sld [smem:$0x3FB3];
	_ =	sdelay $0x3  }
0x36: {  	p1 =	seq.s32 s10, $0x1;
	s10 =	sld [smem:$0x3FB4];
	_ =	sdelay $0x3  }
0x37: {  	[smem:$0x3FB4] =	sst s10  }
0x38: {  	s10 =	sld [smem:$0x3FB5]  }
0x39: {  	_ = 	snop;
	(pc) =	sbr.ind lr, $3  }
0x3a: {  	_ = 	snop  }
0x3b: {  	_ = 	snop  }
0x3c: {  	p2 =	seq.s32 s10, $0x1;
	s10 =	sld [smem:$0x3FB4]  }
0x3d: {  	_ =	shalt  }
0x3e: {  	_ =	shalt  }
0x3f: {  	_ =	shalt  }
0x40: {  	_ =	shalt  }
0x41: {  	_ =	shalt  }
0x42: {  	_ =	shalt  }
0x43: {  	_ =	shalt  }
0x44: {  	_ =	shalt  }
0x45: {  	_ =	shalt  }
0x46: {  	_ =	shalt  }
0x47: {  	_ =	shalt  }
0x48: {  	_ =	shalt  }
0x49: {  	_ =	shalt  }
0x4a: {  	_ =	shalt  }
0x4b: {  	_ =	shalt  }
0x4c: {  	_ =	shalt  }
0x4d: {  	_ =	shalt  }
0x4e: {  	_ =	shalt  }
0x4f: {  	_ =	shalt  }
0x50: {  	_ =	shalt  }
0x51: {  	_ =	shalt  }
0x52: {  	_ =	shalt  }
0x53: {  	_ =	shalt  }
0x54: {  	_ =	shalt  }
0x55: {  	_ =	shalt  }
0x56: {  	_ =	shalt  }
0x57: {  	_ =	shalt  }
0x58: {  	_ =	shalt  }
0x59: {  	_ =	shalt  }
0x5a: {  	_ =	shalt  }
0x5b: {  	_ =	shalt  }
0x5c: {  	_ =	shalt  }
0x5d: {  	_ =	shalt  }
0x5e: {  	_ =	shalt  }
0x5f: {  	_ =	shalt  }
0x60: {  	_ =	shalt  }
0x61: {  	_ =	shalt  }
0x62: {  	_ =	shalt  }
0x63: {  	_ =	shalt  }
0x64: {  	_ =	shalt  }
0x65: {  	_ =	shalt  }
0x66: {  	_ =	shalt  }
0x67: {  	_ =	shalt  }
0x68: {  	_ =	shalt  }
0x69: {  	_ =	shalt  }
0x6a: {  	_ =	shalt  }
0x6b: {  	_ =	shalt  }
0x6c: {  	_ =	shalt  }
0x6d: {  	_ =	shalt  }
0x6e: {  	_ =	shalt  }
0x6f: {  	_ =	shalt  }
0x70: {  	_ =	shalt  }
0x71: {  	_ =	shalt  }
0x72: {  	_ =	shalt  }
0x73: {  	_ =	shalt  }
0x74: {  	_ =	shalt  }
0x75: {  	_ =	shalt  }
0x76: {  	_ =	shalt  }
0x77: {  	_ =	shalt  }
0x78: {  	_ =	shalt  }
0x79: {  	_ =	shalt  }
0x7a: {  	_ =	shalt  }
0x7b: {  	_ =	shalt  }
0x7c: {  	_ =	shalt  }
0x7d: {  	_ =	shalt  }
0x7e: {  	_ =	shalt  }
0x7f: {  	_ =	shalt  }
0x80: {  	_ =	shalt  }
0x81: {  	_ =	shalt  }
0x82: {  	_ =	shalt  }
0x83: {  	_ =	shalt  }
0x84: {  	_ =	shalt  }
0x85: {  	_ =	shalt  }
0x86: {  	_ =	shalt  }
0x87: {  	_ =	shalt  }
.Lfunc_end0:
.L_simem_size_0:
called_computation.1_lowered:
.L_overlay_start_0:
0x88: {  	s2 =	sld [smem:$0x3FD9]  }
0x89: {  	s3 =	sld [smem:$0x3FFE];
	_ =	sdelay $0x1  }
0x8a: {  	s1 =	srdreg.scid  }
0x8b: {  	s0 =	sand.u32 $0x1, s1  }
0x8c: {  	s16 =	sshll.u32 s0, $0xA;
	s2 =	sadd.s32 s3, s2  }
0x8d: {  	s2 =	sadd.s32 s2, s16  }
0x8e: {  	[smem:$0x3FC0] =	sst s2  }
0x8f: {  	_ = 	snop  }
0x90: {  	(tm) =	ssettm $0x1  }
0x91: {  	s17 =	sld [smem:$0x3FFB];
	_ =	sdelay $0x3  }
0x92: {  	_ =	strace s17  }
0x93: {  	s2 =	sld [smem:$0x3FFC];
	_ =	sdelay $0x3  }
0x94: {  	_ =	strace s2  }
0x95: {  	s2 =	sld [smem:$0x3FFD];
	_ =	sdelay $0x3  }
0x96: {  	_ =	strace s2  }
0x97: {  	_ =	strace $0x8FFFFFFF  }
0x98: {  	s18 =	sld [smem:$0x3FDB];
	_ =	sdelay $0x1  }
0x99: {  	s19 =	simm.s32 $_scs_section_size  }
0x9a: {  	s4 =	simm.s32 $_size__tile_overlayer_lowered;
	s5 =	simm.s32 $_tile_overlayer_lowered  }
0x9b: {  	s22 =	simm.s32 $0x1BFF;
	s21 =	sshll.u32 s5, $0x1;
	s2 =	sadd.s32 s19, s18  }
0x9c: {  	s6 =	simm.s32 $0x0;
	s20 =	sshll.u32 s4, $0x1;
	s4 =	sadd.s32 s21, s2  }
0x9d: {  	[timem:s6], [sflag:s22] =	dma.local [hbm:s4], s20  }
0x9e: {  	_ =	swait.ge [sflag:s22], s20  }
0x9f: {  	s3 =	ssub.s32 $0x0, s20;
	[sflag:s22] =	ssyncset.done $0x0  }
0xa0: {  	[sflag:s22] =	ssyncadd.s32 s3;
	_ =	sdelay $0x1  }
0xa1: {  	s23 =	simm.s32 $0x1B8B  }
0xa2: {  	_ =	swait.ge [sflag:s23], $0x1  }
0xa3: {  	[sflag:s23] =	ssyncset.done $0x0  }
0xa4: {  	s25 =	simm.s32 $0x1B8E;
	s24 =	sld [smem:$0x3FFE];
	[sflag:s23] =	ssyncadd.s32 $0xFFFFFFFF  }
0xa5: {  	s26 =	simm.s32 $execute0_lowered;
	[smem:$0x3FD2] =	sst s25  }
0xa6: {  	s4 =	sshll.u32 s26, $0x1;
	_ =	strace $0x80000049;
	[dreg:$0x1] =	wrdreg $0xFFFFFFFF  }
0xa7: {  	s28 =	simm.s32 $_size_execute0_lowered;
	s2 =	sadd.s32 s2, s4;
	[dreg:$0x0] =	wrdreg $0x0  }
0xa8: {  	s4 =	sshll.u32 s28, $0x1;
	[dreg:$0x2] =	wrdreg s2  }
0xa9: {  	[dreg:$0x3] =	wrdreg s4  }
0xaa: {  	[dreg:$0x4] =	wrdreg $0xC0  }
0xab: {  	_ =	task [dreg:s6], $0x5FFFF  }
0xac: {  	[dreg:$0x1] =	wrdreg $0xFFFFFFFF  }
0xad: {  	[dreg:$0x0] =	wrdreg $0x60  }
0xae: {  	[dreg:$0x2] =	wrdreg s24  }
0xaf: {  	[dreg:$0x3] =	wrdreg $0x95100  }
0xb0: {  	[dreg:$0x4] =	wrdreg $0x9  }
0xb1: {  	_ =	task.clear_ibuf [dreg:s6], $0x5FFFF;
	_ =	strace $0x90000049  }
0xb2: {  	s29 =	simm.s32 $0x9;
	_ =	strace $0x8000004B  }
0xb3: {  	_ =	swait.ge [sflag:s29], $0x1  }
0xb4: {  	[sflag:s29] =	ssyncadd.s32 $0xFFFFFFFF  }
0xb5: {  	_ =	strace $0x9000004B  }
0xb6: {  	_ =	sfence  }
0xb7: {  	s30 =	sld [smem:$0x0];
	_ =	sdelay $0x2  }
0xb8: {  	s31 =	sshll.u32 s1, $0xD;
	s1 =	sshrl.u32 s1, $0x2  }
0xb9: {  	s3 =	sand.u32 $0x4000, s31;
	s1 =	sadd.s32 s1, s30  }
0xba: {  	s0 =	sor.u32 s3, s0;
	s1 =	sshll.u32 s1, $0x11  }
0xbb: {  	s0 =	sor.u32 s1, s0  }
0xbc: {  	s0 =	sadd.s32 $0x8F2B, s0  }
0xbd: {  	[sflag:s0] =	ssyncadd.remote.s32 $0x1  }
0xbe: {  	_ =	sfence.sel $0xFFFF  }
0xbf: {  	[dreg:$0x0] =	wrdreg $0xFFFFFFFF;
	(pc) =	sbr.abs _section_cstart, $3  }
0xc0: {  	[dreg:$0x1] =	wrdreg $0xFFFFFFFF  }
0xc1: {  	_ =	task.clear_ibuf [dreg:s6], $0x2FFFF;
	_ =	strace $0x9FFFFFFF  }
0xc2: {  	(tm) =	ssettm $0x7FFFFFFF  }
0xc3: {  	_ =	shalt  }
tec
execute0_lowered:
.L_overlay_start_1:
0x0: {  	(tag) =	ssettag $0x1  }
0x1: {  	s0 =	rddreg [dreg:$0x0]  }
0x2: {  	s2 =	rddreg [dreg:$0x1];
	s3 =	simm.s32 $0x0;
	s1 =	srdreg.scid  }
0x3: {  	s12 =	stileid.u32;
	s28 =	simm.s32 $0x1;
	s29 =	simm.s32 $0x80  }
0x4: {  	s31 =	simm.s32 $0x6;
	[smem:$0x7FF] =	sst s3;
	s1 =	sand.u32 $0x1, s1  }
0x5: {  	s7 =	smul.u32 $0x5000, s12;
	s4 =	sadd.s32 $0x7200, s0;
	s5 =	sadd.s32 $0x2200, s0  }
0x6: {  	s10 =	sadd.s32 $0x6B600, s0;
	_ =	strace $0x8000004A;
	s8 =	smul.u32 $0x50000, s1  }
0x7: {  	s6 =	sshll.u32 s1, $0x4;
	[dreg:$0x7] =	wrdreg s10;
	s20 =	ssub.s32 $0x2, s1  }
0x8: {  	s1 =	smul.u32 $0x13880, s1;
	s9 =	sor.u32 s12, s6;
	s6 =	sadd.s32 $0x61800, s0  }
0x9: {  	s21 =	sshrl.u32 s20, $0x1;
	s24 =	sadd.s32 s7, s2;
	s12 =	smul.u32 $0x1388, s12  }
0xa: {  	s8 =	sadd.s32 s7, s8;
	s9 =	smul.u32 $0x1388, s9;
	[dreg:$0x8] =	wrdreg s24  }
0xb: {  	s8 =	sshrl.u32 s8, $0x3;
	s1 =	sadd.s32 s12, s1;
	s12 =	simm.s32 $0x100  }
0xc: {  	s0 =	sadd.s32 s8, s0;
	s11 =	sshrl.u32 s9, $0x3;
	s8 =	ssub.s32 s20, s21  }
0xd: {  	s9 =	smin.u32 s9, $0x25C80;
	s17 =	sadd.s32 $0x300, s1;
	s22 =	sadd.s32 s4, s11  }
0xe: {  	s23 =	sadd.s32 s5, s11;
	s25 =	sadd.s32 $0x10, s11;
	[dreg:$0x9] =	wrdreg s22  }
0xf: {  	s30 =	sadd.s32 $0x20, s11;
	s0 =	sadd.s32 $0x6C000, s0;
	[dreg:$0xa] =	wrdreg s23  }
0x10: {  	s15 =	sadd.s32 $0x30, s11;
	s26 =	sadd.s32 s4, s25;
	[dreg:$0x15] =	wrdreg s0  }
0x11: {  	s9 =	sshrl.u32 s9, $0x3;
	s7 =	sadd.s32 s5, s25;
	[dreg:$0xb] =	wrdreg s26  }
0x12: {  	s19 =	sshrl.u32 s17, $0x3;
	s13 =	sadd.s32 s4, s30;
	[dreg:$0xc] =	wrdreg s7  }
0x13: {  	s14 =	sadd.s32 s5, s30;
	s16 =	sadd.s32 s4, s15;
	[dreg:$0xd] =	wrdreg s13  }
0x14: {  	s18 =	sadd.s32 $0x280, s9;
	s21 =	sadd.s32 s19, s5;
	[dreg:$0xe] =	wrdreg s14  }
0x15: {  	s22 =	sadd.s32 $0x270, s11;
	s23 =	sadd.s32 $0x280, s1;
	[dreg:$0xf] =	wrdreg s16  }
0x16: {  	s9 =	sadd.s32 s19, s4;
	s30 =	smax.u32 s8, $0x1;
	[dreg:$0x3] =	wrdreg s21  }
0x17: {  	s1 =	sadd.s32 $0x380, s1;
	s0 =	simm.s32 $0x2;
	[dreg:$0x4] =	wrdreg s9  }
0x18: {  	s8 =	simm.s32 $0xC;
	s19 =	simm.s32 $0x3400;
	[dreg:$0x16] =	wrdreg s30  }
0x19: {  	s7 =	sadd.s32 s5, s15;
	s20 =	sadd.s32 s4, s18;
	[dreg:$0x17] =	wrdreg s1  }
0x1a: {  	s11 =	sadd.s32 s4, s22;
	s10 =	sadd.s32 s5, s22;
	[dreg:$0x10] =	wrdreg s7  }
0x1b: {  	s1 =	simm.s32 $0x400;
	s14 =	simm.s32 $0x5;
	[dreg:$0x11] =	wrdreg s20  }
0x1c: {  	s15 =	simm.s32 $0x380;
	s16 =	simm.s32 $0x4;
	[dreg:$0x13] =	wrdreg s11  }
0x1d: {  	s21 =	simm.s32 $0x8;
	s7 =	sadd.s32 s5, s18;
	[dreg:$0x14] =	wrdreg s10  }
0x1e: {  	s22 =	simm.s32 $0xB;
	[dreg:$0x12] =	wrdreg s7;
	s7 =	sshrl.u32 s23, $0x3  }
0x1f: {  	s11 =	simm.s32 $0x3;
	s20 =	simm.s32 $0xA;
	s25 =	sadd.s32 s7, s5  }
0x20: {  	s26 =	sadd.s32 s7, s4;
	s7 =	simm.s32 $0x0;
	[dreg:$0x5] =	wrdreg s25  }
0x21: {  	[dreg:$0x6] =	wrdreg s26;
	s25 =	simm.s32 $0x4510;
	s26 =	simm.s32 $0xE  }
.LBB2_1:
0x22: {  	[dreg:$0x18] =	wrdreg s7  }
0x23: {  	s23 =	rddreg [dreg:$0x7]  }
0x24: {  	[tilespmem:s25], [sflag:$0xE] =	stream.linear.gather [hbm4b:s23+s3], $0x5000, $0x38;
	[tilespmem:$0xE510] =	vst v63  }
0x25: {  	_ =	swait.ge [sflag:s26], $0x5000  }
0x26: {  	[sflag:s26] =	ssyncset.done $0x0  }
0x27: {  	[sflag:s26] =	ssyncadd.s32 $0xFFFFB000  }
0x28: {  	[spmem:s24] =	stream.linear.scatter [tilespmem:s25], [sflag:$0xE], $0x5000, $0x38;
	[tilespmem:$0xE510] =	vst v63  }
0x29: {  	_ =	swait.ge [sflag:s26], $0x5000  }
0x2a: {  	[sflag:s26] =	ssyncset.done $0x0  }
0x2b: {  	[sflag:s26] =	ssyncadd.s32 $0xFFFFB000  }
0x2c: {  	[bflag:$0x0] =	sbarrier.arrive $0xFFFF  }
0x2d: {  	s26 =	rddreg [dreg:$0x9]  }
0x2e: {  	[tilespmem:s3], [sflag:$0x1] =	stream.linear.gather [hbm4b:s26+s3], $0x80, $0x38;
	[tilespmem:$0xE510] =	vst v63  }
0x2f: {  	s30 =	rddreg [dreg:$0xa];
	s26 =	simm.s32 $0x200  }
0x30: {  	[tilespmem:s26], [sflag:$0x1] =	stream.linear.gather [hbm4b:s30+s3], $0x80, $0x38;
	[tilespmem:$0xE510] =	vst v63  }
0x31: {  	_ =	swait.ge [sflag:s28], $0x80  }
0x32: {  	[sflag:s28] =	ssyncset.done $0x0  }
0x33: {  	[sflag:s28] =	ssyncadd.s32 $0xFFFFFF80  }
0x34: {  	_ =	swait.ge [sflag:s28], $0x80  }
0x35: {  	[sflag:s28] =	ssyncset.done $0x0  }
0x36: {  	[sflag:s28] =	ssyncadd.s32 $0xFFFFFF80  }
0x37: {  	[tilespmem:s1], [sflag:$0x5] =	stream.indirect.gather [hbm4b:s6+s29], $0x20, s3, s29, $0xb8;
	[tilespmem:$0xE510] =	vst v63  }
0x38: {  	s7 =	rddreg [dreg:$0xb]  }
0x39: {  	[tilespmem:s29], [sflag:$0x2] =	stream.linear.gather [hbm4b:s7+s3], $0x80, $0x38;
	[tilespmem:$0xE510] =	vst v63  }
0x3a: {  	s9 =	rddreg [dreg:$0xc];
	s7 =	simm.s32 $0x280  }
0x3b: {  	[tilespmem:s7], [sflag:$0x2] =	stream.linear.gather [hbm4b:s9+s3], $0x80, $0x38;
	[tilespmem:$0xE510] =	vst v63  }
0x3c: {  	_ =	swait.ge [sflag:s0], $0x80  }
0x3d: {  	[sflag:s0] =	ssyncset.done $0x0  }
0x3e: {  	[sflag:s0] =	ssyncadd.s32 $0xFFFFFF80  }
0x3f: {  	_ =	swait.ge [sflag:s0], $0x80  }
0x40: {  	[sflag:s0] =	ssyncset.done $0x0  }
0x41: {  	s9 =	simm.s32 $0x1400;
	[sflag:s0] =	ssyncadd.s32 $0xFFFFFF80  }
0x42: {  	[tilespmem:s9], [sflag:$0x6] =	stream.indirect.gather [hbm4b:s6+s29], $0x20, s29, s29, $0xb8;
	[tilespmem:$0xE510] =	vst v63  }
0x43: {  	s10 =	rddreg [dreg:$0xd]  }
0x44: {  	[tilespmem:s12], [sflag:$0x3] =	stream.linear.gather [hbm4b:s10+s3], $0x80, $0x38;
	[tilespmem:$0xE510] =	vst v63  }
0x45: {  	s30 =	simm.s32 $0x300;
	s13 =	rddreg [dreg:$0xe]  }
0x46: {  	[tilespmem:s30], [sflag:$0x3] =	stream.linear.gather [hbm4b:s13+s3], $0x80, $0x38;
	[tilespmem:$0xE510] =	vst v63  }
0x47: {  	_ =	swait.ge [sflag:s14], $0x1000  }
0x48: {  	[sflag:s14] =	ssyncset.done $0x0  }
0x49: {  	[sflag:s14] =	ssyncadd.s32 $0xFFFFF000  }
0x4a: {  	[spmem:s2] =	stream.indirect.scatter.add.f32 [tilespmem:s1], [sflag:$0x9], $0x20, s26, s29, $0xb8;
	[tilespmem:$0xE510] =	vst v63  }
0x4b: {  	_ =	swait.ge [sflag:s11], $0x80  }
0x4c: {  	[sflag:s11] =	ssyncset.done $0x0  }
0x4d: {  	[sflag:s11] =	ssyncadd.s32 $0xFFFFFF80  }
0x4e: {  	_ =	swait.ge [sflag:s11], $0x80  }
0x4f: {  	[sflag:s11] =	ssyncset.done $0x0  }
0x50: {  	s13 =	simm.s32 $0x2400;
	[sflag:s11] =	ssyncadd.s32 $0xFFFFFF80  }
0x51: {  	[tilespmem:s13], [sflag:$0x7] =	stream.indirect.gather [hbm4b:s6+s29], $0x20, s12, s29, $0xb8;
	[tilespmem:$0xE510] =	vst v63  }
0x52: {  	s10 =	simm.s32 $0x180;
	s17 =	rddreg [dreg:$0xf]  }
0x53: {  	[tilespmem:s10], [sflag:$0x4] =	stream.linear.gather [hbm4b:s17+s3], $0x80, $0x38;
	[tilespmem:$0xE510] =	vst v63  }
0x54: {  	s18 =	rddreg [dreg:$0x10]  }
0x55: {  	[tilespmem:s15], [sflag:$0x4] =	stream.linear.gather [hbm4b:s18+s3], $0x80, $0x38;
	[tilespmem:$0xE510] =	vst v63  }
0x56: {  	_ =	swait.ge [sflag:s31], $0x1000  }
0x57: {  	[sflag:s31] =	ssyncset.done $0x0  }
0x58: {  	[sflag:s31] =	ssyncadd.s32 $0xFFFFF000  }
0x59: {  	[spmem:s2] =	stream.indirect.scatter.add.f32 [tilespmem:s9], [sflag:$0xA], $0x20, s7, s29, $0xb8;
	[tilespmem:$0xE510] =	vst v63  }
0x5a: {  	_ =	swait.ge [sflag:s16], $0x80  }
0x5b: {  	[sflag:s16] =	ssyncset.done $0x0  }
0x5c: {  	[sflag:s16] =	ssyncadd.s32 $0xFFFFFF80  }
0x5d: {  	_ =	swait.ge [sflag:s16], $0x80  }
0x5e: {  	[sflag:s16] =	ssyncset.done $0x0  }
0x5f: {  	s17 =	simm.s32 $0x3400;
	s18 =	simm.s32 $0x9;
	[sflag:s16] =	ssyncadd.s32 $0xFFFFFF80  }
0x60: {  	[tilespmem:s17], [sflag:$0x8] =	stream.indirect.gather [hbm4b:s6+s29], $0x20, s10, s29, $0xb8;
	[tilespmem:$0xE510] =	vst v63  }
0x61: {  	_ =	swait.ge [sflag:s18], $0x1000  }
0x62: {  	s25 =	rddreg [dreg:$0x17]  }
0x63: {  	s24 =	sadd.s32 $0xFFFFFE80, s25  }
0x64: {  	[sflag:s18] =	ssyncset.done $0x0;
	s23 =	sshrl.u32 s24, $0x3  }
0x65: {  	[sflag:s18] =	ssyncadd.s32 $0xFFFFF000;
	s18 =	sadd.s32 s4, s23  }
0x66: {  	[tilespmem:s3], [sflag:$0x1] =	stream.linear.gather [hbm4b:s18+s3], $0x80, $0x38;
	[tilespmem:$0xE510] =	vst v63  }
0x67: {  	s23 =	sadd.s32 s5, s23  }
0x68: {  	[tilespmem:s26], [sflag:$0x1] =	stream.linear.gather [hbm4b:s23+s3], $0x80, $0x38;
	[tilespmem:$0xE510] =	vst v63  }
0x69: {  	s23 =	simm.s32 $0x7  }
0x6a: {  	_ =	swait.ge [sflag:s23], $0x1000  }
0x6b: {  	[sflag:s23] =	ssyncset.done $0x0  }
0x6c: {  	[sflag:s23] =	ssyncadd.s32 $0xFFFFF000  }
0x6d: {  	[spmem:s2] =	stream.indirect.scatter.add.f32 [tilespmem:s13], [sflag:$0xB], $0x20, s30, s29, $0xb8;
	[tilespmem:$0xE510] =	vst v63  }
0x6e: {  	_ =	swait.ge [sflag:s28], $0x80  }
0x6f: {  	[sflag:s28] =	ssyncset.done $0x0  }
0x70: {  	[sflag:s28] =	ssyncadd.s32 $0xFFFFFF80  }
0x71: {  	_ =	swait.ge [sflag:s28], $0x80  }
0x72: {  	[sflag:s28] =	ssyncset.done $0x0  }
0x73: {  	[sflag:s28] =	ssyncadd.s32 $0xFFFFFF80  }
0x74: {  	[tilespmem:s1], [sflag:$0x5] =	stream.indirect.gather [hbm4b:s6+s29], $0x20, s3, s29, $0xb8;
	[tilespmem:$0xE510] =	vst v63  }
0x75: {  	_ =	swait.ge [sflag:s20], $0x1000  }
0x76: {  	s24 =	rddreg [dreg:$0x6];
	[sflag:s20] =	ssyncset.done $0x0  }
0x77: {  	s18 =	rddreg [dreg:$0x5];
	[sflag:s20] =	ssyncadd.s32 $0xFFFFF000;
	s23 =	sadd.s32 $0x0, s24  }
0x78: {  	[tilespmem:s29], [sflag:$0x2] =	stream.linear.gather [hbm4b:s23+s3], $0x80, $0x38;
	[tilespmem:$0xE510] =	vst v63  }
0x79: {  	s24 =	sadd.s32 $0x0, s18  }
0x7a: {  	[tilespmem:s7], [sflag:$0x2] =	stream.linear.gather [hbm4b:s24+s3], $0x80, $0x38;
	[tilespmem:$0xE510] =	vst v63  }
0x7b: {  	_ =	swait.ge [sflag:s21], $0x1000  }
0x7c: {  	[sflag:s21] =	ssyncset.done $0x0  }
0x7d: {  	[sflag:s21] =	ssyncadd.s32 $0xFFFFF000  }
0x7e: {  	[spmem:s2] =	stream.indirect.scatter.add.f32 [tilespmem:s17], [sflag:$0xC], $0x20, s15, s29, $0xb8;
	[tilespmem:$0xE510] =	vst v63  }
0x7f: {  	_ =	swait.ge [sflag:s0], $0x80  }
0x80: {  	[sflag:s0] =	ssyncset.done $0x0  }
0x81: {  	[sflag:s0] =	ssyncadd.s32 $0xFFFFFF80  }
0x82: {  	_ =	swait.ge [sflag:s0], $0x80  }
0x83: {  	[sflag:s0] =	ssyncset.done $0x0  }
0x84: {  	[sflag:s0] =	ssyncadd.s32 $0xFFFFFF80  }
0x85: {  	[tilespmem:s9], [sflag:$0x6] =	stream.indirect.gather [hbm4b:s6+s29], $0x20, s29, s29, $0xb8;
	[tilespmem:$0xE510] =	vst v63  }
0x86: {  	_ =	swait.ge [sflag:s22], $0x1000  }
0x87: {  	s17 =	rddreg [dreg:$0x4];
	[sflag:s22] =	ssyncset.done $0x0  }
0x88: {  	s18 =	rddreg [dreg:$0x3];
	[sflag:s22] =	ssyncadd.s32 $0xFFFFF000;
	s23 =	sadd.s32 $0x0, s17  }
0x89: {  	[tilespmem:s12], [sflag:$0x3] =	stream.linear.gather [hbm4b:s23+s3], $0x80, $0x38;
	[tilespmem:$0xE510] =	vst v63  }
0x8a: {  	s24 =	sadd.s32 $0x0, s18  }
0x8b: {  	[tilespmem:s30], [sflag:$0x3] =	stream.linear.gather [hbm4b:s24+s3], $0x80, $0x38;
	[tilespmem:$0xE510] =	vst v63  }
0x8c: {  	_ =	swait.ge [sflag:s14], $0x1000  }
0x8d: {  	[sflag:s14] =	ssyncset.done $0x0  }
0x8e: {  	[sflag:s14] =	ssyncadd.s32 $0xFFFFF000  }
0x8f: {  	[spmem:s2] =	stream.indirect.scatter.add.f32 [tilespmem:s1], [sflag:$0x9], $0x20, s26, s29, $0xb8;
	[tilespmem:$0xE510] =	vst v63  }
0x90: {  	_ =	swait.ge [sflag:s11], $0x80  }
0x91: {  	[sflag:s11] =	ssyncset.done $0x0  }
0x92: {  	[sflag:s11] =	ssyncadd.s32 $0xFFFFFF80  }
0x93: {  	_ =	swait.ge [sflag:s11], $0x80  }
0x94: {  	[sflag:s11] =	ssyncset.done $0x0  }
0x95: {  	p0 =	slt.s32 s25, $0x27080;
	s23 =	smov.u32 s25;
	[sflag:s11] =	ssyncadd.s32 $0xFFFFFF80  }
0x96: {  	[tilespmem:s13], [sflag:$0x7] =	stream.indirect.gather [hbm4b:s6+s29], $0x20, s12, s29, $0xb8;
	[tilespmem:$0xE510] =	vst v63  }
0x97: {  	s23 =	simm.s32 @!p0 $0x27080;
	_ =	swait.ge [sflag:s8], $0x1000  }
0x98: {  	s23 =	sshrl.u32 s23, $0x3;
	[sflag:s8] =	ssyncset.done $0x0  }
0x99: {  	s30 =	sadd.s32 s4, s23;
	[sflag:s8] =	ssyncadd.s32 $0xFFFFF000  }
0x9a: {  	[tilespmem:s10], [sflag:$0x4] =	stream.linear.gather [hbm4b:s30+s3], $0x80, $0x38;
	[tilespmem:$0xE510] =	vst v63  }
0x9b: {  	s23 =	sadd.s32 s5, s23  }
0x9c: {  	[tilespmem:s15], [sflag:$0x4] =	stream.linear.gather [hbm4b:s23+s3], $0x80, $0x38;
	[tilespmem:$0xE510] =	vst v63  }
0x9d: {  	s18 =	simm.s32 $0x380;
	_ =	swait.ge [sflag:s31], $0x1000  }
0x9e: {  	s24 =	sadd.s32 $0x200, s25;
	s1 =	simm.s32 $0x400;
	[sflag:s31] =	ssyncset.done $0x0  }
0x9f: {  	s23 =	simm.s32 $0x40;
	s15 =	simm.s32 $0x5;
	[sflag:s31] =	ssyncadd.s32 $0xFFFFF000  }
.LBB2_2:
0xa0: {  	s9 =	simm.s32 $0x280;
	s12 =	simm.s32 $0x1400  }
0xa1: {  	[spmem:s2] =	stream.indirect.scatter.add.f32 [tilespmem:s12], [sflag:$0xA], $0x20, s9, s29, $0xb8;
	[tilespmem:$0xE510] =	vst v63  }
0xa2: {  	_ =	swait.ge [sflag:s16], $0x80  }
0xa3: {  	[sflag:s16] =	ssyncset.done $0x0  }
0xa4: {  	[sflag:s16] =	ssyncadd.s32 $0xFFFFFF80  }
0xa5: {  	_ =	swait.ge [sflag:s16], $0x80  }
0xa6: {  	s10 =	simm.s32 $0x180;
	[sflag:s16] =	ssyncset.done $0x0  }
0xa7: {  	s14 =	simm.s32 $0x3400;
	s7 =	simm.s32 $0x9;
	[sflag:s16] =	ssyncadd.s32 $0xFFFFFF80  }
0xa8: {  	[tilespmem:s14], [sflag:$0x8] =	stream.indirect.gather [hbm4b:s6+s29], $0x20, s10, s29, $0xb8;
	[tilespmem:$0xE510] =	vst v63  }
0xa9: {  	s26 =	sadd.s32 $0xFFFFFE80, s24;
	_ =	swait.ge [sflag:s7], $0x1000  }
0xaa: {  	s26 =	sshrl.u32 s26, $0x3;
	[sflag:s7] =	ssyncset.done $0x0  }
0xab: {  	s30 =	sadd.s32 s4, s26;
	[sflag:s7] =	ssyncadd.s32 $0xFFFFF000  }
0xac: {  	[tilespmem:s3], [sflag:$0x1] =	stream.linear.gather [hbm4b:s30+s3], $0x80, $0x38;
	[tilespmem:$0xE510] =	vst v63  }
0xad: {  	s31 =	simm.s32 $0x200;
	s26 =	sadd.s32 s5, s26  }
0xae: {  	[tilespmem:s31], [sflag:$0x1] =	stream.linear.gather [hbm4b:s26+s3], $0x80, $0x38;
	[tilespmem:$0xE510] =	vst v63  }
0xaf: {  	s26 =	simm.s32 $0x7  }
0xb0: {  	_ =	swait.ge [sflag:s26], $0x1000  }
0xb1: {  	[sflag:s26] =	ssyncset.done $0x0  }
0xb2: {  	s13 =	simm.s32 $0x300;
	s17 =	simm.s32 $0x2400;
	[sflag:s26] =	ssyncadd.s32 $0xFFFFF000  }
0xb3: {  	[spmem:s2] =	stream.indirect.scatter.add.f32 [tilespmem:s17], [sflag:$0xB], $0x20, s13, s29, $0xb8;
	[tilespmem:$0xE510] =	vst v63  }
0xb4: {  	_ =	swait.ge [sflag:s28], $0x80  }
0xb5: {  	[sflag:s28] =	ssyncset.done $0x0  }
0xb6: {  	[sflag:s28] =	ssyncadd.s32 $0xFFFFFF80  }
0xb7: {  	_ =	swait.ge [sflag:s28], $0x80  }
0xb8: {  	[sflag:s28] =	ssyncset.done $0x0  }
0xb9: {  	[sflag:s28] =	ssyncadd.s32 $0xFFFFFF80  }
0xba: {  	[tilespmem:s1], [sflag:$0x5] =	stream.indirect.gather [hbm4b:s6+s29], $0x20, s3, s29, $0xb8;
	[tilespmem:$0xE510] =	vst v63  }
0xbb: {  	_ =	swait.ge [sflag:s20], $0x1000  }
0xbc: {  	s25 =	smov.u32 s23;
	s7 =	rddreg [dreg:$0x6];
	[sflag:s20] =	ssyncset.done $0x0  }
0xbd: {  	s30 =	rddreg [dreg:$0x5];
	[sflag:s20] =	ssyncadd.s32 $0xFFFFF000;
	s26 =	sadd.s32 s25, s7  }
0xbe: {  	[tilespmem:s29], [sflag:$0x2] =	stream.linear.gather [hbm4b:s26+s3], $0x80, $0x38;
	[tilespmem:$0xE510] =	vst v63  }
0xbf: {  	s26 =	sadd.s32 s25, s30  }
0xc0: {  	[tilespmem:s9], [sflag:$0x2] =	stream.linear.gather [hbm4b:s26+s3], $0x80, $0x38;
	[tilespmem:$0xE510] =	vst v63  }
0xc1: {  	_ =	swait.ge [sflag:s21], $0x1000  }
0xc2: {  	[sflag:s21] =	ssyncset.done $0x0  }
0xc3: {  	[sflag:s21] =	ssyncadd.s32 $0xFFFFF000  }
0xc4: {  	[spmem:s2] =	stream.indirect.scatter.add.f32 [tilespmem:s14], [sflag:$0xC], $0x20, s18, s29, $0xb8;
	[tilespmem:$0xE510] =	vst v63  }
0xc5: {  	_ =	swait.ge [sflag:s0], $0x80  }
0xc6: {  	[sflag:s0] =	ssyncset.done $0x0  }
0xc7: {  	[sflag:s0] =	ssyncadd.s32 $0xFFFFFF80  }
0xc8: {  	_ =	swait.ge [sflag:s0], $0x80  }
0xc9: {  	[sflag:s0] =	ssyncset.done $0x0  }
0xca: {  	[sflag:s0] =	ssyncadd.s32 $0xFFFFFF80  }
0xcb: {  	[tilespmem:s12], [sflag:$0x6] =	stream.indirect.gather [hbm4b:s6+s29], $0x20, s29, s29, $0xb8;
	[tilespmem:$0xE510] =	vst v63  }
0xcc: {  	_ =	swait.ge [sflag:s22], $0x1000  }
0xcd: {  	s12 =	simm.s32 $0x100;
	s14 =	rddreg [dreg:$0x4];
	[sflag:s22] =	ssyncset.done $0x0  }
0xce: {  	s30 =	rddreg [dreg:$0x3];
	[sflag:s22] =	ssyncadd.s32 $0xFFFFF000;
	s26 =	sadd.s32 s25, s14  }
0xcf: {  	[tilespmem:s12], [sflag:$0x3] =	stream.linear.gather [hbm4b:s26+s3], $0x80, $0x38;
	[tilespmem:$0xE510] =	vst v63  }
0xd0: {  	s25 =	sadd.s32 s25, s30  }
0xd1: {  	[tilespmem:s13], [sflag:$0x3] =	stream.linear.gather [hbm4b:s25+s3], $0x80, $0x38;
	[tilespmem:$0xE510] =	vst v63  }
0xd2: {  	_ =	swait.ge [sflag:s15], $0x1000  }
0xd3: {  	[sflag:s15] =	ssyncset.done $0x0  }
0xd4: {  	[sflag:s15] =	ssyncadd.s32 $0xFFFFF000  }
0xd5: {  	[spmem:s2] =	stream.indirect.scatter.add.f32 [tilespmem:s1], [sflag:$0x9], $0x20, s31, s29, $0xb8;
	[tilespmem:$0xE510] =	vst v63  }
0xd6: {  	_ =	swait.ge [sflag:s11], $0x80  }
0xd7: {  	[sflag:s11] =	ssyncset.done $0x0  }
0xd8: {  	[sflag:s11] =	ssyncadd.s32 $0xFFFFFF80  }
0xd9: {  	_ =	swait.ge [sflag:s11], $0x80  }
0xda: {  	[sflag:s11] =	ssyncset.done $0x0  }
0xdb: {  	p1 =	slt.s32 s24, $0x27080;
	s25 =	smov.u32 s24;
	[sflag:s11] =	ssyncadd.s32 $0xFFFFFF80  }
0xdc: {  	[tilespmem:s17], [sflag:$0x7] =	stream.indirect.gather [hbm4b:s6+s29], $0x20, s12, s29, $0xb8;
	[tilespmem:$0xE510] =	vst v63  }
0xdd: {  	p0 =	sne.s32 s23, $0x200;
	s25 =	simm.s32 @!p1 $0x27080;
	_ =	swait.ge [sflag:s8], $0x1000  }
0xde: {  	s23 =	sadd.s32 $0x40, s23;
	s25 =	sshrl.u32 s25, $0x3;
	[sflag:s8] =	ssyncset.done $0x0  }
0xdf: {  	s7 =	simm.s32 $0x280;
	s26 =	sadd.s32 s4, s25;
	[sflag:s8] =	ssyncadd.s32 $0xFFFFF000  }
0xe0: {  	[tilespmem:s10], [sflag:$0x4] =	stream.linear.gather [hbm4b:s26+s3], $0x80, $0x38;
	[tilespmem:$0xE510] =	vst v63  }
.Ltmp0:
0xe1: {  	s25 =	sadd.s32 s5, s25;
	s31 =	simm.s32 $0x6;
	(pc) =	sbr.rel @p0 .LBB2_2-.Ltmp0, $4  }
0xe2: {  	[tilespmem:s18], [sflag:$0x4] =	stream.linear.gather [hbm4b:s25+s3], $0x80, $0x38;
	[tilespmem:$0xE510] =	vst v63  }
0xe3: {  	s9 =	simm.s32 $0x1400;
	s14 =	simm.s32 $0x300;
	_ =	swait.ge [sflag:s31], $0x1000  }
0xe4: {  	s30 =	simm.s32 $0x200;
	s13 =	simm.s32 $0x2400;
	[sflag:s31] =	ssyncset.done $0x0  }
0xe5: {  	s24 =	sadd.s32 $0x200, s24;
	s17 =	simm.s32 $0x180;
	[sflag:s31] =	ssyncadd.s32 $0xFFFFF000  }
0xe6: {  	[spmem:s2] =	stream.indirect.scatter.add.f32 [tilespmem:s9], [sflag:$0xA], $0x20, s7, s29, $0xb8;
	[tilespmem:$0xE510] =	vst v63  }
0xe7: {  	_ =	swait.ge [sflag:s16], $0x80  }
0xe8: {  	[sflag:s16] =	ssyncset.done $0x0  }
0xe9: {  	[sflag:s16] =	ssyncadd.s32 $0xFFFFFF80  }
0xea: {  	_ =	swait.ge [sflag:s16], $0x80  }
0xeb: {  	[sflag:s16] =	ssyncset.done $0x0  }
0xec: {  	s1 =	simm.s32 $0x9;
	[sflag:s16] =	ssyncadd.s32 $0xFFFFFF80  }
0xed: {  	[tilespmem:s19], [sflag:$0x8] =	stream.indirect.gather [hbm4b:s6+s29], $0x20, s17, s29, $0xb8;
	[tilespmem:$0xE510] =	vst v63  }
0xee: {  	_ =	swait.ge [sflag:s1], $0x1000  }
0xef: {  	[sflag:s1] =	ssyncset.done $0x0  }
0xf0: {  	s23 =	rddreg [dreg:$0x11];
	[sflag:s1] =	ssyncadd.s32 $0xFFFFF000  }
0xf1: {  	[tilespmem:s3], [sflag:$0x1] =	stream.linear.gather [hbm4b:s23+s3], $0x80, $0x38;
	[tilespmem:$0xE510] =	vst v63  }
0xf2: {  	s7 =	simm.s32 $0x7;
	s1 =	rddreg [dreg:$0x12]  }
0xf3: {  	[tilespmem:s30], [sflag:$0x1] =	stream.linear.gather [hbm4b:s1+s3], $0x80, $0x38;
	[tilespmem:$0xE510] =	vst v63  }
0xf4: {  	_ =	swait.ge [sflag:s7], $0x1000  }
0xf5: {  	[sflag:s7] =	ssyncset.done $0x0  }
0xf6: {  	[sflag:s7] =	ssyncadd.s32 $0xFFFFF000  }
0xf7: {  	[spmem:s2] =	stream.indirect.scatter.add.f32 [tilespmem:s13], [sflag:$0xB], $0x20, s14, s29, $0xb8;
	[tilespmem:$0xE510] =	vst v63  }
0xf8: {  	_ =	swait.ge [sflag:s28], $0x80  }
0xf9: {  	[sflag:s28] =	ssyncset.done $0x0  }
0xfa: {  	[sflag:s28] =	ssyncadd.s32 $0xFFFFFF80  }
0xfb: {  	_ =	swait.ge [sflag:s28], $0x80  }
0xfc: {  	[sflag:s28] =	ssyncset.done $0x0  }
0xfd: {  	[sflag:s28] =	ssyncadd.s32 $0xFFFFFF80  }
0xfe: {  	_ =	swait.ge [sflag:s21], $0x1000  }
0xff: {  	[sflag:s21] =	ssyncset.done $0x0  }
0x100: {  	[sflag:s21] =	ssyncadd.s32 $0xFFFFF000  }
0x101: {  	_ =	swait.ge [sflag:s20], $0x1000  }
0x102: {  	[sflag:s20] =	ssyncset.done $0x0  }
0x103: {  	[sflag:s20] =	ssyncadd.s32 $0xFFFFF000  }
0x104: {  	_ =	swait.ge [sflag:s22], $0x1000  }
0x105: {  	s10 =	simm.s32 $0x4400;
	[sflag:s22] =	ssyncset.done $0x0  }
0x106: {  	s26 =	simm.s32 $0xE;
	s9 =	rddreg [dreg:$0x13];
	[sflag:s22] =	ssyncadd.s32 $0xFFFFF000  }
0x107: {  	[tilespmem:s10], [sflag:$0xE] =	stream.linear.gather [hbm4b:s9+s3], $0x8, $0x38;
	[tilespmem:$0xE510] =	vst v63  }
0x108: {  	_ =	swait.ge [sflag:s26], $0x8  }
0x109: {  	[sflag:s26] =	ssyncset.done $0x0  }
0x10a: {  	s14 =	simm.s32 $0x4408;
	s13 =	rddreg [dreg:$0x14];
	[sflag:s26] =	ssyncadd.s32 $0xFFFFFFF8  }
0x10b: {  	[tilespmem:s14], [sflag:$0xE] =	stream.linear.gather [hbm4b:s13+s3], $0x8, $0x38;
	[tilespmem:$0xE510] =	vst v63  }
0x10c: {  	_ =	swait.ge [sflag:s26], $0x8  }
0x10d: {  	[sflag:s26] =	ssyncset.done $0x0  }
0x10e: {  	s15 =	simm.s32 $0x4410;
	s17 =	simm.s32 $0xD;
	[sflag:s26] =	ssyncadd.s32 $0xFFFFFFF8  }
0x10f: {  	[tilespmem:s15], [sflag:$0xD] =	stream.indirect.gather [hbm4b:s6+s21], $0x20, s10, s21, $0xb8;
	[tilespmem:$0xE510] =	vst v63  }
0x110: {  	_ =	swait.ge [sflag:s17], $0x100  }
0x111: {  	[sflag:s17] =	ssyncset.done $0x0  }
0x112: {  	[sflag:s17] =	ssyncadd.s32 $0xFFFFFF00  }
0x113: {  	[spmem:s2] =	stream.indirect.scatter.add.f32 [tilespmem:s15], [sflag:$0xE], $0x20, s14, s21, $0xb8;
	[tilespmem:$0xE510] =	vst v63  }
0x114: {  	_ =	swait.ge [sflag:s26], $0x100  }
0x115: {  	[sflag:s26] =	ssyncset.done $0x0  }
0x116: {  	[sflag:s26] =	ssyncadd.s32 $0xFFFFFF00  }
0x117: {  	[bflag:$0x0] =	sbarrier.arrive $0xFFFF  }
0x118: {  	s25 =	simm.s32 $0x4510;
	s24 =	rddreg [dreg:$0x8]  }
0x119: {  	[tilespmem:s25], [sflag:$0xE] =	stream.linear.gather [spmem:s24], $0x5000, $0x38;
	[tilespmem:$0xE510] =	vst v63  }
0x11a: {  	_ =	swait.ge [sflag:s26], $0x5000  }
0x11b: {  	[sflag:s26] =	ssyncset.done $0x0  }
0x11c: {  	s18 =	rddreg [dreg:$0x15];
	[sflag:s26] =	ssyncadd.s32 $0xFFFFB000  }
0x11d: {  	[hbm4b:s18+s3] =	stream.linear.scatter [tilespmem:s25], [sflag:$0xE], $0x5000, $0x38;
	[tilespmem:$0xE510] =	vst v63  }
0x11e: {  	_ =	swait.ge [sflag:s26], $0x5000  }
0x11f: {  	s23 =	rddreg [dreg:$0x18]  }
0x120: {  	s30 =	rddreg [dreg:$0x16];
	s7 =	sadd.s32 $0x1, s23  }
0x121: {  	p0 =	sne.s32 s7, s30  }
.Ltmp1:
0x122: {  	_ = 	snop;
	(pc) =	sbr.rel @p0 .LBB2_1-.Ltmp1, $3  }
0x123: {  	_ =	sdelay $0x1  }
0x124: {  	s1 =	simm.s32 $0x400;
	[sflag:s26] =	ssyncset.done $0x0  }
0x125: {  	s14 =	simm.s32 $0x5;
	s15 =	simm.s32 $0x380;
	[sflag:s26] =	ssyncadd.s32 $0xFFFFB000  }
0x126: {  	_ =	sfence.sel $0x180000  }
0x127: {  	[bflag:$0x0] =	sbarrier.arrive $0xFFFF  }
0x128: {  	_ =	strace $0x9000004A  }
0x129: {  	s0 =	stileid.u32;
	[bflag:$0x2] =	sbarrier.arrive $0xFFFF  }
0x12a: {  	p0 =	sne.s32 s0, $0x0;
	s0 =	rddreg [dreg:$0x2]  }
0x12b: {  	s0 =	sadd.s32 @!p0 $0x100000, s0  }
0x12c: {  	[sflag:s0] =	ssyncadd.tile.s32 @!p0 $0x1;
	_ =	shalt  }
.Lfunc_end2:
_tile_overlayer_lowered:
.L_overlay_start_2:
0x12d: {  	(tag) =	ssettag $0x2  }
0x12e: {  	s0 =	rddreg [dreg:$0x0];
	s2 =	stileid.u32  }
0x12f: {  	s1 =	rddreg [dreg:$0x1];
	p0 =	sne.s32 s2, $0x0  }
0x130: {  	s3 =	rddreg [dreg:$0x2];
	[bflag:$0x3] =	sbarrier.arrive $0xFFFF;
	s2 =	simm.s32 @!p0 $0x1C0E  }
0x131: {  	[timem:s3], [sflag:s2] =	dma.local @!p0 [hbm:s0], s1  }
0x132: {  	s0 =	simm.s32 @!p0 $0xE  }
0x133: {  	_ =	swait.ge @!p0 [sflag:s0], s1  }
0x134: {  	s1 =	ssub.s32 @!p0 $0x0, s1;
	[sflag:s0] =	ssyncset.done @!p0 $0x0  }
0x135: {  	[sflag:s0] =	ssyncadd.s32 @!p0 s1  }
0x136: {  	[bflag:$0x3] =	sbarrier.arrive $0xFFFF  }
0x137: {  	_ =	shalt  }

// kernel: kernel.15.cloned.1.call-start
scs
__scs_entry_jumppad:
0x0: {  	(pc) =	sbr.rel $0x88, $3  }
0x1: {  	(tag) =	ssettag $0x0;
	lr =	simm.s32 $0x1  }
0x2: {  	[smem:$0x3F99] =	sst lr;
	_ =	strace $0xD0000000  }
0x3: {  	_ = 	snop  }
0x4: {  	_ = 	snop  }
0x5: {  	_ = 	snop  }
0x6: {  	_ = 	snop  }
0x7: {  	_ = 	snop  }
__scs_overlays_trampoline_lowered:
0x8: {  	[smem:$0x3FA8] =	sst s0  }
0x9: {  	[smem:$0x3FA9] =	sst s1  }
0xa: {  	[smem:$0x3FAA] =	sst s2  }
0xb: {  	[smem:$0x3FAB] =	sst s3  }
0xc: {  	[smem:$0x3FAC] =	sst s4  }
0xd: {  	[smem:$0x3FAD] =	sst s5  }
0xe: {  	[smem:$0x3FAE] =	sst s6  }
0xf: {  	[smem:$0x3FAF] =	sst s7  }
0x10: {  	[smem:$0x3FB0] =	sst s8  }
0x11: {  	[smem:$0x3FB1] =	sst s9;
	s0 =	simm.s32 @!p0 $0x0  }
0x12: {  	s1 =	sld [smem:$0x3F97];
	s0 =	simm.s32 @p0 $0x1  }
0x13: {  	[smem:$0x3FB2] =	sst s0;
	s0 =	simm.s32 @!p1 $0x0  }
0x14: {  	s2 =	sld [smem:$0x3F96];
	s0 =	simm.s32 @p1 $0x1  }
0x15: {  	[smem:$0x3FB3] =	sst s0;
	s0 =	simm.s32 @!p2 $0x0  }
0x16: {  	s3 =	sld [smem:$0x3FDB];
	s0 =	simm.s32 @p2 $0x1  }
0x17: {  	s4 =	simm.s32 $0x1BF5;
	[smem:$0x3FB5] =	sst s0  }
0x18: {  	s0 =	sld [smem:$0x3F98];
	_ =	swait.ge [sflag:s4], $0x0  }
0x19: {  	s7 =	sld [smem:$0x3F99]  }
0x1a: {  	s8 =	sadd.s32 $0xFFFFE003, lr  }
0x1b: {  	s9 =	sadd.s32 $0xFFFFFEF7, lr;
	s5 =	simm.s32 $0xFFFFFFFF;
	p2 =	slt.u32 s8, $0xFFFFF086  }
0x1c: {  	p1 =	slt.u32 s9, $0xF7A;
	s5 =	simm.s32 @!p2 $0x0  }
0x1d: {  	s5 =	simm.s32 @p1 $0x1;
	p0 =	seq.s32 s7, s2  }
0x1e: {  	s7 =	smul.u32 @!p0 $0xF7A, s2;
	p2 =	seq.s32 @!p0 s5, $0x0  }
0x1f: {  	s9 =	smul.u32 $0xF7A, s1;
	s8 =	simm.s32 @!p0 $0x1BF5;
	p2 =	por !p2, p0  }
0x20: {  	[sflag:s8] =	ssyncset.s32 @!p0 $0xFFFFF086;
	s6 =	sadd.s32 @!p0 s3, s7;
	s7 =	simm.s32 @!p0 $0x108  }
0x21: {  	s3 =	sadd.s32 s3, s9;
	s6 =	sadd.s32 @!p0 $0x88, s6;
	s7 =	simm.s32 @p2 $0x1082  }
0x22: {  	[simem:s7], [sflag:s8] =	dma.local @!p0 [hbm:s6], $0xF7A  }
0x23: {  	s9 =	sor.u32 $0xD0000000, s2;
	s6 =	simm.s32 $0x108;
	_ =	swait.ge @!p0 [sflag:s8], $0x0  }
0x24: {  	s3 =	sadd.s32 $0x88, s3;
	s6 =	simm.s32 @!p1 $0x1082;
	[sflag:s4] =	ssyncset.s32 $0xFFFFF086  }
0x25: {  	[simem:s6], [sflag:s4] =	dma.local [hbm:s3], $0xF7A  }
0x26: {  	[smem:$0x3F99] =	sst s1;
	(tag) =	ssettag s2;
	_ =	strace s9  }
0x27: {  	s1 =	sld [smem:$0x3FA9]  }
0x28: {  	s2 =	sld [smem:$0x3FAA]  }
0x29: {  	s4 =	sld [smem:$0x3FAC]  }
0x2a: {  	p0 =	seq.s32 s5, $0x0;
	s5 =	sld [smem:$0x3FAD]  }
0x2b: {  	s6 =	sld [smem:$0x3FAE]  }
0x2c: {  	s7 =	sld [smem:$0x3FAF]  }
0x2d: {  	s3 =	simm.s32 $0x108;
	s8 =	sld [smem:$0x3FB0]  }
0x2e: {  	s3 =	simm.s32 @!p0 $0x1082;
	s9 =	sld [smem:$0x3FB1]  }
0x2f: {  	lr =	sadd.s32 s0, s3;
	s0 =	sld [smem:$0x3FA8]  }
0x30: {  	s3 =	sld [smem:$0x3FAB]  }
0x31: {  	[smem:$0x3FB4] =	sst s10  }
0x32: {  	s10 =	sld [smem:$0x3FB2];
	_ =	sdelay $0x3  }
0x33: {  	p0 =	seq.s32 s10, $0x1;
	s10 =	sld [smem:$0x3FB4];
	_ =	sdelay $0x3  }
0x34: {  	[smem:$0x3FB4] =	sst s10  }
0x35: {  	s10 =	sld [smem:$0x3FB3];
	_ =	sdelay $0x3  }
0x36: {  	p1 =	seq.s32 s10, $0x1;
	s10 =	sld [smem:$0x3FB4];
	_ =	sdelay $0x3  }
0x37: {  	[smem:$0x3FB4] =	sst s10  }
0x38: {  	s10 =	sld [smem:$0x3FB5]  }
0x39: {  	_ = 	snop;
	(pc) =	sbr.ind lr, $3  }
0x3a: {  	_ = 	snop  }
0x3b: {  	_ = 	snop  }
0x3c: {  	p2 =	seq.s32 s10, $0x1;
	s10 =	sld [smem:$0x3FB4]  }
0x3d: {  	_ =	shalt  }
0x3e: {  	_ =	shalt  }
0x3f: {  	_ =	shalt  }
0x40: {  	_ =	shalt  }
0x41: {  	_ =	shalt  }
0x42: {  	_ =	shalt  }
0x43: {  	_ =	shalt  }
0x44: {  	_ =	shalt  }
0x45: {  	_ =	shalt  }
0x46: {  	_ =	shalt  }
0x47: {  	_ =	shalt  }
0x48: {  	_ =	shalt  }
0x49: {  	_ =	shalt  }
0x4a: {  	_ =	shalt  }
0x4b: {  	_ =	shalt  }
0x4c: {  	_ =	shalt  }
0x4d: {  	_ =	shalt  }
0x4e: {  	_ =	shalt  }
0x4f: {  	_ =	shalt  }
0x50: {  	_ =	shalt  }
0x51: {  	_ =	shalt  }
0x52: {  	_ =	shalt  }
0x53: {  	_ =	shalt  }
0x54: {  	_ =	shalt  }
0x55: {  	_ =	shalt  }
0x56: {  	_ =	shalt  }
0x57: {  	_ =	shalt  }
0x58: {  	_ =	shalt  }
0x59: {  	_ =	shalt  }
0x5a: {  	_ =	shalt  }
0x5b: {  	_ =	shalt  }
0x5c: {  	_ =	shalt  }
0x5d: {  	_ =	shalt  }
0x5e: {  	_ =	shalt  }
0x5f: {  	_ =	shalt  }
0x60: {  	_ =	shalt  }
0x61: {  	_ =	shalt  }
0x62: {  	_ =	shalt  }
0x63: {  	_ =	shalt  }
0x64: {  	_ =	shalt  }
0x65: {  	_ =	shalt  }
0x66: {  	_ =	shalt  }
0x67: {  	_ =	shalt  }
0x68: {  	_ =	shalt  }
0x69: {  	_ =	shalt  }
0x6a: {  	_ =	shalt  }
0x6b: {  	_ =	shalt  }
0x6c: {  	_ =	shalt  }
0x6d: {  	_ =	shalt  }
0x6e: {  	_ =	shalt  }
0x6f: {  	_ =	shalt  }
0x70: {  	_ =	shalt  }
0x71: {  	_ =	shalt  }
0x72: {  	_ =	shalt  }
0x73: {  	_ =	shalt  }
0x74: {  	_ =	shalt  }
0x75: {  	_ =	shalt  }
0x76: {  	_ =	shalt  }
0x77: {  	_ =	shalt  }
0x78: {  	_ =	shalt  }
0x79: {  	_ =	shalt  }
0x7a: {  	_ =	shalt  }
0x7b: {  	_ =	shalt  }
0x7c: {  	_ =	shalt  }
0x7d: {  	_ =	shalt  }
0x7e: {  	_ =	shalt  }
0x7f: {  	_ =	shalt  }
0x80: {  	_ =	shalt  }
0x81: {  	_ =	shalt  }
0x82: {  	_ =	shalt  }
0x83: {  	_ =	shalt  }
0x84: {  	_ =	shalt  }
0x85: {  	_ =	shalt  }
0x86: {  	_ =	shalt  }
0x87: {  	_ =	shalt  }
.Lfunc_end0:
.L_simem_size_0:
called_computation.2_lowered:
.L_overlay_start_0:
0x88: {  	s2 =	sld [smem:$0x3FD9]  }
0x89: {  	s3 =	sld [smem:$0x3FFE];
	_ =	sdelay $0x1  }
0x8a: {  	s1 =	srdreg.scid  }
0x8b: {  	s0 =	sand.u32 $0x1, s1  }
0x8c: {  	s16 =	sshll.u32 s0, $0xA;
	s2 =	sadd.s32 s3, s2  }
0x8d: {  	s2 =	sadd.s32 s2, s16  }
0x8e: {  	[smem:$0x3FC0] =	sst s2  }
0x8f: {  	_ = 	snop  }
0x90: {  	(tm) =	ssettm $0x1  }
0x91: {  	s17 =	sld [smem:$0x3FFB];
	_ =	sdelay $0x3  }
0x92: {  	_ =	strace s17  }
0x93: {  	s2 =	sld [smem:$0x3FFC];
	_ =	sdelay $0x3  }
0x94: {  	_ =	strace s2  }
0x95: {  	s2 =	sld [smem:$0x3FFD];
	_ =	sdelay $0x3  }
0x96: {  	_ =	strace s2  }
0x97: {  	_ =	strace $0x8FFFFFFF  }
0x98: {  	s18 =	sld [smem:$0x3FDB];
	_ =	sdelay $0x1  }
0x99: {  	s19 =	simm.s32 $_scs_section_size  }
0x9a: {  	s4 =	simm.s32 $_size__tile_overlayer_lowered;
	s5 =	simm.s32 $_tile_overlayer_lowered  }
0x9b: {  	s22 =	simm.s32 $0x1BFF;
	s21 =	sshll.u32 s5, $0x1;
	s2 =	sadd.s32 s19, s18  }
0x9c: {  	s6 =	simm.s32 $0x0;
	s20 =	sshll.u32 s4, $0x1;
	s4 =	sadd.s32 s21, s2  }
0x9d: {  	[timem:s6], [sflag:s22] =	dma.local [hbm:s4], s20  }
0x9e: {  	_ =	swait.ge [sflag:s22], s20  }
0x9f: {  	s3 =	ssub.s32 $0x0, s20;
	[sflag:s22] =	ssyncset.done $0x0  }
0xa0: {  	[sflag:s22] =	ssyncadd.s32 s3;
	_ =	sdelay $0x1  }
0xa1: {  	s23 =	simm.s32 $0x1B8B  }
0xa2: {  	_ =	swait.ge [sflag:s23], $0x1  }
0xa3: {  	[sflag:s23] =	ssyncset.done $0x0  }
0xa4: {  	s25 =	simm.s32 $0x1B8E;
	s24 =	sld [smem:$0x3FFE];
	[sflag:s23] =	ssyncadd.s32 $0xFFFFFFFF  }
0xa5: {  	s26 =	simm.s32 $execute0_lowered;
	[smem:$0x3FD2] =	sst s25  }
0xa6: {  	s4 =	sshll.u32 s26, $0x1;
	_ =	strace $0x8000004C;
	[dreg:$0x1] =	wrdreg $0xFFFFFFFF  }
0xa7: {  	s28 =	simm.s32 $_size_execute0_lowered;
	s2 =	sadd.s32 s2, s4;
	[dreg:$0x0] =	wrdreg $0x0  }
0xa8: {  	s4 =	sshll.u32 s28, $0x1;
	[dreg:$0x2] =	wrdreg s2  }
0xa9: {  	[dreg:$0x3] =	wrdreg s4  }
0xaa: {  	[dreg:$0x4] =	wrdreg $0xC0  }
0xab: {  	_ =	task [dreg:s6], $0x5FFFF  }
0xac: {  	[dreg:$0x1] =	wrdreg $0xFFFFFFFF  }
0xad: {  	[dreg:$0x0] =	wrdreg $0x60  }
0xae: {  	[dreg:$0x2] =	wrdreg s24  }
0xaf: {  	[dreg:$0x3] =	wrdreg $0x95100  }
0xb0: {  	[dreg:$0x4] =	wrdreg $0x9  }
0xb1: {  	_ =	task.clear_ibuf [dreg:s6], $0x5FFFF;
	_ =	strace $0x9000004C  }
0xb2: {  	s29 =	simm.s32 $0x9;
	_ =	strace $0x8000004E  }
0xb3: {  	_ =	swait.ge [sflag:s29], $0x1  }
0xb4: {  	[sflag:s29] =	ssyncadd.s32 $0xFFFFFFFF  }
0xb5: {  	_ =	strace $0x9000004E  }
0xb6: {  	_ =	sfence  }
0xb7: {  	s30 =	sld [smem:$0x0];
	_ =	sdelay $0x2  }
0xb8: {  	s31 =	sshll.u32 s1, $0xD;
	s1 =	sshrl.u32 s1, $0x2  }
0xb9: {  	s3 =	sand.u32 $0x4000, s31;
	s1 =	sadd.s32 s1, s30  }
0xba: {  	s0 =	sor.u32 s3, s0;
	s1 =	sshll.u32 s1, $0x11  }
0xbb: {  	s0 =	sor.u32 s1, s0  }
0xbc: {  	s0 =	sadd.s32 $0x8F2B, s0  }
0xbd: {  	[sflag:s0] =	ssyncadd.remote.s32 $0x1  }
0xbe: {  	_ =	sfence.sel $0xFFFF  }
0xbf: {  	[dreg:$0x0] =	wrdreg $0xFFFFFFFF;
	(pc) =	sbr.abs _section_cstart, $3  }
0xc0: {  	[dreg:$0x1] =	wrdreg $0xFFFFFFFF  }
0xc1: {  	_ =	task.clear_ibuf [dreg:s6], $0x2FFFF;
	_ =	strace $0x9FFFFFFF  }
0xc2: {  	(tm) =	ssettm $0x7FFFFFFF  }
0xc3: {  	_ =	shalt  }
tec
execute0_lowered:
.L_overlay_start_1:
0x0: {  	(tag) =	ssettag $0x1  }
0x1: {  	s0 =	rddreg [dreg:$0x0]  }
0x2: {  	s2 =	rddreg [dreg:$0x1];
	s3 =	simm.s32 $0x0;
	s1 =	srdreg.scid  }
0x3: {  	s12 =	stileid.u32;
	s28 =	simm.s32 $0x1;
	s29 =	simm.s32 $0x80  }
0x4: {  	s31 =	simm.s32 $0x6;
	[smem:$0x7FF] =	sst s3;
	s1 =	sand.u32 $0x1, s1  }
0x5: {  	s7 =	smul.u32 $0x5000, s12;
	s4 =	sadd.s32 $0x7200, s0;
	s5 =	sadd.s32 $0x2200, s0  }
0x6: {  	s10 =	sadd.s32 $0x6B600, s0;
	_ =	strace $0x8000004D;
	s8 =	smul.u32 $0x50000, s1  }
0x7: {  	s6 =	sshll.u32 s1, $0x4;
	[dreg:$0x7] =	wrdreg s10;
	s20 =	ssub.s32 $0x2, s1  }
0x8: {  	s1 =	smul.u32 $0x13880, s1;
	s9 =	sor.u32 s12, s6;
	s6 =	sadd.s32 $0xC200, s0  }
0x9: {  	s21 =	sshrl.u32 s20, $0x1;
	s24 =	sadd.s32 s7, s2;
	s12 =	smul.u32 $0x1388, s12  }
0xa: {  	s8 =	sadd.s32 s7, s8;
	s9 =	smul.u32 $0x1388, s9;
	[dreg:$0x8] =	wrdreg s24  }
0xb: {  	s8 =	sshrl.u32 s8, $0x3;
	s1 =	sadd.s32 s12, s1;
	s12 =	simm.s32 $0x100  }
0xc: {  	s0 =	sadd.s32 s8, s0;
	s11 =	sshrl.u32 s9, $0x3;
	s8 =	ssub.s32 s20, s21  }
0xd: {  	s9 =	smin.u32 s9, $0x25C80;
	s17 =	sadd.s32 $0x300, s1;
	s22 =	sadd.s32 s4, s11  }
0xe: {  	s23 =	sadd.s32 s5, s11;
	s25 =	sadd.s32 $0x10, s11;
	[dreg:$0x9] =	wrdreg s22  }
0xf: {  	s30 =	sadd.s32 $0x20, s11;
	s0 =	sadd.s32 $0x16000, s0;
	[dreg:$0xa] =	wrdreg s23  }
0x10: {  	s15 =	sadd.s32 $0x30, s11;
	s26 =	sadd.s32 s4, s25;
	[dreg:$0x15] =	wrdreg s0  }
0x11: {  	s9 =	sshrl.u32 s9, $0x3;
	s7 =	sadd.s32 s5, s25;
	[dreg:$0xb] =	wrdreg s26  }
0x12: {  	s19 =	sshrl.u32 s17, $0x3;
	s13 =	sadd.s32 s4, s30;
	[dreg:$0xc] =	wrdreg s7  }
0x13: {  	s14 =	sadd.s32 s5, s30;
	s16 =	sadd.s32 s4, s15;
	[dreg:$0xd] =	wrdreg s13  }
0x14: {  	s18 =	sadd.s32 $0x280, s9;
	s21 =	sadd.s32 s19, s5;
	[dreg:$0xe] =	wrdreg s14  }
0x15: {  	s22 =	sadd.s32 $0x270, s11;
	s23 =	sadd.s32 $0x280, s1;
	[dreg:$0xf] =	wrdreg s16  }
0x16: {  	s9 =	sadd.s32 s19, s4;
	s30 =	smax.u32 s8, $0x1;
	[dreg:$0x3] =	wrdreg s21  }
0x17: {  	s1 =	sadd.s32 $0x380, s1;
	s0 =	simm.s32 $0x2;
	[dreg:$0x4] =	wrdreg s9  }
0x18: {  	s8 =	simm.s32 $0xC;
	s19 =	simm.s32 $0x3400;
	[dreg:$0x16] =	wrdreg s30  }
0x19: {  	s7 =	sadd.s32 s5, s15;
	s20 =	sadd.s32 s4, s18;
	[dreg:$0x17] =	wrdreg s1  }
0x1a: {  	s11 =	sadd.s32 s4, s22;
	s10 =	sadd.s32 s5, s22;
	[dreg:$0x10] =	wrdreg s7  }
0x1b: {  	s1 =	simm.s32 $0x400;
	s14 =	simm.s32 $0x5;
	[dreg:$0x11] =	wrdreg s20  }
0x1c: {  	s15 =	simm.s32 $0x380;
	s16 =	simm.s32 $0x4;
	[dreg:$0x13] =	wrdreg s11  }
0x1d: {  	s21 =	simm.s32 $0x8;
	s7 =	sadd.s32 s5, s18;
	[dreg:$0x14] =	wrdreg s10  }
0x1e: {  	s22 =	simm.s32 $0xB;
	[dreg:$0x12] =	wrdreg s7;
	s7 =	sshrl.u32 s23, $0x3  }
0x1f: {  	s11 =	simm.s32 $0x3;
	s20 =	simm.s32 $0xA;
	s25 =	sadd.s32 s7, s5  }
0x20: {  	s26 =	sadd.s32 s7, s4;
	s7 =	simm.s32 $0x0;
	[dreg:$0x5] =	wrdreg s25  }
0x21: {  	[dreg:$0x6] =	wrdreg s26;
	s25 =	simm.s32 $0x4510;
	s26 =	simm.s32 $0xE  }
.LBB2_1:
0x22: {  	[dreg:$0x18] =	wrdreg s7  }
0x23: {  	s23 =	rddreg [dreg:$0x7]  }
0x24: {  	[tilespmem:s25], [sflag:$0xE] =	stream.linear.gather [hbm4b:s23+s3], $0x5000, $0x38;
	[tilespmem:$0xE510] =	vst v63  }
0x25: {  	_ =	swait.ge [sflag:s26], $0x5000  }
0x26: {  	[sflag:s26] =	ssyncset.done $0x0  }
0x27: {  	[sflag:s26] =	ssyncadd.s32 $0xFFFFB000  }
0x28: {  	[spmem:s24] =	stream.linear.scatter [tilespmem:s25], [sflag:$0xE], $0x5000, $0x38;
	[tilespmem:$0xE510] =	vst v63  }
0x29: {  	_ =	swait.ge [sflag:s26], $0x5000  }
0x2a: {  	[sflag:s26] =	ssyncset.done $0x0  }
0x2b: {  	[sflag:s26] =	ssyncadd.s32 $0xFFFFB000  }
0x2c: {  	[bflag:$0x0] =	sbarrier.arrive $0xFFFF  }
0x2d: {  	s26 =	rddreg [dreg:$0x9]  }
0x2e: {  	[tilespmem:s3], [sflag:$0x1] =	stream.linear.gather [hbm4b:s26+s3], $0x80, $0x38;
	[tilespmem:$0xE510] =	vst v63  }
0x2f: {  	s30 =	rddreg [dreg:$0xa];
	s26 =	simm.s32 $0x200  }
0x30: {  	[tilespmem:s26], [sflag:$0x1] =	stream.linear.gather [hbm4b:s30+s3], $0x80, $0x38;
	[tilespmem:$0xE510] =	vst v63  }
0x31: {  	_ =	swait.ge [sflag:s28], $0x80  }
0x32: {  	[sflag:s28] =	ssyncset.done $0x0  }
0x33: {  	[sflag:s28] =	ssyncadd.s32 $0xFFFFFF80  }
0x34: {  	_ =	swait.ge [sflag:s28], $0x80  }
0x35: {  	[sflag:s28] =	ssyncset.done $0x0  }
0x36: {  	[sflag:s28] =	ssyncadd.s32 $0xFFFFFF80  }
0x37: {  	[tilespmem:s1], [sflag:$0x5] =	stream.indirect.gather [hbm4b:s6+s29], $0x20, s3, s29, $0xb8;
	[tilespmem:$0xE510] =	vst v63  }
0x38: {  	s7 =	rddreg [dreg:$0xb]  }
0x39: {  	[tilespmem:s29], [sflag:$0x2] =	stream.linear.gather [hbm4b:s7+s3], $0x80, $0x38;
	[tilespmem:$0xE510] =	vst v63  }
0x3a: {  	s9 =	rddreg [dreg:$0xc];
	s7 =	simm.s32 $0x280  }
0x3b: {  	[tilespmem:s7], [sflag:$0x2] =	stream.linear.gather [hbm4b:s9+s3], $0x80, $0x38;
	[tilespmem:$0xE510] =	vst v63  }
0x3c: {  	_ =	swait.ge [sflag:s0], $0x80  }
0x3d: {  	[sflag:s0] =	ssyncset.done $0x0  }
0x3e: {  	[sflag:s0] =	ssyncadd.s32 $0xFFFFFF80  }
0x3f: {  	_ =	swait.ge [sflag:s0], $0x80  }
0x40: {  	[sflag:s0] =	ssyncset.done $0x0  }
0x41: {  	s9 =	simm.s32 $0x1400;
	[sflag:s0] =	ssyncadd.s32 $0xFFFFFF80  }
0x42: {  	[tilespmem:s9], [sflag:$0x6] =	stream.indirect.gather [hbm4b:s6+s29], $0x20, s29, s29, $0xb8;
	[tilespmem:$0xE510] =	vst v63  }
0x43: {  	s10 =	rddreg [dreg:$0xd]  }
0x44: {  	[tilespmem:s12], [sflag:$0x3] =	stream.linear.gather [hbm4b:s10+s3], $0x80, $0x38;
	[tilespmem:$0xE510] =	vst v63  }
0x45: {  	s30 =	simm.s32 $0x300;
	s13 =	rddreg [dreg:$0xe]  }
0x46: {  	[tilespmem:s30], [sflag:$0x3] =	stream.linear.gather [hbm4b:s13+s3], $0x80, $0x38;
	[tilespmem:$0xE510] =	vst v63  }
0x47: {  	_ =	swait.ge [sflag:s14], $0x1000  }
0x48: {  	[sflag:s14] =	ssyncset.done $0x0  }
0x49: {  	[sflag:s14] =	ssyncadd.s32 $0xFFFFF000  }
0x4a: {  	[spmem:s2] =	stream.indirect.scatter.add.f32 [tilespmem:s1], [sflag:$0x9], $0x20, s26, s29, $0xb8;
	[tilespmem:$0xE510] =	vst v63  }
0x4b: {  	_ =	swait.ge [sflag:s11], $0x80  }
0x4c: {  	[sflag:s11] =	ssyncset.done $0x0  }
0x4d: {  	[sflag:s11] =	ssyncadd.s32 $0xFFFFFF80  }
0x4e: {  	_ =	swait.ge [sflag:s11], $0x80  }
0x4f: {  	[sflag:s11] =	ssyncset.done $0x0  }
0x50: {  	s13 =	simm.s32 $0x2400;
	[sflag:s11] =	ssyncadd.s32 $0xFFFFFF80  }
0x51: {  	[tilespmem:s13], [sflag:$0x7] =	stream.indirect.gather [hbm4b:s6+s29], $0x20, s12, s29, $0xb8;
	[tilespmem:$0xE510] =	vst v63  }
0x52: {  	s10 =	simm.s32 $0x180;
	s17 =	rddreg [dreg:$0xf]  }
0x53: {  	[tilespmem:s10], [sflag:$0x4] =	stream.linear.gather [hbm4b:s17+s3], $0x80, $0x38;
	[tilespmem:$0xE510] =	vst v63  }
0x54: {  	s18 =	rddreg [dreg:$0x10]  }
0x55: {  	[tilespmem:s15], [sflag:$0x4] =	stream.linear.gather [hbm4b:s18+s3], $0x80, $0x38;
	[tilespmem:$0xE510] =	vst v63  }
0x56: {  	_ =	swait.ge [sflag:s31], $0x1000  }
0x57: {  	[sflag:s31] =	ssyncset.done $0x0  }
0x58: {  	[sflag:s31] =	ssyncadd.s32 $0xFFFFF000  }
0x59: {  	[spmem:s2] =	stream.indirect.scatter.add.f32 [tilespmem:s9], [sflag:$0xA], $0x20, s7, s29, $0xb8;
	[tilespmem:$0xE510] =	vst v63  }
0x5a: {  	_ =	swait.ge [sflag:s16], $0x80  }
0x5b: {  	[sflag:s16] =	ssyncset.done $0x0  }
0x5c: {  	[sflag:s16] =	ssyncadd.s32 $0xFFFFFF80  }
0x5d: {  	_ =	swait.ge [sflag:s16], $0x80  }
0x5e: {  	[sflag:s16] =	ssyncset.done $0x0  }
0x5f: {  	s17 =	simm.s32 $0x3400;
	s18 =	simm.s32 $0x9;
	[sflag:s16] =	ssyncadd.s32 $0xFFFFFF80  }
0x60: {  	[tilespmem:s17], [sflag:$0x8] =	stream.indirect.gather [hbm4b:s6+s29], $0x20, s10, s29, $0xb8;
	[tilespmem:$0xE510] =	vst v63  }
0x61: {  	_ =	swait.ge [sflag:s18], $0x1000  }
0x62: {  	s25 =	rddreg [dreg:$0x17]  }
0x63: {  	s24 =	sadd.s32 $0xFFFFFE80, s25  }
0x64: {  	[sflag:s18] =	ssyncset.done $0x0;
	s23 =	sshrl.u32 s24, $0x3  }
0x65: {  	[sflag:s18] =	ssyncadd.s32 $0xFFFFF000;
	s18 =	sadd.s32 s4, s23  }
0x66: {  	[tilespmem:s3], [sflag:$0x1] =	stream.linear.gather [hbm4b:s18+s3], $0x80, $0x38;
	[tilespmem:$0xE510] =	vst v63  }
0x67: {  	s23 =	sadd.s32 s5, s23  }
0x68: {  	[tilespmem:s26], [sflag:$0x1] =	stream.linear.gather [hbm4b:s23+s3], $0x80, $0x38;
	[tilespmem:$0xE510] =	vst v63  }
0x69: {  	s23 =	simm.s32 $0x7  }
0x6a: {  	_ =	swait.ge [sflag:s23], $0x1000  }
0x6b: {  	[sflag:s23] =	ssyncset.done $0x0  }
0x6c: {  	[sflag:s23] =	ssyncadd.s32 $0xFFFFF000  }
0x6d: {  	[spmem:s2] =	stream.indirect.scatter.add.f32 [tilespmem:s13], [sflag:$0xB], $0x20, s30, s29, $0xb8;
	[tilespmem:$0xE510] =	vst v63  }
0x6e: {  	_ =	swait.ge [sflag:s28], $0x80  }
0x6f: {  	[sflag:s28] =	ssyncset.done $0x0  }
0x70: {  	[sflag:s28] =	ssyncadd.s32 $0xFFFFFF80  }
0x71: {  	_ =	swait.ge [sflag:s28], $0x80  }
0x72: {  	[sflag:s28] =	ssyncset.done $0x0  }
0x73: {  	[sflag:s28] =	ssyncadd.s32 $0xFFFFFF80  }
0x74: {  	[tilespmem:s1], [sflag:$0x5] =	stream.indirect.gather [hbm4b:s6+s29], $0x20, s3, s29, $0xb8;
	[tilespmem:$0xE510] =	vst v63  }
0x75: {  	_ =	swait.ge [sflag:s20], $0x1000  }
0x76: {  	s24 =	rddreg [dreg:$0x6];
	[sflag:s20] =	ssyncset.done $0x0  }
0x77: {  	s18 =	rddreg [dreg:$0x5];
	[sflag:s20] =	ssyncadd.s32 $0xFFFFF000;
	s23 =	sadd.s32 $0x0, s24  }
0x78: {  	[tilespmem:s29], [sflag:$0x2] =	stream.linear.gather [hbm4b:s23+s3], $0x80, $0x38;
	[tilespmem:$0xE510] =	vst v63  }
0x79: {  	s24 =	sadd.s32 $0x0, s18  }
0x7a: {  	[tilespmem:s7], [sflag:$0x2] =	stream.linear.gather [hbm4b:s24+s3], $0x80, $0x38;
	[tilespmem:$0xE510] =	vst v63  }
0x7b: {  	_ =	swait.ge [sflag:s21], $0x1000  }
0x7c: {  	[sflag:s21] =	ssyncset.done $0x0  }
0x7d: {  	[sflag:s21] =	ssyncadd.s32 $0xFFFFF000  }
0x7e: {  	[spmem:s2] =	stream.indirect.scatter.add.f32 [tilespmem:s17], [sflag:$0xC], $0x20, s15, s29, $0xb8;
	[tilespmem:$0xE510] =	vst v63  }
0x7f: {  	_ =	swait.ge [sflag:s0], $0x80  }
0x80: {  	[sflag:s0] =	ssyncset.done $0x0  }
0x81: {  	[sflag:s0] =	ssyncadd.s32 $0xFFFFFF80  }
0x82: {  	_ =	swait.ge [sflag:s0], $0x80  }
0x83: {  	[sflag:s0] =	ssyncset.done $0x0  }
0x84: {  	[sflag:s0] =	ssyncadd.s32 $0xFFFFFF80  }
0x85: {  	[tilespmem:s9], [sflag:$0x6] =	stream.indirect.gather [hbm4b:s6+s29], $0x20, s29, s29, $0xb8;
	[tilespmem:$0xE510] =	vst v63  }
0x86: {  	_ =	swait.ge [sflag:s22], $0x1000  }
0x87: {  	s17 =	rddreg [dreg:$0x4];
	[sflag:s22] =	ssyncset.done $0x0  }
0x88: {  	s18 =	rddreg [dreg:$0x3];
	[sflag:s22] =	ssyncadd.s32 $0xFFFFF000;
	s23 =	sadd.s32 $0x0, s17  }
0x89: {  	[tilespmem:s12], [sflag:$0x3] =	stream.linear.gather [hbm4b:s23+s3], $0x80, $0x38;
	[tilespmem:$0xE510] =	vst v63  }
0x8a: {  	s24 =	sadd.s32 $0x0, s18  }
0x8b: {  	[tilespmem:s30], [sflag:$0x3] =	stream.linear.gather [hbm4b:s24+s3], $0x80, $0x38;
	[tilespmem:$0xE510] =	vst v63  }
0x8c: {  	_ =	swait.ge [sflag:s14], $0x1000  }
0x8d: {  	[sflag:s14] =	ssyncset.done $0x0  }
0x8e: {  	[sflag:s14] =	ssyncadd.s32 $0xFFFFF000  }
0x8f: {  	[spmem:s2] =	stream.indirect.scatter.add.f32 [tilespmem:s1], [sflag:$0x9], $0x20, s26, s29, $0xb8;
	[tilespmem:$0xE510] =	vst v63  }
0x90: {  	_ =	swait.ge [sflag:s11], $0x80  }
0x91: {  	[sflag:s11] =	ssyncset.done $0x0  }
0x92: {  	[sflag:s11] =	ssyncadd.s32 $0xFFFFFF80  }
0x93: {  	_ =	swait.ge [sflag:s11], $0x80  }
0x94: {  	[sflag:s11] =	ssyncset.done $0x0  }
0x95: {  	p0 =	slt.s32 s25, $0x27080;
	s23 =	smov.u32 s25;
	[sflag:s11] =	ssyncadd.s32 $0xFFFFFF80  }
0x96: {  	[tilespmem:s13], [sflag:$0x7] =	stream.indirect.gather [hbm4b:s6+s29], $0x20, s12, s29, $0xb8;
	[tilespmem:$0xE510] =	vst v63  }
0x97: {  	s23 =	simm.s32 @!p0 $0x27080;
	_ =	swait.ge [sflag:s8], $0x1000  }
0x98: {  	s23 =	sshrl.u32 s23, $0x3;
	[sflag:s8] =	ssyncset.done $0x0  }
0x99: {  	s30 =	sadd.s32 s4, s23;
	[sflag:s8] =	ssyncadd.s32 $0xFFFFF000  }
0x9a: {  	[tilespmem:s10], [sflag:$0x4] =	stream.linear.gather [hbm4b:s30+s3], $0x80, $0x38;
	[tilespmem:$0xE510] =	vst v63  }
0x9b: {  	s23 =	sadd.s32 s5, s23  }
0x9c: {  	[tilespmem:s15], [sflag:$0x4] =	stream.linear.gather [hbm4b:s23+s3], $0x80, $0x38;
	[tilespmem:$0xE510] =	vst v63  }
0x9d: {  	s18 =	simm.s32 $0x380;
	_ =	swait.ge [sflag:s31], $0x1000  }
0x9e: {  	s24 =	sadd.s32 $0x200, s25;
	s1 =	simm.s32 $0x400;
	[sflag:s31] =	ssyncset.done $0x0  }
0x9f: {  	s23 =	simm.s32 $0x40;
	s15 =	simm.s32 $0x5;
	[sflag:s31] =	ssyncadd.s32 $0xFFFFF000  }
.LBB2_2:
0xa0: {  	s9 =	simm.s32 $0x280;
	s12 =	simm.s32 $0x1400  }
0xa1: {  	[spmem:s2] =	stream.indirect.scatter.add.f32 [tilespmem:s12], [sflag:$0xA], $0x20, s9, s29, $0xb8;
	[tilespmem:$0xE510] =	vst v63  }
0xa2: {  	_ =	swait.ge [sflag:s16], $0x80  }
0xa3: {  	[sflag:s16] =	ssyncset.done $0x0  }
0xa4: {  	[sflag:s16] =	ssyncadd.s32 $0xFFFFFF80  }
0xa5: {  	_ =	swait.ge [sflag:s16], $0x80  }
0xa6: {  	s10 =	simm.s32 $0x180;
	[sflag:s16] =	ssyncset.done $0x0  }
0xa7: {  	s14 =	simm.s32 $0x3400;
	s7 =	simm.s32 $0x9;
	[sflag:s16] =	ssyncadd.s32 $0xFFFFFF80  }
0xa8: {  	[tilespmem:s14], [sflag:$0x8] =	stream.indirect.gather [hbm4b:s6+s29], $0x20, s10, s29, $0xb8;
	[tilespmem:$0xE510] =	vst v63  }
0xa9: {  	s26 =	sadd.s32 $0xFFFFFE80, s24;
	_ =	swait.ge [sflag:s7], $0x1000  }
0xaa: {  	s26 =	sshrl.u32 s26, $0x3;
	[sflag:s7] =	ssyncset.done $0x0  }
0xab: {  	s30 =	sadd.s32 s4, s26;
	[sflag:s7] =	ssyncadd.s32 $0xFFFFF000  }
0xac: {  	[tilespmem:s3], [sflag:$0x1] =	stream.linear.gather [hbm4b:s30+s3], $0x80, $0x38;
	[tilespmem:$0xE510] =	vst v63  }
0xad: {  	s31 =	simm.s32 $0x200;
	s26 =	sadd.s32 s5, s26  }
0xae: {  	[tilespmem:s31], [sflag:$0x1] =	stream.linear.gather [hbm4b:s26+s3], $0x80, $0x38;
	[tilespmem:$0xE510] =	vst v63  }
0xaf: {  	s26 =	simm.s32 $0x7  }
0xb0: {  	_ =	swait.ge [sflag:s26], $0x1000  }
0xb1: {  	[sflag:s26] =	ssyncset.done $0x0  }
0xb2: {  	s13 =	simm.s32 $0x300;
	s17 =	simm.s32 $0x2400;
	[sflag:s26] =	ssyncadd.s32 $0xFFFFF000  }
0xb3: {  	[spmem:s2] =	stream.indirect.scatter.add.f32 [tilespmem:s17], [sflag:$0xB], $0x20, s13, s29, $0xb8;
	[tilespmem:$0xE510] =	vst v63  }
0xb4: {  	_ =	swait.ge [sflag:s28], $0x80  }
0xb5: {  	[sflag:s28] =	ssyncset.done $0x0  }
0xb6: {  	[sflag:s28] =	ssyncadd.s32 $0xFFFFFF80  }
0xb7: {  	_ =	swait.ge [sflag:s28], $0x80  }
0xb8: {  	[sflag:s28] =	ssyncset.done $0x0  }
0xb9: {  	[sflag:s28] =	ssyncadd.s32 $0xFFFFFF80  }
0xba: {  	[tilespmem:s1], [sflag:$0x5] =	stream.indirect.gather [hbm4b:s6+s29], $0x20, s3, s29, $0xb8;
	[tilespmem:$0xE510] =	vst v63  }
0xbb: {  	_ =	swait.ge [sflag:s20], $0x1000  }
0xbc: {  	s25 =	smov.u32 s23;
	s7 =	rddreg [dreg:$0x6];
	[sflag:s20] =	ssyncset.done $0x0  }
0xbd: {  	s30 =	rddreg [dreg:$0x5];
	[sflag:s20] =	ssyncadd.s32 $0xFFFFF000;
	s26 =	sadd.s32 s25, s7  }
0xbe: {  	[tilespmem:s29], [sflag:$0x2] =	stream.linear.gather [hbm4b:s26+s3], $0x80, $0x38;
	[tilespmem:$0xE510] =	vst v63  }
0xbf: {  	s26 =	sadd.s32 s25, s30  }
0xc0: {  	[tilespmem:s9], [sflag:$0x2] =	stream.linear.gather [hbm4b:s26+s3], $0x80, $0x38;
	[tilespmem:$0xE510] =	vst v63  }
0xc1: {  	_ =	swait.ge [sflag:s21], $0x1000  }
0xc2: {  	[sflag:s21] =	ssyncset.done $0x0  }
0xc3: {  	[sflag:s21] =	ssyncadd.s32 $0xFFFFF000  }
0xc4: {  	[spmem:s2] =	stream.indirect.scatter.add.f32 [tilespmem:s14], [sflag:$0xC], $0x20, s18, s29, $0xb8;
	[tilespmem:$0xE510] =	vst v63  }
0xc5: {  	_ =	swait.ge [sflag:s0], $0x80  }
0xc6: {  	[sflag:s0] =	ssyncset.done $0x0  }
0xc7: {  	[sflag:s0] =	ssyncadd.s32 $0xFFFFFF80  }
0xc8: {  	_ =	swait.ge [sflag:s0], $0x80  }
0xc9: {  	[sflag:s0] =	ssyncset.done $0x0  }
0xca: {  	[sflag:s0] =	ssyncadd.s32 $0xFFFFFF80  }
0xcb: {  	[tilespmem:s12], [sflag:$0x6] =	stream.indirect.gather [hbm4b:s6+s29], $0x20, s29, s29, $0xb8;
	[tilespmem:$0xE510] =	vst v63  }
0xcc: {  	_ =	swait.ge [sflag:s22], $0x1000  }
0xcd: {  	s12 =	simm.s32 $0x100;
	s14 =	rddreg [dreg:$0x4];
	[sflag:s22] =	ssyncset.done $0x0  }
0xce: {  	s30 =	rddreg [dreg:$0x3];
	[sflag:s22] =	ssyncadd.s32 $0xFFFFF000;
	s26 =	sadd.s32 s25, s14  }
0xcf: {  	[tilespmem:s12], [sflag:$0x3] =	stream.linear.gather [hbm4b:s26+s3], $0x80, $0x38;
	[tilespmem:$0xE510] =	vst v63  }
0xd0: {  	s25 =	sadd.s32 s25, s30  }
0xd1: {  	[tilespmem:s13], [sflag:$0x3] =	stream.linear.gather [hbm4b:s25+s3], $0x80, $0x38;
	[tilespmem:$0xE510] =	vst v63  }
0xd2: {  	_ =	swait.ge [sflag:s15], $0x1000  }
0xd3: {  	[sflag:s15] =	ssyncset.done $0x0  }
0xd4: {  	[sflag:s15] =	ssyncadd.s32 $0xFFFFF000  }
0xd5: {  	[spmem:s2] =	stream.indirect.scatter.add.f32 [tilespmem:s1], [sflag:$0x9], $0x20, s31, s29, $0xb8;
	[tilespmem:$0xE510] =	vst v63  }
0xd6: {  	_ =	swait.ge [sflag:s11], $0x80  }
0xd7: {  	[sflag:s11] =	ssyncset.done $0x0  }
0xd8: {  	[sflag:s11] =	ssyncadd.s32 $0xFFFFFF80  }
0xd9: {  	_ =	swait.ge [sflag:s11], $0x80  }
0xda: {  	[sflag:s11] =	ssyncset.done $0x0  }
0xdb: {  	p1 =	slt.s32 s24, $0x27080;
	s25 =	smov.u32 s24;
	[sflag:s11] =	ssyncadd.s32 $0xFFFFFF80  }
0xdc: {  	[tilespmem:s17], [sflag:$0x7] =	stream.indirect.gather [hbm4b:s6+s29], $0x20, s12, s29, $0xb8;
	[tilespmem:$0xE510] =	vst v63  }
0xdd: {  	p0 =	sne.s32 s23, $0x200;
	s25 =	simm.s32 @!p1 $0x27080;
	_ =	swait.ge [sflag:s8], $0x1000  }
0xde: {  	s23 =	sadd.s32 $0x40, s23;
	s25 =	sshrl.u32 s25, $0x3;
	[sflag:s8] =	ssyncset.done $0x0  }
0xdf: {  	s7 =	simm.s32 $0x280;
	s26 =	sadd.s32 s4, s25;
	[sflag:s8] =	ssyncadd.s32 $0xFFFFF000  }
0xe0: {  	[tilespmem:s10], [sflag:$0x4] =	stream.linear.gather [hbm4b:s26+s3], $0x80, $0x38;
	[tilespmem:$0xE510] =	vst v63  }
.Ltmp0:
0xe1: {  	s25 =	sadd.s32 s5, s25;
	s31 =	simm.s32 $0x6;
	(pc) =	sbr.rel @p0 .LBB2_2-.Ltmp0, $4  }
0xe2: {  	[tilespmem:s18], [sflag:$0x4] =	stream.linear.gather [hbm4b:s25+s3], $0x80, $0x38;
	[tilespmem:$0xE510] =	vst v63  }
0xe3: {  	s9 =	simm.s32 $0x1400;
	s14 =	simm.s32 $0x300;
	_ =	swait.ge [sflag:s31], $0x1000  }
0xe4: {  	s30 =	simm.s32 $0x200;
	s13 =	simm.s32 $0x2400;
	[sflag:s31] =	ssyncset.done $0x0  }
0xe5: {  	s24 =	sadd.s32 $0x200, s24;
	s17 =	simm.s32 $0x180;
	[sflag:s31] =	ssyncadd.s32 $0xFFFFF000  }
0xe6: {  	[spmem:s2] =	stream.indirect.scatter.add.f32 [tilespmem:s9], [sflag:$0xA], $0x20, s7, s29, $0xb8;
	[tilespmem:$0xE510] =	vst v63  }
0xe7: {  	_ =	swait.ge [sflag:s16], $0x80  }
0xe8: {  	[sflag:s16] =	ssyncset.done $0x0  }
0xe9: {  	[sflag:s16] =	ssyncadd.s32 $0xFFFFFF80  }
0xea: {  	_ =	swait.ge [sflag:s16], $0x80  }
0xeb: {  	[sflag:s16] =	ssyncset.done $0x0  }
0xec: {  	s1 =	simm.s32 $0x9;
	[sflag:s16] =	ssyncadd.s32 $0xFFFFFF80  }
0xed: {  	[tilespmem:s19], [sflag:$0x8] =	stream.indirect.gather [hbm4b:s6+s29], $0x20, s17, s29, $0xb8;
	[tilespmem:$0xE510] =	vst v63  }
0xee: {  	_ =	swait.ge [sflag:s1], $0x1000  }
0xef: {  	[sflag:s1] =	ssyncset.done $0x0  }
0xf0: {  	s23 =	rddreg [dreg:$0x11];
	[sflag:s1] =	ssyncadd.s32 $0xFFFFF000  }
0xf1: {  	[tilespmem:s3], [sflag:$0x1] =	stream.linear.gather [hbm4b:s23+s3], $0x80, $0x38;
	[tilespmem:$0xE510] =	vst v63  }
0xf2: {  	s7 =	simm.s32 $0x7;
	s1 =	rddreg [dreg:$0x12]  }
0xf3: {  	[tilespmem:s30], [sflag:$0x1] =	stream.linear.gather [hbm4b:s1+s3], $0x80, $0x38;
	[tilespmem:$0xE510] =	vst v63  }
0xf4: {  	_ =	swait.ge [sflag:s7], $0x1000  }
0xf5: {  	[sflag:s7] =	ssyncset.done $0x0  }
0xf6: {  	[sflag:s7] =	ssyncadd.s32 $0xFFFFF000  }
0xf7: {  	[spmem:s2] =	stream.indirect.scatter.add.f32 [tilespmem:s13], [sflag:$0xB], $0x20, s14, s29, $0xb8;
	[tilespmem:$0xE510] =	vst v63  }
0xf8: {  	_ =	swait.ge [sflag:s28], $0x80  }
0xf9: {  	[sflag:s28] =	ssyncset.done $0x0  }
0xfa: {  	[sflag:s28] =	ssyncadd.s32 $0xFFFFFF80  }
0xfb: {  	_ =	swait.ge [sflag:s28], $0x80  }
0xfc: {  	[sflag:s28] =	ssyncset.done $0x0  }
0xfd: {  	[sflag:s28] =	ssyncadd.s32 $0xFFFFFF80  }
0xfe: {  	_ =	swait.ge [sflag:s21], $0x1000  }
0xff: {  	[sflag:s21] =	ssyncset.done $0x0  }
0x100: {  	[sflag:s21] =	ssyncadd.s32 $0xFFFFF000  }
0x101: {  	_ =	swait.ge [sflag:s20], $0x1000  }
0x102: {  	[sflag:s20] =	ssyncset.done $0x0  }
0x103: {  	[sflag:s20] =	ssyncadd.s32 $0xFFFFF000  }
0x104: {  	_ =	swait.ge [sflag:s22], $0x1000  }
0x105: {  	s10 =	simm.s32 $0x4400;
	[sflag:s22] =	ssyncset.done $0x0  }
0x106: {  	s26 =	simm.s32 $0xE;
	s9 =	rddreg [dreg:$0x13];
	[sflag:s22] =	ssyncadd.s32 $0xFFFFF000  }
0x107: {  	[tilespmem:s10], [sflag:$0xE] =	stream.linear.gather [hbm4b:s9+s3], $0x8, $0x38;
	[tilespmem:$0xE510] =	vst v63  }
0x108: {  	_ =	swait.ge [sflag:s26], $0x8  }
0x109: {  	[sflag:s26] =	ssyncset.done $0x0  }
0x10a: {  	s14 =	simm.s32 $0x4408;
	s13 =	rddreg [dreg:$0x14];
	[sflag:s26] =	ssyncadd.s32 $0xFFFFFFF8  }
0x10b: {  	[tilespmem:s14], [sflag:$0xE] =	stream.linear.gather [hbm4b:s13+s3], $0x8, $0x38;
	[tilespmem:$0xE510] =	vst v63  }
0x10c: {  	_ =	swait.ge [sflag:s26], $0x8  }
0x10d: {  	[sflag:s26] =	ssyncset.done $0x0  }
0x10e: {  	s15 =	simm.s32 $0x4410;
	s17 =	simm.s32 $0xD;
	[sflag:s26] =	ssyncadd.s32 $0xFFFFFFF8  }
0x10f: {  	[tilespmem:s15], [sflag:$0xD] =	stream.indirect.gather [hbm4b:s6+s21], $0x20, s10, s21, $0xb8;
	[tilespmem:$0xE510] =	vst v63  }
0x110: {  	_ =	swait.ge [sflag:s17], $0x100  }
0x111: {  	[sflag:s17] =	ssyncset.done $0x0  }
0x112: {  	[sflag:s17] =	ssyncadd.s32 $0xFFFFFF00  }
0x113: {  	[spmem:s2] =	stream.indirect.scatter.add.f32 [tilespmem:s15], [sflag:$0xE], $0x20, s14, s21, $0xb8;
	[tilespmem:$0xE510] =	vst v63  }
0x114: {  	_ =	swait.ge [sflag:s26], $0x100  }
0x115: {  	[sflag:s26] =	ssyncset.done $0x0  }
0x116: {  	[sflag:s26] =	ssyncadd.s32 $0xFFFFFF00  }
0x117: {  	[bflag:$0x0] =	sbarrier.arrive $0xFFFF  }
0x118: {  	s25 =	simm.s32 $0x4510;
	s24 =	rddreg [dreg:$0x8]  }
0x119: {  	[tilespmem:s25], [sflag:$0xE] =	stream.linear.gather [spmem:s24], $0x5000, $0x38;
	[tilespmem:$0xE510] =	vst v63  }
0x11a: {  	_ =	swait.ge [sflag:s26], $0x5000  }
0x11b: {  	[sflag:s26] =	ssyncset.done $0x0  }
0x11c: {  	s18 =	rddreg [dreg:$0x15];
	[sflag:s26] =	ssyncadd.s32 $0xFFFFB000  }
0x11d: {  	[hbm4b:s18+s3] =	stream.linear.scatter [tilespmem:s25], [sflag:$0xE], $0x5000, $0x38;
	[tilespmem:$0xE510] =	vst v63  }
0x11e: {  	_ =	swait.ge [sflag:s26], $0x5000  }
0x11f: {  	s23 =	rddreg [dreg:$0x18]  }
0x120: {  	s30 =	rddreg [dreg:$0x16];
	s7 =	sadd.s32 $0x1, s23  }
0x121: {  	p0 =	sne.s32 s7, s30  }
.Ltmp1:
0x122: {  	_ = 	snop;
	(pc) =	sbr.rel @p0 .LBB2_1-.Ltmp1, $3  }
0x123: {  	_ =	sdelay $0x1  }
0x124: {  	s1 =	simm.s32 $0x400;
	[sflag:s26] =	ssyncset.done $0x0  }
0x125: {  	s14 =	simm.s32 $0x5;
	s15 =	simm.s32 $0x380;
	[sflag:s26] =	ssyncadd.s32 $0xFFFFB000  }
0x126: {  	_ =	sfence.sel $0x180000  }
0x127: {  	[bflag:$0x0] =	sbarrier.arrive $0xFFFF  }
0x128: {  	_ =	strace $0x9000004D  }
0x129: {  	s0 =	stileid.u32;
	[bflag:$0x2] =	sbarrier.arrive $0xFFFF  }
0x12a: {  	p0 =	sne.s32 s0, $0x0;
	s0 =	rddreg [dreg:$0x2]  }
0x12b: {  	s0 =	sadd.s32 @!p0 $0x100000, s0  }
0x12c: {  	[sflag:s0] =	ssyncadd.tile.s32 @!p0 $0x1;
	_ =	shalt  }
.Lfunc_end2:
_tile_overlayer_lowered:
.L_overlay_start_2:
0x12d: {  	(tag) =	ssettag $0x2  }
0x12e: {  	s0 =	rddreg [dreg:$0x0];
	s2 =	stileid.u32  }
0x12f: {  	s1 =	rddreg [dreg:$0x1];
	p0 =	sne.s32 s2, $0x0  }
0x130: {  	s3 =	rddreg [dreg:$0x2];
	[bflag:$0x3] =	sbarrier.arrive $0xFFFF;
	s2 =	simm.s32 @!p0 $0x1C0E  }
0x131: {  	[timem:s3], [sflag:s2] =	dma.local @!p0 [hbm:s0], s1  }
0x132: {  	s0 =	simm.s32 @!p0 $0xE  }
0x133: {  	_ =	swait.ge @!p0 [sflag:s0], s1  }
0x134: {  	s1 =	ssub.s32 @!p0 $0x0, s1;
	[sflag:s0] =	ssyncset.done @!p0 $0x0  }
0x135: {  	[sflag:s0] =	ssyncadd.s32 @!p0 s1  }
0x136: {  	[bflag:$0x3] =	sbarrier.arrive $0xFFFF  }
0x137: {  	_ =	shalt  }

// kernel: kernel.9.cloned.1.call-start
scs
__scs_entry_jumppad:
0x0: {  	(pc) =	sbr.rel $0x88, $3  }
0x1: {  	(tag) =	ssettag $0x0;
	lr =	simm.s32 $0x1  }
0x2: {  	[smem:$0x3F99] =	sst lr;
	_ =	strace $0xD0000000  }
0x3: {  	_ = 	snop  }
0x4: {  	_ = 	snop  }
0x5: {  	_ = 	snop  }
0x6: {  	_ = 	snop  }
0x7: {  	_ = 	snop  }
__scs_overlays_trampoline_lowered:
0x8: {  	[smem:$0x3FA8] =	sst s0  }
0x9: {  	[smem:$0x3FA9] =	sst s1  }
0xa: {  	[smem:$0x3FAA] =	sst s2  }
0xb: {  	[smem:$0x3FAB] =	sst s3  }
0xc: {  	[smem:$0x3FAC] =	sst s4  }
0xd: {  	[smem:$0x3FAD] =	sst s5  }
0xe: {  	[smem:$0x3FAE] =	sst s6  }
0xf: {  	[smem:$0x3FAF] =	sst s7  }
0x10: {  	[smem:$0x3FB0] =	sst s8  }
0x11: {  	[smem:$0x3FB1] =	sst s9;
	s0 =	simm.s32 @!p0 $0x0  }
0x12: {  	s1 =	sld [smem:$0x3F97];
	s0 =	simm.s32 @p0 $0x1  }
0x13: {  	[smem:$0x3FB2] =	sst s0;
	s0 =	simm.s32 @!p1 $0x0  }
0x14: {  	s2 =	sld [smem:$0x3F96];
	s0 =	simm.s32 @p1 $0x1  }
0x15: {  	[smem:$0x3FB3] =	sst s0;
	s0 =	simm.s32 @!p2 $0x0  }
0x16: {  	s3 =	sld [smem:$0x3FDB];
	s0 =	simm.s32 @p2 $0x1  }
0x17: {  	s4 =	simm.s32 $0x1BF5;
	[smem:$0x3FB5] =	sst s0  }
0x18: {  	s0 =	sld [smem:$0x3F98];
	_ =	swait.ge [sflag:s4], $0x0  }
0x19: {  	s7 =	sld [smem:$0x3F99]  }
0x1a: {  	s8 =	sadd.s32 $0xFFFFE003, lr  }
0x1b: {  	s9 =	sadd.s32 $0xFFFFFEF7, lr;
	s5 =	simm.s32 $0xFFFFFFFF;
	p2 =	slt.u32 s8, $0xFFFFF086  }
0x1c: {  	p1 =	slt.u32 s9, $0xF7A;
	s5 =	simm.s32 @!p2 $0x0  }
0x1d: {  	s5 =	simm.s32 @p1 $0x1;
	p0 =	seq.s32 s7, s2  }
0x1e: {  	s7 =	smul.u32 @!p0 $0xF7A, s2;
	p2 =	seq.s32 @!p0 s5, $0x0  }
0x1f: {  	s9 =	smul.u32 $0xF7A, s1;
	s8 =	simm.s32 @!p0 $0x1BF5;
	p2 =	por !p2, p0  }
0x20: {  	[sflag:s8] =	ssyncset.s32 @!p0 $0xFFFFF086;
	s6 =	sadd.s32 @!p0 s3, s7;
	s7 =	simm.s32 @!p0 $0x108  }
0x21: {  	s3 =	sadd.s32 s3, s9;
	s6 =	sadd.s32 @!p0 $0x88, s6;
	s7 =	simm.s32 @p2 $0x1082  }
0x22: {  	[simem:s7], [sflag:s8] =	dma.local @!p0 [hbm:s6], $0xF7A  }
0x23: {  	s9 =	sor.u32 $0xD0000000, s2;
	s6 =	simm.s32 $0x108;
	_ =	swait.ge @!p0 [sflag:s8], $0x0  }
0x24: {  	s3 =	sadd.s32 $0x88, s3;
	s6 =	simm.s32 @!p1 $0x1082;
	[sflag:s4] =	ssyncset.s32 $0xFFFFF086  }
0x25: {  	[simem:s6], [sflag:s4] =	dma.local [hbm:s3], $0xF7A  }
0x26: {  	[smem:$0x3F99] =	sst s1;
	(tag) =	ssettag s2;
	_ =	strace s9  }
0x27: {  	s1 =	sld [smem:$0x3FA9]  }
0x28: {  	s2 =	sld [smem:$0x3FAA]  }
0x29: {  	s4 =	sld [smem:$0x3FAC]  }
0x2a: {  	p0 =	seq.s32 s5, $0x0;
	s5 =	sld [smem:$0x3FAD]  }
0x2b: {  	s6 =	sld [smem:$0x3FAE]  }
0x2c: {  	s7 =	sld [smem:$0x3FAF]  }
0x2d: {  	s3 =	simm.s32 $0x108;
	s8 =	sld [smem:$0x3FB0]  }
0x2e: {  	s3 =	simm.s32 @!p0 $0x1082;
	s9 =	sld [smem:$0x3FB1]  }
0x2f: {  	lr =	sadd.s32 s0, s3;
	s0 =	sld [smem:$0x3FA8]  }
0x30: {  	s3 =	sld [smem:$0x3FAB]  }
0x31: {  	[smem:$0x3FB4] =	sst s10  }
0x32: {  	s10 =	sld [smem:$0x3FB2];
	_ =	sdelay $0x3  }
0x33: {  	p0 =	seq.s32 s10, $0x1;
	s10 =	sld [smem:$0x3FB4];
	_ =	sdelay $0x3  }
0x34: {  	[smem:$0x3FB4] =	sst s10  }
0x35: {  	s10 =	sld [smem:$0x3FB3];
	_ =	sdelay $0x3  }
0x36: {  	p1 =	seq.s32 s10, $0x1;
	s10 =	sld [smem:$0x3FB4];
	_ =	sdelay $0x3  }
0x37: {  	[smem:$0x3FB4] =	sst s10  }
0x38: {  	s10 =	sld [smem:$0x3FB5]  }
0x39: {  	_ = 	snop;
	(pc) =	sbr.ind lr, $3  }
0x3a: {  	_ = 	snop  }
0x3b: {  	_ = 	snop  }
0x3c: {  	p2 =	seq.s32 s10, $0x1;
	s10 =	sld [smem:$0x3FB4]  }
0x3d: {  	_ =	shalt  }
0x3e: {  	_ =	shalt  }
0x3f: {  	_ =	shalt  }
0x40: {  	_ =	shalt  }
0x41: {  	_ =	shalt  }
0x42: {  	_ =	shalt  }
0x43: {  	_ =	shalt  }
0x44: {  	_ =	shalt  }
0x45: {  	_ =	shalt  }
0x46: {  	_ =	shalt  }
0x47: {  	_ =	shalt  }
0x48: {  	_ =	shalt  }
0x49: {  	_ =	shalt  }
0x4a: {  	_ =	shalt  }
0x4b: {  	_ =	shalt  }
0x4c: {  	_ =	shalt  }
0x4d: {  	_ =	shalt  }
0x4e: {  	_ =	shalt  }
0x4f: {  	_ =	shalt  }
0x50: {  	_ =	shalt  }
0x51: {  	_ =	shalt  }
0x52: {  	_ =	shalt  }
0x53: {  	_ =	shalt  }
0x54: {  	_ =	shalt  }
0x55: {  	_ =	shalt  }
0x56: {  	_ =	shalt  }
0x57: {  	_ =	shalt  }
0x58: {  	_ =	shalt  }
0x59: {  	_ =	shalt  }
0x5a: {  	_ =	shalt  }
0x5b: {  	_ =	shalt  }
0x5c: {  	_ =	shalt  }
0x5d: {  	_ =	shalt  }
0x5e: {  	_ =	shalt  }
0x5f: {  	_ =	shalt  }
0x60: {  	_ =	shalt  }
0x61: {  	_ =	shalt  }
0x62: {  	_ =	shalt  }
0x63: {  	_ =	shalt  }
0x64: {  	_ =	shalt  }
0x65: {  	_ =	shalt  }
0x66: {  	_ =	shalt  }
0x67: {  	_ =	shalt  }
0x68: {  	_ =	shalt  }
0x69: {  	_ =	shalt  }
0x6a: {  	_ =	shalt  }
0x6b: {  	_ =	shalt  }
0x6c: {  	_ =	shalt  }
0x6d: {  	_ =	shalt  }
0x6e: {  	_ =	shalt  }
0x6f: {  	_ =	shalt  }
0x70: {  	_ =	shalt  }
0x71: {  	_ =	shalt  }
0x72: {  	_ =	shalt  }
0x73: {  	_ =	shalt  }
0x74: {  	_ =	shalt  }
0x75: {  	_ =	shalt  }
0x76: {  	_ =	shalt  }
0x77: {  	_ =	shalt  }
0x78: {  	_ =	shalt  }
0x79: {  	_ =	shalt  }
0x7a: {  	_ =	shalt  }
0x7b: {  	_ =	shalt  }
0x7c: {  	_ =	shalt  }
0x7d: {  	_ =	shalt  }
0x7e: {  	_ =	shalt  }
0x7f: {  	_ =	shalt  }
0x80: {  	_ =	shalt  }
0x81: {  	_ =	shalt  }
0x82: {  	_ =	shalt  }
0x83: {  	_ =	shalt  }
0x84: {  	_ =	shalt  }
0x85: {  	_ =	shalt  }
0x86: {  	_ =	shalt  }
0x87: {  	_ =	shalt  }
.Lfunc_end0:
.L_simem_size_0:
called_computation_lowered:
.L_overlay_start_0:
0x88: {  	s2 =	sld [smem:$0x3FD9]  }
0x89: {  	s3 =	sld [smem:$0x3FFE];
	_ =	sdelay $0x1  }
0x8a: {  	s1 =	srdreg.scid  }
0x8b: {  	s0 =	sand.u32 $0x1, s1  }
0x8c: {  	s17 =	sshll.u32 s0, $0xA;
	s2 =	sadd.s32 s3, s2  }
0x8d: {  	s2 =	sadd.s32 s2, s17  }
0x8e: {  	[smem:$0x3FC0] =	sst s2  }
0x8f: {  	_ = 	snop  }
0x90: {  	s2 =	sld [smem:$0x3FD0];
	(tm) =	ssettm $0x1  }
0x91: {  	s18 =	sld [smem:$0x3FFB];
	_ =	sdelay $0x3  }
0x92: {  	_ =	strace s18  }
0x93: {  	s3 =	sld [smem:$0x3FFC];
	_ =	sdelay $0x3  }
0x94: {  	_ =	strace s3  }
0x95: {  	s3 =	sld [smem:$0x3FFD];
	_ =	sdelay $0x3  }
0x96: {  	_ =	strace s3  }
0x97: {  	_ =	strace $0x8FFFFFFF  }
0x98: {  	s19 =	sld [smem:$0x3FDB];
	_ =	sdelay $0x1  }
0x99: {  	s4 =	simm.s32 $_scs_section_size  }
0x9a: {  	s5 =	simm.s32 $_size__tile_overlayer_lowered;
	s6 =	simm.s32 $_tile_overlayer_lowered  }
0x9b: {  	s22 =	simm.s32 $0x1BFF;
	s21 =	sshll.u32 s6, $0x1;
	s3 =	sadd.s32 s4, s19  }
0x9c: {  	s7 =	simm.s32 $0x0;
	s20 =	sshll.u32 s5, $0x1;
	s5 =	sadd.s32 s21, s3  }
0x9d: {  	[timem:s7], [sflag:s22] =	dma.local [hbm:s5], s20  }
0x9e: {  	_ =	swait.ge [sflag:s22], s20  }
0x9f: {  	s4 =	ssub.s32 $0x0, s20;
	[sflag:s22] =	ssyncset.done $0x0  }
0xa0: {  	[sflag:s22] =	ssyncadd.s32 s4;
	_ =	sdelay $0x1  }
0xa1: {  	s23 =	simm.s32 $0x1B8B  }
0xa2: {  	_ =	swait.ge [sflag:s23], $0x1  }
0xa3: {  	[sflag:s23] =	ssyncset.done $0x0  }
0xa4: {  	s25 =	simm.s32 $0x1B8E;
	s24 =	sld [smem:$0x3FFE];
	[sflag:s23] =	ssyncadd.s32 $0xFFFFFFFF  }
0xa5: {  	s26 =	simm.s32 $execute0_lowered;
	[smem:$0x3FD2] =	sst s25  }
0xa6: {  	s5 =	sshll.u32 s26, $0x1;
	_ =	strace $0x80000046;
	[dreg:$0x1] =	wrdreg $0xFFFFFFFF  }
0xa7: {  	s28 =	simm.s32 $_size_execute0_lowered;
	s3 =	sadd.s32 s3, s5;
	[dreg:$0x0] =	wrdreg $0x0  }
0xa8: {  	s5 =	sshll.u32 s28, $0x1;
	[dreg:$0x2] =	wrdreg s3  }
0xa9: {  	[dreg:$0x3] =	wrdreg s5  }
0xaa: {  	[dreg:$0x4] =	wrdreg $0xC0  }
0xab: {  	_ =	task [dreg:s7], $0x5FFFF  }
0xac: {  	[dreg:$0x1] =	wrdreg $0xFFFFFFFF  }
0xad: {  	[dreg:$0x0] =	wrdreg $0x60  }
0xae: {  	[dreg:$0x2] =	wrdreg s24  }
0xaf: {  	[dreg:$0x3] =	wrdreg s2  }
0xb0: {  	[dreg:$0x4] =	wrdreg $0x1C100  }
0xb1: {  	[dreg:$0x5] =	wrdreg $0x30100  }
0xb2: {  	[dreg:$0x6] =	wrdreg $0x9  }
0xb3: {  	_ =	task.clear_ibuf [dreg:s7], $0x7FFFF;
	_ =	strace $0x90000046  }
0xb4: {  	s29 =	simm.s32 $0x9;
	_ =	strace $0x80000048  }
0xb5: {  	_ =	swait.ge [sflag:s29], $0x1  }
0xb6: {  	[sflag:s29] =	ssyncadd.s32 $0xFFFFFFFF  }
0xb7: {  	_ =	strace $0x90000048  }
0xb8: {  	_ =	sfence  }
0xb9: {  	s30 =	sld [smem:$0x0];
	_ =	sdelay $0x2  }
0xba: {  	s31 =	sshll.u32 s1, $0xD;
	s1 =	sshrl.u32 s1, $0x2  }
0xbb: {  	s3 =	sand.u32 $0x4000, s31;
	s1 =	sadd.s32 s1, s30  }
0xbc: {  	s0 =	sor.u32 s3, s0;
	s1 =	sshll.u32 s1, $0x11  }
0xbd: {  	s0 =	sor.u32 s1, s0  }
0xbe: {  	s0 =	sadd.s32 $0x8F2B, s0  }
0xbf: {  	[sflag:s0] =	ssyncadd.remote.s32 $0x1  }
0xc0: {  	_ =	sfence.sel $0xFFFF  }
0xc1: {  	[dreg:$0x0] =	wrdreg $0xFFFFFFFF;
	(pc) =	sbr.abs _section_cstart, $3  }
0xc2: {  	[dreg:$0x1] =	wrdreg $0xFFFFFFFF  }
0xc3: {  	_ =	task.clear_ibuf [dreg:s7], $0x2FFFF;
	_ =	strace $0x9FFFFFFF  }
0xc4: {  	(tm) =	ssettm $0x7FFFFFFF  }
0xc5: {  	_ =	shalt  }
tec
execute0_lowered:
.L_overlay_start_1:
0x0: {  	(tag) =	ssettag $0x1  }
0x1: {  	s0 =	rddreg [dreg:$0x0]  }
0x2: {  	s3 =	rddreg [dreg:$0x1]  }
0x3: {  	s1 =	rddreg [dreg:$0x2]  }
0x4: {  	s2 =	rddreg [dreg:$0x3]  }
0x5: {  	s4 =	simm.s32 $0x0;
	s6 =	srdreg.scid;
	s14 =	stileid.u32  }
0x6: {  	s28 =	simm.s32 $0x810;
	s29 =	simm.s32 $0x9;
	s30 =	simm.s32 $0x410  }
0x7: {  	s31 =	simm.s32 $0x200;
	[smem:$0x7FF] =	sst s4;
	s5 =	sadd.s32 $0x7200, s0  }
0x8: {  	s7 =	sand.u32 $0x1, s6;
	s8 =	smul.u32 $0x1400, s14;
	s6 =	sadd.s32 $0x2200, s0  }
0x9: {  	s11 =	sadd.s32 $0xC200, s0;
	s15 =	sadd.s32 $0xC400, s0;
	_ =	strace $0x80000047  }
0xa: {  	s9 =	smul.u32 $0x14000, s7;
	s10 =	sshll.u32 s7, $0x4;
	[dreg:$0x9] =	wrdreg s11  }
0xb: {  	[dreg:$0xa] =	wrdreg s15;
	s16 =	ssub.s32 $0x2, s7;
	s7 =	smul.u32 $0x13880, s7  }
0xc: {  	s10 =	sor.u32 s14, s10;
	s17 =	sshrl.u32 s16, $0x1;
	s14 =	smul.u32 $0x1388, s14  }
0xd: {  	s21 =	sadd.s32 s8, s1;
	s22 =	sadd.s32 s8, s2;
	s9 =	sadd.s32 s8, s9  }
0xe: {  	s12 =	smul.u32 $0x1388, s10;
	s11 =	ssub.s32 s16, s17;
	s13 =	sshrl.u32 s9, $0x3  }
0xf: {  	[dreg:$0xb] =	wrdreg s22;
	s7 =	sadd.s32 s14, s7;
	s0 =	sadd.s32 s13, s0  }
0x10: {  	s8 =	sshrl.u32 s12, $0x3;
	s14 =	sadd.s32 $0x300, s7;
	s3 =	sadd.s32 s3, s13  }
0x11: {  	s12 =	smin.u32 s12, $0x25C80;
	s18 =	sadd.s32 s5, s8;
	[dreg:$0x12] =	wrdreg s3  }
0x12: {  	s13 =	simm.s32 $0x3;
	s19 =	sadd.s32 s6, s8;
	[dreg:$0xc] =	wrdreg s18  }
0x13: {  	s15 =	sadd.s32 $0x10, s8;
	s0 =	sadd.s32 $0xC800, s0;
	[dreg:$0xd] =	wrdreg s19  }
0x14: {  	s24 =	sadd.s32 $0x20, s8;
	s20 =	sadd.s32 s5, s15;
	[dreg:$0x19] =	wrdreg s0  }
0x15: {  	s14 =	sshrl.u32 s14, $0x3;
	s23 =	sadd.s32 s6, s15;
	[dreg:$0xe] =	wrdreg s20  }
0x16: {  	s16 =	sadd.s32 $0x30, s8;
	s25 =	sadd.s32 s5, s24;
	[dreg:$0xf] =	wrdreg s23  }
0x17: {  	s12 =	sshrl.u32 s12, $0x3;
	s26 =	sadd.s32 s6, s24;
	[dreg:$0x10] =	wrdreg s25  }
0x18: {  	s10 =	sadd.s32 s14, s6;
	s15 =	sadd.s32 $0x280, s7;
	[dreg:$0x11] =	wrdreg s26  }
0x19: {  	s14 =	sadd.s32 s14, s5;
	s18 =	sadd.s32 s5, s16;
	[dreg:$0x5] =	wrdreg s10  }
0x1a: {  	s19 =	sadd.s32 s6, s16;
	s12 =	sadd.s32 $0x280, s12;
	[dreg:$0x6] =	wrdreg s14  }
0x1b: {  	s0 =	simm.s32 $0x80;
	s16 =	simm.s32 $0x4;
	[dreg:$0x13] =	wrdreg s18  }
0x1c: {  	s3 =	sshrl.u32 s15, $0x3;
	[dreg:$0x14] =	wrdreg s19;
	s20 =	sadd.s32 s5, s12  }
0x1d: {  	s23 =	sadd.s32 $0x270, s8;
	s24 =	sadd.s32 s6, s12;
	s26 =	smax.u32 s11, $0x1  }
0x1e: {  	s8 =	simm.s32 $0x2;
	s11 =	simm.s32 $0x100;
	s12 =	simm.s32 $0x300  }
0x1f: {  	s14 =	simm.s32 $0x180;
	s15 =	simm.s32 $0x380;
	[dreg:$0x15] =	wrdreg s20  }
0x20: {  	s18 =	simm.s32 $0x6;
	s19 =	simm.s32 $0x7;
	[dreg:$0x16] =	wrdreg s24  }
0x21: {  	s17 =	sadd.s32 s3, s6;
	s3 =	sadd.s32 s3, s5;
	[dreg:$0x1a] =	wrdreg s26  }
0x22: {  	s25 =	sadd.s32 s5, s23;
	s26 =	sadd.s32 $0x380, s7;
	[dreg:$0x7] =	wrdreg s17  }
0x23: {  	s7 =	simm.s32 $0x1;
	s20 =	simm.s32 $0x8;
	[dreg:$0x8] =	wrdreg s3  }
0x24: {  	[dreg:$0x17] =	wrdreg s25;
	s3 =	sadd.s32 s6, s23;
	s17 =	simm.s32 $0x5  }
0x25: {  	s23 =	simm.s32 $0x0;
	[dreg:$0x18] =	wrdreg s3;
	s3 =	simm.s32 $0x280  }
.LBB2_1:
0x26: {  	s9 =	rddreg [dreg:$0xa]  }
0x27: {  	[tilespmem:s28], [sflag:$0x9] =	stream.linear.gather [hbm4b:s9+s4], $0x1400, $0x38;
	[tilespmem:$0x4410] =	vst v63  }
0x28: {  	_ =	swait.ge [sflag:s29], $0x1400  }
0x29: {  	[sflag:s29] =	ssyncset.done $0x0  }
0x2a: {  	[sflag:s29] =	ssyncadd.s32 $0xFFFFEC00  }
0x2b: {  	[spmem:s21] =	stream.linear.scatter [tilespmem:s28], [sflag:$0x9], $0x1400, $0x38;
	[tilespmem:$0x4410] =	vst v63  }
0x2c: {  	_ =	swait.ge [sflag:s29], $0x1400  }
0x2d: {  	[sflag:s29] =	ssyncset.done $0x0  }
0x2e: {  	[sflag:s29] =	ssyncadd.s32 $0xFFFFEC00  }
0x2f: {  	[spmem:s22] =	stream.linear.scatter [tilespmem:s28], [sflag:$0x9], $0x1400, $0x38;
	[tilespmem:$0x4410] =	vst v63  }
0x30: {  	_ =	swait.ge [sflag:s29], $0x1400  }
0x31: {  	[sflag:s29] =	ssyncset.done $0x0  }
0x32: {  	s24 =	rddreg [dreg:$0x9];
	[sflag:s29] =	ssyncadd.s32 $0xFFFFEC00  }
0x33: {  	[tilespmem:s30], [sflag:$0x9] =	stream.linear.gather [hbm4b:s24+s4], $0x400, $0x38;
	[tilespmem:$0x4410] =	vst v63  }
0x34: {  	_ =	swait.ge [sflag:s29], $0x400  }
0x35: {  	[sflag:s29] =	ssyncset.done $0x0  }
0x36: {  	[sflag:s29] =	ssyncadd.s32 $0xFFFFFC00  }
0x37: {  	[bflag:$0x0] =	sbarrier.arrive $0xFFFF  }
0x38: {  	s25 =	rddreg [dreg:$0xc]  }
0x39: {  	[tilespmem:s4], [sflag:$0x1] =	stream.linear.gather [hbm4b:s25+s4], $0x80, $0x38;
	[tilespmem:$0x4410] =	vst v63  }
0x3a: {  	s10 =	smov.u32 s21;
	s21 =	rddreg [dreg:$0xd]  }
0x3b: {  	[tilespmem:s31], [sflag:$0x1] =	stream.linear.gather [hbm4b:s21+s4], $0x80, $0x38;
	[tilespmem:$0x4410] =	vst v63  }
0x3c: {  	s22 =	rddreg [dreg:$0xe]  }
0x3d: {  	[tilespmem:s0], [sflag:$0x2] =	stream.linear.gather [hbm4b:s22+s4], $0x80, $0x38;
	[tilespmem:$0x4410] =	vst v63  }
0x3e: {  	s24 =	rddreg [dreg:$0xf]  }
0x3f: {  	[tilespmem:s3], [sflag:$0x2] =	stream.linear.gather [hbm4b:s24+s4], $0x80, $0x38;
	[tilespmem:$0x4410] =	vst v63  }
0x40: {  	_ =	swait.ge [sflag:s7], $0x80  }
0x41: {  	[sflag:s7] =	ssyncset.done $0x0  }
0x42: {  	[sflag:s7] =	ssyncadd.s32 $0xFFFFFF80  }
0x43: {  	_ =	swait.ge [sflag:s7], $0x80  }
0x44: {  	[sflag:s7] =	ssyncset.done $0x0  }
0x45: {  	[sflag:s7] =	ssyncadd.s32 $0xFFFFFF80  }
0x46: {  	_ =	swait.ge [sflag:s8], $0x80  }
0x47: {  	[sflag:s8] =	ssyncset.done $0x0  }
0x48: {  	[sflag:s8] =	ssyncadd.s32 $0xFFFFFF80  }
0x49: {  	_ =	swait.ge [sflag:s8], $0x80  }
0x4a: {  	[sflag:s8] =	ssyncset.done $0x0  }
0x4b: {  	s25 =	rddreg [dreg:$0x10];
	[sflag:s8] =	ssyncadd.s32 $0xFFFFFF80  }
0x4c: {  	[tilespmem:s11], [sflag:$0x3] =	stream.linear.gather [hbm4b:s25+s4], $0x80, $0x38;
	[tilespmem:$0x4410] =	vst v63  }
0x4d: {  	s21 =	rddreg [dreg:$0x11]  }
0x4e: {  	[tilespmem:s12], [sflag:$0x3] =	stream.linear.gather [hbm4b:s21+s4], $0x80, $0x38;
	[tilespmem:$0x4410] =	vst v63  }
0x4f: {  	_ = 	snop  }
0x50: {  	[spmem:s1] =	stream.indirect.scatter.add.f32 [tilespmem:s30], [sflag:$0x5], $0x8, s4, s0, $0xb8;
	[tilespmem:$0x4410] =	vst v63  }
0x51: {  	_ = 	snop  }
0x52: {  	[spmem:s2] =	stream.indirect.scatter.add.f32 [tilespmem:s30], [sflag:$0x5], $0x8, s31, s0, $0xb8;
	[tilespmem:$0x4410] =	vst v63  }
0x53: {  	_ =	swait.ge [sflag:s13], $0x80  }
0x54: {  	[sflag:s13] =	ssyncset.done $0x0  }
0x55: {  	[sflag:s13] =	ssyncadd.s32 $0xFFFFFF80  }
0x56: {  	_ =	swait.ge [sflag:s13], $0x80  }
0x57: {  	[sflag:s13] =	ssyncset.done $0x0  }
0x58: {  	s22 =	rddreg [dreg:$0x13];
	[sflag:s13] =	ssyncadd.s32 $0xFFFFFF80  }
0x59: {  	[tilespmem:s14], [sflag:$0x4] =	stream.linear.gather [hbm4b:s22+s4], $0x80, $0x38;
	[tilespmem:$0x4410] =	vst v63  }
0x5a: {  	s24 =	rddreg [dreg:$0x14]  }
0x5b: {  	[tilespmem:s15], [sflag:$0x4] =	stream.linear.gather [hbm4b:s24+s4], $0x80, $0x38;
	[tilespmem:$0x4410] =	vst v63  }
0x5c: {  	_ = 	snop  }
0x5d: {  	[spmem:s1] =	stream.indirect.scatter.add.f32 [tilespmem:s30], [sflag:$0x6], $0x8, s0, s0, $0xb8;
	[tilespmem:$0x4410] =	vst v63  }
0x5e: {  	_ = 	snop  }
0x5f: {  	[spmem:s2] =	stream.indirect.scatter.add.f32 [tilespmem:s30], [sflag:$0x6], $0x8, s3, s0, $0xb8;
	[tilespmem:$0x4410] =	vst v63  }
0x60: {  	_ =	swait.ge [sflag:s16], $0x80  }
0x61: {  	[sflag:s16] =	ssyncset.done $0x0  }
0x62: {  	[sflag:s16] =	ssyncadd.s32 $0xFFFFFF80  }
0x63: {  	_ =	swait.ge [sflag:s16], $0x80  }
0x64: {  	[sflag:s16] =	ssyncset.done $0x0  }
0x65: {  	[sflag:s16] =	ssyncadd.s32 $0xFFFFFF80  }
0x66: {  	_ =	swait.ge [sflag:s17], $0x400  }
0x67: {  	[sflag:s17] =	ssyncset.done $0x0  }
0x68: {  	[sflag:s17] =	ssyncadd.s32 $0xFFFFFC00  }
0x69: {  	s25 =	sadd.s32 $0xFFFFFE80, s26;
	_ =	swait.ge [sflag:s17], $0x400  }
0x6a: {  	s21 =	sshrl.u32 s25, $0x3;
	[sflag:s17] =	ssyncset.done $0x0  }
0x6b: {  	s24 =	sadd.s32 s5, s21;
	[sflag:s17] =	ssyncadd.s32 $0xFFFFFC00  }
0x6c: {  	[tilespmem:s4], [sflag:$0x1] =	stream.linear.gather [hbm4b:s24+s4], $0x80, $0x38;
	[tilespmem:$0x4410] =	vst v63  }
0x6d: {  	s21 =	sadd.s32 s6, s21  }
0x6e: {  	[tilespmem:s31], [sflag:$0x1] =	stream.linear.gather [hbm4b:s21+s4], $0x80, $0x38;
	[tilespmem:$0x4410] =	vst v63  }
0x6f: {  	_ = 	snop  }
0x70: {  	[spmem:s1] =	stream.indirect.scatter.add.f32 [tilespmem:s30], [sflag:$0x7], $0x8, s11, s0, $0xb8;
	[tilespmem:$0x4410] =	vst v63  }
0x71: {  	_ = 	snop  }
0x72: {  	[spmem:s2] =	stream.indirect.scatter.add.f32 [tilespmem:s30], [sflag:$0x7], $0x8, s12, s0, $0xb8;
	[tilespmem:$0x4410] =	vst v63  }
0x73: {  	_ =	swait.ge [sflag:s7], $0x80  }
0x74: {  	[sflag:s7] =	ssyncset.done $0x0  }
0x75: {  	[sflag:s7] =	ssyncadd.s32 $0xFFFFFF80  }
0x76: {  	_ =	swait.ge [sflag:s7], $0x80  }
0x77: {  	[sflag:s7] =	ssyncset.done $0x0  }
0x78: {  	[sflag:s7] =	ssyncadd.s32 $0xFFFFFF80  }
0x79: {  	_ =	swait.ge [sflag:s18], $0x400  }
0x7a: {  	[sflag:s18] =	ssyncset.done $0x0  }
0x7b: {  	[sflag:s18] =	ssyncadd.s32 $0xFFFFFC00  }
0x7c: {  	_ =	swait.ge [sflag:s18], $0x400  }
0x7d: {  	s9 =	rddreg [dreg:$0x8];
	[sflag:s18] =	ssyncset.done $0x0  }
0x7e: {  	s22 =	rddreg [dreg:$0x7];
	[sflag:s18] =	ssyncadd.s32 $0xFFFFFC00;
	s21 =	sadd.s32 $0x0, s9  }
0x7f: {  	[tilespmem:s0], [sflag:$0x2] =	stream.linear.gather [hbm4b:s21+s4], $0x80, $0x38;
	[tilespmem:$0x4410] =	vst v63  }
0x80: {  	s25 =	sadd.s32 $0x0, s22  }
0x81: {  	[tilespmem:s3], [sflag:$0x2] =	stream.linear.gather [hbm4b:s25+s4], $0x80, $0x38;
	[tilespmem:$0x4410] =	vst v63  }
0x82: {  	_ = 	snop  }
0x83: {  	[spmem:s1] =	stream.indirect.scatter.add.f32 [tilespmem:s30], [sflag:$0x8], $0x8, s14, s0, $0xb8;
	[tilespmem:$0x4410] =	vst v63  }
0x84: {  	_ = 	snop  }
0x85: {  	[spmem:s2] =	stream.indirect.scatter.add.f32 [tilespmem:s30], [sflag:$0x8], $0x8, s15, s0, $0xb8;
	[tilespmem:$0x4410] =	vst v63  }
0x86: {  	_ =	swait.ge [sflag:s8], $0x80  }
0x87: {  	[sflag:s8] =	ssyncset.done $0x0  }
0x88: {  	[sflag:s8] =	ssyncadd.s32 $0xFFFFFF80  }
0x89: {  	_ =	swait.ge [sflag:s8], $0x80  }
0x8a: {  	[sflag:s8] =	ssyncset.done $0x0  }
0x8b: {  	[sflag:s8] =	ssyncadd.s32 $0xFFFFFF80  }
0x8c: {  	_ =	swait.ge [sflag:s19], $0x400  }
0x8d: {  	[sflag:s19] =	ssyncset.done $0x0  }
0x8e: {  	[sflag:s19] =	ssyncadd.s32 $0xFFFFFC00  }
0x8f: {  	_ =	swait.ge [sflag:s19], $0x400  }
0x90: {  	s9 =	rddreg [dreg:$0x6];
	[sflag:s19] =	ssyncset.done $0x0  }
0x91: {  	s22 =	rddreg [dreg:$0x5];
	[sflag:s19] =	ssyncadd.s32 $0xFFFFFC00;
	s21 =	sadd.s32 $0x0, s9  }
0x92: {  	[tilespmem:s11], [sflag:$0x3] =	stream.linear.gather [hbm4b:s21+s4], $0x80, $0x38;
	[tilespmem:$0x4410] =	vst v63  }
0x93: {  	s24 =	sadd.s32 $0x0, s22  }
0x94: {  	[tilespmem:s12], [sflag:$0x3] =	stream.linear.gather [hbm4b:s24+s4], $0x80, $0x38;
	[tilespmem:$0x4410] =	vst v63  }
0x95: {  	_ = 	snop  }
0x96: {  	[spmem:s1] =	stream.indirect.scatter.add.f32 [tilespmem:s30], [sflag:$0x5], $0x8, s4, s0, $0xb8;
	[tilespmem:$0x4410] =	vst v63  }
0x97: {  	_ = 	snop  }
0x98: {  	[spmem:s2] =	stream.indirect.scatter.add.f32 [tilespmem:s30], [sflag:$0x5], $0x8, s31, s0, $0xb8;
	[tilespmem:$0x4410] =	vst v63  }
0x99: {  	_ =	swait.ge [sflag:s13], $0x80  }
0x9a: {  	[sflag:s13] =	ssyncset.done $0x0  }
0x9b: {  	[sflag:s13] =	ssyncadd.s32 $0xFFFFFF80  }
0x9c: {  	_ =	swait.ge [sflag:s13], $0x80  }
0x9d: {  	[sflag:s13] =	ssyncset.done $0x0  }
0x9e: {  	[sflag:s13] =	ssyncadd.s32 $0xFFFFFF80  }
0x9f: {  	_ =	swait.ge [sflag:s20], $0x400  }
0xa0: {  	[sflag:s20] =	ssyncset.done $0x0  }
0xa1: {  	p0 =	slt.s32 s26, $0x27080;
	s21 =	smov.u32 s26;
	[sflag:s20] =	ssyncadd.s32 $0xFFFFFC00  }
0xa2: {  	s21 =	simm.s32 @!p0 $0x27080;
	_ =	swait.ge [sflag:s20], $0x400  }
0xa3: {  	s21 =	sshrl.u32 s21, $0x3;
	[sflag:s20] =	ssyncset.done $0x0  }
0xa4: {  	s25 =	sadd.s32 s5, s21;
	[sflag:s20] =	ssyncadd.s32 $0xFFFFFC00  }
0xa5: {  	[tilespmem:s14], [sflag:$0x4] =	stream.linear.gather [hbm4b:s25+s4], $0x80, $0x38;
	[tilespmem:$0x4410] =	vst v63  }
0xa6: {  	s21 =	sadd.s32 s6, s21  }
0xa7: {  	[tilespmem:s15], [sflag:$0x4] =	stream.linear.gather [hbm4b:s21+s4], $0x80, $0x38;
	[tilespmem:$0x4410] =	vst v63  }
0xa8: {  	s24 =	simm.s32 $0x40;
	s25 =	sadd.s32 $0x200, s26  }
0xa9: {  	[spmem:s1] =	stream.indirect.scatter.add.f32 [tilespmem:s30], [sflag:$0x6], $0x8, s0, s0, $0xb8;
	[tilespmem:$0x4410] =	vst v63  }
.LBB2_2:
0xaa: {  	[spmem:s2] =	stream.indirect.scatter.add.f32 [tilespmem:s30], [sflag:$0x6], $0x8, s3, s0, $0xb8;
	[tilespmem:$0x4410] =	vst v63  }
0xab: {  	_ =	swait.ge [sflag:s16], $0x80  }
0xac: {  	[sflag:s16] =	ssyncset.done $0x0  }
0xad: {  	[sflag:s16] =	ssyncadd.s32 $0xFFFFFF80  }
0xae: {  	_ =	swait.ge [sflag:s16], $0x80  }
0xaf: {  	[sflag:s16] =	ssyncset.done $0x0  }
0xb0: {  	[sflag:s16] =	ssyncadd.s32 $0xFFFFFF80  }
0xb1: {  	_ =	swait.ge [sflag:s17], $0x400  }
0xb2: {  	[sflag:s17] =	ssyncset.done $0x0  }
0xb3: {  	[sflag:s17] =	ssyncadd.s32 $0xFFFFFC00  }
0xb4: {  	s22 =	sadd.s32 $0xFFFFFE80, s25;
	_ =	swait.ge [sflag:s17], $0x400  }
0xb5: {  	s22 =	sshrl.u32 s22, $0x3;
	[sflag:s17] =	ssyncset.done $0x0  }
0xb6: {  	s9 =	sadd.s32 s5, s22;
	[sflag:s17] =	ssyncadd.s32 $0xFFFFFC00  }
0xb7: {  	[tilespmem:s4], [sflag:$0x1] =	stream.linear.gather [hbm4b:s9+s4], $0x80, $0x38;
	[tilespmem:$0x4410] =	vst v63  }
0xb8: {  	s22 =	sadd.s32 s6, s22  }
0xb9: {  	[tilespmem:s31], [sflag:$0x1] =	stream.linear.gather [hbm4b:s22+s4], $0x80, $0x38;
	[tilespmem:$0x4410] =	vst v63  }
0xba: {  	_ = 	snop  }
0xbb: {  	[spmem:s1] =	stream.indirect.scatter.add.f32 [tilespmem:s30], [sflag:$0x7], $0x8, s11, s0, $0xb8;
	[tilespmem:$0x4410] =	vst v63  }
0xbc: {  	_ = 	snop  }
0xbd: {  	[spmem:s2] =	stream.indirect.scatter.add.f32 [tilespmem:s30], [sflag:$0x7], $0x8, s12, s0, $0xb8;
	[tilespmem:$0x4410] =	vst v63  }
0xbe: {  	_ =	swait.ge [sflag:s7], $0x80  }
0xbf: {  	[sflag:s7] =	ssyncset.done $0x0  }
0xc0: {  	[sflag:s7] =	ssyncadd.s32 $0xFFFFFF80  }
0xc1: {  	_ =	swait.ge [sflag:s7], $0x80  }
0xc2: {  	[sflag:s7] =	ssyncset.done $0x0  }
0xc3: {  	[sflag:s7] =	ssyncadd.s32 $0xFFFFFF80  }
0xc4: {  	_ =	swait.ge [sflag:s18], $0x400  }
0xc5: {  	[sflag:s18] =	ssyncset.done $0x0  }
0xc6: {  	[sflag:s18] =	ssyncadd.s32 $0xFFFFFC00  }
0xc7: {  	_ =	swait.ge [sflag:s18], $0x400  }
0xc8: {  	s21 =	smov.u32 s24;
	s9 =	rddreg [dreg:$0x8];
	[sflag:s18] =	ssyncset.done $0x0  }
0xc9: {  	s22 =	rddreg [dreg:$0x7];
	[sflag:s18] =	ssyncadd.s32 $0xFFFFFC00;
	s9 =	sadd.s32 s21, s9  }
0xca: {  	[tilespmem:s0], [sflag:$0x2] =	stream.linear.gather [hbm4b:s9+s4], $0x80, $0x38;
	[tilespmem:$0x4410] =	vst v63  }
0xcb: {  	s22 =	sadd.s32 s21, s22  }
0xcc: {  	[tilespmem:s3], [sflag:$0x2] =	stream.linear.gather [hbm4b:s22+s4], $0x80, $0x38;
	[tilespmem:$0x4410] =	vst v63  }
0xcd: {  	_ = 	snop  }
0xce: {  	[spmem:s1] =	stream.indirect.scatter.add.f32 [tilespmem:s30], [sflag:$0x8], $0x8, s14, s0, $0xb8;
	[tilespmem:$0x4410] =	vst v63  }
0xcf: {  	_ = 	snop  }
0xd0: {  	[spmem:s2] =	stream.indirect.scatter.add.f32 [tilespmem:s30], [sflag:$0x8], $0x8, s15, s0, $0xb8;
	[tilespmem:$0x4410] =	vst v63  }
0xd1: {  	_ =	swait.ge [sflag:s8], $0x80  }
0xd2: {  	[sflag:s8] =	ssyncset.done $0x0  }
0xd3: {  	[sflag:s8] =	ssyncadd.s32 $0xFFFFFF80  }
0xd4: {  	_ =	swait.ge [sflag:s8], $0x80  }
0xd5: {  	[sflag:s8] =	ssyncset.done $0x0  }
0xd6: {  	[sflag:s8] =	ssyncadd.s32 $0xFFFFFF80  }
0xd7: {  	_ =	swait.ge [sflag:s19], $0x400  }
0xd8: {  	[sflag:s19] =	ssyncset.done $0x0  }
0xd9: {  	[sflag:s19] =	ssyncadd.s32 $0xFFFFFC00  }
0xda: {  	_ =	swait.ge [sflag:s19], $0x400  }
0xdb: {  	s9 =	rddreg [dreg:$0x6];
	[sflag:s19] =	ssyncset.done $0x0  }
0xdc: {  	s22 =	rddreg [dreg:$0x5];
	[sflag:s19] =	ssyncadd.s32 $0xFFFFFC00;
	s9 =	sadd.s32 s21, s9  }
0xdd: {  	[tilespmem:s11], [sflag:$0x3] =	stream.linear.gather [hbm4b:s9+s4], $0x80, $0x38;
	[tilespmem:$0x4410] =	vst v63  }
0xde: {  	s21 =	sadd.s32 s21, s22  }
0xdf: {  	[tilespmem:s12], [sflag:$0x3] =	stream.linear.gather [hbm4b:s21+s4], $0x80, $0x38;
	[tilespmem:$0x4410] =	vst v63  }
0xe0: {  	_ = 	snop  }
0xe1: {  	[spmem:s1] =	stream.indirect.scatter.add.f32 [tilespmem:s30], [sflag:$0x5], $0x8, s4, s0, $0xb8;
	[tilespmem:$0x4410] =	vst v63  }
0xe2: {  	_ = 	snop  }
0xe3: {  	[spmem:s2] =	stream.indirect.scatter.add.f32 [tilespmem:s30], [sflag:$0x5], $0x8, s31, s0, $0xb8;
	[tilespmem:$0x4410] =	vst v63  }
0xe4: {  	_ =	swait.ge [sflag:s13], $0x80  }
0xe5: {  	[sflag:s13] =	ssyncset.done $0x0  }
0xe6: {  	[sflag:s13] =	ssyncadd.s32 $0xFFFFFF80  }
0xe7: {  	_ =	swait.ge [sflag:s13], $0x80  }
0xe8: {  	[sflag:s13] =	ssyncset.done $0x0  }
0xe9: {  	[sflag:s13] =	ssyncadd.s32 $0xFFFFFF80  }
0xea: {  	_ =	swait.ge [sflag:s20], $0x400  }
0xeb: {  	[sflag:s20] =	ssyncset.done $0x0  }
0xec: {  	p1 =	slt.s32 s25, $0x27080;
	s9 =	smov.u32 s25;
	[sflag:s20] =	ssyncadd.s32 $0xFFFFFC00  }
0xed: {  	s9 =	simm.s32 @!p1 $0x27080;
	_ =	swait.ge [sflag:s20], $0x400  }
0xee: {  	s9 =	sshrl.u32 s9, $0x3;
	[sflag:s20] =	ssyncset.done $0x0  }
0xef: {  	p0 =	sne.s32 s24, $0x200;
	s22 =	sadd.s32 s5, s9;
	[sflag:s20] =	ssyncadd.s32 $0xFFFFFC00  }
0xf0: {  	[tilespmem:s14], [sflag:$0x4] =	stream.linear.gather [hbm4b:s22+s4], $0x80, $0x38;
	[tilespmem:$0x4410] =	vst v63  }
.Ltmp0:
0xf1: {  	_ = 	snop;
	(pc) =	sbr.rel @p0 .LBB2_2-.Ltmp0, $4  }
0xf2: {  	s9 =	sadd.s32 s6, s9  }
0xf3: {  	[tilespmem:s15], [sflag:$0x4] =	stream.linear.gather [hbm4b:s9+s4], $0x80, $0x38;
	[tilespmem:$0x4410] =	vst v63  }
0xf4: {  	s24 =	sadd.s32 $0x40, s24;
	s25 =	sadd.s32 $0x200, s25  }
0xf5: {  	[spmem:s1] =	stream.indirect.scatter.add.f32 [tilespmem:s30], [sflag:$0x6], $0x8, s0, s0, $0xb8;
	[tilespmem:$0x4410] =	vst v63  }
0xf6: {  	[spmem:s2] =	stream.indirect.scatter.add.f32 [tilespmem:s30], [sflag:$0x6], $0x8, s3, s0, $0xb8;
	[tilespmem:$0x4410] =	vst v63  }
0xf7: {  	_ =	swait.ge [sflag:s16], $0x80  }
0xf8: {  	[sflag:s16] =	ssyncset.done $0x0  }
0xf9: {  	[sflag:s16] =	ssyncadd.s32 $0xFFFFFF80  }
0xfa: {  	_ =	swait.ge [sflag:s16], $0x80  }
0xfb: {  	[sflag:s16] =	ssyncset.done $0x0  }
0xfc: {  	[sflag:s16] =	ssyncadd.s32 $0xFFFFFF80  }
0xfd: {  	_ =	swait.ge [sflag:s17], $0x400  }
0xfe: {  	[sflag:s17] =	ssyncset.done $0x0  }
0xff: {  	[sflag:s17] =	ssyncadd.s32 $0xFFFFFC00  }
0x100: {  	_ =	swait.ge [sflag:s17], $0x400  }
0x101: {  	[sflag:s17] =	ssyncset.done $0x0  }
0x102: {  	s9 =	rddreg [dreg:$0x15];
	[sflag:s17] =	ssyncadd.s32 $0xFFFFFC00  }
0x103: {  	[tilespmem:s4], [sflag:$0x1] =	stream.linear.gather [hbm4b:s9+s4], $0x80, $0x38;
	[tilespmem:$0x4410] =	vst v63  }
0x104: {  	s22 =	rddreg [dreg:$0x16]  }
0x105: {  	[tilespmem:s31], [sflag:$0x1] =	stream.linear.gather [hbm4b:s22+s4], $0x80, $0x38;
	[tilespmem:$0x4410] =	vst v63  }
0x106: {  	_ = 	snop  }
0x107: {  	[spmem:s1] =	stream.indirect.scatter.add.f32 [tilespmem:s30], [sflag:$0x7], $0x8, s11, s0, $0xb8;
	[tilespmem:$0x4410] =	vst v63  }
0x108: {  	_ = 	snop  }
0x109: {  	[spmem:s2] =	stream.indirect.scatter.add.f32 [tilespmem:s30], [sflag:$0x7], $0x8, s12, s0, $0xb8;
	[tilespmem:$0x4410] =	vst v63  }
0x10a: {  	_ =	swait.ge [sflag:s7], $0x80  }
0x10b: {  	[sflag:s7] =	ssyncset.done $0x0  }
0x10c: {  	[sflag:s7] =	ssyncadd.s32 $0xFFFFFF80  }
0x10d: {  	_ =	swait.ge [sflag:s7], $0x80  }
0x10e: {  	[sflag:s7] =	ssyncset.done $0x0  }
0x10f: {  	[sflag:s7] =	ssyncadd.s32 $0xFFFFFF80  }
0x110: {  	_ =	swait.ge [sflag:s18], $0x400  }
0x111: {  	[sflag:s18] =	ssyncset.done $0x0  }
0x112: {  	[sflag:s18] =	ssyncadd.s32 $0xFFFFFC00  }
0x113: {  	_ =	swait.ge [sflag:s18], $0x400  }
0x114: {  	[sflag:s18] =	ssyncset.done $0x0  }
0x115: {  	[sflag:s18] =	ssyncadd.s32 $0xFFFFFC00  }
0x116: {  	_ =	swait.ge [sflag:s19], $0x400  }
0x117: {  	[sflag:s19] =	ssyncset.done $0x0  }
0x118: {  	[sflag:s19] =	ssyncadd.s32 $0xFFFFFC00  }
0x119: {  	_ =	swait.ge [sflag:s19], $0x400  }
0x11a: {  	[sflag:s19] =	ssyncset.done $0x0  }
0x11b: {  	s21 =	simm.s32 $0x400;
	s24 =	rddreg [dreg:$0x17];
	[sflag:s19] =	ssyncadd.s32 $0xFFFFFC00  }
0x11c: {  	[tilespmem:s21], [sflag:$0x9] =	stream.linear.gather [hbm4b:s24+s4], $0x8, $0x38;
	[tilespmem:$0x4410] =	vst v63  }
0x11d: {  	_ =	swait.ge [sflag:s29], $0x8  }
0x11e: {  	[sflag:s29] =	ssyncset.done $0x0  }
0x11f: {  	s22 =	simm.s32 $0x408;
	s25 =	rddreg [dreg:$0x18];
	[sflag:s29] =	ssyncadd.s32 $0xFFFFFFF8  }
0x120: {  	[tilespmem:s22], [sflag:$0x9] =	stream.linear.gather [hbm4b:s25+s4], $0x8, $0x38;
	[tilespmem:$0x4410] =	vst v63  }
0x121: {  	_ =	swait.ge [sflag:s29], $0x8  }
0x122: {  	[sflag:s29] =	ssyncset.done $0x0  }
0x123: {  	[sflag:s29] =	ssyncadd.s32 $0xFFFFFFF8  }
0x124: {  	[spmem:s1] =	stream.indirect.scatter.add.f32 [tilespmem:s30], [sflag:$0x9], $0x8, s21, s20, $0xb8;
	[tilespmem:$0x4410] =	vst v63  }
0x125: {  	_ =	swait.ge [sflag:s29], $0x40  }
0x126: {  	[sflag:s29] =	ssyncset.done $0x0  }
0x127: {  	[sflag:s29] =	ssyncadd.s32 $0xFFFFFFC0  }
0x128: {  	[spmem:s2] =	stream.indirect.scatter.add.f32 [tilespmem:s30], [sflag:$0x9], $0x8, s22, s20, $0xb8;
	[tilespmem:$0x4410] =	vst v63  }
0x129: {  	_ =	swait.ge [sflag:s29], $0x40  }
0x12a: {  	[sflag:s29] =	ssyncset.done $0x0  }
0x12b: {  	[sflag:s29] =	ssyncadd.s32 $0xFFFFFFC0  }
0x12c: {  	[bflag:$0x0] =	sbarrier.arrive $0xFFFF  }
0x12d: {  	[tilespmem:s28], [sflag:$0x9] =	stream.linear.gather [spmem:s10], $0x1400, $0x38;
	[tilespmem:$0x4410] =	vst v63  }
0x12e: {  	_ =	swait.ge [sflag:s29], $0x1400  }
0x12f: {  	[sflag:s29] =	ssyncset.done $0x0  }
0x130: {  	s22 =	rddreg [dreg:$0x12];
	[sflag:s29] =	ssyncadd.s32 $0xFFFFEC00  }
0x131: {  	[hbm4b:s22+s4] =	stream.linear.scatter [tilespmem:s28], [sflag:$0x9], $0x1400, $0x38;
	[tilespmem:$0x4410] =	vst v63  }
0x132: {  	_ =	swait.ge [sflag:s29], $0x1400  }
0x133: {  	[sflag:s29] =	ssyncset.done $0x0  }
0x134: {  	s22 =	rddreg [dreg:$0xb];
	[sflag:s29] =	ssyncadd.s32 $0xFFFFEC00  }
0x135: {  	[tilespmem:s28], [sflag:$0x9] =	stream.linear.gather [spmem:s22], $0x1400, $0x38;
	[tilespmem:$0x4410] =	vst v63  }
0x136: {  	_ =	swait.ge [sflag:s29], $0x1400  }
0x137: {  	[sflag:s29] =	ssyncset.done $0x0  }
0x138: {  	s24 =	rddreg [dreg:$0x19];
	[sflag:s29] =	ssyncadd.s32 $0xFFFFEC00  }
0x139: {  	[hbm4b:s24+s4] =	stream.linear.scatter [tilespmem:s28], [sflag:$0x9], $0x1400, $0x38;
	[tilespmem:$0x4410] =	vst v63  }
0x13a: {  	_ =	swait.ge [sflag:s29], $0x1400  }
0x13b: {  	s23 =	sadd.s32 $0x1, s23;
	s25 =	rddreg [dreg:$0x1a]  }
0x13c: {  	p0 =	sne.s32 s23, s25  }
.Ltmp1:
0x13d: {  	_ = 	snop;
	(pc) =	sbr.rel @p0 .LBB2_1-.Ltmp1, $3  }
0x13e: {  	_ =	sdelay $0x1  }
0x13f: {  	[sflag:s29] =	ssyncset.done $0x0  }
0x140: {  	s21 =	smov.u32 s10;
	[sflag:s29] =	ssyncadd.s32 $0xFFFFEC00  }
0x141: {  	_ =	sfence.sel $0x180000  }
0x142: {  	[bflag:$0x0] =	sbarrier.arrive $0xFFFF  }
0x143: {  	_ =	strace $0x90000047  }
0x144: {  	s0 =	stileid.u32;
	[bflag:$0x2] =	sbarrier.arrive $0xFFFF  }
0x145: {  	p0 =	sne.s32 s0, $0x0;
	s0 =	rddreg [dreg:$0x4]  }
0x146: {  	s0 =	sadd.s32 @!p0 $0x100000, s0  }
0x147: {  	[sflag:s0] =	ssyncadd.tile.s32 @!p0 $0x1;
	_ =	shalt  }
.Lfunc_end2:
_tile_overlayer_lowered:
.L_overlay_start_2:
0x148: {  	(tag) =	ssettag $0x2  }
0x149: {  	s0 =	rddreg [dreg:$0x0];
	s2 =	stileid.u32  }
0x14a: {  	s1 =	rddreg [dreg:$0x1];
	p0 =	sne.s32 s2, $0x0  }
0x14b: {  	s3 =	rddreg [dreg:$0x2];
	[bflag:$0x3] =	sbarrier.arrive $0xFFFF;
	s2 =	simm.s32 @!p0 $0x1C09  }
0x14c: {  	[timem:s3], [sflag:s2] =	dma.local @!p0 [hbm:s0], s1  }
0x14d: {  	s0 =	simm.s32 @!p0 $0x9  }
0x14e: {  	_ =	swait.ge @!p0 [sflag:s0], s1  }
0x14f: {  	s1 =	ssub.s32 @!p0 $0x0, s1;
	[sflag:s0] =	ssyncset.done @!p0 $0x0  }
0x150: {  	[sflag:s0] =	ssyncadd.s32 @!p0 s1  }
0x151: {  	[bflag:$0x3] =	sbarrier.arrive $0xFFFF  }
0x152: {  	_ =	shalt  }

</sc_bundles>
